<compile_context>
chip_gen: v7x
topology: tpu7x:2x2x1
jax: 0.10.2.dev20260603
libtpu: 0.0.44.dev20260713+nightly
codegen_flags: <defaults>
</compile_context>

<pallas_src>
import functools

import jax
import jax.numpy as jnp
from jax import lax
from jax.experimental import pallas as pl
from jax.experimental.pallas import tpu as pltpu
from jax.experimental.pallas import tpu_sc as plsc

N = 10000
E = 320000
D = 128
ED = 16
G = 16
CD = 128
GD = 256
L = 4

NC = 2
NS = 16
LN = 16
NW = NC * NS
K = 128
EP = 327680
EW = EP // NW
CH = EW // K
NP = 10240
ROWS = NP // NS


def _mesh():
    return plsc.VectorSubcoreMesh(core_axis_name="c", subcore_axis_name="s")


_BE = 2048


def _edge_mlp_body(ea_ref, w_ref, b_ref, out_ref):
    ea = ea_ref[...]
    for i in range(L):
        out_ref[i] = (
            jnp.dot(ea, w_ref[i], preferred_element_type=jnp.float32)
            + b_ref[i]
        )


def _edge_mlp(edge_attr_p, lin_edge_W, lin_edge_b):
    return pl.pallas_call(
        _edge_mlp_body,
        grid=(EP // _BE,),
        in_specs=[
            pl.BlockSpec((_BE, ED), lambda i: (i, 0)),
            pl.BlockSpec((L, ED, D), lambda i: (0, 0, 0)),
            pl.BlockSpec((L, 1, D), lambda i: (0, 0, 0)),
        ],
        out_specs=pl.BlockSpec((L, _BE, D), lambda i: (0, i, 0)),
        out_shape=jax.ShapeDtypeStruct((L, EP, D), jnp.float32),
    )(edge_attr_p, lin_edge_W, lin_edge_b.reshape(L, 1, D))


def _make_sc_conv(li):
    @functools.partial(
        pl.kernel,
        mesh=_mesh(),
        out_type=jax.ShapeDtypeStruct((NC, NP, D), jnp.float32),
        scratch_types=[
            pltpu.VMEM((K,), jnp.int32),
            pltpu.VMEM((K,), jnp.int32),
            pltpu.VMEM((K, D), jnp.float32),
            pltpu.VMEM((K, D), jnp.float32),
            pltpu.VMEM_SHARED((NP, D), jnp.float32),
            pltpu.SemaphoreType.DMA,
        ],
    )
    def f(e_hbm, src_hbm, dst_hbm, h_hbm, out_hbm, src_v, dst_v, hs_v, e_v,
          acc_sh, sem):
        c = lax.axis_index("c")
        s = lax.axis_index("s")
        wid = s * NC + c
        base = wid * EW

        def zb(i, carry):
            for g in range(D // LN):
                hs_v[i, pl.ds(g * LN, LN)] = jnp.zeros((LN,), jnp.float32)
            return carry

        lax.fori_loop(0, K, zb, 0)
        for z in range(ROWS // K):
            pltpu.sync_copy(hs_v, acc_sh.at[pl.ds(s * ROWS + z * K, K)])
        plsc.subcore_barrier()

        def chunk(j, carry):
            off = base + j * K
            pltpu.sync_copy(src_hbm.at[pl.ds(off, K)], src_v)
            pltpu.sync_copy(dst_hbm.at[pl.ds(off, K)], dst_v)
            pltpu.sync_copy(e_hbm.at[li, pl.ds(off, K)], e_v)
            pltpu.async_copy(h_hbm.at[src_v], hs_v, sem).wait()

            def cb(i, c2):
                for g in range(D // LN):
                    sl = pl.ds(g * LN, LN)
                    hs_v[i, sl] = jnp.maximum(hs_v[i, sl] + e_v[i, sl], 0.0)
                return c2

            lax.fori_loop(0, K, cb, 0)
            pltpu.sync_copy(hs_v, acc_sh.at[dst_v], add=True)
            return carry

        lax.fori_loop(0, CH, chunk, 0)
        plsc.subcore_barrier()
        pltpu.sync_copy(
            acc_sh.at[pl.ds(s * ROWS, ROWS)],
            out_hbm.at[c, pl.ds(s * ROWS, ROWS)],
        )

    return f


_SC_CONV = {}


def _sc_conv_call(li, e_all, src_p, dst_p, h):
    if li not in _SC_CONV:
        _SC_CONV[li] = _make_sc_conv(li)
    return _SC_CONV[li](e_all, src_p, dst_p, h)


RED = NP * L // NS


def _make_sc_pool():
  @functools.partial(
    pl.kernel,
    mesh=_mesh(),
    out_type=jax.ShapeDtypeStruct((NC, 1, NP * L), jnp.float32),
    compiler_params=pltpu.CompilerParams(needs_layout_passes=False),
    scratch_types=[
        pltpu.VMEM((K,), jnp.int32),
        pltpu.VMEM((K,), jnp.int32),
        pltpu.VMEM((N * L,), jnp.float32),
        pltpu.VMEM((NP * L,), jnp.float32),
        pltpu.VMEM((RED,), jnp.float32),
        pltpu.VMEM_SHARED((NS, 1, NP * L), jnp.float32),
        pltpu.SemaphoreType.DMA,
    ],
  )
  def _sc_pool(src_hbm, dst_hbm, hr_hbm, out_hbm, src_v, dst_v, hr_v, acc_v,
               tmp_v, sh, sem):
      c = lax.axis_index("c")
      s = lax.axis_index("s")
      wid = s * NC + c
      base = wid * EW

      def zb(i, carry):
          acc_v[pl.ds(i * LN, LN)] = jnp.zeros((LN,), jnp.float32)
          return carry

      lax.fori_loop(0, NP * L // LN, zb, 0)
      pltpu.sync_copy(hr_hbm, hr_v)

      def chunk(j, carry):
          off = base + j * K
          pltpu.sync_copy(src_hbm.at[pl.ds(off, K)], src_v)
          pltpu.sync_copy(dst_hbm.at[pl.ds(off, K)], dst_v)
          for g in range(K // LN):
              sidx = src_v[pl.ds(g * LN, LN)] * L
              didx = dst_v[pl.ds(g * LN, LN)] * L
              for l in range(L):
                  vals = plsc.load_gather(hr_v, [sidx + l])
                  plsc.addupdate_scatter(acc_v, [didx + l], vals)
          return carry

      lax.fori_loop(0, CH, chunk, 0)

      pltpu.sync_copy(acc_v, sh.at[s, 0])
      plsc.subcore_barrier()

      def red(t, carry):
          pltpu.sync_copy(sh.at[t, 0, pl.ds(s * RED, RED)], tmp_v)

          def ra(i, c2):
              sl = pl.ds(s * RED + i * LN, LN)
              sl2 = pl.ds(i * LN, LN)
              acc_v[sl] = acc_v[sl] + tmp_v[sl2]
              return c2

          lax.fori_loop(0, RED // LN, ra, 0)
          return carry

      def red_all(t, carry):
          @pl.when(t != s)
          def _():
              red(t, 0)
          return carry

      lax.fori_loop(0, NS, red_all, 0)
      pltpu.sync_copy(
          acc_v.at[pl.ds(s * RED, RED)],
          out_hbm.at[c, 0, pl.ds(s * RED, RED)],
      )

  return _sc_pool


_SC_POOL = {}


def _sc_pool_call(src_p, dst_p, hr_flat):
    if "k" not in _SC_POOL:
        _SC_POOL["k"] = _make_sc_pool()
    return _SC_POOL["k"](src_p, dst_p, hr_flat)


def _node_body(h_ref, p_ref, sc_ref, w1_ref, b1_ref, w2_ref, b2_ref,
               ga_ref, be_ref, wrel_ref, h_out, hr_out):
    hh = h_ref[...] * sc_ref[...] + p_ref[0, :N] + p_ref[1, :N]
    t = jnp.maximum(
        jnp.dot(hh, w1_ref[...], preferred_element_type=jnp.float32) + b1_ref[...], 0.0)
    t = jnp.dot(t, w2_ref[...], preferred_element_type=jnp.float32) + b2_ref[...]
    t = jnp.maximum(t, 0.0)
    mu = jnp.mean(t, axis=0, keepdims=True)
    var = jnp.mean((t - mu) ** 2, axis=0, keepdims=True)
    hn = (t - mu) * lax.rsqrt(var + 1e-5) * ga_ref[...] + be_ref[...]
    h_out[...] = hn
    hr_out[...] = jnp.dot(hn, wrel_ref[...], preferred_element_type=jnp.float32)


def _node_mlp(h, parts, scale, w1, b1, w2, b2, gamma, beta, wrel):
    return pl.pallas_call(
        _node_body,
        out_shape=(
            jax.ShapeDtypeStruct((N, CD), jnp.float32),
            jax.ShapeDtypeStruct((N, 1), jnp.float32),
        ),
    )(h, parts, scale, w1, b1.reshape(1, CD), w2, b2.reshape(1, CD),
      gamma.reshape(1, CD), beta.reshape(1, CD), wrel)


def _pool_layer_body(h_ref, nsum_ref, b_ref, wroot_ref, pb_ref, out_ref):
    iota = lax.broadcasted_iota(jnp.int32, (N, G), 1)
    maskf = (b_ref[...] == iota).astype(jnp.float32)
    h = h_ref[...]
    sco = (
        jnp.dot(h, wroot_ref[...], preferred_element_type=jnp.float32)
        + nsum_ref[...] + pb_ref[...]
    )
    w = jnp.where(maskf > 0.0, sco, -1e30)
    m_col = jnp.max(w, axis=0, keepdims=True)
    m_b = lax.dot_general(maskf, m_col, (((1,), (1,)), ((), ())),
                          preferred_element_type=jnp.float32)
    ex = jnp.exp(sco - m_b)
    den_col = jnp.sum(maskf * ex, axis=0, keepdims=True)
    den_b = lax.dot_general(maskf, den_col, (((1,), (1,)), ((), ())),
                            preferred_element_type=jnp.float32)
    scores = ex / den_b
    out_ref[...] = lax.dot_general(maskf, h * scores, (((0,), (0,)), ((), ())),
                                   preferred_element_type=jnp.float32)


def _pool_layer(h, nsum_i, batch, wroot, pb):
    return pl.pallas_call(
        _pool_layer_body,
        out_shape=jax.ShapeDtypeStruct((G, CD), jnp.float32),
    )(h, nsum_i, batch.reshape(N, 1), wroot, pb.reshape(1, 1))


def _out_mlp_body(p0_ref, p1_ref, p2_ref, p3_ref, w1_ref, b1_ref, w2_ref,
                  b2_ref, out_ref):
    gcat = jnp.concatenate(
        [p0_ref[...], p1_ref[...], p2_ref[...], p3_ref[...]], axis=1)
    latent = jnp.maximum(
        jnp.dot(gcat, w1_ref[...], preferred_element_type=jnp.float32) + b1_ref[...], 0.0)
    out_ref[...] = (
        jnp.dot(latent, w2_ref[...], preferred_element_type=jnp.float32) + b2_ref[...]
    )


def _pool_mlp(hs, nacc, batch, wroot, pb, w1, b1, w2, b2):
    nsum = (nacc[0] + nacc[1])[:N]
    pooled = [
        _pool_layer(hs[i], nsum[:, i:i + 1], batch, wroot, pb)
        for i in range(L)
    ]
    return pl.pallas_call(
        _out_mlp_body,
        out_shape=jax.ShapeDtypeStruct((G, GD), jnp.float32),
    )(*pooled, w1, b1.reshape(1, GD), w2, b2.reshape(1, GD))


def kernel(x, edge_index, edge_attr, batch, prot_feat, lin_edge_W, lin_edge_b,
           eps, nn_W1, nn_b1, nn_W2, nn_b2, bn_gamma, bn_beta, pool_Wroot,
           pool_Wrel, pool_b, out_W1, out_b1, out_W2, out_b2):
    pad = EP - E
    edge_attr_p = jnp.pad(edge_attr, ((0, pad), (0, 0)))
    src_p = jnp.pad(edge_index[0], (0, pad))
    dst_p = jnp.pad(edge_index[1], (0, pad), constant_values=N)
    e_all = _edge_mlp(edge_attr_p, lin_edge_W, lin_edge_b)
    scale = (1.0 + eps).reshape(L, 1, 1)
    h = x
    hs, hrs = [], []
    for i in range(L):
        parts = _sc_conv_call(i, e_all, src_p, dst_p, h)
        h, hr = _node_mlp(h, parts, scale[i], nn_W1[i], nn_b1[i], nn_W2[i],
                          nn_b2[i], bn_gamma[i], bn_beta[i], pool_Wrel)
        hs.append(h)
        hrs.append(hr)
    hr_flat = jnp.concatenate(hrs, axis=1).reshape(N * L)
    nacc = _sc_pool_call(src_p, dst_p, hr_flat).reshape(NC, NP, L)
    return _pool_mlp(hs, nacc, batch, pool_Wroot, pool_b, out_W1, out_b1,
                     out_W2, out_b2)

# --- scband reference (transcript-rebuilt; emitter-appended) ---
"""Pipeline reference for scband-gin-ac-44135083934291 (READ-ONLY COPY).

The authoritative reference and input builder live on the scoring server;
editing this copy changes nothing except your own understanding.
"""

import jax, jax.numpy as jnp
import numpy as np

N = 10000
E = 320000
D = 128
ED = 16
G = 16
CD = 128
GD = 256
L = 4


def setup_inputs():
    ks = jax.random.split(jax.random.key(0), 16)
    s = 0.05
    inp = {}
    inp["x"] = jax.random.normal(ks[0], (N, D), dtype=jnp.float32)
    inp["edge_index"] = jax.random.randint(ks[1], (2, E), 0, N, dtype=jnp.int32)
    inp["edge_attr"] = jax.random.normal(ks[2], (E, ED), dtype=jnp.float32)
    inp["batch"] = jnp.sort(jax.random.randint(ks[3], (N,), 0, G, dtype=jnp.int32))
    inp["prot_feat"] = jax.random.normal(ks[4], (1024,), dtype=jnp.float32)
    inp["lin_edge_W"] = jax.random.normal(ks[5], (L, ED, D), dtype=jnp.float32) * s
    inp["lin_edge_b"] = jnp.zeros((L, D), dtype=jnp.float32)
    inp["eps"] = jnp.zeros((L,), dtype=jnp.float32)
    inp["nn_W1"] = jax.random.normal(ks[6], (L, D, CD), dtype=jnp.float32) * s
    inp["nn_b1"] = jnp.zeros((L, CD), dtype=jnp.float32)
    inp["nn_W2"] = jax.random.normal(ks[7], (L, CD, CD), dtype=jnp.float32) * s
    inp["nn_b2"] = jnp.zeros((L, CD), dtype=jnp.float32)
    inp["bn_gamma"] = jnp.ones((L, CD), dtype=jnp.float32)
    inp["bn_beta"] = jnp.zeros((L, CD), dtype=jnp.float32)
    inp["pool_Wroot"] = jax.random.normal(ks[8], (CD, 1), dtype=jnp.float32) * s
    inp["pool_Wrel"] = jax.random.normal(ks[9], (CD, 1), dtype=jnp.float32) * s
    inp["pool_b"] = jnp.zeros((1,), dtype=jnp.float32)
    inp["out_W1"] = jax.random.normal(ks[10], (CD * L, GD), dtype=jnp.float32) * s
    inp["out_b1"] = jnp.zeros((GD,), dtype=jnp.float32)
    inp["out_W2"] = jax.random.normal(ks[11], (GD, GD), dtype=jnp.float32) * s
    inp["out_b2"] = jnp.zeros((GD,), dtype=jnp.float32)
    return inp


def _forward(x, edge_attr, prot_feat, lin_edge_W, lin_edge_b, eps, nn_W1, nn_b1, nn_W2, nn_b2, bn_gamma, bn_beta, pool_Wroot, pool_Wrel, pool_b, out_W1, out_b1, out_W2, out_b2, edge_index, batch):
    src = edge_index[0]
    dst = edge_index[1]
    h = x
    pooled = []
    for i in range(L):
        # GINEConv: msg = relu(x_j + lin(edge_attr)); out = nn((1+eps)*x_i + sum_j msg)
        e = edge_attr @ lin_edge_W[i] + lin_edge_b[i]
        msg = jax.nn.relu(jnp.take(h, src, axis=0) + e)
        aggr = jax.ops.segment_sum(msg, dst, num_segments=N)
        hh = (1.0 + eps[i]) * h + aggr
        hh = jax.nn.relu(hh @ nn_W1[i] + nn_b1[i]) @ nn_W2[i] + nn_b2[i]
        hh = jax.nn.relu(hh)
        # BatchNorm1d (training-mode batch statistics)
        mu = jnp.mean(hh, axis=0)
        var = jnp.var(hh, axis=0)
        h = (hh - mu) / jnp.sqrt(var + 1e-5) * bn_gamma[i] + bn_beta[i]
        # GlobalAttentionPool: GraphConv(h,1) -> segment softmax -> weighted add pool
        neigh = jax.ops.segment_sum(jnp.take(h, src, axis=0), dst, num_segments=N)
        sco = h @ pool_Wroot + neigh @ pool_Wrel + pool_b
        m = jax.ops.segment_max(sco, batch, num_segments=G)
        ex = jnp.exp(sco - jnp.take(m, batch, axis=0))
        den = jax.ops.segment_sum(ex, batch, num_segments=G)
        scores = ex / jnp.take(den, batch, axis=0)
        pooled.append(jax.ops.segment_sum(h * scores, batch, num_segments=G))
    gcat = jnp.concatenate(pooled, axis=1)
    latent = jax.nn.relu(gcat @ out_W1 + out_b1) @ out_W2 + out_b2
    return latent


def reference(x, edge_index, edge_attr, batch, prot_feat, lin_edge_W, lin_edge_b, eps, nn_W1, nn_b1, nn_W2, nn_b2, bn_gamma, bn_beta, pool_Wroot, pool_Wrel, pool_b, out_W1, out_b1, out_W2, out_b2):
    return _forward(x, edge_attr, prot_feat, lin_edge_W, lin_edge_b, eps, nn_W1, nn_b1, nn_W2, nn_b2, bn_gamma, bn_beta, pool_Wroot, pool_Wrel, pool_b, out_W1, out_b1, out_W2, out_b2, edge_index, batch)

if __name__ == "__main__":
    import jax
    _d = setup_inputs()
    print(jax.jit(kernel)(*tuple(_d.values())))

</pallas_src>

<mosaic_0001>
#map = affine_map<(d0, d1) -> (0, 0, 0)>
#map1 = affine_map<(d0, d1) -> (0)>
#map2 = affine_map<(d0, d1) -> (0, 0)>
module attributes {stable_mosaic.version = 14 : i64} {
  func.func @f(%arg0: i32, %arg1: i32, %arg2: memref<4x327680x128xf32, #tpu.memory_space<hbm>>, %arg3: memref<327680xi32, #tpu.memory_space<hbm>>, %arg4: memref<327680xi32, #tpu.memory_space<hbm>>, %arg5: memref<10000x128xf32, #tpu.memory_space<hbm>>, %arg6: memref<2x10240x128xf32, #tpu.memory_space<hbm>>, %arg7: memref<128xi32, #tpu.memory_space<vmem>>, %arg8: memref<128xi32, #tpu.memory_space<vmem>>, %arg9: memref<128x128xf32, #tpu.memory_space<vmem>>, %arg10: memref<128x128xf32, #tpu.memory_space<vmem>>, %arg11: memref<10240x128xf32, #tpu.memory_space<vmem_shared>>, %arg12: memref<!tpu.dma_semaphore, #tpu.memory_space<semaphore_mem>>) attributes {dimension_semantics = [#tpu.dimension_semantics<core_parallel>, #tpu.dimension_semantics<subcore_parallel>], iteration_bounds = array<i64: 2, 16>, scalar_prefetch = 0 : i64, scratch_operands = 6 : i64, tpu.core_type = #tpu.core_type<sc_vector_subcore>, window_params = [{transform_indices = #map}, {transform_indices = #map1}, {transform_indices = #map1}, {transform_indices = #map2}, {transform_indices = #map}]} {
    %mul3A = arith.constant 2 : i32
    %mul3A_0 = arith.muli %arg1, %mul3A : i32
    %add3A = arith.addi %mul3A_0, %arg0 : i32
    %mul3A_1 = arith.constant 10240 : i32
    %mul3A_2 = arith.muli %add3A, %mul3A_1 : i32
    %scan3A = arith.constant 0 : i32
    %scan3A_3 = arith.constant 0 : i32
    %scan3A_4 = arith.constant 128 : i32
    %scan3A_5 = arith.addi %scan3A_3, %scan3A_4 : i32
    %scan3A_6 = arith.constant 1 : i32
    scf.for %scan3A_39 = %scan3A_3 to %scan3A_5 step %scan3A_6  : i32 {
      %broadcast_in_dim3A = arith.constant 0.000000e+00 : f32
      %broadcast_in_dim3A_40 = vector.broadcast %broadcast_in_dim3A : f32 to vector<16xf32>
      %swap3A = arith.index_cast %scan3A_39 : i32 to index
      %swap3A_41 = arith.constant 0 : index
      %swap3A_42 = tpu.vector_load %arg9[%swap3A, %swap3A_41] {strides = array<i32>} : memref<128x128xf32, #tpu.memory_space<vmem>>, vector<1x16xf32>,
      %swap3A_43 = vector.shape_cast %swap3A_42 : vector<1x16xf32> to vector<16xf32>
      %swap3A_44 = vector.shape_cast %broadcast_in_dim3A_40 : vector<16xf32> to vector<1x16xf32>
      tpu.vector_store %arg9[%swap3A, %swap3A_41], %swap3A_44 {strides = array<i32>} : memref<128x128xf32, #tpu.memory_space<vmem>>, vector<1x16xf32>,
      %broadcast_in_dim3A_45 = arith.constant 0.000000e+00 : f32
      %broadcast_in_dim3A_46 = vector.broadcast %broadcast_in_dim3A_45 : f32 to vector<16xf32>
      %swap3A_47 = arith.index_cast %scan3A_39 : i32 to index
      %swap3A_48 = arith.constant 16 : index
      %swap3A_49 = tpu.vector_load %arg9[%swap3A_47, %swap3A_48] {strides = array<i32>} : memref<128x128xf32, #tpu.memory_space<vmem>>, vector<1x16xf32>,
      %swap3A_50 = vector.shape_cast %swap3A_49 : vector<1x16xf32> to vector<16xf32>
      %swap3A_51 = vector.shape_cast %broadcast_in_dim3A_46 : vector<16xf32> to vector<1x16xf32>
      tpu.vector_store %arg9[%swap3A_47, %swap3A_48], %swap3A_51 {strides = array<i32>} : memref<128x128xf32, #tpu.memory_space<vmem>>, vector<1x16xf32>,
      %broadcast_in_dim3A_52 = arith.constant 0.000000e+00 : f32
      %broadcast_in_dim3A_53 = vector.broadcast %broadcast_in_dim3A_52 : f32 to vector<16xf32>
      %swap3A_54 = arith.index_cast %scan3A_39 : i32 to index
      %swap3A_55 = arith.constant 32 : index
      %swap3A_56 = tpu.vector_load %arg9[%swap3A_54, %swap3A_55] {strides = array<i32>} : memref<128x128xf32, #tpu.memory_space<vmem>>, vector<1x16xf32>,
      %swap3A_57 = vector.shape_cast %swap3A_56 : vector<1x16xf32> to vector<16xf32>
      %swap3A_58 = vector.shape_cast %broadcast_in_dim3A_53 : vector<16xf32> to vector<1x16xf32>
      tpu.vector_store %arg9[%swap3A_54, %swap3A_55], %swap3A_58 {strides = array<i32>} : memref<128x128xf32, #tpu.memory_space<vmem>>, vector<1x16xf32>,
      %broadcast_in_dim3A_59 = arith.constant 0.000000e+00 : f32
      %broadcast_in_dim3A_60 = vector.broadcast %broadcast_in_dim3A_59 : f32 to vector<16xf32>
      %swap3A_61 = arith.index_cast %scan3A_39 : i32 to index
      %swap3A_62 = arith.constant 48 : index
      %swap3A_63 = tpu.vector_load %arg9[%swap3A_61, %swap3A_62] {strides = array<i32>} : memref<128x128xf32, #tpu.memory_space<vmem>>, vector<1x16xf32>,
      %swap3A_64 = vector.shape_cast %swap3A_63 : vector<1x16xf32> to vector<16xf32>
      %swap3A_65 = vector.shape_cast %broadcast_in_dim3A_60 : vector<16xf32> to vector<1x16xf32>
      tpu.vector_store %arg9[%swap3A_61, %swap3A_62], %swap3A_65 {strides = array<i32>} : memref<128x128xf32, #tpu.memory_space<vmem>>, vector<1x16xf32>,
      %broadcast_in_dim3A_66 = arith.constant 0.000000e+00 : f32
      %broadcast_in_dim3A_67 = vector.broadcast %broadcast_in_dim3A_66 : f32 to vector<16xf32>
      %swap3A_68 = arith.index_cast %scan3A_39 : i32 to index
      %swap3A_69 = arith.constant 64 : index
      %swap3A_70 = tpu.vector_load %arg9[%swap3A_68, %swap3A_69] {strides = array<i32>} : memref<128x128xf32, #tpu.memory_space<vmem>>, vector<1x16xf32>,
      %swap3A_71 = vector.shape_cast %swap3A_70 : vector<1x16xf32> to vector<16xf32>
      %swap3A_72 = vector.shape_cast %broadcast_in_dim3A_67 : vector<16xf32> to vector<1x16xf32>
      tpu.vector_store %arg9[%swap3A_68, %swap3A_69], %swap3A_72 {strides = array<i32>} : memref<128x128xf32, #tpu.memory_space<vmem>>, vector<1x16xf32>,
      %broadcast_in_dim3A_73 = arith.constant 0.000000e+00 : f32
      %broadcast_in_dim3A_74 = vector.broadcast %broadcast_in_dim3A_73 : f32 to vector<16xf32>
      %swap3A_75 = arith.index_cast %scan3A_39 : i32 to index
      %swap3A_76 = arith.constant 80 : index
      %swap3A_77 = tpu.vector_load %arg9[%swap3A_75, %swap3A_76] {strides = array<i32>} : memref<128x128xf32, #tpu.memory_space<vmem>>, vector<1x16xf32>,
      %swap3A_78 = vector.shape_cast %swap3A_77 : vector<1x16xf32> to vector<16xf32>
      %swap3A_79 = vector.shape_cast %broadcast_in_dim3A_74 : vector<16xf32> to vector<1x16xf32>
      tpu.vector_store %arg9[%swap3A_75, %swap3A_76], %swap3A_79 {strides = array<i32>} : memref<128x128xf32, #tpu.memory_space<vmem>>, vector<1x16xf32>,
      %broadcast_in_dim3A_80 = arith.constant 0.000000e+00 : f32
      %broadcast_in_dim3A_81 = vector.broadcast %broadcast_in_dim3A_80 : f32 to vector<16xf32>
      %swap3A_82 = arith.index_cast %scan3A_39 : i32 to index
      %swap3A_83 = arith.constant 96 : index
      %swap3A_84 = tpu.vector_load %arg9[%swap3A_82, %swap3A_83] {strides = array<i32>} : memref<128x128xf32, #tpu.memory_space<vmem>>, vector<1x16xf32>,
      %swap3A_85 = vector.shape_cast %swap3A_84 : vector<1x16xf32> to vector<16xf32>
      %swap3A_86 = vector.shape_cast %broadcast_in_dim3A_81 : vector<16xf32> to vector<1x16xf32>
      tpu.vector_store %arg9[%swap3A_82, %swap3A_83], %swap3A_86 {strides = array<i32>} : memref<128x128xf32, #tpu.memory_space<vmem>>, vector<1x16xf32>,
      %broadcast_in_dim3A_87 = arith.constant 0.000000e+00 : f32
      %broadcast_in_dim3A_88 = vector.broadcast %broadcast_in_dim3A_87 : f32 to vector<16xf32>
      %swap3A_89 = arith.index_cast %scan3A_39 : i32 to index
      %swap3A_90 = arith.constant 112 : index
      %swap3A_91 = tpu.vector_load %arg9[%swap3A_89, %swap3A_90] {strides = array<i32>} : memref<128x128xf32, #tpu.memory_space<vmem>>, vector<1x16xf32>,
      %swap3A_92 = vector.shape_cast %swap3A_91 : vector<1x16xf32> to vector<16xf32>
      %swap3A_93 = vector.shape_cast %broadcast_in_dim3A_88 : vector<16xf32> to vector<1x16xf32>
      tpu.vector_store %arg9[%swap3A_89, %swap3A_90], %swap3A_93 {strides = array<i32>} : memref<128x128xf32, #tpu.memory_space<vmem>>, vector<1x16xf32>,
    }
    %scan3A_7 = arith.constant 128 : i32
    %mul3A_8 = arith.constant 640 : i32
    %mul3A_9 = arith.muli %arg1, %mul3A_8 : i32
    %add3A_10 = arith.constant 0 : i32
    %add3A_11 = arith.addi %mul3A_9, %add3A_10 : i32
    "tpu.region"() ({
      %run_scoped3A = tpu.sem_alloc : memref<!tpu.dma_semaphore, #tpu.memory_space<semaphore_mem>>
      %dma_start3A = arith.constant 0 : i32
      %dma_start3A_39 = tpu.memref_slice %arg11[%add3A_11, %dma_start3A] : memref<10240x128xf32, #tpu.memory_space<vmem_shared>> -> memref<128x128xf32, #tpu.memory_space<vmem_shared>>
      %dma_start3A_40 = arith.constant 0 : i32
      %dma_start3A_41 = tpu.memref_slice %arg11[%add3A_11, %dma_start3A_40] : memref<10240x128xf32, #tpu.memory_space<vmem_shared>> -> memref<128x128xf32, #tpu.memory_space<vmem_shared>>
      tpu.enqueue_dma source(%arg9 : memref<128x128xf32, #tpu.memory_space<vmem>>) target(%dma_start3A_41 : memref<128x128xf32, #tpu.memory_space<vmem_shared>>) target_semaphore(%run_scoped3A : memref<!tpu.dma_semaphore, #tpu.memory_space<semaphore_mem>>)
      %dma_wait3A = arith.constant 0 : i32
      %dma_wait3A_42 = tpu.memref_slice %arg11[%add3A_11, %dma_wait3A] : memref<10240x128xf32, #tpu.memory_space<vmem_shared>> -> memref<128x128xf32, #tpu.memory_space<vmem_shared>>
      %dma_wait3A_43 = arith.constant 0 : i32
      %dma_wait3A_44 = tpu.memref_slice %arg11[%add3A_11, %dma_wait3A_43] : memref<10240x128xf32, #tpu.memory_space<vmem_shared>> -> memref<128x128xf32, #tpu.memory_space<vmem_shared>>
      tpu.wait_dma2 semaphore(%run_scoped3A : memref<!tpu.dma_semaphore, #tpu.memory_space<semaphore_mem>>) src(%arg9 : memref<128x128xf32, #tpu.memory_space<vmem>>) dst(%dma_wait3A_44 : memref<128x128xf32, #tpu.memory_space<vmem_shared>>)
      tpu.yield
    }) : () -> ()
    %mul3A_12 = arith.constant 640 : i32
    %mul3A_13 = arith.muli %arg1, %mul3A_12 : i32
    %add3A_14 = arith.constant 128 : i32
    %add3A_15 = arith.addi %mul3A_13, %add3A_14 : i32
    "tpu.region"() ({
      %run_scoped3A = tpu.sem_alloc : memref<!tpu.dma_semaphore, #tpu.memory_space<semaphore_mem>>
      %dma_start3A = arith.constant 0 : i32
      %dma_start3A_39 = tpu.memref_slice %arg11[%add3A_15, %dma_start3A] : memref<10240x128xf32, #tpu.memory_space<vmem_shared>> -> memref<128x128xf32, #tpu.memory_space<vmem_shared>>
      %dma_start3A_40 = arith.constant 0 : i32
      %dma_start3A_41 = tpu.memref_slice %arg11[%add3A_15, %dma_start3A_40] : memref<10240x128xf32, #tpu.memory_space<vmem_shared>> -> memref<128x128xf32, #tpu.memory_space<vmem_shared>>
      tpu.enqueue_dma source(%arg9 : memref<128x128xf32, #tpu.memory_space<vmem>>) target(%dma_start3A_41 : memref<128x128xf32, #tpu.memory_space<vmem_shared>>) target_semaphore(%run_scoped3A : memref<!tpu.dma_semaphore, #tpu.memory_space<semaphore_mem>>)
      %dma_wait3A = arith.constant 0 : i32
      %dma_wait3A_42 = tpu.memref_slice %arg11[%add3A_15, %dma_wait3A] : memref<10240x128xf32, #tpu.memory_space<vmem_shared>> -> memref<128x128xf32, #tpu.memory_space<vmem_shared>>
      %dma_wait3A_43 = arith.constant 0 : i32
      %dma_wait3A_44 = tpu.memref_slice %arg11[%add3A_15, %dma_wait3A_43] : memref<10240x128xf32, #tpu.memory_space<vmem_shared>> -> memref<128x128xf32, #tpu.memory_space<vmem_shared>>
      tpu.wait_dma2 semaphore(%run_scoped3A : memref<!tpu.dma_semaphore, #tpu.memory_space<semaphore_mem>>) src(%arg9 : memref<128x128xf32, #tpu.memory_space<vmem>>) dst(%dma_wait3A_44 : memref<128x128xf32, #tpu.memory_space<vmem_shared>>)
      tpu.yield
    }) : () -> ()
    %mul3A_16 = arith.constant 640 : i32
    %mul3A_17 = arith.muli %arg1, %mul3A_16 : i32
    %add3A_18 = arith.constant 256 : i32
    %add3A_19 = arith.addi %mul3A_17, %add3A_18 : i32
    "tpu.region"() ({
      %run_scoped3A = tpu.sem_alloc : memref<!tpu.dma_semaphore, #tpu.memory_space<semaphore_mem>>
      %dma_start3A = arith.constant 0 : i32
      %dma_start3A_39 = tpu.memref_slice %arg11[%add3A_19, %dma_start3A] : memref<10240x128xf32, #tpu.memory_space<vmem_shared>> -> memref<128x128xf32, #tpu.memory_space<vmem_shared>>
      %dma_start3A_40 = arith.constant 0 : i32
      %dma_start3A_41 = tpu.memref_slice %arg11[%add3A_19, %dma_start3A_40] : memref<10240x128xf32, #tpu.memory_space<vmem_shared>> -> memref<128x128xf32, #tpu.memory_space<vmem_shared>>
      tpu.enqueue_dma source(%arg9 : memref<128x128xf32, #tpu.memory_space<vmem>>) target(%dma_start3A_41 : memref<128x128xf32, #tpu.memory_space<vmem_shared>>) target_semaphore(%run_scoped3A : memref<!tpu.dma_semaphore, #tpu.memory_space<semaphore_mem>>)
      %dma_wait3A = arith.constant 0 : i32
      %dma_wait3A_42 = tpu.memref_slice %arg11[%add3A_19, %dma_wait3A] : memref<10240x128xf32, #tpu.memory_space<vmem_shared>> -> memref<128x128xf32, #tpu.memory_space<vmem_shared>>
      %dma_wait3A_43 = arith.constant 0 : i32
      %dma_wait3A_44 = tpu.memref_slice %arg11[%add3A_19, %dma_wait3A_43] : memref<10240x128xf32, #tpu.memory_space<vmem_shared>> -> memref<128x128xf32, #tpu.memory_space<vmem_shared>>
      tpu.wait_dma2 semaphore(%run_scoped3A : memref<!tpu.dma_semaphore, #tpu.memory_space<semaphore_mem>>) src(%arg9 : memref<128x128xf32, #tpu.memory_space<vmem>>) dst(%dma_wait3A_44 : memref<128x128xf32, #tpu.memory_space<vmem_shared>>)
      tpu.yield
    }) : () -> ()
    %mul3A_20 = arith.constant 640 : i32
    %mul3A_21 = arith.muli %arg1, %mul3A_20 : i32
    %add3A_22 = arith.constant 384 : i32
    %add3A_23 = arith.addi %mul3A_21, %add3A_22 : i32
    "tpu.region"() ({
      %run_scoped3A = tpu.sem_alloc : memref<!tpu.dma_semaphore, #tpu.memory_space<semaphore_mem>>
      %dma_start3A = arith.constant 0 : i32
      %dma_start3A_39 = tpu.memref_slice %arg11[%add3A_23, %dma_start3A] : memref<10240x128xf32, #tpu.memory_space<vmem_shared>> -> memref<128x128xf32, #tpu.memory_space<vmem_shared>>
      %dma_start3A_40 = arith.constant 0 : i32
      %dma_start3A_41 = tpu.memref_slice %arg11[%add3A_23, %dma_start3A_40] : memref<10240x128xf32, #tpu.memory_space<vmem_shared>> -> memref<128x128xf32, #tpu.memory_space<vmem_shared>>
      tpu.enqueue_dma source(%arg9 : memref<128x128xf32, #tpu.memory_space<vmem>>) target(%dma_start3A_41 : memref<128x128xf32, #tpu.memory_space<vmem_shared>>) target_semaphore(%run_scoped3A : memref<!tpu.dma_semaphore, #tpu.memory_space<semaphore_mem>>)
      %dma_wait3A = arith.constant 0 : i32
      %dma_wait3A_42 = tpu.memref_slice %arg11[%add3A_23, %dma_wait3A] : memref<10240x128xf32, #tpu.memory_space<vmem_shared>> -> memref<128x128xf32, #tpu.memory_space<vmem_shared>>
      %dma_wait3A_43 = arith.constant 0 : i32
      %dma_wait3A_44 = tpu.memref_slice %arg11[%add3A_23, %dma_wait3A_43] : memref<10240x128xf32, #tpu.memory_space<vmem_shared>> -> memref<128x128xf32, #tpu.memory_space<vmem_shared>>
      tpu.wait_dma2 semaphore(%run_scoped3A : memref<!tpu.dma_semaphore, #tpu.memory_space<semaphore_mem>>) src(%arg9 : memref<128x128xf32, #tpu.memory_space<vmem>>) dst(%dma_wait3A_44 : memref<128x128xf32, #tpu.memory_space<vmem_shared>>)
      tpu.yield
    }) : () -> ()
    %mul3A_24 = arith.constant 640 : i32
    %mul3A_25 = arith.muli %arg1, %mul3A_24 : i32
    %add3A_26 = arith.constant 512 : i32
    %add3A_27 = arith.addi %mul3A_25, %add3A_26 : i32
    "tpu.region"() ({
      %run_scoped3A = tpu.sem_alloc : memref<!tpu.dma_semaphore, #tpu.memory_space<semaphore_mem>>
      %dma_start3A = arith.constant 0 : i32
      %dma_start3A_39 = tpu.memref_slice %arg11[%add3A_27, %dma_start3A] : memref<10240x128xf32, #tpu.memory_space<vmem_shared>> -> memref<128x128xf32, #tpu.memory_space<vmem_shared>>
      %dma_start3A_40 = arith.constant 0 : i32
      %dma_start3A_41 = tpu.memref_slice %arg11[%add3A_27, %dma_start3A_40] : memref<10240x128xf32, #tpu.memory_space<vmem_shared>> -> memref<128x128xf32, #tpu.memory_space<vmem_shared>>
      tpu.enqueue_dma source(%arg9 : memref<128x128xf32, #tpu.memory_space<vmem>>) target(%dma_start3A_41 : memref<128x128xf32, #tpu.memory_space<vmem_shared>>) target_semaphore(%run_scoped3A : memref<!tpu.dma_semaphore, #tpu.memory_space<semaphore_mem>>)
      %dma_wait3A = arith.constant 0 : i32
      %dma_wait3A_42 = tpu.memref_slice %arg11[%add3A_27, %dma_wait3A] : memref<10240x128xf32, #tpu.memory_space<vmem_shared>> -> memref<128x128xf32, #tpu.memory_space<vmem_shared>>
      %dma_wait3A_43 = arith.constant 0 : i32
      %dma_wait3A_44 = tpu.memref_slice %arg11[%add3A_27, %dma_wait3A_43] : memref<10240x128xf32, #tpu.memory_space<vmem_shared>> -> memref<128x128xf32, #tpu.memory_space<vmem_shared>>
      tpu.wait_dma2 semaphore(%run_scoped3A : memref<!tpu.dma_semaphore, #tpu.memory_space<semaphore_mem>>) src(%arg9 : memref<128x128xf32, #tpu.memory_space<vmem>>) dst(%dma_wait3A_44 : memref<128x128xf32, #tpu.memory_space<vmem_shared>>)
      tpu.yield
    }) : () -> ()
    %barrier3A = arith.constant 0 : index
    tpu.barrier barrier_id(%barrier3A)
    %scan3A_28 = arith.constant 0 : i32
    %scan3A_29 = arith.constant 0 : i32
    %scan3A_30 = arith.constant 80 : i32
    %scan3A_31 = arith.addi %scan3A_29, %scan3A_30 : i32
    %scan3A_32 = arith.constant 1 : i32
    scf.for %scan3A_39 = %scan3A_29 to %scan3A_31 step %scan3A_32  : i32 {
      %mul3A_40 = arith.constant 128 : i32
      %mul3A_41 = arith.muli %scan3A_39, %mul3A_40 : i32
      %add3A_42 = arith.addi %mul3A_2, %mul3A_41 : i32
      "tpu.region"() ({
        %run_scoped3A_53 = tpu.sem_alloc : memref<!tpu.dma_semaphore, #tpu.memory_space<semaphore_mem>>
        %dma_start3A_54 = tpu.memref_slice %arg3[%add3A_42] : memref<327680xi32, #tpu.memory_space<hbm>> -> memref<128xi32, #tpu.memory_space<hbm>>
        %dma_start3A_55 = tpu.memref_slice %arg3[%add3A_42] : memref<327680xi32, #tpu.memory_space<hbm>> -> memref<128xi32, #tpu.memory_space<hbm>>
        tpu.enqueue_dma source(%dma_start3A_55 : memref<128xi32, #tpu.memory_space<hbm>>) target(%arg7 : memref<128xi32, #tpu.memory_space<vmem>>) target_semaphore(%run_scoped3A_53 : memref<!tpu.dma_semaphore, #tpu.memory_space<semaphore_mem>>)
        %dma_wait3A_56 = tpu.memref_slice %arg3[%add3A_42] : memref<327680xi32, #tpu.memory_space<hbm>> -> memref<128xi32, #tpu.memory_space<hbm>>
        %dma_wait3A_57 = tpu.memref_slice %arg3[%add3A_42] : memref<327680xi32, #tpu.memory_space<hbm>> -> memref<128xi32, #tpu.memory_space<hbm>>
        tpu.wait_dma2 semaphore(%run_scoped3A_53 : memref<!tpu.dma_semaphore, #tpu.memory_space<semaphore_mem>>) src(%dma_wait3A_57 : memref<128xi32, #tpu.memory_space<hbm>>) dst(%arg7 : memref<128xi32, #tpu.memory_space<vmem>>)
        tpu.yield
      }) : () -> ()
      "tpu.region"() ({
        %run_scoped3A_53 = tpu.sem_alloc : memref<!tpu.dma_semaphore, #tpu.memory_space<semaphore_mem>>
        %dma_start3A_54 = tpu.memref_slice %arg4[%add3A_42] : memref<327680xi32, #tpu.memory_space<hbm>> -> memref<128xi32, #tpu.memory_space<hbm>>
        %dma_start3A_55 = tpu.memref_slice %arg4[%add3A_42] : memref<327680xi32, #tpu.memory_space<hbm>> -> memref<128xi32, #tpu.memory_space<hbm>>
        tpu.enqueue_dma source(%dma_start3A_55 : memref<128xi32, #tpu.memory_space<hbm>>) target(%arg8 : memref<128xi32, #tpu.memory_space<vmem>>) target_semaphore(%run_scoped3A_53 : memref<!tpu.dma_semaphore, #tpu.memory_space<semaphore_mem>>)
        %dma_wait3A_56 = tpu.memref_slice %arg4[%add3A_42] : memref<327680xi32, #tpu.memory_space<hbm>> -> memref<128xi32, #tpu.memory_space<hbm>>
        %dma_wait3A_57 = tpu.memref_slice %arg4[%add3A_42] : memref<327680xi32, #tpu.memory_space<hbm>> -> memref<128xi32, #tpu.memory_space<hbm>>
        tpu.wait_dma2 semaphore(%run_scoped3A_53 : memref<!tpu.dma_semaphore, #tpu.memory_space<semaphore_mem>>) src(%dma_wait3A_57 : memref<128xi32, #tpu.memory_space<hbm>>) dst(%arg8 : memref<128xi32, #tpu.memory_space<vmem>>)
        tpu.yield
      }) : () -> ()
      %run_scoped3A = arith.constant 0 : i32
      "tpu.region"() ({
        %run_scoped3A_53 = tpu.sem_alloc : memref<!tpu.dma_semaphore, #tpu.memory_space<semaphore_mem>>
        %dma_start3A_54 = arith.constant 0 : i32
        %dma_start3A_55 = tpu.memref_slice %arg2[%run_scoped3A, %add3A_42, %dma_start3A_54] : memref<4x327680x128xf32, #tpu.memory_space<hbm>> -> memref<1x128x128xf32, #tpu.memory_space<hbm>>
        %dma_start3A_56 = tpu.memref_squeeze %dma_start3A_55 : memref<1x128x128xf32, #tpu.memory_space<hbm>> -> memref<128x128xf32, #tpu.memory_space<hbm>>
        %dma_start3A_57 = arith.constant 0 : i32
        %dma_start3A_58 = tpu.memref_slice %arg2[%run_scoped3A, %add3A_42, %dma_start3A_57] : memref<4x327680x128xf32, #tpu.memory_space<hbm>> -> memref<1x128x128xf32, #tpu.memory_space<hbm>>
        %dma_start3A_59 = tpu.memref_squeeze %dma_start3A_58 : memref<1x128x128xf32, #tpu.memory_space<hbm>> -> memref<128x128xf32, #tpu.memory_space<hbm>>
        tpu.enqueue_dma source(%dma_start3A_59 : memref<128x128xf32, #tpu.memory_space<hbm>>) target(%arg10 : memref<128x128xf32, #tpu.memory_space<vmem>>) target_semaphore(%run_scoped3A_53 : memref<!tpu.dma_semaphore, #tpu.memory_space<semaphore_mem>>)
        %dma_wait3A_60 = arith.constant 0 : i32
        %dma_wait3A_61 = tpu.memref_slice %arg2[%run_scoped3A, %add3A_42, %dma_wait3A_60] : memref<4x327680x128xf32, #tpu.memory_space<hbm>> -> memref<1x128x128xf32, #tpu.memory_space<hbm>>
        %dma_wait3A_62 = tpu.memref_squeeze %dma_wait3A_61 : memref<1x128x128xf32, #tpu.memory_space<hbm>> -> memref<128x128xf32, #tpu.memory_space<hbm>>
        %dma_wait3A_63 = arith.constant 0 : i32
        %dma_wait3A_64 = tpu.memref_slice %arg2[%run_scoped3A, %add3A_42, %dma_wait3A_63] : memref<4x327680x128xf32, #tpu.memory_space<hbm>> -> memref<1x128x128xf32, #tpu.memory_space<hbm>>
        %dma_wait3A_65 = tpu.memref_squeeze %dma_wait3A_64 : memref<1x128x128xf32, #tpu.memory_space<hbm>> -> memref<128x128xf32, #tpu.memory_space<hbm>>
        tpu.wait_dma2 semaphore(%run_scoped3A_53 : memref<!tpu.dma_semaphore, #tpu.memory_space<semaphore_mem>>) src(%dma_wait3A_65 : memref<128x128xf32, #tpu.memory_space<hbm>>) dst(%arg10 : memref<128x128xf32, #tpu.memory_space<vmem>>)
        tpu.yield
      }) : () -> ()
      %dma_start3A = arith.constant 0 : i32
      %dma_start3A_43 = arith.constant 0 : i32
      %dma_start3A_44 = tpu.memref_slice %arg5[%dma_start3A, %dma_start3A_43] : memref<10000x128xf32, #tpu.memory_space<hbm>> -> memref<10000x128xf32, #tpu.memory_space<hbm>>
      tpu.enqueue_indirect_dma source(%dma_start3A_44 : memref<10000x128xf32, #tpu.memory_space<hbm>>) target(%arg9 : memref<128x128xf32, #tpu.memory_space<vmem>>) offsets(%arg7 : memref<128xi32, #tpu.memory_space<vmem>>) semaphore(%arg12 : memref<!tpu.dma_semaphore, #tpu.memory_space<semaphore_mem>>)
      %dma_wait3A = arith.constant 0 : i32
      %dma_wait3A_45 = arith.constant 0 : i32
      %dma_wait3A_46 = tpu.memref_slice %arg5[%dma_wait3A, %dma_wait3A_45] : memref<10000x128xf32, #tpu.memory_space<hbm>> -> memref<10000x128xf32, #tpu.memory_space<hbm>>
      tpu.wait_indirect_dma semaphore(%arg12 : memref<!tpu.dma_semaphore, #tpu.memory_space<semaphore_mem>>) src(%dma_wait3A_46 : memref<10000x128xf32, #tpu.memory_space<hbm>>) dst(%arg9 : memref<128x128xf32, #tpu.memory_space<vmem>>)
      %scan3A_47 = arith.constant 0 : i32
      %scan3A_48 = arith.constant 0 : i32
      %scan3A_49 = arith.constant 128 : i32
      %scan3A_50 = arith.addi %scan3A_48, %scan3A_49 : i32
      %scan3A_51 = arith.constant 1 : i32
      scf.for %scan3A_53 = %scan3A_48 to %scan3A_50 step %scan3A_51  : i32 {
        %get3A = arith.index_cast %scan3A_53 : i32 to index
        %get3A_54 = arith.constant 0 : index
        %get3A_55 = tpu.vector_load %arg9[%get3A, %get3A_54] {strides = array<i32>} : memref<128x128xf32, #tpu.memory_space<vmem>>, vector<1x16xf32>,
        %get3A_56 = vector.shape_cast %get3A_55 : vector<1x16xf32> to vector<16xf32>
        %get3A_57 = arith.index_cast %scan3A_53 : i32 to index
        %get3A_58 = arith.constant 0 : index
        %get3A_59 = tpu.vector_load %arg10[%get3A_57, %get3A_58] {strides = array<i32>} : memref<128x128xf32, #tpu.memory_space<vmem>>, vector<1x16xf32>,
        %get3A_60 = vector.shape_cast %get3A_59 : vector<1x16xf32> to vector<16xf32>
        %add3A_61 = arith.addf %get3A_56, %get3A_60 : vector<16xf32>
        %max3A = arith.constant 0.000000e+00 : f32
        %max3A_62 = vector.broadcast %max3A : f32 to vector<16xf32>
        %max3A_63 = arith.maximumf %add3A_61, %max3A_62 : vector<16xf32>
        %swap3A = arith.index_cast %scan3A_53 : i32 to index
        %swap3A_64 = arith.constant 0 : index
        %swap3A_65 = tpu.vector_load %arg9[%swap3A, %swap3A_64] {strides = array<i32>} : memref<128x128xf32, #tpu.memory_space<vmem>>, vector<1x16xf32>,
        %swap3A_66 = vector.shape_cast %swap3A_65 : vector<1x16xf32> to vector<16xf32>
        %swap3A_67 = vector.shape_cast %max3A_63 : vector<16xf32> to vector<1x16xf32>
        tpu.vector_store %arg9[%swap3A, %swap3A_64], %swap3A_67 {strides = array<i32>} : memref<128x128xf32, #tpu.memory_space<vmem>>, vector<1x16xf32>,
        %get3A_68 = arith.index_cast %scan3A_53 : i32 to index
        %get3A_69 = arith.constant 16 : index
        %get3A_70 = tpu.vector_load %arg9[%get3A_68, %get3A_69] {strides = array<i32>} : memref<128x128xf32, #tpu.memory_space<vmem>>, vector<1x16xf32>,
        %get3A_71 = vector.shape_cast %get3A_70 : vector<1x16xf32> to vector<16xf32>
        %get3A_72 = arith.index_cast %scan3A_53 : i32 to index
        %get3A_73 = arith.constant 16 : index
        %get3A_74 = tpu.vector_load %arg10[%get3A_72, %get3A_73] {strides = array<i32>} : memref<128x128xf32, #tpu.memory_space<vmem>>, vector<1x16xf32>,
        %get3A_75 = vector.shape_cast %get3A_74 : vector<1x16xf32> to vector<16xf32>
        %add3A_76 = arith.addf %get3A_71, %get3A_75 : vector<16xf32>
        %max3A_77 = arith.constant 0.000000e+00 : f32
        %max3A_78 = vector.broadcast %max3A_77 : f32 to vector<16xf32>
        %max3A_79 = arith.maximumf %add3A_76, %max3A_78 : vector<16xf32>
        %swap3A_80 = arith.index_cast %scan3A_53 : i32 to index
        %swap3A_81 = arith.constant 16 : index
        %swap3A_82 = tpu.vector_load %arg9[%swap3A_80, %swap3A_81] {strides = array<i32>} : memref<128x128xf32, #tpu.memory_space<vmem>>, vector<1x16xf32>,
        %swap3A_83 = vector.shape_cast %swap3A_82 : vector<1x16xf32> to vector<16xf32>
        %swap3A_84 = vector.shape_cast %max3A_79 : vector<16xf32> to vector<1x16xf32>
        tpu.vector_store %arg9[%swap3A_80, %swap3A_81], %swap3A_84 {strides = array<i32>} : memref<128x128xf32, #tpu.memory_space<vmem>>, vector<1x16xf32>,
        %get3A_85 = arith.index_cast %scan3A_53 : i32 to index
        %get3A_86 = arith.constant 32 : index
        %get3A_87 = tpu.vector_load %arg9[%get3A_85, %get3A_86] {strides = array<i32>} : memref<128x128xf32, #tpu.memory_space<vmem>>, vector<1x16xf32>,
        %get3A_88 = vector.shape_cast %get3A_87 : vector<1x16xf32> to vector<16xf32>
        %get3A_89 = arith.index_cast %scan3A_53 : i32 to index
        %get3A_90 = arith.constant 32 : index
        %get3A_91 = tpu.vector_load %arg10[%get3A_89, %get3A_90] {strides = array<i32>} : memref<128x128xf32, #tpu.memory_space<vmem>>, vector<1x16xf32>,
        %get3A_92 = vector.shape_cast %get3A_91 : vector<1x16xf32> to vector<16xf32>
        %add3A_93 = arith.addf %get3A_88, %get3A_92 : vector<16xf32>
        %max3A_94 = arith.constant 0.000000e+00 : f32
        %max3A_95 = vector.broadcast %max3A_94 : f32 to vector<16xf32>
        %max3A_96 = arith.maximumf %add3A_93, %max3A_95 : vector<16xf32>
        %swap3A_97 = arith.index_cast %scan3A_53 : i32 to index
        %swap3A_98 = arith.constant 32 : index
        %swap3A_99 = tpu.vector_load %arg9[%swap3A_97, %swap3A_98] {strides = array<i32>} : memref<128x128xf32, #tpu.memory_space<vmem>>, vector<1x16xf32>,
        %swap3A_100 = vector.shape_cast %swap3A_99 : vector<1x16xf32> to vector<16xf32>
        %swap3A_101 = vector.shape_cast %max3A_96 : vector<16xf32> to vector<1x16xf32>
        tpu.vector_store %arg9[%swap3A_97, %swap3A_98], %swap3A_101 {strides = array<i32>} : memref<128x128xf32, #tpu.memory_space<vmem>>, vector<1x16xf32>,
        %get3A_102 = arith.index_cast %scan3A_53 : i32 to index
        %get3A_103 = arith.constant 48 : index
        %get3A_104 = tpu.vector_load %arg9[%get3A_102, %get3A_103] {strides = array<i32>} : memref<128x128xf32, #tpu.memory_space<vmem>>, vector<1x16xf32>,
        %get3A_105 = vector.shape_cast %get3A_104 : vector<1x16xf32> to vector<16xf32>
        %get3A_106 = arith.index_cast %scan3A_53 : i32 to index
        %get3A_107 = arith.constant 48 : index
        %get3A_108 = tpu.vector_load %arg10[%get3A_106, %get3A_107] {strides = array<i32>} : memref<128x128xf32, #tpu.memory_space<vmem>>, vector<1x16xf32>,
        %get3A_109 = vector.shape_cast %get3A_108 : vector<1x16xf32> to vector<16xf32>
        %add3A_110 = arith.addf %get3A_105, %get3A_109 : vector<16xf32>
        %max3A_111 = arith.constant 0.000000e+00 : f32
        %max3A_112 = vector.broadcast %max3A_111 : f32 to vector<16xf32>
        %max3A_113 = arith.maximumf %add3A_110, %max3A_112 : vector<16xf32>
        %swap3A_114 = arith.index_cast %scan3A_53 : i32 to index
        %swap3A_115 = arith.constant 48 : index
        %swap3A_116 = tpu.vector_load %arg9[%swap3A_114, %swap3A_115] {strides = array<i32>} : memref<128x128xf32, #tpu.memory_space<vmem>>, vector<1x16xf32>,
        %swap3A_117 = vector.shape_cast %swap3A_116 : vector<1x16xf32> to vector<16xf32>
        %swap3A_118 = vector.shape_cast %max3A_113 : vector<16xf32> to vector<1x16xf32>
        tpu.vector_store %arg9[%swap3A_114, %swap3A_115], %swap3A_118 {strides = array<i32>} : memref<128x128xf32, #tpu.memory_space<vmem>>, vector<1x16xf32>,
        %get3A_119 = arith.index_cast %scan3A_53 : i32 to index
        %get3A_120 = arith.constant 64 : index
        %get3A_121 = tpu.vector_load %arg9[%get3A_119, %get3A_120] {strides = array<i32>} : memref<128x128xf32, #tpu.memory_space<vmem>>, vector<1x16xf32>,
        %get3A_122 = vector.shape_cast %get3A_121 : vector<1x16xf32> to vector<16xf32>
        %get3A_123 = arith.index_cast %scan3A_53 : i32 to index
        %get3A_124 = arith.constant 64 : index
        %get3A_125 = tpu.vector_load %arg10[%get3A_123, %get3A_124] {strides = array<i32>} : memref<128x128xf32, #tpu.memory_space<vmem>>, vector<1x16xf32>,
        %get3A_126 = vector.shape_cast %get3A_125 : vector<1x16xf32> to vector<16xf32>
        %add3A_127 = arith.addf %get3A_122, %get3A_126 : vector<16xf32>
        %max3A_128 = arith.constant 0.000000e+00 : f32
        %max3A_129 = vector.broadcast %max3A_128 : f32 to vector<16xf32>
        %max3A_130 = arith.maximumf %add3A_127, %max3A_129 : vector<16xf32>
        %swap3A_131 = arith.index_cast %scan3A_53 : i32 to index
        %swap3A_132 = arith.constant 64 : index
        %swap3A_133 = tpu.vector_load %arg9[%swap3A_131, %swap3A_132] {strides = array<i32>} : memref<128x128xf32, #tpu.memory_space<vmem>>, vector<1x16xf32>,
        %swap3A_134 = vector.shape_cast %swap3A_133 : vector<1x16xf32> to vector<16xf32>
        %swap3A_135 = vector.shape_cast %max3A_130 : vector<16xf32> to vector<1x16xf32>
        tpu.vector_store %arg9[%swap3A_131, %swap3A_132], %swap3A_135 {strides = array<i32>} : memref<128x128xf32, #tpu.memory_space<vmem>>, vector<1x16xf32>,
        %get3A_136 = arith.index_cast %scan3A_53 : i32 to index
        %get3A_137 = arith.constant 80 : index
        %get3A_138 = tpu.vector_load %arg9[%get3A_136, %get3A_137] {strides = array<i32>} : memref<128x128xf32, #tpu.memory_space<vmem>>, vector<1x16xf32>,
        %get3A_139 = vector.shape_cast %get3A_138 : vector<1x16xf32> to vector<16xf32>
        %get3A_140 = arith.index_cast %scan3A_53 : i32 to index
        %get3A_141 = arith.constant 80 : index
        %get3A_142 = tpu.vector_load %arg10[%get3A_140, %get3A_141] {strides = array<i32>} : memref<128x128xf32, #tpu.memory_space<vmem>>, vector<1x16xf32>,
        %get3A_143 = vector.shape_cast %get3A_142 : vector<1x16xf32> to vector<16xf32>
        %add3A_144 = arith.addf %get3A_139, %get3A_143 : vector<16xf32>
        %max3A_145 = arith.constant 0.000000e+00 : f32
        %max3A_146 = vector.broadcast %max3A_145 : f32 to vector<16xf32>
        %max3A_147 = arith.maximumf %add3A_144, %max3A_146 : vector<16xf32>
        %swap3A_148 = arith.index_cast %scan3A_53 : i32 to index
        %swap3A_149 = arith.constant 80 : index
        %swap3A_150 = tpu.vector_load %arg9[%swap3A_148, %swap3A_149] {strides = array<i32>} : memref<128x128xf32, #tpu.memory_space<vmem>>, vector<1x16xf32>,
        %swap3A_151 = vector.shape_cast %swap3A_150 : vector<1x16xf32> to vector<16xf32>
        %swap3A_152 = vector.shape_cast %max3A_147 : vector<16xf32> to vector<1x16xf32>
        tpu.vector_store %arg9[%swap3A_148, %swap3A_149], %swap3A_152 {strides = array<i32>} : memref<128x128xf32, #tpu.memory_space<vmem>>, vector<1x16xf32>,
        %get3A_153 = arith.index_cast %scan3A_53 : i32 to index
        %get3A_154 = arith.constant 96 : index
        %get3A_155 = tpu.vector_load %arg9[%get3A_153, %get3A_154] {strides = array<i32>} : memref<128x128xf32, #tpu.memory_space<vmem>>, vector<1x16xf32>,
        %get3A_156 = vector.shape_cast %get3A_155 : vector<1x16xf32> to vector<16xf32>
        %get3A_157 = arith.index_cast %scan3A_53 : i32 to index
        %get3A_158 = arith.constant 96 : index
        %get3A_159 = tpu.vector_load %arg10[%get3A_157, %get3A_158] {strides = array<i32>} : memref<128x128xf32, #tpu.memory_space<vmem>>, vector<1x16xf32>,
        %get3A_160 = vector.shape_cast %get3A_159 : vector<1x16xf32> to vector<16xf32>
        %add3A_161 = arith.addf %get3A_156, %get3A_160 : vector<16xf32>
        %max3A_162 = arith.constant 0.000000e+00 : f32
        %max3A_163 = vector.broadcast %max3A_162 : f32 to vector<16xf32>
        %max3A_164 = arith.maximumf %add3A_161, %max3A_163 : vector<16xf32>
        %swap3A_165 = arith.index_cast %scan3A_53 : i32 to index
        %swap3A_166 = arith.constant 96 : index
        %swap3A_167 = tpu.vector_load %arg9[%swap3A_165, %swap3A_166] {strides = array<i32>} : memref<128x128xf32, #tpu.memory_space<vmem>>, vector<1x16xf32>,
        %swap3A_168 = vector.shape_cast %swap3A_167 : vector<1x16xf32> to vector<16xf32>
        %swap3A_169 = vector.shape_cast %max3A_164 : vector<16xf32> to vector<1x16xf32>
        tpu.vector_store %arg9[%swap3A_165, %swap3A_166], %swap3A_169 {strides = array<i32>} : memref<128x128xf32, #tpu.memory_space<vmem>>, vector<1x16xf32>,
        %get3A_170 = arith.index_cast %scan3A_53 : i32 to index
        %get3A_171 = arith.constant 112 : index
        %get3A_172 = tpu.vector_load %arg9[%get3A_170, %get3A_171] {strides = array<i32>} : memref<128x128xf32, #tpu.memory_space<vmem>>, vector<1x16xf32>,
        %get3A_173 = vector.shape_cast %get3A_172 : vector<1x16xf32> to vector<16xf32>
        %get3A_174 = arith.index_cast %scan3A_53 : i32 to index
        %get3A_175 = arith.constant 112 : index
        %get3A_176 = tpu.vector_load %arg10[%get3A_174, %get3A_175] {strides = array<i32>} : memref<128x128xf32, #tpu.memory_space<vmem>>, vector<1x16xf32>,
        %get3A_177 = vector.shape_cast %get3A_176 : vector<1x16xf32> to vector<16xf32>
        %add3A_178 = arith.addf %get3A_173, %get3A_177 : vector<16xf32>
        %max3A_179 = arith.constant 0.000000e+00 : f32
        %max3A_180 = vector.broadcast %max3A_179 : f32 to vector<16xf32>
        %max3A_181 = arith.maximumf %add3A_178, %max3A_180 : vector<16xf32>
        %swap3A_182 = arith.index_cast %scan3A_53 : i32 to index
        %swap3A_183 = arith.constant 112 : index
        %swap3A_184 = tpu.vector_load %arg9[%swap3A_182, %swap3A_183] {strides = array<i32>} : memref<128x128xf32, #tpu.memory_space<vmem>>, vector<1x16xf32>,
        %swap3A_185 = vector.shape_cast %swap3A_184 : vector<1x16xf32> to vector<16xf32>
        %swap3A_186 = vector.shape_cast %max3A_181 : vector<16xf32> to vector<1x16xf32>
        tpu.vector_store %arg9[%swap3A_182, %swap3A_183], %swap3A_186 {strides = array<i32>} : memref<128x128xf32, #tpu.memory_space<vmem>>, vector<1x16xf32>,
      }
      %scan3A_52 = arith.constant 128 : i32
      "tpu.region"() ({
        %run_scoped3A_53 = tpu.sem_alloc : memref<!tpu.dma_semaphore, #tpu.memory_space<semaphore_mem>>
        %dma_start3A_54 = arith.constant 0 : i32
        %dma_start3A_55 = arith.constant 0 : i32
        %dma_start3A_56 = tpu.memref_slice %arg11[%dma_start3A_54, %dma_start3A_55] : memref<10240x128xf32, #tpu.memory_space<vmem_shared>> -> memref<10240x128xf32, #tpu.memory_space<vmem_shared>>
        tpu.enqueue_indirect_dma source(%arg9 : memref<128x128xf32, #tpu.memory_space<vmem>>) target(%dma_start3A_56 : memref<10240x128xf32, #tpu.memory_space<vmem_shared>>) offsets(%arg8 : memref<128xi32, #tpu.memory_space<vmem>>) semaphore(%run_scoped3A_53 : memref<!tpu.dma_semaphore, #tpu.memory_space<semaphore_mem>>) {add = true}
        %dma_wait3A_57 = arith.constant 0 : i32
        %dma_wait3A_58 = arith.constant 0 : i32
        %dma_wait3A_59 = tpu.memref_slice %arg11[%dma_wait3A_57, %dma_wait3A_58] : memref<10240x128xf32, #tpu.memory_space<vmem_shared>> -> memref<10240x128xf32, #tpu.memory_space<vmem_shared>>
        tpu.wait_indirect_dma semaphore(%run_scoped3A_53 : memref<!tpu.dma_semaphore, #tpu.memory_space<semaphore_mem>>) src(%arg9 : memref<128x128xf32, #tpu.memory_space<vmem>>) dst(%dma_wait3A_59 : memref<10240x128xf32, #tpu.memory_space<vmem_shared>>)
        tpu.yield
      }) : () -> ()
    }
    %scan3A_33 = arith.constant 80 : i32
    %barrier3A_34 = arith.constant 0 : index
    tpu.barrier barrier_id(%barrier3A_34)
    %mul3A_35 = arith.constant 640 : i32
    %mul3A_36 = arith.muli %arg1, %mul3A_35 : i32
    %mul3A_37 = arith.constant 640 : i32
    %mul3A_38 = arith.muli %arg1, %mul3A_37 : i32
    "tpu.region"() ({
      %run_scoped3A = tpu.sem_alloc : memref<!tpu.dma_semaphore, #tpu.memory_space<semaphore_mem>>
      %dma_start3A = arith.constant 0 : i32
      %dma_start3A_39 = tpu.memref_slice %arg6[%arg0, %mul3A_38, %dma_start3A] : memref<2x10240x128xf32, #tpu.memory_space<hbm>> -> memref<1x640x128xf32, #tpu.memory_space<hbm>>
      %dma_start3A_40 = tpu.memref_squeeze %dma_start3A_39 : memref<1x640x128xf32, #tpu.memory_space<hbm>> -> memref<640x128xf32, #tpu.memory_space<hbm>>
      %dma_start3A_41 = arith.constant 0 : i32
      %dma_start3A_42 = tpu.memref_slice %arg11[%mul3A_36, %dma_start3A_41] : memref<10240x128xf32, #tpu.memory_space<vmem_shared>> -> memref<640x128xf32, #tpu.memory_space<vmem_shared>>
      tpu.enqueue_dma source(%dma_start3A_42 : memref<640x128xf32, #tpu.memory_space<vmem_shared>>) target(%dma_start3A_40 : memref<640x128xf32, #tpu.memory_space<hbm>>) target_semaphore(%run_scoped3A : memref<!tpu.dma_semaphore, #tpu.memory_space<semaphore_mem>>)
      %dma_wait3A = arith.constant 0 : i32
      %dma_wait3A_43 = tpu.memref_slice %arg6[%arg0, %mul3A_38, %dma_wait3A] : memref<2x10240x128xf32, #tpu.memory_space<hbm>> -> memref<1x640x128xf32, #tpu.memory_space<hbm>>
      %dma_wait3A_44 = tpu.memref_squeeze %dma_wait3A_43 : memref<1x640x128xf32, #tpu.memory_space<hbm>> -> memref<640x128xf32, #tpu.memory_space<hbm>>
      %dma_wait3A_45 = arith.constant 0 : i32
      %dma_wait3A_46 = tpu.memref_slice %arg11[%mul3A_36, %dma_wait3A_45] : memref<10240x128xf32, #tpu.memory_space<vmem_shared>> -> memref<640x128xf32, #tpu.memory_space<vmem_shared>>
      tpu.wait_dma2 semaphore(%run_scoped3A : memref<!tpu.dma_semaphore, #tpu.memory_space<semaphore_mem>>) src(%dma_wait3A_46 : memref<640x128xf32, #tpu.memory_space<vmem_shared>>) dst(%dma_wait3A_44 : memref<640x128xf32, #tpu.memory_space<hbm>>)
      tpu.yield
    }) : () -> ()
    return
  }
}

#map = affine_map<(d0, d1) -> (0, 0, 0)>
#map1 = affine_map<(d0, d1) -> (0)>
#map2 = affine_map<(d0, d1) -> (0, 0)>
module attributes {stable_mosaic.version = 14 : i64} {
  func.func @f(%arg0: i32, %arg1: i32, %arg2: memref<4x327680x128xf32, #tpu.memory_space<hbm>>, %arg3: memref<327680xi32, #tpu.memory_space<hbm>>, %arg4: memref<327680xi32, #tpu.memory_space<hbm>>, %arg5: memref<10000x128xf32, #tpu.memory_space<hbm>>, %arg6: memref<2x10240x128xf32, #tpu.memory_space<hbm>>, %arg7: memref<128xi32, #tpu.memory_space<vmem>>, %arg8: memref<128xi32, #tpu.memory_space<vmem>>, %arg9: memref<128x128xf32, #tpu.memory_space<vmem>>, %arg10: memref<128x128xf32, #tpu.memory_space<vmem>>, %arg11: memref<10240x128xf32, #tpu.memory_space<vmem_shared>>, %arg12: memref<!tpu.dma_semaphore, #tpu.memory_space<semaphore_mem>>) attributes {dimension_semantics = [#tpu.dimension_semantics<core_parallel>, #tpu.dimension_semantics<subcore_parallel>], iteration_bounds = array<i64: 2, 16>, scalar_prefetch = 0 : i64, scratch_operands = 6 : i64, tpu.core_type = #tpu.core_type<sc_vector_subcore>, window_params = [{transform_indices = #map}, {transform_indices = #map1}, {transform_indices = #map1}, {transform_indices = #map2}, {transform_indices = #map}]} {
    %mul3A = arith.constant 2 : i32
    %mul3A_0 = arith.muli %arg1, %mul3A : i32
    %add3A = arith.addi %mul3A_0, %arg0 : i32
    %mul3A_1 = arith.constant 10240 : i32
    %mul3A_2 = arith.muli %add3A, %mul3A_1 : i32
    %scan3A = arith.constant 0 : i32
    %scan3A_3 = arith.constant 0 : i32
    %scan3A_4 = arith.constant 128 : i32
    %scan3A_5 = arith.addi %scan3A_3, %scan3A_4 : i32
    %scan3A_6 = arith.constant 1 : i32
    scf.for %scan3A_39 = %scan3A_3 to %scan3A_5 step %scan3A_6  : i32 {
      %broadcast_in_dim3A = arith.constant 0.000000e+00 : f32
      %broadcast_in_dim3A_40 = vector.broadcast %broadcast_in_dim3A : f32 to vector<16xf32>
      %swap3A = arith.index_cast %scan3A_39 : i32 to index
      %swap3A_41 = arith.constant 0 : index
      %swap3A_42 = tpu.vector_load %arg9[%swap3A, %swap3A_41] {strides = array<i32>} : memref<128x128xf32, #tpu.memory_space<vmem>>, vector<1x16xf32>,
      %swap3A_43 = vector.shape_cast %swap3A_42 : vector<1x16xf32> to vector<16xf32>
      %swap3A_44 = vector.shape_cast %broadcast_in_dim3A_40 : vector<16xf32> to vector<1x16xf32>
      tpu.vector_store %arg9[%swap3A, %swap3A_41], %swap3A_44 {strides = array<i32>} : memref<128x128xf32, #tpu.memory_space<vmem>>, vector<1x16xf32>,
      %broadcast_in_dim3A_45 = arith.constant 0.000000e+00 : f32
      %broadcast_in_dim3A_46 = vector.broadcast %broadcast_in_dim3A_45 : f32 to vector<16xf32>
      %swap3A_47 = arith.index_cast %scan3A_39 : i32 to index
      %swap3A_48 = arith.constant 16 : index
      %swap3A_49 = tpu.vector_load %arg9[%swap3A_47, %swap3A_48] {strides = array<i32>} : memref<128x128xf32, #tpu.memory_space<vmem>>, vector<1x16xf32>,
      %swap3A_50 = vector.shape_cast %swap3A_49 : vector<1x16xf32> to vector<16xf32>
      %swap3A_51 = vector.shape_cast %broadcast_in_dim3A_46 : vector<16xf32> to vector<1x16xf32>
      tpu.vector_store %arg9[%swap3A_47, %swap3A_48], %swap3A_51 {strides = array<i32>} : memref<128x128xf32, #tpu.memory_space<vmem>>, vector<1x16xf32>,
      %broadcast_in_dim3A_52 = arith.constant 0.000000e+00 : f32
      %broadcast_in_dim3A_53 = vector.broadcast %broadcast_in_dim3A_52 : f32 to vector<16xf32>
      %swap3A_54 = arith.index_cast %scan3A_39 : i32 to index
      %swap3A_55 = arith.constant 32 : index
      %swap3A_56 = tpu.vector_load %arg9[%swap3A_54, %swap3A_55] {strides = array<i32>} : memref<128x128xf32, #tpu.memory_space<vmem>>, vector<1x16xf32>,
      %swap3A_57 = vector.shape_cast %swap3A_56 : vector<1x16xf32> to vector<16xf32>
      %swap3A_58 = vector.shape_cast %broadcast_in_dim3A_53 : vector<16xf32> to vector<1x16xf32>
      tpu.vector_store %arg9[%swap3A_54, %swap3A_55], %swap3A_58 {strides = array<i32>} : memref<128x128xf32, #tpu.memory_space<vmem>>, vector<1x16xf32>,
      %broadcast_in_dim3A_59 = arith.constant 0.000000e+00 : f32
      %broadcast_in_dim3A_60 = vector.broadcast %broadcast_in_dim3A_59 : f32 to vector<16xf32>
      %swap3A_61 = arith.index_cast %scan3A_39 : i32 to index
      %swap3A_62 = arith.constant 48 : index
      %swap3A_63 = tpu.vector_load %arg9[%swap3A_61, %swap3A_62] {strides = array<i32>} : memref<128x128xf32, #tpu.memory_space<vmem>>, vector<1x16xf32>,
      %swap3A_64 = vector.shape_cast %swap3A_63 : vector<1x16xf32> to vector<16xf32>
      %swap3A_65 = vector.shape_cast %broadcast_in_dim3A_60 : vector<16xf32> to vector<1x16xf32>
      tpu.vector_store %arg9[%swap3A_61, %swap3A_62], %swap3A_65 {strides = array<i32>} : memref<128x128xf32, #tpu.memory_space<vmem>>, vector<1x16xf32>,
      %broadcast_in_dim3A_66 = arith.constant 0.000000e+00 : f32
      %broadcast_in_dim3A_67 = vector.broadcast %broadcast_in_dim3A_66 : f32 to vector<16xf32>
      %swap3A_68 = arith.index_cast %scan3A_39 : i32 to index
      %swap3A_69 = arith.constant 64 : index
      %swap3A_70 = tpu.vector_load %arg9[%swap3A_68, %swap3A_69] {strides = array<i32>} : memref<128x128xf32, #tpu.memory_space<vmem>>, vector<1x16xf32>,
      %swap3A_71 = vector.shape_cast %swap3A_70 : vector<1x16xf32> to vector<16xf32>
      %swap3A_72 = vector.shape_cast %broadcast_in_dim3A_67 : vector<16xf32> to vector<1x16xf32>
      tpu.vector_store %arg9[%swap3A_68, %swap3A_69], %swap3A_72 {strides = array<i32>} : memref<128x128xf32, #tpu.memory_space<vmem>>, vector<1x16xf32>,
      %broadcast_in_dim3A_73 = arith.constant 0.000000e+00 : f32
      %broadcast_in_dim3A_74 = vector.broadcast %broadcast_in_dim3A_73 : f32 to vector<16xf32>
      %swap3A_75 = arith.index_cast %scan3A_39 : i32 to index
      %swap3A_76 = arith.constant 80 : index
      %swap3A_77 = tpu.vector_load %arg9[%swap3A_75, %swap3A_76] {strides = array<i32>} : memref<128x128xf32, #tpu.memory_space<vmem>>, vector<1x16xf32>,
      %swap3A_78 = vector.shape_cast %swap3A_77 : vector<1x16xf32> to vector<16xf32>
      %swap3A_79 = vector.shape_cast %broadcast_in_dim3A_74 : vector<16xf32> to vector<1x16xf32>
      tpu.vector_store %arg9[%swap3A_75, %swap3A_76], %swap3A_79 {strides = array<i32>} : memref<128x128xf32, #tpu.memory_space<vmem>>, vector<1x16xf32>,
      %broadcast_in_dim3A_80 = arith.constant 0.000000e+00 : f32
      %broadcast_in_dim3A_81 = vector.broadcast %broadcast_in_dim3A_80 : f32 to vector<16xf32>
      %swap3A_82 = arith.index_cast %scan3A_39 : i32 to index
      %swap3A_83 = arith.constant 96 : index
      %swap3A_84 = tpu.vector_load %arg9[%swap3A_82, %swap3A_83] {strides = array<i32>} : memref<128x128xf32, #tpu.memory_space<vmem>>, vector<1x16xf32>,
      %swap3A_85 = vector.shape_cast %swap3A_84 : vector<1x16xf32> to vector<16xf32>
      %swap3A_86 = vector.shape_cast %broadcast_in_dim3A_81 : vector<16xf32> to vector<1x16xf32>
      tpu.vector_store %arg9[%swap3A_82, %swap3A_83], %swap3A_86 {strides = array<i32>} : memref<128x128xf32, #tpu.memory_space<vmem>>, vector<1x16xf32>,
      %broadcast_in_dim3A_87 = arith.constant 0.000000e+00 : f32
      %broadcast_in_dim3A_88 = vector.broadcast %broadcast_in_dim3A_87 : f32 to vector<16xf32>
      %swap3A_89 = arith.index_cast %scan3A_39 : i32 to index
      %swap3A_90 = arith.constant 112 : index
      %swap3A_91 = tpu.vector_load %arg9[%swap3A_89, %swap3A_90] {strides = array<i32>} : memref<128x128xf32, #tpu.memory_space<vmem>>, vector<1x16xf32>,
      %swap3A_92 = vector.shape_cast %swap3A_91 : vector<1x16xf32> to vector<16xf32>
      %swap3A_93 = vector.shape_cast %broadcast_in_dim3A_88 : vector<16xf32> to vector<1x16xf32>
      tpu.vector_store %arg9[%swap3A_89, %swap3A_90], %swap3A_93 {strides = array<i32>} : memref<128x128xf32, #tpu.memory_space<vmem>>, vector<1x16xf32>,
    }
    %scan3A_7 = arith.constant 128 : i32
    %mul3A_8 = arith.constant 640 : i32
    %mul3A_9 = arith.muli %arg1, %mul3A_8 : i32
    %add3A_10 = arith.constant 0 : i32
    %add3A_11 = arith.addi %mul3A_9, %add3A_10 : i32
    "tpu.region"() ({
      %run_scoped3A = tpu.sem_alloc : memref<!tpu.dma_semaphore, #tpu.memory_space<semaphore_mem>>
      %dma_start3A = arith.constant 0 : i32
      %dma_start3A_39 = tpu.memref_slice %arg11[%add3A_11, %dma_start3A] : memref<10240x128xf32, #tpu.memory_space<vmem_shared>> -> memref<128x128xf32, #tpu.memory_space<vmem_shared>>
      %dma_start3A_40 = arith.constant 0 : i32
      %dma_start3A_41 = tpu.memref_slice %arg11[%add3A_11, %dma_start3A_40] : memref<10240x128xf32, #tpu.memory_space<vmem_shared>> -> memref<128x128xf32, #tpu.memory_space<vmem_shared>>
      tpu.enqueue_dma source(%arg9 : memref<128x128xf32, #tpu.memory_space<vmem>>) target(%dma_start3A_41 : memref<128x128xf32, #tpu.memory_space<vmem_shared>>) target_semaphore(%run_scoped3A : memref<!tpu.dma_semaphore, #tpu.memory_space<semaphore_mem>>)
      %dma_wait3A = arith.constant 0 : i32
      %dma_wait3A_42 = tpu.memref_slice %arg11[%add3A_11, %dma_wait3A] : memref<10240x128xf32, #tpu.memory_space<vmem_shared>> -> memref<128x128xf32, #tpu.memory_space<vmem_shared>>
      %dma_wait3A_43 = arith.constant 0 : i32
      %dma_wait3A_44 = tpu.memref_slice %arg11[%add3A_11, %dma_wait3A_43] : memref<10240x128xf32, #tpu.memory_space<vmem_shared>> -> memref<128x128xf32, #tpu.memory_space<vmem_shared>>
      tpu.wait_dma2 semaphore(%run_scoped3A : memref<!tpu.dma_semaphore, #tpu.memory_space<semaphore_mem>>) src(%arg9 : memref<128x128xf32, #tpu.memory_space<vmem>>) dst(%dma_wait3A_44 : memref<128x128xf32, #tpu.memory_space<vmem_shared>>)
      tpu.yield
    }) : () -> ()
    %mul3A_12 = arith.constant 640 : i32
    %mul3A_13 = arith.muli %arg1, %mul3A_12 : i32
    %add3A_14 = arith.constant 128 : i32
    %add3A_15 = arith.addi %mul3A_13, %add3A_14 : i32
    "tpu.region"() ({
      %run_scoped3A = tpu.sem_alloc : memref<!tpu.dma_semaphore, #tpu.memory_space<semaphore_mem>>
      %dma_start3A = arith.constant 0 : i32
      %dma_start3A_39 = tpu.memref_slice %arg11[%add3A_15, %dma_start3A] : memref<10240x128xf32, #tpu.memory_space<vmem_shared>> -> memref<128x128xf32, #tpu.memory_space<vmem_shared>>
      %dma_start3A_40 = arith.constant 0 : i32
      %dma_start3A_41 = tpu.memref_slice %arg11[%add3A_15, %dma_start3A_40] : memref<10240x128xf32, #tpu.memory_space<vmem_shared>> -> memref<128x128xf32, #tpu.memory_space<vmem_shared>>
      tpu.enqueue_dma source(%arg9 : memref<128x128xf32, #tpu.memory_space<vmem>>) target(%dma_start3A_41 : memref<128x128xf32, #tpu.memory_space<vmem_shared>>) target_semaphore(%run_scoped3A : memref<!tpu.dma_semaphore, #tpu.memory_space<semaphore_mem>>)
      %dma_wait3A = arith.constant 0 : i32
      %dma_wait3A_42 = tpu.memref_slice %arg11[%add3A_15, %dma_wait3A] : memref<10240x128xf32, #tpu.memory_space<vmem_shared>> -> memref<128x128xf32, #tpu.memory_space<vmem_shared>>
      %dma_wait3A_43 = arith.constant 0 : i32
      %dma_wait3A_44 = tpu.memref_slice %arg11[%add3A_15, %dma_wait3A_43] : memref<10240x128xf32, #tpu.memory_space<vmem_shared>> -> memref<128x128xf32, #tpu.memory_space<vmem_shared>>
      tpu.wait_dma2 semaphore(%run_scoped3A : memref<!tpu.dma_semaphore, #tpu.memory_space<semaphore_mem>>) src(%arg9 : memref<128x128xf32, #tpu.memory_space<vmem>>) dst(%dma_wait3A_44 : memref<128x128xf32, #tpu.memory_space<vmem_shared>>)
      tpu.yield
    }) : () -> ()
    %mul3A_16 = arith.constant 640 : i32
    %mul3A_17 = arith.muli %arg1, %mul3A_16 : i32
    %add3A_18 = arith.constant 256 : i32
    %add3A_19 = arith.addi %mul3A_17, %add3A_18 : i32
    "tpu.region"() ({
      %run_scoped3A = tpu.sem_alloc : memref<!tpu.dma_semaphore, #tpu.memory_space<semaphore_mem>>
      %dma_start3A = arith.constant 0 : i32
      %dma_start3A_39 = tpu.memref_slice %arg11[%add3A_19, %dma_start3A] : memref<10240x128xf32, #tpu.memory_space<vmem_shared>> -> memref<128x128xf32, #tpu.memory_space<vmem_shared>>
      %dma_start3A_40 = arith.constant 0 : i32
      %dma_start3A_41 = tpu.memref_slice %arg11[%add3A_19, %dma_start3A_40] : memref<10240x128xf32, #tpu.memory_space<vmem_shared>> -> memref<128x128xf32, #tpu.memory_space<vmem_shared>>
      tpu.enqueue_dma source(%arg9 : memref<128x128xf32, #tpu.memory_space<vmem>>) target(%dma_start3A_41 : memref<128x128xf32, #tpu.memory_space<vmem_shared>>) target_semaphore(%run_scoped3A : memref<!tpu.dma_semaphore, #tpu.memory_space<semaphore_mem>>)
      %dma_wait3A = arith.constant 0 : i32
      %dma_wait3A_42 = tpu.memref_slice %arg11[%add3A_19, %dma_wait3A] : memref<10240x128xf32, #tpu.memory_space<vmem_shared>> -> memref<128x128xf32, #tpu.memory_space<vmem_shared>>
      %dma_wait3A_43 = arith.constant 0 : i32
      %dma_wait3A_44 = tpu.memref_slice %arg11[%add3A_19, %dma_wait3A_43] : memref<10240x128xf32, #tpu.memory_space<vmem_shared>> -> memref<128x128xf32, #tpu.memory_space<vmem_shared>>
      tpu.wait_dma2 semaphore(%run_scoped3A : memref<!tpu.dma_semaphore, #tpu.memory_space<semaphore_mem>>) src(%arg9 : memref<128x128xf32, #tpu.memory_space<vmem>>) dst(%dma_wait3A_44 : memref<128x128xf32, #tpu.memory_space<vmem_shared>>)
      tpu.yield
    }) : () -> ()
    %mul3A_20 = arith.constant 640 : i32
    %mul3A_21 = arith.muli %arg1, %mul3A_20 : i32
    %add3A_22 = arith.constant 384 : i32
    %add3A_23 = arith.addi %mul3A_21, %add3A_22 : i32
    "tpu.region"() ({
      %run_scoped3A = tpu.sem_alloc : memref<!tpu.dma_semaphore, #tpu.memory_space<semaphore_mem>>
      %dma_start3A = arith.constant 0 : i32
      %dma_start3A_39 = tpu.memref_slice %arg11[%add3A_23, %dma_start3A] : memref<10240x128xf32, #tpu.memory_space<vmem_shared>> -> memref<128x128xf32, #tpu.memory_space<vmem_shared>>
      %dma_start3A_40 = arith.constant 0 : i32
      %dma_start3A_41 = tpu.memref_slice %arg11[%add3A_23, %dma_start3A_40] : memref<10240x128xf32, #tpu.memory_space<vmem_shared>> -> memref<128x128xf32, #tpu.memory_space<vmem_shared>>
      tpu.enqueue_dma source(%arg9 : memref<128x128xf32, #tpu.memory_space<vmem>>) target(%dma_start3A_41 : memref<128x128xf32, #tpu.memory_space<vmem_shared>>) target_semaphore(%run_scoped3A : memref<!tpu.dma_semaphore, #tpu.memory_space<semaphore_mem>>)
      %dma_wait3A = arith.constant 0 : i32
      %dma_wait3A_42 = tpu.memref_slice %arg11[%add3A_23, %dma_wait3A] : memref<10240x128xf32, #tpu.memory_space<vmem_shared>> -> memref<128x128xf32, #tpu.memory_space<vmem_shared>>
      %dma_wait3A_43 = arith.constant 0 : i32
      %dma_wait3A_44 = tpu.memref_slice %arg11[%add3A_23, %dma_wait3A_43] : memref<10240x128xf32, #tpu.memory_space<vmem_shared>> -> memref<128x128xf32, #tpu.memory_space<vmem_shared>>
      tpu.wait_dma2 semaphore(%run_scoped3A : memref<!tpu.dma_semaphore, #tpu.memory_space<semaphore_mem>>) src(%arg9 : memref<128x128xf32, #tpu.memory_space<vmem>>) dst(%dma_wait3A_44 : memref<128x128xf32, #tpu.memory_space<vmem_shared>>)
      tpu.yield
    }) : () -> ()
    %mul3A_24 = arith.constant 640 : i32
    %mul3A_25 = arith.muli %arg1, %mul3A_24 : i32
    %add3A_26 = arith.constant 512 : i32
    %add3A_27 = arith.addi %mul3A_25, %add3A_26 : i32
    "tpu.region"() ({
      %run_scoped3A = tpu.sem_alloc : memref<!tpu.dma_semaphore, #tpu.memory_space<semaphore_mem>>
      %dma_start3A = arith.constant 0 : i32
      %dma_start3A_39 = tpu.memref_slice %arg11[%add3A_27, %dma_start3A] : memref<10240x128xf32, #tpu.memory_space<vmem_shared>> -> memref<128x128xf32, #tpu.memory_space<vmem_shared>>
      %dma_start3A_40 = arith.constant 0 : i32
      %dma_start3A_41 = tpu.memref_slice %arg11[%add3A_27, %dma_start3A_40] : memref<10240x128xf32, #tpu.memory_space<vmem_shared>> -> memref<128x128xf32, #tpu.memory_space<vmem_shared>>
      tpu.enqueue_dma source(%arg9 : memref<128x128xf32, #tpu.memory_space<vmem>>) target(%dma_start3A_41 : memref<128x128xf32, #tpu.memory_space<vmem_shared>>) target_semaphore(%run_scoped3A : memref<!tpu.dma_semaphore, #tpu.memory_space<semaphore_mem>>)
      %dma_wait3A = arith.constant 0 : i32
      %dma_wait3A_42 = tpu.memref_slice %arg11[%add3A_27, %dma_wait3A] : memref<10240x128xf32, #tpu.memory_space<vmem_shared>> -> memref<128x128xf32, #tpu.memory_space<vmem_shared>>
      %dma_wait3A_43 = arith.constant 0 : i32
      %dma_wait3A_44 = tpu.memref_slice %arg11[%add3A_27, %dma_wait3A_43] : memref<10240x128xf32, #tpu.memory_space<vmem_shared>> -> memref<128x128xf32, #tpu.memory_space<vmem_shared>>
      tpu.wait_dma2 semaphore(%run_scoped3A : memref<!tpu.dma_semaphore, #tpu.memory_space<semaphore_mem>>) src(%arg9 : memref<128x128xf32, #tpu.memory_space<vmem>>) dst(%dma_wait3A_44 : memref<128x128xf32, #tpu.memory_space<vmem_shared>>)
      tpu.yield
    }) : () -> ()
    %barrier3A = arith.constant 0 : index
    tpu.barrier barrier_id(%barrier3A)
    %scan3A_28 = arith.constant 0 : i32
    %scan3A_29 = arith.constant 0 : i32
    %scan3A_30 = arith.constant 80 : i32
    %scan3A_31 = arith.addi %scan3A_29, %scan3A_30 : i32
    %scan3A_32 = arith.constant 1 : i32
    scf.for %scan3A_39 = %scan3A_29 to %scan3A_31 step %scan3A_32  : i32 {
      %mul3A_40 = arith.constant 128 : i32
      %mul3A_41 = arith.muli %scan3A_39, %mul3A_40 : i32
      %add3A_42 = arith.addi %mul3A_2, %mul3A_41 : i32
      "tpu.region"() ({
        %run_scoped3A_53 = tpu.sem_alloc : memref<!tpu.dma_semaphore, #tpu.memory_space<semaphore_mem>>
        %dma_start3A_54 = tpu.memref_slice %arg3[%add3A_42] : memref<327680xi32, #tpu.memory_space<hbm>> -> memref<128xi32, #tpu.memory_space<hbm>>
        %dma_start3A_55 = tpu.memref_slice %arg3[%add3A_42] : memref<327680xi32, #tpu.memory_space<hbm>> -> memref<128xi32, #tpu.memory_space<hbm>>
        tpu.enqueue_dma source(%dma_start3A_55 : memref<128xi32, #tpu.memory_space<hbm>>) target(%arg7 : memref<128xi32, #tpu.memory_space<vmem>>) target_semaphore(%run_scoped3A_53 : memref<!tpu.dma_semaphore, #tpu.memory_space<semaphore_mem>>)
        %dma_wait3A_56 = tpu.memref_slice %arg3[%add3A_42] : memref<327680xi32, #tpu.memory_space<hbm>> -> memref<128xi32, #tpu.memory_space<hbm>>
        %dma_wait3A_57 = tpu.memref_slice %arg3[%add3A_42] : memref<327680xi32, #tpu.memory_space<hbm>> -> memref<128xi32, #tpu.memory_space<hbm>>
        tpu.wait_dma2 semaphore(%run_scoped3A_53 : memref<!tpu.dma_semaphore, #tpu.memory_space<semaphore_mem>>) src(%dma_wait3A_57 : memref<128xi32, #tpu.memory_space<hbm>>) dst(%arg7 : memref<128xi32, #tpu.memory_space<vmem>>)
        tpu.yield
      }) : () -> ()
      "tpu.region"() ({
        %run_scoped3A_53 = tpu.sem_alloc : memref<!tpu.dma_semaphore, #tpu.memory_space<semaphore_mem>>
        %dma_start3A_54 = tpu.memref_slice %arg4[%add3A_42] : memref<327680xi32, #tpu.memory_space<hbm>> -> memref<128xi32, #tpu.memory_space<hbm>>
        %dma_start3A_55 = tpu.memref_slice %arg4[%add3A_42] : memref<327680xi32, #tpu.memory_space<hbm>> -> memref<128xi32, #tpu.memory_space<hbm>>
        tpu.enqueue_dma source(%dma_start3A_55 : memref<128xi32, #tpu.memory_space<hbm>>) target(%arg8 : memref<128xi32, #tpu.memory_space<vmem>>) target_semaphore(%run_scoped3A_53 : memref<!tpu.dma_semaphore, #tpu.memory_space<semaphore_mem>>)
        %dma_wait3A_56 = tpu.memref_slice %arg4[%add3A_42] : memref<327680xi32, #tpu.memory_space<hbm>> -> memref<128xi32, #tpu.memory_space<hbm>>
        %dma_wait3A_57 = tpu.memref_slice %arg4[%add3A_42] : memref<327680xi32, #tpu.memory_space<hbm>> -> memref<128xi32, #tpu.memory_space<hbm>>
        tpu.wait_dma2 semaphore(%run_scoped3A_53 : memref<!tpu.dma_semaphore, #tpu.memory_space<semaphore_mem>>) src(%dma_wait3A_57 : memref<128xi32, #tpu.memory_space<hbm>>) dst(%arg8 : memref<128xi32, #tpu.memory_space<vmem>>)
        tpu.yield
      }) : () -> ()
      %run_scoped3A = arith.constant 2 : i32
      "tpu.region"() ({
        %run_scoped3A_53 = tpu.sem_alloc : memref<!tpu.dma_semaphore, #tpu.memory_space<semaphore_mem>>
        %dma_start3A_54 = arith.constant 0 : i32
        %dma_start3A_55 = tpu.memref_slice %arg2[%run_scoped3A, %add3A_42, %dma_start3A_54] : memref<4x327680x128xf32, #tpu.memory_space<hbm>> -> memref<1x128x128xf32, #tpu.memory_space<hbm>>
        %dma_start3A_56 = tpu.memref_squeeze %dma_start3A_55 : memref<1x128x128xf32, #tpu.memory_space<hbm>> -> memref<128x128xf32, #tpu.memory_space<hbm>>
        %dma_start3A_57 = arith.constant 0 : i32
        %dma_start3A_58 = tpu.memref_slice %arg2[%run_scoped3A, %add3A_42, %dma_start3A_57] : memref<4x327680x128xf32, #tpu.memory_space<hbm>> -> memref<1x128x128xf32, #tpu.memory_space<hbm>>
        %dma_start3A_59 = tpu.memref_squeeze %dma_start3A_58 : memref<1x128x128xf32, #tpu.memory_space<hbm>> -> memref<128x128xf32, #tpu.memory_space<hbm>>
        tpu.enqueue_dma source(%dma_start3A_59 : memref<128x128xf32, #tpu.memory_space<hbm>>) target(%arg10 : memref<128x128xf32, #tpu.memory_space<vmem>>) target_semaphore(%run_scoped3A_53 : memref<!tpu.dma_semaphore, #tpu.memory_space<semaphore_mem>>)
        %dma_wait3A_60 = arith.constant 0 : i32
        %dma_wait3A_61 = tpu.memref_slice %arg2[%run_scoped3A, %add3A_42, %dma_wait3A_60] : memref<4x327680x128xf32, #tpu.memory_space<hbm>> -> memref<1x128x128xf32, #tpu.memory_space<hbm>>
        %dma_wait3A_62 = tpu.memref_squeeze %dma_wait3A_61 : memref<1x128x128xf32, #tpu.memory_space<hbm>> -> memref<128x128xf32, #tpu.memory_space<hbm>>
        %dma_wait3A_63 = arith.constant 0 : i32
        %dma_wait3A_64 = tpu.memref_slice %arg2[%run_scoped3A, %add3A_42, %dma_wait3A_63] : memref<4x327680x128xf32, #tpu.memory_space<hbm>> -> memref<1x128x128xf32, #tpu.memory_space<hbm>>
        %dma_wait3A_65 = tpu.memref_squeeze %dma_wait3A_64 : memref<1x128x128xf32, #tpu.memory_space<hbm>> -> memref<128x128xf32, #tpu.memory_space<hbm>>
        tpu.wait_dma2 semaphore(%run_scoped3A_53 : memref<!tpu.dma_semaphore, #tpu.memory_space<semaphore_mem>>) src(%dma_wait3A_65 : memref<128x128xf32, #tpu.memory_space<hbm>>) dst(%arg10 : memref<128x128xf32, #tpu.memory_space<vmem>>)
        tpu.yield
      }) : () -> ()
      %dma_start3A = arith.constant 0 : i32
      %dma_start3A_43 = arith.constant 0 : i32
      %dma_start3A_44 = tpu.memref_slice %arg5[%dma_start3A, %dma_start3A_43] : memref<10000x128xf32, #tpu.memory_space<hbm>> -> memref<10000x128xf32, #tpu.memory_space<hbm>>
      tpu.enqueue_indirect_dma source(%dma_start3A_44 : memref<10000x128xf32, #tpu.memory_space<hbm>>) target(%arg9 : memref<128x128xf32, #tpu.memory_space<vmem>>) offsets(%arg7 : memref<128xi32, #tpu.memory_space<vmem>>) semaphore(%arg12 : memref<!tpu.dma_semaphore, #tpu.memory_space<semaphore_mem>>)
      %dma_wait3A = arith.constant 0 : i32
      %dma_wait3A_45 = arith.constant 0 : i32
      %dma_wait3A_46 = tpu.memref_slice %arg5[%dma_wait3A, %dma_wait3A_45] : memref<10000x128xf32, #tpu.memory_space<hbm>> -> memref<10000x128xf32, #tpu.memory_space<hbm>>
      tpu.wait_indirect_dma semaphore(%arg12 : memref<!tpu.dma_semaphore, #tpu.memory_space<semaphore_mem>>) src(%dma_wait3A_46 : memref<10000x128xf32, #tpu.memory_space<hbm>>) dst(%arg9 : memref<128x128xf32, #tpu.memory_space<vmem>>)
      %scan3A_47 = arith.constant 0 : i32
      %scan3A_48 = arith.constant 0 : i32
      %scan3A_49 = arith.constant 128 : i32
      %scan3A_50 = arith.addi %scan3A_48, %scan3A_49 : i32
      %scan3A_51 = arith.constant 1 : i32
      scf.for %scan3A_53 = %scan3A_48 to %scan3A_50 step %scan3A_51  : i32 {
        %get3A = arith.index_cast %scan3A_53 : i32 to index
        %get3A_54 = arith.constant 0 : index
        %get3A_55 = tpu.vector_load %arg9[%get3A, %get3A_54] {strides = array<i32>} : memref<128x128xf32, #tpu.memory_space<vmem>>, vector<1x16xf32>,
        %get3A_56 = vector.shape_cast %get3A_55 : vector<1x16xf32> to vector<16xf32>
        %get3A_57 = arith.index_cast %scan3A_53 : i32 to index
        %get3A_58 = arith.constant 0 : index
        %get3A_59 = tpu.vector_load %arg10[%get3A_57, %get3A_58] {strides = array<i32>} : memref<128x128xf32, #tpu.memory_space<vmem>>, vector<1x16xf32>,
        %get3A_60 = vector.shape_cast %get3A_59 : vector<1x16xf32> to vector<16xf32>
        %add3A_61 = arith.addf %get3A_56, %get3A_60 : vector<16xf32>
        %max3A = arith.constant 0.000000e+00 : f32
        %max3A_62 = vector.broadcast %max3A : f32 to vector<16xf32>
        %max3A_63 = arith.maximumf %add3A_61, %max3A_62 : vector<16xf32>
        %swap3A = arith.index_cast %scan3A_53 : i32 to index
        %swap3A_64 = arith.constant 0 : index
        %swap3A_65 = tpu.vector_load %arg9[%swap3A, %swap3A_64] {strides = array<i32>} : memref<128x128xf32, #tpu.memory_space<vmem>>, vector<1x16xf32>,
        %swap3A_66 = vector.shape_cast %swap3A_65 : vector<1x16xf32> to vector<16xf32>
        %swap3A_67 = vector.shape_cast %max3A_63 : vector<16xf32> to vector<1x16xf32>
        tpu.vector_store %arg9[%swap3A, %swap3A_64], %swap3A_67 {strides = array<i32>} : memref<128x128xf32, #tpu.memory_space<vmem>>, vector<1x16xf32>,
        %get3A_68 = arith.index_cast %scan3A_53 : i32 to index
        %get3A_69 = arith.constant 16 : index
        %get3A_70 = tpu.vector_load %arg9[%get3A_68, %get3A_69] {strides = array<i32>} : memref<128x128xf32, #tpu.memory_space<vmem>>, vector<1x16xf32>,
        %get3A_71 = vector.shape_cast %get3A_70 : vector<1x16xf32> to vector<16xf32>
        %get3A_72 = arith.index_cast %scan3A_53 : i32 to index
        %get3A_73 = arith.constant 16 : index
        %get3A_74 = tpu.vector_load %arg10[%get3A_72, %get3A_73] {strides = array<i32>} : memref<128x128xf32, #tpu.memory_space<vmem>>, vector<1x16xf32>,
        %get3A_75 = vector.shape_cast %get3A_74 : vector<1x16xf32> to vector<16xf32>
        %add3A_76 = arith.addf %get3A_71, %get3A_75 : vector<16xf32>
        %max3A_77 = arith.constant 0.000000e+00 : f32
        %max3A_78 = vector.broadcast %max3A_77 : f32 to vector<16xf32>
        %max3A_79 = arith.maximumf %add3A_76, %max3A_78 : vector<16xf32>
        %swap3A_80 = arith.index_cast %scan3A_53 : i32 to index
        %swap3A_81 = arith.constant 16 : index
        %swap3A_82 = tpu.vector_load %arg9[%swap3A_80, %swap3A_81] {strides = array<i32>} : memref<128x128xf32, #tpu.memory_space<vmem>>, vector<1x16xf32>,
        %swap3A_83 = vector.shape_cast %swap3A_82 : vector<1x16xf32> to vector<16xf32>
        %swap3A_84 = vector.shape_cast %max3A_79 : vector<16xf32> to vector<1x16xf32>
        tpu.vector_store %arg9[%swap3A_80, %swap3A_81], %swap3A_84 {strides = array<i32>} : memref<128x128xf32, #tpu.memory_space<vmem>>, vector<1x16xf32>,
        %get3A_85 = arith.index_cast %scan3A_53 : i32 to index
        %get3A_86 = arith.constant 32 : index
        %get3A_87 = tpu.vector_load %arg9[%get3A_85, %get3A_86] {strides = array<i32>} : memref<128x128xf32, #tpu.memory_space<vmem>>, vector<1x16xf32>,
        %get3A_88 = vector.shape_cast %get3A_87 : vector<1x16xf32> to vector<16xf32>
        %get3A_89 = arith.index_cast %scan3A_53 : i32 to index
        %get3A_90 = arith.constant 32 : index
        %get3A_91 = tpu.vector_load %arg10[%get3A_89, %get3A_90] {strides = array<i32>} : memref<128x128xf32, #tpu.memory_space<vmem>>, vector<1x16xf32>,
        %get3A_92 = vector.shape_cast %get3A_91 : vector<1x16xf32> to vector<16xf32>
        %add3A_93 = arith.addf %get3A_88, %get3A_92 : vector<16xf32>
        %max3A_94 = arith.constant 0.000000e+00 : f32
        %max3A_95 = vector.broadcast %max3A_94 : f32 to vector<16xf32>
        %max3A_96 = arith.maximumf %add3A_93, %max3A_95 : vector<16xf32>
        %swap3A_97 = arith.index_cast %scan3A_53 : i32 to index
        %swap3A_98 = arith.constant 32 : index
        %swap3A_99 = tpu.vector_load %arg9[%swap3A_97, %swap3A_98] {strides = array<i32>} : memref<128x128xf32, #tpu.memory_space<vmem>>, vector<1x16xf32>,
        %swap3A_100 = vector.shape_cast %swap3A_99 : vector<1x16xf32> to vector<16xf32>
        %swap3A_101 = vector.shape_cast %max3A_96 : vector<16xf32> to vector<1x16xf32>
        tpu.vector_store %arg9[%swap3A_97, %swap3A_98], %swap3A_101 {strides = array<i32>} : memref<128x128xf32, #tpu.memory_space<vmem>>, vector<1x16xf32>,
        %get3A_102 = arith.index_cast %scan3A_53 : i32 to index
        %get3A_103 = arith.constant 48 : index
        %get3A_104 = tpu.vector_load %arg9[%get3A_102, %get3A_103] {strides = array<i32>} : memref<128x128xf32, #tpu.memory_space<vmem>>, vector<1x16xf32>,
        %get3A_105 = vector.shape_cast %get3A_104 : vector<1x16xf32> to vector<16xf32>
        %get3A_106 = arith.index_cast %scan3A_53 : i32 to index
        %get3A_107 = arith.constant 48 : index
        %get3A_108 = tpu.vector_load %arg10[%get3A_106, %get3A_107] {strides = array<i32>} : memref<128x128xf32, #tpu.memory_space<vmem>>, vector<1x16xf32>,
        %get3A_109 = vector.shape_cast %get3A_108 : vector<1x16xf32> to vector<16xf32>
        %add3A_110 = arith.addf %get3A_105, %get3A_109 : vector<16xf32>
        %max3A_111 = arith.constant 0.000000e+00 : f32
        %max3A_112 = vector.broadcast %max3A_111 : f32 to vector<16xf32>
        %max3A_113 = arith.maximumf %add3A_110, %max3A_112 : vector<16xf32>
        %swap3A_114 = arith.index_cast %scan3A_53 : i32 to index
        %swap3A_115 = arith.constant 48 : index
        %swap3A_116 = tpu.vector_load %arg9[%swap3A_114, %swap3A_115] {strides = array<i32>} : memref<128x128xf32, #tpu.memory_space<vmem>>, vector<1x16xf32>,
        %swap3A_117 = vector.shape_cast %swap3A_116 : vector<1x16xf32> to vector<16xf32>
        %swap3A_118 = vector.shape_cast %max3A_113 : vector<16xf32> to vector<1x16xf32>
        tpu.vector_store %arg9[%swap3A_114, %swap3A_115], %swap3A_118 {strides = array<i32>} : memref<128x128xf32, #tpu.memory_space<vmem>>, vector<1x16xf32>,
        %get3A_119 = arith.index_cast %scan3A_53 : i32 to index
        %get3A_120 = arith.constant 64 : index
        %get3A_121 = tpu.vector_load %arg9[%get3A_119, %get3A_120] {strides = array<i32>} : memref<128x128xf32, #tpu.memory_space<vmem>>, vector<1x16xf32>,
        %get3A_122 = vector.shape_cast %get3A_121 : vector<1x16xf32> to vector<16xf32>
        %get3A_123 = arith.index_cast %scan3A_53 : i32 to index
        %get3A_124 = arith.constant 64 : index
        %get3A_125 = tpu.vector_load %arg10[%get3A_123, %get3A_124] {strides = array<i32>} : memref<128x128xf32, #tpu.memory_space<vmem>>, vector<1x16xf32>,
        %get3A_126 = vector.shape_cast %get3A_125 : vector<1x16xf32> to vector<16xf32>
        %add3A_127 = arith.addf %get3A_122, %get3A_126 : vector<16xf32>
        %max3A_128 = arith.constant 0.000000e+00 : f32
        %max3A_129 = vector.broadcast %max3A_128 : f32 to vector<16xf32>
        %max3A_130 = arith.maximumf %add3A_127, %max3A_129 : vector<16xf32>
        %swap3A_131 = arith.index_cast %scan3A_53 : i32 to index
        %swap3A_132 = arith.constant 64 : index
        %swap3A_133 = tpu.vector_load %arg9[%swap3A_131, %swap3A_132] {strides = array<i32>} : memref<128x128xf32, #tpu.memory_space<vmem>>, vector<1x16xf32>,
        %swap3A_134 = vector.shape_cast %swap3A_133 : vector<1x16xf32> to vector<16xf32>
        %swap3A_135 = vector.shape_cast %max3A_130 : vector<16xf32> to vector<1x16xf32>
        tpu.vector_store %arg9[%swap3A_131, %swap3A_132], %swap3A_135 {strides = array<i32>} : memref<128x128xf32, #tpu.memory_space<vmem>>, vector<1x16xf32>,
        %get3A_136 = arith.index_cast %scan3A_53 : i32 to index
        %get3A_137 = arith.constant 80 : index
        %get3A_138 = tpu.vector_load %arg9[%get3A_136, %get3A_137] {strides = array<i32>} : memref<128x128xf32, #tpu.memory_space<vmem>>, vector<1x16xf32>,
        %get3A_139 = vector.shape_cast %get3A_138 : vector<1x16xf32> to vector<16xf32>
        %get3A_140 = arith.index_cast %scan3A_53 : i32 to index
        %get3A_141 = arith.constant 80 : index
        %get3A_142 = tpu.vector_load %arg10[%get3A_140, %get3A_141] {strides = array<i32>} : memref<128x128xf32, #tpu.memory_space<vmem>>, vector<1x16xf32>,
        %get3A_143 = vector.shape_cast %get3A_142 : vector<1x16xf32> to vector<16xf32>
        %add3A_144 = arith.addf %get3A_139, %get3A_143 : vector<16xf32>
        %max3A_145 = arith.constant 0.000000e+00 : f32
        %max3A_146 = vector.broadcast %max3A_145 : f32 to vector<16xf32>
        %max3A_147 = arith.maximumf %add3A_144, %max3A_146 : vector<16xf32>
        %swap3A_148 = arith.index_cast %scan3A_53 : i32 to index
        %swap3A_149 = arith.constant 80 : index
        %swap3A_150 = tpu.vector_load %arg9[%swap3A_148, %swap3A_149] {strides = array<i32>} : memref<128x128xf32, #tpu.memory_space<vmem>>, vector<1x16xf32>,
        %swap3A_151 = vector.shape_cast %swap3A_150 : vector<1x16xf32> to vector<16xf32>
        %swap3A_152 = vector.shape_cast %max3A_147 : vector<16xf32> to vector<1x16xf32>
        tpu.vector_store %arg9[%swap3A_148, %swap3A_149], %swap3A_152 {strides = array<i32>} : memref<128x128xf32, #tpu.memory_space<vmem>>, vector<1x16xf32>,
        %get3A_153 = arith.index_cast %scan3A_53 : i32 to index
        %get3A_154 = arith.constant 96 : index
        %get3A_155 = tpu.vector_load %arg9[%get3A_153, %get3A_154] {strides = array<i32>} : memref<128x128xf32, #tpu.memory_space<vmem>>, vector<1x16xf32>,
        %get3A_156 = vector.shape_cast %get3A_155 : vector<1x16xf32> to vector<16xf32>
        %get3A_157 = arith.index_cast %scan3A_53 : i32 to index
        %get3A_158 = arith.constant 96 : index
        %get3A_159 = tpu.vector_load %arg10[%get3A_157, %get3A_158] {strides = array<i32>} : memref<128x128xf32, #tpu.memory_space<vmem>>, vector<1x16xf32>,
        %get3A_160 = vector.shape_cast %get3A_159 : vector<1x16xf32> to vector<16xf32>
        %add3A_161 = arith.addf %get3A_156, %get3A_160 : vector<16xf32>
        %max3A_162 = arith.constant 0.000000e+00 : f32
        %max3A_163 = vector.broadcast %max3A_162 : f32 to vector<16xf32>
        %max3A_164 = arith.maximumf %add3A_161, %max3A_163 : vector<16xf32>
        %swap3A_165 = arith.index_cast %scan3A_53 : i32 to index
        %swap3A_166 = arith.constant 96 : index
        %swap3A_167 = tpu.vector_load %arg9[%swap3A_165, %swap3A_166] {strides = array<i32>} : memref<128x128xf32, #tpu.memory_space<vmem>>, vector<1x16xf32>,
        %swap3A_168 = vector.shape_cast %swap3A_167 : vector<1x16xf32> to vector<16xf32>
        %swap3A_169 = vector.shape_cast %max3A_164 : vector<16xf32> to vector<1x16xf32>
        tpu.vector_store %arg9[%swap3A_165, %swap3A_166], %swap3A_169 {strides = array<i32>} : memref<128x128xf32, #tpu.memory_space<vmem>>, vector<1x16xf32>,
        %get3A_170 = arith.index_cast %scan3A_53 : i32 to index
        %get3A_171 = arith.constant 112 : index
        %get3A_172 = tpu.vector_load %arg9[%get3A_170, %get3A_171] {strides = array<i32>} : memref<128x128xf32, #tpu.memory_space<vmem>>, vector<1x16xf32>,
        %get3A_173 = vector.shape_cast %get3A_172 : vector<1x16xf32> to vector<16xf32>
        %get3A_174 = arith.index_cast %scan3A_53 : i32 to index
        %get3A_175 = arith.constant 112 : index
        %get3A_176 = tpu.vector_load %arg10[%get3A_174, %get3A_175] {strides = array<i32>} : memref<128x128xf32, #tpu.memory_space<vmem>>, vector<1x16xf32>,
        %get3A_177 = vector.shape_cast %get3A_176 : vector<1x16xf32> to vector<16xf32>
        %add3A_178 = arith.addf %get3A_173, %get3A_177 : vector<16xf32>
        %max3A_179 = arith.constant 0.000000e+00 : f32
        %max3A_180 = vector.broadcast %max3A_179 : f32 to vector<16xf32>
        %max3A_181 = arith.maximumf %add3A_178, %max3A_180 : vector<16xf32>
        %swap3A_182 = arith.index_cast %scan3A_53 : i32 to index
        %swap3A_183 = arith.constant 112 : index
        %swap3A_184 = tpu.vector_load %arg9[%swap3A_182, %swap3A_183] {strides = array<i32>} : memref<128x128xf32, #tpu.memory_space<vmem>>, vector<1x16xf32>,
        %swap3A_185 = vector.shape_cast %swap3A_184 : vector<1x16xf32> to vector<16xf32>
        %swap3A_186 = vector.shape_cast %max3A_181 : vector<16xf32> to vector<1x16xf32>
        tpu.vector_store %arg9[%swap3A_182, %swap3A_183], %swap3A_186 {strides = array<i32>} : memref<128x128xf32, #tpu.memory_space<vmem>>, vector<1x16xf32>,
      }
      %scan3A_52 = arith.constant 128 : i32
      "tpu.region"() ({
        %run_scoped3A_53 = tpu.sem_alloc : memref<!tpu.dma_semaphore, #tpu.memory_space<semaphore_mem>>
        %dma_start3A_54 = arith.constant 0 : i32
        %dma_start3A_55 = arith.constant 0 : i32
        %dma_start3A_56 = tpu.memref_slice %arg11[%dma_start3A_54, %dma_start3A_55] : memref<10240x128xf32, #tpu.memory_space<vmem_shared>> -> memref<10240x128xf32, #tpu.memory_space<vmem_shared>>
        tpu.enqueue_indirect_dma source(%arg9 : memref<128x128xf32, #tpu.memory_space<vmem>>) target(%dma_start3A_56 : memref<10240x128xf32, #tpu.memory_space<vmem_shared>>) offsets(%arg8 : memref<128xi32, #tpu.memory_space<vmem>>) semaphore(%run_scoped3A_53 : memref<!tpu.dma_semaphore, #tpu.memory_space<semaphore_mem>>) {add = true}
        %dma_wait3A_57 = arith.constant 0 : i32
        %dma_wait3A_58 = arith.constant 0 : i32
        %dma_wait3A_59 = tpu.memref_slice %arg11[%dma_wait3A_57, %dma_wait3A_58] : memref<10240x128xf32, #tpu.memory_space<vmem_shared>> -> memref<10240x128xf32, #tpu.memory_space<vmem_shared>>
        tpu.wait_indirect_dma semaphore(%run_scoped3A_53 : memref<!tpu.dma_semaphore, #tpu.memory_space<semaphore_mem>>) src(%arg9 : memref<128x128xf32, #tpu.memory_space<vmem>>) dst(%dma_wait3A_59 : memref<10240x128xf32, #tpu.memory_space<vmem_shared>>)
        tpu.yield
      }) : () -> ()
    }
    %scan3A_33 = arith.constant 80 : i32
    %barrier3A_34 = arith.constant 0 : index
    tpu.barrier barrier_id(%barrier3A_34)
    %mul3A_35 = arith.constant 640 : i32
    %mul3A_36 = arith.muli %arg1, %mul3A_35 : i32
    %mul3A_37 = arith.constant 640 : i32
    %mul3A_38 = arith.muli %arg1, %mul3A_37 : i32
    "tpu.region"() ({
      %run_scoped3A = tpu.sem_alloc : memref<!tpu.dma_semaphore, #tpu.memory_space<semaphore_mem>>
      %dma_start3A = arith.constant 0 : i32
      %dma_start3A_39 = tpu.memref_slice %arg6[%arg0, %mul3A_38, %dma_start3A] : memref<2x10240x128xf32, #tpu.memory_space<hbm>> -> memref<1x640x128xf32, #tpu.memory_space<hbm>>
      %dma_start3A_40 = tpu.memref_squeeze %dma_start3A_39 : memref<1x640x128xf32, #tpu.memory_space<hbm>> -> memref<640x128xf32, #tpu.memory_space<hbm>>
      %dma_start3A_41 = arith.constant 0 : i32
      %dma_start3A_42 = tpu.memref_slice %arg11[%mul3A_36, %dma_start3A_41] : memref<10240x128xf32, #tpu.memory_space<vmem_shared>> -> memref<640x128xf32, #tpu.memory_space<vmem_shared>>
      tpu.enqueue_dma source(%dma_start3A_42 : memref<640x128xf32, #tpu.memory_space<vmem_shared>>) target(%dma_start3A_40 : memref<640x128xf32, #tpu.memory_space<hbm>>) target_semaphore(%run_scoped3A : memref<!tpu.dma_semaphore, #tpu.memory_space<semaphore_mem>>)
      %dma_wait3A = arith.constant 0 : i32
      %dma_wait3A_43 = tpu.memref_slice %arg6[%arg0, %mul3A_38, %dma_wait3A] : memref<2x10240x128xf32, #tpu.memory_space<hbm>> -> memref<1x640x128xf32, #tpu.memory_space<hbm>>
      %dma_wait3A_44 = tpu.memref_squeeze %dma_wait3A_43 : memref<1x640x128xf32, #tpu.memory_space<hbm>> -> memref<640x128xf32, #tpu.memory_space<hbm>>
      %dma_wait3A_45 = arith.constant 0 : i32
      %dma_wait3A_46 = tpu.memref_slice %arg11[%mul3A_36, %dma_wait3A_45] : memref<10240x128xf32, #tpu.memory_space<vmem_shared>> -> memref<640x128xf32, #tpu.memory_space<vmem_shared>>
      tpu.wait_dma2 semaphore(%run_scoped3A : memref<!tpu.dma_semaphore, #tpu.memory_space<semaphore_mem>>) src(%dma_wait3A_46 : memref<640x128xf32, #tpu.memory_space<vmem_shared>>) dst(%dma_wait3A_44 : memref<640x128xf32, #tpu.memory_space<hbm>>)
      tpu.yield
    }) : () -> ()
    return
  }
}

#map = affine_map<(d0, d1) -> (0, 0, 0)>
#map1 = affine_map<(d0, d1) -> (0)>
#map2 = affine_map<(d0, d1) -> (0, 0)>
module attributes {stable_mosaic.version = 14 : i64} {
  func.func @f(%arg0: i32, %arg1: i32, %arg2: memref<4x327680x128xf32, #tpu.memory_space<hbm>>, %arg3: memref<327680xi32, #tpu.memory_space<hbm>>, %arg4: memref<327680xi32, #tpu.memory_space<hbm>>, %arg5: memref<10000x128xf32, #tpu.memory_space<hbm>>, %arg6: memref<2x10240x128xf32, #tpu.memory_space<hbm>>, %arg7: memref<128xi32, #tpu.memory_space<vmem>>, %arg8: memref<128xi32, #tpu.memory_space<vmem>>, %arg9: memref<128x128xf32, #tpu.memory_space<vmem>>, %arg10: memref<128x128xf32, #tpu.memory_space<vmem>>, %arg11: memref<10240x128xf32, #tpu.memory_space<vmem_shared>>, %arg12: memref<!tpu.dma_semaphore, #tpu.memory_space<semaphore_mem>>) attributes {dimension_semantics = [#tpu.dimension_semantics<core_parallel>, #tpu.dimension_semantics<subcore_parallel>], iteration_bounds = array<i64: 2, 16>, scalar_prefetch = 0 : i64, scratch_operands = 6 : i64, tpu.core_type = #tpu.core_type<sc_vector_subcore>, window_params = [{transform_indices = #map}, {transform_indices = #map1}, {transform_indices = #map1}, {transform_indices = #map2}, {transform_indices = #map}]} {
    %mul3A = arith.constant 2 : i32
    %mul3A_0 = arith.muli %arg1, %mul3A : i32
    %add3A = arith.addi %mul3A_0, %arg0 : i32
    %mul3A_1 = arith.constant 10240 : i32
    %mul3A_2 = arith.muli %add3A, %mul3A_1 : i32
    %scan3A = arith.constant 0 : i32
    %scan3A_3 = arith.constant 0 : i32
    %scan3A_4 = arith.constant 128 : i32
    %scan3A_5 = arith.addi %scan3A_3, %scan3A_4 : i32
    %scan3A_6 = arith.constant 1 : i32
    scf.for %scan3A_39 = %scan3A_3 to %scan3A_5 step %scan3A_6  : i32 {
      %broadcast_in_dim3A = arith.constant 0.000000e+00 : f32
      %broadcast_in_dim3A_40 = vector.broadcast %broadcast_in_dim3A : f32 to vector<16xf32>
      %swap3A = arith.index_cast %scan3A_39 : i32 to index
      %swap3A_41 = arith.constant 0 : index
      %swap3A_42 = tpu.vector_load %arg9[%swap3A, %swap3A_41] {strides = array<i32>} : memref<128x128xf32, #tpu.memory_space<vmem>>, vector<1x16xf32>,
      %swap3A_43 = vector.shape_cast %swap3A_42 : vector<1x16xf32> to vector<16xf32>
      %swap3A_44 = vector.shape_cast %broadcast_in_dim3A_40 : vector<16xf32> to vector<1x16xf32>
      tpu.vector_store %arg9[%swap3A, %swap3A_41], %swap3A_44 {strides = array<i32>} : memref<128x128xf32, #tpu.memory_space<vmem>>, vector<1x16xf32>,
      %broadcast_in_dim3A_45 = arith.constant 0.000000e+00 : f32
      %broadcast_in_dim3A_46 = vector.broadcast %broadcast_in_dim3A_45 : f32 to vector<16xf32>
      %swap3A_47 = arith.index_cast %scan3A_39 : i32 to index
      %swap3A_48 = arith.constant 16 : index
      %swap3A_49 = tpu.vector_load %arg9[%swap3A_47, %swap3A_48] {strides = array<i32>} : memref<128x128xf32, #tpu.memory_space<vmem>>, vector<1x16xf32>,
      %swap3A_50 = vector.shape_cast %swap3A_49 : vector<1x16xf32> to vector<16xf32>
      %swap3A_51 = vector.shape_cast %broadcast_in_dim3A_46 : vector<16xf32> to vector<1x16xf32>
      tpu.vector_store %arg9[%swap3A_47, %swap3A_48], %swap3A_51 {strides = array<i32>} : memref<128x128xf32, #tpu.memory_space<vmem>>, vector<1x16xf32>,
      %broadcast_in_dim3A_52 = arith.constant 0.000000e+00 : f32
      %broadcast_in_dim3A_53 = vector.broadcast %broadcast_in_dim3A_52 : f32 to vector<16xf32>
      %swap3A_54 = arith.index_cast %scan3A_39 : i32 to index
      %swap3A_55 = arith.constant 32 : index
      %swap3A_56 = tpu.vector_load %arg9[%swap3A_54, %swap3A_55] {strides = array<i32>} : memref<128x128xf32, #tpu.memory_space<vmem>>, vector<1x16xf32>,
      %swap3A_57 = vector.shape_cast %swap3A_56 : vector<1x16xf32> to vector<16xf32>
      %swap3A_58 = vector.shape_cast %broadcast_in_dim3A_53 : vector<16xf32> to vector<1x16xf32>
      tpu.vector_store %arg9[%swap3A_54, %swap3A_55], %swap3A_58 {strides = array<i32>} : memref<128x128xf32, #tpu.memory_space<vmem>>, vector<1x16xf32>,
      %broadcast_in_dim3A_59 = arith.constant 0.000000e+00 : f32
      %broadcast_in_dim3A_60 = vector.broadcast %broadcast_in_dim3A_59 : f32 to vector<16xf32>
      %swap3A_61 = arith.index_cast %scan3A_39 : i32 to index
      %swap3A_62 = arith.constant 48 : index
      %swap3A_63 = tpu.vector_load %arg9[%swap3A_61, %swap3A_62] {strides = array<i32>} : memref<128x128xf32, #tpu.memory_space<vmem>>, vector<1x16xf32>,
      %swap3A_64 = vector.shape_cast %swap3A_63 : vector<1x16xf32> to vector<16xf32>
      %swap3A_65 = vector.shape_cast %broadcast_in_dim3A_60 : vector<16xf32> to vector<1x16xf32>
      tpu.vector_store %arg9[%swap3A_61, %swap3A_62], %swap3A_65 {strides = array<i32>} : memref<128x128xf32, #tpu.memory_space<vmem>>, vector<1x16xf32>,
      %broadcast_in_dim3A_66 = arith.constant 0.000000e+00 : f32
      %broadcast_in_dim3A_67 = vector.broadcast %broadcast_in_dim3A_66 : f32 to vector<16xf32>
      %swap3A_68 = arith.index_cast %scan3A_39 : i32 to index
      %swap3A_69 = arith.constant 64 : index
      %swap3A_70 = tpu.vector_load %arg9[%swap3A_68, %swap3A_69] {strides = array<i32>} : memref<128x128xf32, #tpu.memory_space<vmem>>, vector<1x16xf32>,
      %swap3A_71 = vector.shape_cast %swap3A_70 : vector<1x16xf32> to vector<16xf32>
      %swap3A_72 = vector.shape_cast %broadcast_in_dim3A_67 : vector<16xf32> to vector<1x16xf32>
      tpu.vector_store %arg9[%swap3A_68, %swap3A_69], %swap3A_72 {strides = array<i32>} : memref<128x128xf32, #tpu.memory_space<vmem>>, vector<1x16xf32>,
      %broadcast_in_dim3A_73 = arith.constant 0.000000e+00 : f32
      %broadcast_in_dim3A_74 = vector.broadcast %broadcast_in_dim3A_73 : f32 to vector<16xf32>
      %swap3A_75 = arith.index_cast %scan3A_39 : i32 to index
      %swap3A_76 = arith.constant 80 : index
      %swap3A_77 = tpu.vector_load %arg9[%swap3A_75, %swap3A_76] {strides = array<i32>} : memref<128x128xf32, #tpu.memory_space<vmem>>, vector<1x16xf32>,
      %swap3A_78 = vector.shape_cast %swap3A_77 : vector<1x16xf32> to vector<16xf32>
      %swap3A_79 = vector.shape_cast %broadcast_in_dim3A_74 : vector<16xf32> to vector<1x16xf32>
      tpu.vector_store %arg9[%swap3A_75, %swap3A_76], %swap3A_79 {strides = array<i32>} : memref<128x128xf32, #tpu.memory_space<vmem>>, vector<1x16xf32>,
      %broadcast_in_dim3A_80 = arith.constant 0.000000e+00 : f32
      %broadcast_in_dim3A_81 = vector.broadcast %broadcast_in_dim3A_80 : f32 to vector<16xf32>
      %swap3A_82 = arith.index_cast %scan3A_39 : i32 to index
      %swap3A_83 = arith.constant 96 : index
      %swap3A_84 = tpu.vector_load %arg9[%swap3A_82, %swap3A_83] {strides = array<i32>} : memref<128x128xf32, #tpu.memory_space<vmem>>, vector<1x16xf32>,
      %swap3A_85 = vector.shape_cast %swap3A_84 : vector<1x16xf32> to vector<16xf32>
      %swap3A_86 = vector.shape_cast %broadcast_in_dim3A_81 : vector<16xf32> to vector<1x16xf32>
      tpu.vector_store %arg9[%swap3A_82, %swap3A_83], %swap3A_86 {strides = array<i32>} : memref<128x128xf32, #tpu.memory_space<vmem>>, vector<1x16xf32>,
      %broadcast_in_dim3A_87 = arith.constant 0.000000e+00 : f32
      %broadcast_in_dim3A_88 = vector.broadcast %broadcast_in_dim3A_87 : f32 to vector<16xf32>
      %swap3A_89 = arith.index_cast %scan3A_39 : i32 to index
      %swap3A_90 = arith.constant 112 : index
      %swap3A_91 = tpu.vector_load %arg9[%swap3A_89, %swap3A_90] {strides = array<i32>} : memref<128x128xf32, #tpu.memory_space<vmem>>, vector<1x16xf32>,
      %swap3A_92 = vector.shape_cast %swap3A_91 : vector<1x16xf32> to vector<16xf32>
      %swap3A_93 = vector.shape_cast %broadcast_in_dim3A_88 : vector<16xf32> to vector<1x16xf32>
      tpu.vector_store %arg9[%swap3A_89, %swap3A_90], %swap3A_93 {strides = array<i32>} : memref<128x128xf32, #tpu.memory_space<vmem>>, vector<1x16xf32>,
    }
    %scan3A_7 = arith.constant 128 : i32
    %mul3A_8 = arith.constant 640 : i32
    %mul3A_9 = arith.muli %arg1, %mul3A_8 : i32
    %add3A_10 = arith.constant 0 : i32
    %add3A_11 = arith.addi %mul3A_9, %add3A_10 : i32
    "tpu.region"() ({
      %run_scoped3A = tpu.sem_alloc : memref<!tpu.dma_semaphore, #tpu.memory_space<semaphore_mem>>
      %dma_start3A = arith.constant 0 : i32
      %dma_start3A_39 = tpu.memref_slice %arg11[%add3A_11, %dma_start3A] : memref<10240x128xf32, #tpu.memory_space<vmem_shared>> -> memref<128x128xf32, #tpu.memory_space<vmem_shared>>
      %dma_start3A_40 = arith.constant 0 : i32
      %dma_start3A_41 = tpu.memref_slice %arg11[%add3A_11, %dma_start3A_40] : memref<10240x128xf32, #tpu.memory_space<vmem_shared>> -> memref<128x128xf32, #tpu.memory_space<vmem_shared>>
      tpu.enqueue_dma source(%arg9 : memref<128x128xf32, #tpu.memory_space<vmem>>) target(%dma_start3A_41 : memref<128x128xf32, #tpu.memory_space<vmem_shared>>) target_semaphore(%run_scoped3A : memref<!tpu.dma_semaphore, #tpu.memory_space<semaphore_mem>>)
      %dma_wait3A = arith.constant 0 : i32
      %dma_wait3A_42 = tpu.memref_slice %arg11[%add3A_11, %dma_wait3A] : memref<10240x128xf32, #tpu.memory_space<vmem_shared>> -> memref<128x128xf32, #tpu.memory_space<vmem_shared>>
      %dma_wait3A_43 = arith.constant 0 : i32
      %dma_wait3A_44 = tpu.memref_slice %arg11[%add3A_11, %dma_wait3A_43] : memref<10240x128xf32, #tpu.memory_space<vmem_shared>> -> memref<128x128xf32, #tpu.memory_space<vmem_shared>>
      tpu.wait_dma2 semaphore(%run_scoped3A : memref<!tpu.dma_semaphore, #tpu.memory_space<semaphore_mem>>) src(%arg9 : memref<128x128xf32, #tpu.memory_space<vmem>>) dst(%dma_wait3A_44 : memref<128x128xf32, #tpu.memory_space<vmem_shared>>)
      tpu.yield
    }) : () -> ()
    %mul3A_12 = arith.constant 640 : i32
    %mul3A_13 = arith.muli %arg1, %mul3A_12 : i32
    %add3A_14 = arith.constant 128 : i32
    %add3A_15 = arith.addi %mul3A_13, %add3A_14 : i32
    "tpu.region"() ({
      %run_scoped3A = tpu.sem_alloc : memref<!tpu.dma_semaphore, #tpu.memory_space<semaphore_mem>>
      %dma_start3A = arith.constant 0 : i32
      %dma_start3A_39 = tpu.memref_slice %arg11[%add3A_15, %dma_start3A] : memref<10240x128xf32, #tpu.memory_space<vmem_shared>> -> memref<128x128xf32, #tpu.memory_space<vmem_shared>>
      %dma_start3A_40 = arith.constant 0 : i32
      %dma_start3A_41 = tpu.memref_slice %arg11[%add3A_15, %dma_start3A_40] : memref<10240x128xf32, #tpu.memory_space<vmem_shared>> -> memref<128x128xf32, #tpu.memory_space<vmem_shared>>
      tpu.enqueue_dma source(%arg9 : memref<128x128xf32, #tpu.memory_space<vmem>>) target(%dma_start3A_41 : memref<128x128xf32, #tpu.memory_space<vmem_shared>>) target_semaphore(%run_scoped3A : memref<!tpu.dma_semaphore, #tpu.memory_space<semaphore_mem>>)
      %dma_wait3A = arith.constant 0 : i32
      %dma_wait3A_42 = tpu.memref_slice %arg11[%add3A_15, %dma_wait3A] : memref<10240x128xf32, #tpu.memory_space<vmem_shared>> -> memref<128x128xf32, #tpu.memory_space<vmem_shared>>
      %dma_wait3A_43 = arith.constant 0 : i32
      %dma_wait3A_44 = tpu.memref_slice %arg11[%add3A_15, %dma_wait3A_43] : memref<10240x128xf32, #tpu.memory_space<vmem_shared>> -> memref<128x128xf32, #tpu.memory_space<vmem_shared>>
      tpu.wait_dma2 semaphore(%run_scoped3A : memref<!tpu.dma_semaphore, #tpu.memory_space<semaphore_mem>>) src(%arg9 : memref<128x128xf32, #tpu.memory_space<vmem>>) dst(%dma_wait3A_44 : memref<128x128xf32, #tpu.memory_space<vmem_shared>>)
      tpu.yield
    }) : () -> ()
    %mul3A_16 = arith.constant 640 : i32
    %mul3A_17 = arith.muli %arg1, %mul3A_16 : i32
    %add3A_18 = arith.constant 256 : i32
    %add3A_19 = arith.addi %mul3A_17, %add3A_18 : i32
    "tpu.region"() ({
      %run_scoped3A = tpu.sem_alloc : memref<!tpu.dma_semaphore, #tpu.memory_space<semaphore_mem>>
      %dma_start3A = arith.constant 0 : i32
      %dma_start3A_39 = tpu.memref_slice %arg11[%add3A_19, %dma_start3A] : memref<10240x128xf32, #tpu.memory_space<vmem_shared>> -> memref<128x128xf32, #tpu.memory_space<vmem_shared>>
      %dma_start3A_40 = arith.constant 0 : i32
      %dma_start3A_41 = tpu.memref_slice %arg11[%add3A_19, %dma_start3A_40] : memref<10240x128xf32, #tpu.memory_space<vmem_shared>> -> memref<128x128xf32, #tpu.memory_space<vmem_shared>>
      tpu.enqueue_dma source(%arg9 : memref<128x128xf32, #tpu.memory_space<vmem>>) target(%dma_start3A_41 : memref<128x128xf32, #tpu.memory_space<vmem_shared>>) target_semaphore(%run_scoped3A : memref<!tpu.dma_semaphore, #tpu.memory_space<semaphore_mem>>)
      %dma_wait3A = arith.constant 0 : i32
      %dma_wait3A_42 = tpu.memref_slice %arg11[%add3A_19, %dma_wait3A] : memref<10240x128xf32, #tpu.memory_space<vmem_shared>> -> memref<128x128xf32, #tpu.memory_space<vmem_shared>>
      %dma_wait3A_43 = arith.constant 0 : i32
      %dma_wait3A_44 = tpu.memref_slice %arg11[%add3A_19, %dma_wait3A_43] : memref<10240x128xf32, #tpu.memory_space<vmem_shared>> -> memref<128x128xf32, #tpu.memory_space<vmem_shared>>
      tpu.wait_dma2 semaphore(%run_scoped3A : memref<!tpu.dma_semaphore, #tpu.memory_space<semaphore_mem>>) src(%arg9 : memref<128x128xf32, #tpu.memory_space<vmem>>) dst(%dma_wait3A_44 : memref<128x128xf32, #tpu.memory_space<vmem_shared>>)
      tpu.yield
    }) : () -> ()
    %mul3A_20 = arith.constant 640 : i32
    %mul3A_21 = arith.muli %arg1, %mul3A_20 : i32
    %add3A_22 = arith.constant 384 : i32
    %add3A_23 = arith.addi %mul3A_21, %add3A_22 : i32
    "tpu.region"() ({
      %run_scoped3A = tpu.sem_alloc : memref<!tpu.dma_semaphore, #tpu.memory_space<semaphore_mem>>
      %dma_start3A = arith.constant 0 : i32
      %dma_start3A_39 = tpu.memref_slice %arg11[%add3A_23, %dma_start3A] : memref<10240x128xf32, #tpu.memory_space<vmem_shared>> -> memref<128x128xf32, #tpu.memory_space<vmem_shared>>
      %dma_start3A_40 = arith.constant 0 : i32
      %dma_start3A_41 = tpu.memref_slice %arg11[%add3A_23, %dma_start3A_40] : memref<10240x128xf32, #tpu.memory_space<vmem_shared>> -> memref<128x128xf32, #tpu.memory_space<vmem_shared>>
      tpu.enqueue_dma source(%arg9 : memref<128x128xf32, #tpu.memory_space<vmem>>) target(%dma_start3A_41 : memref<128x128xf32, #tpu.memory_space<vmem_shared>>) target_semaphore(%run_scoped3A : memref<!tpu.dma_semaphore, #tpu.memory_space<semaphore_mem>>)
      %dma_wait3A = arith.constant 0 : i32
      %dma_wait3A_42 = tpu.memref_slice %arg11[%add3A_23, %dma_wait3A] : memref<10240x128xf32, #tpu.memory_space<vmem_shared>> -> memref<128x128xf32, #tpu.memory_space<vmem_shared>>
      %dma_wait3A_43 = arith.constant 0 : i32
      %dma_wait3A_44 = tpu.memref_slice %arg11[%add3A_23, %dma_wait3A_43] : memref<10240x128xf32, #tpu.memory_space<vmem_shared>> -> memref<128x128xf32, #tpu.memory_space<vmem_shared>>
      tpu.wait_dma2 semaphore(%run_scoped3A : memref<!tpu.dma_semaphore, #tpu.memory_space<semaphore_mem>>) src(%arg9 : memref<128x128xf32, #tpu.memory_space<vmem>>) dst(%dma_wait3A_44 : memref<128x128xf32, #tpu.memory_space<vmem_shared>>)
      tpu.yield
    }) : () -> ()
    %mul3A_24 = arith.constant 640 : i32
    %mul3A_25 = arith.muli %arg1, %mul3A_24 : i32
    %add3A_26 = arith.constant 512 : i32
    %add3A_27 = arith.addi %mul3A_25, %add3A_26 : i32
    "tpu.region"() ({
      %run_scoped3A = tpu.sem_alloc : memref<!tpu.dma_semaphore, #tpu.memory_space<semaphore_mem>>
      %dma_start3A = arith.constant 0 : i32
      %dma_start3A_39 = tpu.memref_slice %arg11[%add3A_27, %dma_start3A] : memref<10240x128xf32, #tpu.memory_space<vmem_shared>> -> memref<128x128xf32, #tpu.memory_space<vmem_shared>>
      %dma_start3A_40 = arith.constant 0 : i32
      %dma_start3A_41 = tpu.memref_slice %arg11[%add3A_27, %dma_start3A_40] : memref<10240x128xf32, #tpu.memory_space<vmem_shared>> -> memref<128x128xf32, #tpu.memory_space<vmem_shared>>
      tpu.enqueue_dma source(%arg9 : memref<128x128xf32, #tpu.memory_space<vmem>>) target(%dma_start3A_41 : memref<128x128xf32, #tpu.memory_space<vmem_shared>>) target_semaphore(%run_scoped3A : memref<!tpu.dma_semaphore, #tpu.memory_space<semaphore_mem>>)
      %dma_wait3A = arith.constant 0 : i32
      %dma_wait3A_42 = tpu.memref_slice %arg11[%add3A_27, %dma_wait3A] : memref<10240x128xf32, #tpu.memory_space<vmem_shared>> -> memref<128x128xf32, #tpu.memory_space<vmem_shared>>
      %dma_wait3A_43 = arith.constant 0 : i32
      %dma_wait3A_44 = tpu.memref_slice %arg11[%add3A_27, %dma_wait3A_43] : memref<10240x128xf32, #tpu.memory_space<vmem_shared>> -> memref<128x128xf32, #tpu.memory_space<vmem_shared>>
      tpu.wait_dma2 semaphore(%run_scoped3A : memref<!tpu.dma_semaphore, #tpu.memory_space<semaphore_mem>>) src(%arg9 : memref<128x128xf32, #tpu.memory_space<vmem>>) dst(%dma_wait3A_44 : memref<128x128xf32, #tpu.memory_space<vmem_shared>>)
      tpu.yield
    }) : () -> ()
    %barrier3A = arith.constant 0 : index
    tpu.barrier barrier_id(%barrier3A)
    %scan3A_28 = arith.constant 0 : i32
    %scan3A_29 = arith.constant 0 : i32
    %scan3A_30 = arith.constant 80 : i32
    %scan3A_31 = arith.addi %scan3A_29, %scan3A_30 : i32
    %scan3A_32 = arith.constant 1 : i32
    scf.for %scan3A_39 = %scan3A_29 to %scan3A_31 step %scan3A_32  : i32 {
      %mul3A_40 = arith.constant 128 : i32
      %mul3A_41 = arith.muli %scan3A_39, %mul3A_40 : i32
      %add3A_42 = arith.addi %mul3A_2, %mul3A_41 : i32
      "tpu.region"() ({
        %run_scoped3A_53 = tpu.sem_alloc : memref<!tpu.dma_semaphore, #tpu.memory_space<semaphore_mem>>
        %dma_start3A_54 = tpu.memref_slice %arg3[%add3A_42] : memref<327680xi32, #tpu.memory_space<hbm>> -> memref<128xi32, #tpu.memory_space<hbm>>
        %dma_start3A_55 = tpu.memref_slice %arg3[%add3A_42] : memref<327680xi32, #tpu.memory_space<hbm>> -> memref<128xi32, #tpu.memory_space<hbm>>
        tpu.enqueue_dma source(%dma_start3A_55 : memref<128xi32, #tpu.memory_space<hbm>>) target(%arg7 : memref<128xi32, #tpu.memory_space<vmem>>) target_semaphore(%run_scoped3A_53 : memref<!tpu.dma_semaphore, #tpu.memory_space<semaphore_mem>>)
        %dma_wait3A_56 = tpu.memref_slice %arg3[%add3A_42] : memref<327680xi32, #tpu.memory_space<hbm>> -> memref<128xi32, #tpu.memory_space<hbm>>
        %dma_wait3A_57 = tpu.memref_slice %arg3[%add3A_42] : memref<327680xi32, #tpu.memory_space<hbm>> -> memref<128xi32, #tpu.memory_space<hbm>>
        tpu.wait_dma2 semaphore(%run_scoped3A_53 : memref<!tpu.dma_semaphore, #tpu.memory_space<semaphore_mem>>) src(%dma_wait3A_57 : memref<128xi32, #tpu.memory_space<hbm>>) dst(%arg7 : memref<128xi32, #tpu.memory_space<vmem>>)
        tpu.yield
      }) : () -> ()
      "tpu.region"() ({
        %run_scoped3A_53 = tpu.sem_alloc : memref<!tpu.dma_semaphore, #tpu.memory_space<semaphore_mem>>
        %dma_start3A_54 = tpu.memref_slice %arg4[%add3A_42] : memref<327680xi32, #tpu.memory_space<hbm>> -> memref<128xi32, #tpu.memory_space<hbm>>
        %dma_start3A_55 = tpu.memref_slice %arg4[%add3A_42] : memref<327680xi32, #tpu.memory_space<hbm>> -> memref<128xi32, #tpu.memory_space<hbm>>
        tpu.enqueue_dma source(%dma_start3A_55 : memref<128xi32, #tpu.memory_space<hbm>>) target(%arg8 : memref<128xi32, #tpu.memory_space<vmem>>) target_semaphore(%run_scoped3A_53 : memref<!tpu.dma_semaphore, #tpu.memory_space<semaphore_mem>>)
        %dma_wait3A_56 = tpu.memref_slice %arg4[%add3A_42] : memref<327680xi32, #tpu.memory_space<hbm>> -> memref<128xi32, #tpu.memory_space<hbm>>
        %dma_wait3A_57 = tpu.memref_slice %arg4[%add3A_42] : memref<327680xi32, #tpu.memory_space<hbm>> -> memref<128xi32, #tpu.memory_space<hbm>>
        tpu.wait_dma2 semaphore(%run_scoped3A_53 : memref<!tpu.dma_semaphore, #tpu.memory_space<semaphore_mem>>) src(%dma_wait3A_57 : memref<128xi32, #tpu.memory_space<hbm>>) dst(%arg8 : memref<128xi32, #tpu.memory_space<vmem>>)
        tpu.yield
      }) : () -> ()
      %run_scoped3A = arith.constant 3 : i32
      "tpu.region"() ({
        %run_scoped3A_53 = tpu.sem_alloc : memref<!tpu.dma_semaphore, #tpu.memory_space<semaphore_mem>>
        %dma_start3A_54 = arith.constant 0 : i32
        %dma_start3A_55 = tpu.memref_slice %arg2[%run_scoped3A, %add3A_42, %dma_start3A_54] : memref<4x327680x128xf32, #tpu.memory_space<hbm>> -> memref<1x128x128xf32, #tpu.memory_space<hbm>>
        %dma_start3A_56 = tpu.memref_squeeze %dma_start3A_55 : memref<1x128x128xf32, #tpu.memory_space<hbm>> -> memref<128x128xf32, #tpu.memory_space<hbm>>
        %dma_start3A_57 = arith.constant 0 : i32
        %dma_start3A_58 = tpu.memref_slice %arg2[%run_scoped3A, %add3A_42, %dma_start3A_57] : memref<4x327680x128xf32, #tpu.memory_space<hbm>> -> memref<1x128x128xf32, #tpu.memory_space<hbm>>
        %dma_start3A_59 = tpu.memref_squeeze %dma_start3A_58 : memref<1x128x128xf32, #tpu.memory_space<hbm>> -> memref<128x128xf32, #tpu.memory_space<hbm>>
        tpu.enqueue_dma source(%dma_start3A_59 : memref<128x128xf32, #tpu.memory_space<hbm>>) target(%arg10 : memref<128x128xf32, #tpu.memory_space<vmem>>) target_semaphore(%run_scoped3A_53 : memref<!tpu.dma_semaphore, #tpu.memory_space<semaphore_mem>>)
        %dma_wait3A_60 = arith.constant 0 : i32
        %dma_wait3A_61 = tpu.memref_slice %arg2[%run_scoped3A, %add3A_42, %dma_wait3A_60] : memref<4x327680x128xf32, #tpu.memory_space<hbm>> -> memref<1x128x128xf32, #tpu.memory_space<hbm>>
        %dma_wait3A_62 = tpu.memref_squeeze %dma_wait3A_61 : memref<1x128x128xf32, #tpu.memory_space<hbm>> -> memref<128x128xf32, #tpu.memory_space<hbm>>
        %dma_wait3A_63 = arith.constant 0 : i32
        %dma_wait3A_64 = tpu.memref_slice %arg2[%run_scoped3A, %add3A_42, %dma_wait3A_63] : memref<4x327680x128xf32, #tpu.memory_space<hbm>> -> memref<1x128x128xf32, #tpu.memory_space<hbm>>
        %dma_wait3A_65 = tpu.memref_squeeze %dma_wait3A_64 : memref<1x128x128xf32, #tpu.memory_space<hbm>> -> memref<128x128xf32, #tpu.memory_space<hbm>>
        tpu.wait_dma2 semaphore(%run_scoped3A_53 : memref<!tpu.dma_semaphore, #tpu.memory_space<semaphore_mem>>) src(%dma_wait3A_65 : memref<128x128xf32, #tpu.memory_space<hbm>>) dst(%arg10 : memref<128x128xf32, #tpu.memory_space<vmem>>)
        tpu.yield
      }) : () -> ()
      %dma_start3A = arith.constant 0 : i32
      %dma_start3A_43 = arith.constant 0 : i32
      %dma_start3A_44 = tpu.memref_slice %arg5[%dma_start3A, %dma_start3A_43] : memref<10000x128xf32, #tpu.memory_space<hbm>> -> memref<10000x128xf32, #tpu.memory_space<hbm>>
      tpu.enqueue_indirect_dma source(%dma_start3A_44 : memref<10000x128xf32, #tpu.memory_space<hbm>>) target(%arg9 : memref<128x128xf32, #tpu.memory_space<vmem>>) offsets(%arg7 : memref<128xi32, #tpu.memory_space<vmem>>) semaphore(%arg12 : memref<!tpu.dma_semaphore, #tpu.memory_space<semaphore_mem>>)
      %dma_wait3A = arith.constant 0 : i32
      %dma_wait3A_45 = arith.constant 0 : i32
      %dma_wait3A_46 = tpu.memref_slice %arg5[%dma_wait3A, %dma_wait3A_45] : memref<10000x128xf32, #tpu.memory_space<hbm>> -> memref<10000x128xf32, #tpu.memory_space<hbm>>
      tpu.wait_indirect_dma semaphore(%arg12 : memref<!tpu.dma_semaphore, #tpu.memory_space<semaphore_mem>>) src(%dma_wait3A_46 : memref<10000x128xf32, #tpu.memory_space<hbm>>) dst(%arg9 : memref<128x128xf32, #tpu.memory_space<vmem>>)
      %scan3A_47 = arith.constant 0 : i32
      %scan3A_48 = arith.constant 0 : i32
      %scan3A_49 = arith.constant 128 : i32
      %scan3A_50 = arith.addi %scan3A_48, %scan3A_49 : i32
      %scan3A_51 = arith.constant 1 : i32
      scf.for %scan3A_53 = %scan3A_48 to %scan3A_50 step %scan3A_51  : i32 {
        %get3A = arith.index_cast %scan3A_53 : i32 to index
        %get3A_54 = arith.constant 0 : index
        %get3A_55 = tpu.vector_load %arg9[%get3A, %get3A_54] {strides = array<i32>} : memref<128x128xf32, #tpu.memory_space<vmem>>, vector<1x16xf32>,
        %get3A_56 = vector.shape_cast %get3A_55 : vector<1x16xf32> to vector<16xf32>
        %get3A_57 = arith.index_cast %scan3A_53 : i32 to index
        %get3A_58 = arith.constant 0 : index
        %get3A_59 = tpu.vector_load %arg10[%get3A_57, %get3A_58] {strides = array<i32>} : memref<128x128xf32, #tpu.memory_space<vmem>>, vector<1x16xf32>,
        %get3A_60 = vector.shape_cast %get3A_59 : vector<1x16xf32> to vector<16xf32>
        %add3A_61 = arith.addf %get3A_56, %get3A_60 : vector<16xf32>
        %max3A = arith.constant 0.000000e+00 : f32
        %max3A_62 = vector.broadcast %max3A : f32 to vector<16xf32>
        %max3A_63 = arith.maximumf %add3A_61, %max3A_62 : vector<16xf32>
        %swap3A = arith.index_cast %scan3A_53 : i32 to index
        %swap3A_64 = arith.constant 0 : index
        %swap3A_65 = tpu.vector_load %arg9[%swap3A, %swap3A_64] {strides = array<i32>} : memref<128x128xf32, #tpu.memory_space<vmem>>, vector<1x16xf32>,
        %swap3A_66 = vector.shape_cast %swap3A_65 : vector<1x16xf32> to vector<16xf32>
        %swap3A_67 = vector.shape_cast %max3A_63 : vector<16xf32> to vector<1x16xf32>
        tpu.vector_store %arg9[%swap3A, %swap3A_64], %swap3A_67 {strides = array<i32>} : memref<128x128xf32, #tpu.memory_space<vmem>>, vector<1x16xf32>,
        %get3A_68 = arith.index_cast %scan3A_53 : i32 to index
        %get3A_69 = arith.constant 16 : index
        %get3A_70 = tpu.vector_load %arg9[%get3A_68, %get3A_69] {strides = array<i32>} : memref<128x128xf32, #tpu.memory_space<vmem>>, vector<1x16xf32>,
        %get3A_71 = vector.shape_cast %get3A_70 : vector<1x16xf32> to vector<16xf32>
        %get3A_72 = arith.index_cast %scan3A_53 : i32 to index
        %get3A_73 = arith.constant 16 : index
        %get3A_74 = tpu.vector_load %arg10[%get3A_72, %get3A_73] {strides = array<i32>} : memref<128x128xf32, #tpu.memory_space<vmem>>, vector<1x16xf32>,
        %get3A_75 = vector.shape_cast %get3A_74 : vector<1x16xf32> to vector<16xf32>
        %add3A_76 = arith.addf %get3A_71, %get3A_75 : vector<16xf32>
        %max3A_77 = arith.constant 0.000000e+00 : f32
        %max3A_78 = vector.broadcast %max3A_77 : f32 to vector<16xf32>
        %max3A_79 = arith.maximumf %add3A_76, %max3A_78 : vector<16xf32>
        %swap3A_80 = arith.index_cast %scan3A_53 : i32 to index
        %swap3A_81 = arith.constant 16 : index
        %swap3A_82 = tpu.vector_load %arg9[%swap3A_80, %swap3A_81] {strides = array<i32>} : memref<128x128xf32, #tpu.memory_space<vmem>>, vector<1x16xf32>,
        %swap3A_83 = vector.shape_cast %swap3A_82 : vector<1x16xf32> to vector<16xf32>
        %swap3A_84 = vector.shape_cast %max3A_79 : vector<16xf32> to vector<1x16xf32>
        tpu.vector_store %arg9[%swap3A_80, %swap3A_81], %swap3A_84 {strides = array<i32>} : memref<128x128xf32, #tpu.memory_space<vmem>>, vector<1x16xf32>,
        %get3A_85 = arith.index_cast %scan3A_53 : i32 to index
        %get3A_86 = arith.constant 32 : index
        %get3A_87 = tpu.vector_load %arg9[%get3A_85, %get3A_86] {strides = array<i32>} : memref<128x128xf32, #tpu.memory_space<vmem>>, vector<1x16xf32>,
        %get3A_88 = vector.shape_cast %get3A_87 : vector<1x16xf32> to vector<16xf32>
        %get3A_89 = arith.index_cast %scan3A_53 : i32 to index
        %get3A_90 = arith.constant 32 : index
        %get3A_91 = tpu.vector_load %arg10[%get3A_89, %get3A_90] {strides = array<i32>} : memref<128x128xf32, #tpu.memory_space<vmem>>, vector<1x16xf32>,
        %get3A_92 = vector.shape_cast %get3A_91 : vector<1x16xf32> to vector<16xf32>
        %add3A_93 = arith.addf %get3A_88, %get3A_92 : vector<16xf32>
        %max3A_94 = arith.constant 0.000000e+00 : f32
        %max3A_95 = vector.broadcast %max3A_94 : f32 to vector<16xf32>
        %max3A_96 = arith.maximumf %add3A_93, %max3A_95 : vector<16xf32>
        %swap3A_97 = arith.index_cast %scan3A_53 : i32 to index
        %swap3A_98 = arith.constant 32 : index
        %swap3A_99 = tpu.vector_load %arg9[%swap3A_97, %swap3A_98] {strides = array<i32>} : memref<128x128xf32, #tpu.memory_space<vmem>>, vector<1x16xf32>,
        %swap3A_100 = vector.shape_cast %swap3A_99 : vector<1x16xf32> to vector<16xf32>
        %swap3A_101 = vector.shape_cast %max3A_96 : vector<16xf32> to vector<1x16xf32>
        tpu.vector_store %arg9[%swap3A_97, %swap3A_98], %swap3A_101 {strides = array<i32>} : memref<128x128xf32, #tpu.memory_space<vmem>>, vector<1x16xf32>,
        %get3A_102 = arith.index_cast %scan3A_53 : i32 to index
        %get3A_103 = arith.constant 48 : index
        %get3A_104 = tpu.vector_load %arg9[%get3A_102, %get3A_103] {strides = array<i32>} : memref<128x128xf32, #tpu.memory_space<vmem>>, vector<1x16xf32>,
        %get3A_105 = vector.shape_cast %get3A_104 : vector<1x16xf32> to vector<16xf32>
        %get3A_106 = arith.index_cast %scan3A_53 : i32 to index
        %get3A_107 = arith.constant 48 : index
        %get3A_108 = tpu.vector_load %arg10[%get3A_106, %get3A_107] {strides = array<i32>} : memref<128x128xf32, #tpu.memory_space<vmem>>, vector<1x16xf32>,
        %get3A_109 = vector.shape_cast %get3A_108 : vector<1x16xf32> to vector<16xf32>
        %add3A_110 = arith.addf %get3A_105, %get3A_109 : vector<16xf32>
        %max3A_111 = arith.constant 0.000000e+00 : f32
        %max3A_112 = vector.broadcast %max3A_111 : f32 to vector<16xf32>
        %max3A_113 = arith.maximumf %add3A_110, %max3A_112 : vector<16xf32>
        %swap3A_114 = arith.index_cast %scan3A_53 : i32 to index
        %swap3A_115 = arith.constant 48 : index
        %swap3A_116 = tpu.vector_load %arg9[%swap3A_114, %swap3A_115] {strides = array<i32>} : memref<128x128xf32, #tpu.memory_space<vmem>>, vector<1x16xf32>,
        %swap3A_117 = vector.shape_cast %swap3A_116 : vector<1x16xf32> to vector<16xf32>
        %swap3A_118 = vector.shape_cast %max3A_113 : vector<16xf32> to vector<1x16xf32>
        tpu.vector_store %arg9[%swap3A_114, %swap3A_115], %swap3A_118 {strides = array<i32>} : memref<128x128xf32, #tpu.memory_space<vmem>>, vector<1x16xf32>,
        %get3A_119 = arith.index_cast %scan3A_53 : i32 to index
        %get3A_120 = arith.constant 64 : index
        %get3A_121 = tpu.vector_load %arg9[%get3A_119, %get3A_120] {strides = array<i32>} : memref<128x128xf32, #tpu.memory_space<vmem>>, vector<1x16xf32>,
        %get3A_122 = vector.shape_cast %get3A_121 : vector<1x16xf32> to vector<16xf32>
        %get3A_123 = arith.index_cast %scan3A_53 : i32 to index
        %get3A_124 = arith.constant 64 : index
        %get3A_125 = tpu.vector_load %arg10[%get3A_123, %get3A_124] {strides = array<i32>} : memref<128x128xf32, #tpu.memory_space<vmem>>, vector<1x16xf32>,
        %get3A_126 = vector.shape_cast %get3A_125 : vector<1x16xf32> to vector<16xf32>
        %add3A_127 = arith.addf %get3A_122, %get3A_126 : vector<16xf32>
        %max3A_128 = arith.constant 0.000000e+00 : f32
        %max3A_129 = vector.broadcast %max3A_128 : f32 to vector<16xf32>
        %max3A_130 = arith.maximumf %add3A_127, %max3A_129 : vector<16xf32>
        %swap3A_131 = arith.index_cast %scan3A_53 : i32 to index
        %swap3A_132 = arith.constant 64 : index
        %swap3A_133 = tpu.vector_load %arg9[%swap3A_131, %swap3A_132] {strides = array<i32>} : memref<128x128xf32, #tpu.memory_space<vmem>>, vector<1x16xf32>,
        %swap3A_134 = vector.shape_cast %swap3A_133 : vector<1x16xf32> to vector<16xf32>
        %swap3A_135 = vector.shape_cast %max3A_130 : vector<16xf32> to vector<1x16xf32>
        tpu.vector_store %arg9[%swap3A_131, %swap3A_132], %swap3A_135 {strides = array<i32>} : memref<128x128xf32, #tpu.memory_space<vmem>>, vector<1x16xf32>,
        %get3A_136 = arith.index_cast %scan3A_53 : i32 to index
        %get3A_137 = arith.constant 80 : index
        %get3A_138 = tpu.vector_load %arg9[%get3A_136, %get3A_137] {strides = array<i32>} : memref<128x128xf32, #tpu.memory_space<vmem>>, vector<1x16xf32>,
        %get3A_139 = vector.shape_cast %get3A_138 : vector<1x16xf32> to vector<16xf32>
        %get3A_140 = arith.index_cast %scan3A_53 : i32 to index
        %get3A_141 = arith.constant 80 : index
        %get3A_142 = tpu.vector_load %arg10[%get3A_140, %get3A_141] {strides = array<i32>} : memref<128x128xf32, #tpu.memory_space<vmem>>, vector<1x16xf32>,
        %get3A_143 = vector.shape_cast %get3A_142 : vector<1x16xf32> to vector<16xf32>
        %add3A_144 = arith.addf %get3A_139, %get3A_143 : vector<16xf32>
        %max3A_145 = arith.constant 0.000000e+00 : f32
        %max3A_146 = vector.broadcast %max3A_145 : f32 to vector<16xf32>
        %max3A_147 = arith.maximumf %add3A_144, %max3A_146 : vector<16xf32>
        %swap3A_148 = arith.index_cast %scan3A_53 : i32 to index
        %swap3A_149 = arith.constant 80 : index
        %swap3A_150 = tpu.vector_load %arg9[%swap3A_148, %swap3A_149] {strides = array<i32>} : memref<128x128xf32, #tpu.memory_space<vmem>>, vector<1x16xf32>,
        %swap3A_151 = vector.shape_cast %swap3A_150 : vector<1x16xf32> to vector<16xf32>
        %swap3A_152 = vector.shape_cast %max3A_147 : vector<16xf32> to vector<1x16xf32>
        tpu.vector_store %arg9[%swap3A_148, %swap3A_149], %swap3A_152 {strides = array<i32>} : memref<128x128xf32, #tpu.memory_space<vmem>>, vector<1x16xf32>,
        %get3A_153 = arith.index_cast %scan3A_53 : i32 to index
        %get3A_154 = arith.constant 96 : index
        %get3A_155 = tpu.vector_load %arg9[%get3A_153, %get3A_154] {strides = array<i32>} : memref<128x128xf32, #tpu.memory_space<vmem>>, vector<1x16xf32>,
        %get3A_156 = vector.shape_cast %get3A_155 : vector<1x16xf32> to vector<16xf32>
        %get3A_157 = arith.index_cast %scan3A_53 : i32 to index
        %get3A_158 = arith.constant 96 : index
        %get3A_159 = tpu.vector_load %arg10[%get3A_157, %get3A_158] {strides = array<i32>} : memref<128x128xf32, #tpu.memory_space<vmem>>, vector<1x16xf32>,
        %get3A_160 = vector.shape_cast %get3A_159 : vector<1x16xf32> to vector<16xf32>
        %add3A_161 = arith.addf %get3A_156, %get3A_160 : vector<16xf32>
        %max3A_162 = arith.constant 0.000000e+00 : f32
        %max3A_163 = vector.broadcast %max3A_162 : f32 to vector<16xf32>
        %max3A_164 = arith.maximumf %add3A_161, %max3A_163 : vector<16xf32>
        %swap3A_165 = arith.index_cast %scan3A_53 : i32 to index
        %swap3A_166 = arith.constant 96 : index
        %swap3A_167 = tpu.vector_load %arg9[%swap3A_165, %swap3A_166] {strides = array<i32>} : memref<128x128xf32, #tpu.memory_space<vmem>>, vector<1x16xf32>,
        %swap3A_168 = vector.shape_cast %swap3A_167 : vector<1x16xf32> to vector<16xf32>
        %swap3A_169 = vector.shape_cast %max3A_164 : vector<16xf32> to vector<1x16xf32>
        tpu.vector_store %arg9[%swap3A_165, %swap3A_166], %swap3A_169 {strides = array<i32>} : memref<128x128xf32, #tpu.memory_space<vmem>>, vector<1x16xf32>,
        %get3A_170 = arith.index_cast %scan3A_53 : i32 to index
        %get3A_171 = arith.constant 112 : index
        %get3A_172 = tpu.vector_load %arg9[%get3A_170, %get3A_171] {strides = array<i32>} : memref<128x128xf32, #tpu.memory_space<vmem>>, vector<1x16xf32>,
        %get3A_173 = vector.shape_cast %get3A_172 : vector<1x16xf32> to vector<16xf32>
        %get3A_174 = arith.index_cast %scan3A_53 : i32 to index
        %get3A_175 = arith.constant 112 : index
        %get3A_176 = tpu.vector_load %arg10[%get3A_174, %get3A_175] {strides = array<i32>} : memref<128x128xf32, #tpu.memory_space<vmem>>, vector<1x16xf32>,
        %get3A_177 = vector.shape_cast %get3A_176 : vector<1x16xf32> to vector<16xf32>
        %add3A_178 = arith.addf %get3A_173, %get3A_177 : vector<16xf32>
        %max3A_179 = arith.constant 0.000000e+00 : f32
        %max3A_180 = vector.broadcast %max3A_179 : f32 to vector<16xf32>
        %max3A_181 = arith.maximumf %add3A_178, %max3A_180 : vector<16xf32>
        %swap3A_182 = arith.index_cast %scan3A_53 : i32 to index
        %swap3A_183 = arith.constant 112 : index
        %swap3A_184 = tpu.vector_load %arg9[%swap3A_182, %swap3A_183] {strides = array<i32>} : memref<128x128xf32, #tpu.memory_space<vmem>>, vector<1x16xf32>,
        %swap3A_185 = vector.shape_cast %swap3A_184 : vector<1x16xf32> to vector<16xf32>
        %swap3A_186 = vector.shape_cast %max3A_181 : vector<16xf32> to vector<1x16xf32>
        tpu.vector_store %arg9[%swap3A_182, %swap3A_183], %swap3A_186 {strides = array<i32>} : memref<128x128xf32, #tpu.memory_space<vmem>>, vector<1x16xf32>,
      }
      %scan3A_52 = arith.constant 128 : i32
      "tpu.region"() ({
        %run_scoped3A_53 = tpu.sem_alloc : memref<!tpu.dma_semaphore, #tpu.memory_space<semaphore_mem>>
        %dma_start3A_54 = arith.constant 0 : i32
        %dma_start3A_55 = arith.constant 0 : i32
        %dma_start3A_56 = tpu.memref_slice %arg11[%dma_start3A_54, %dma_start3A_55] : memref<10240x128xf32, #tpu.memory_space<vmem_shared>> -> memref<10240x128xf32, #tpu.memory_space<vmem_shared>>
        tpu.enqueue_indirect_dma source(%arg9 : memref<128x128xf32, #tpu.memory_space<vmem>>) target(%dma_start3A_56 : memref<10240x128xf32, #tpu.memory_space<vmem_shared>>) offsets(%arg8 : memref<128xi32, #tpu.memory_space<vmem>>) semaphore(%run_scoped3A_53 : memref<!tpu.dma_semaphore, #tpu.memory_space<semaphore_mem>>) {add = true}
        %dma_wait3A_57 = arith.constant 0 : i32
        %dma_wait3A_58 = arith.constant 0 : i32
        %dma_wait3A_59 = tpu.memref_slice %arg11[%dma_wait3A_57, %dma_wait3A_58] : memref<10240x128xf32, #tpu.memory_space<vmem_shared>> -> memref<10240x128xf32, #tpu.memory_space<vmem_shared>>
        tpu.wait_indirect_dma semaphore(%run_scoped3A_53 : memref<!tpu.dma_semaphore, #tpu.memory_space<semaphore_mem>>) src(%arg9 : memref<128x128xf32, #tpu.memory_space<vmem>>) dst(%dma_wait3A_59 : memref<10240x128xf32, #tpu.memory_space<vmem_shared>>)
        tpu.yield
      }) : () -> ()
    }
    %scan3A_33 = arith.constant 80 : i32
    %barrier3A_34 = arith.constant 0 : index
    tpu.barrier barrier_id(%barrier3A_34)
    %mul3A_35 = arith.constant 640 : i32
    %mul3A_36 = arith.muli %arg1, %mul3A_35 : i32
    %mul3A_37 = arith.constant 640 : i32
    %mul3A_38 = arith.muli %arg1, %mul3A_37 : i32
    "tpu.region"() ({
      %run_scoped3A = tpu.sem_alloc : memref<!tpu.dma_semaphore, #tpu.memory_space<semaphore_mem>>
      %dma_start3A = arith.constant 0 : i32
      %dma_start3A_39 = tpu.memref_slice %arg6[%arg0, %mul3A_38, %dma_start3A] : memref<2x10240x128xf32, #tpu.memory_space<hbm>> -> memref<1x640x128xf32, #tpu.memory_space<hbm>>
      %dma_start3A_40 = tpu.memref_squeeze %dma_start3A_39 : memref<1x640x128xf32, #tpu.memory_space<hbm>> -> memref<640x128xf32, #tpu.memory_space<hbm>>
      %dma_start3A_41 = arith.constant 0 : i32
      %dma_start3A_42 = tpu.memref_slice %arg11[%mul3A_36, %dma_start3A_41] : memref<10240x128xf32, #tpu.memory_space<vmem_shared>> -> memref<640x128xf32, #tpu.memory_space<vmem_shared>>
      tpu.enqueue_dma source(%dma_start3A_42 : memref<640x128xf32, #tpu.memory_space<vmem_shared>>) target(%dma_start3A_40 : memref<640x128xf32, #tpu.memory_space<hbm>>) target_semaphore(%run_scoped3A : memref<!tpu.dma_semaphore, #tpu.memory_space<semaphore_mem>>)
      %dma_wait3A = arith.constant 0 : i32
      %dma_wait3A_43 = tpu.memref_slice %arg6[%arg0, %mul3A_38, %dma_wait3A] : memref<2x10240x128xf32, #tpu.memory_space<hbm>> -> memref<1x640x128xf32, #tpu.memory_space<hbm>>
      %dma_wait3A_44 = tpu.memref_squeeze %dma_wait3A_43 : memref<1x640x128xf32, #tpu.memory_space<hbm>> -> memref<640x128xf32, #tpu.memory_space<hbm>>
      %dma_wait3A_45 = arith.constant 0 : i32
      %dma_wait3A_46 = tpu.memref_slice %arg11[%mul3A_36, %dma_wait3A_45] : memref<10240x128xf32, #tpu.memory_space<vmem_shared>> -> memref<640x128xf32, #tpu.memory_space<vmem_shared>>
      tpu.wait_dma2 semaphore(%run_scoped3A : memref<!tpu.dma_semaphore, #tpu.memory_space<semaphore_mem>>) src(%dma_wait3A_46 : memref<640x128xf32, #tpu.memory_space<vmem_shared>>) dst(%dma_wait3A_44 : memref<640x128xf32, #tpu.memory_space<hbm>>)
      tpu.yield
    }) : () -> ()
    return
  }
}

#map = affine_map<(d0, d1) -> (0, 0, 0)>
#map1 = affine_map<(d0, d1) -> (0)>
#map2 = affine_map<(d0, d1) -> (0, 0)>
module attributes {stable_mosaic.version = 14 : i64} {
  func.func @f(%arg0: i32, %arg1: i32, %arg2: memref<4x327680x128xf32, #tpu.memory_space<hbm>>, %arg3: memref<327680xi32, #tpu.memory_space<hbm>>, %arg4: memref<327680xi32, #tpu.memory_space<hbm>>, %arg5: memref<10000x128xf32, #tpu.memory_space<hbm>>, %arg6: memref<2x10240x128xf32, #tpu.memory_space<hbm>>, %arg7: memref<128xi32, #tpu.memory_space<vmem>>, %arg8: memref<128xi32, #tpu.memory_space<vmem>>, %arg9: memref<128x128xf32, #tpu.memory_space<vmem>>, %arg10: memref<128x128xf32, #tpu.memory_space<vmem>>, %arg11: memref<10240x128xf32, #tpu.memory_space<vmem_shared>>, %arg12: memref<!tpu.dma_semaphore, #tpu.memory_space<semaphore_mem>>) attributes {dimension_semantics = [#tpu.dimension_semantics<core_parallel>, #tpu.dimension_semantics<subcore_parallel>], iteration_bounds = array<i64: 2, 16>, scalar_prefetch = 0 : i64, scratch_operands = 6 : i64, tpu.core_type = #tpu.core_type<sc_vector_subcore>, window_params = [{transform_indices = #map}, {transform_indices = #map1}, {transform_indices = #map1}, {transform_indices = #map2}, {transform_indices = #map}]} {
    %mul3A = arith.constant 2 : i32
    %mul3A_0 = arith.muli %arg1, %mul3A : i32
    %add3A = arith.addi %mul3A_0, %arg0 : i32
    %mul3A_1 = arith.constant 10240 : i32
    %mul3A_2 = arith.muli %add3A, %mul3A_1 : i32
    %scan3A = arith.constant 0 : i32
    %scan3A_3 = arith.constant 0 : i32
    %scan3A_4 = arith.constant 128 : i32
    %scan3A_5 = arith.addi %scan3A_3, %scan3A_4 : i32
    %scan3A_6 = arith.constant 1 : i32
    scf.for %scan3A_39 = %scan3A_3 to %scan3A_5 step %scan3A_6  : i32 {
      %broadcast_in_dim3A = arith.constant 0.000000e+00 : f32
      %broadcast_in_dim3A_40 = vector.broadcast %broadcast_in_dim3A : f32 to vector<16xf32>
      %swap3A = arith.index_cast %scan3A_39 : i32 to index
      %swap3A_41 = arith.constant 0 : index
      %swap3A_42 = tpu.vector_load %arg9[%swap3A, %swap3A_41] {strides = array<i32>} : memref<128x128xf32, #tpu.memory_space<vmem>>, vector<1x16xf32>,
      %swap3A_43 = vector.shape_cast %swap3A_42 : vector<1x16xf32> to vector<16xf32>
      %swap3A_44 = vector.shape_cast %broadcast_in_dim3A_40 : vector<16xf32> to vector<1x16xf32>
      tpu.vector_store %arg9[%swap3A, %swap3A_41], %swap3A_44 {strides = array<i32>} : memref<128x128xf32, #tpu.memory_space<vmem>>, vector<1x16xf32>,
      %broadcast_in_dim3A_45 = arith.constant 0.000000e+00 : f32
      %broadcast_in_dim3A_46 = vector.broadcast %broadcast_in_dim3A_45 : f32 to vector<16xf32>
      %swap3A_47 = arith.index_cast %scan3A_39 : i32 to index
      %swap3A_48 = arith.constant 16 : index
      %swap3A_49 = tpu.vector_load %arg9[%swap3A_47, %swap3A_48] {strides = array<i32>} : memref<128x128xf32, #tpu.memory_space<vmem>>, vector<1x16xf32>,
      %swap3A_50 = vector.shape_cast %swap3A_49 : vector<1x16xf32> to vector<16xf32>
      %swap3A_51 = vector.shape_cast %broadcast_in_dim3A_46 : vector<16xf32> to vector<1x16xf32>
      tpu.vector_store %arg9[%swap3A_47, %swap3A_48], %swap3A_51 {strides = array<i32>} : memref<128x128xf32, #tpu.memory_space<vmem>>, vector<1x16xf32>,
      %broadcast_in_dim3A_52 = arith.constant 0.000000e+00 : f32
      %broadcast_in_dim3A_53 = vector.broadcast %broadcast_in_dim3A_52 : f32 to vector<16xf32>
      %swap3A_54 = arith.index_cast %scan3A_39 : i32 to index
      %swap3A_55 = arith.constant 32 : index
      %swap3A_56 = tpu.vector_load %arg9[%swap3A_54, %swap3A_55] {strides = array<i32>} : memref<128x128xf32, #tpu.memory_space<vmem>>, vector<1x16xf32>,
      %swap3A_57 = vector.shape_cast %swap3A_56 : vector<1x16xf32> to vector<16xf32>
      %swap3A_58 = vector.shape_cast %broadcast_in_dim3A_53 : vector<16xf32> to vector<1x16xf32>
      tpu.vector_store %arg9[%swap3A_54, %swap3A_55], %swap3A_58 {strides = array<i32>} : memref<128x128xf32, #tpu.memory_space<vmem>>, vector<1x16xf32>,
      %broadcast_in_dim3A_59 = arith.constant 0.000000e+00 : f32
      %broadcast_in_dim3A_60 = vector.broadcast %broadcast_in_dim3A_59 : f32 to vector<16xf32>
      %swap3A_61 = arith.index_cast %scan3A_39 : i32 to index
      %swap3A_62 = arith.constant 48 : index
      %swap3A_63 = tpu.vector_load %arg9[%swap3A_61, %swap3A_62] {strides = array<i32>} : memref<128x128xf32, #tpu.memory_space<vmem>>, vector<1x16xf32>,
      %swap3A_64 = vector.shape_cast %swap3A_63 : vector<1x16xf32> to vector<16xf32>
      %swap3A_65 = vector.shape_cast %broadcast_in_dim3A_60 : vector<16xf32> to vector<1x16xf32>
      tpu.vector_store %arg9[%swap3A_61, %swap3A_62], %swap3A_65 {strides = array<i32>} : memref<128x128xf32, #tpu.memory_space<vmem>>, vector<1x16xf32>,
      %broadcast_in_dim3A_66 = arith.constant 0.000000e+00 : f32
      %broadcast_in_dim3A_67 = vector.broadcast %broadcast_in_dim3A_66 : f32 to vector<16xf32>
      %swap3A_68 = arith.index_cast %scan3A_39 : i32 to index
      %swap3A_69 = arith.constant 64 : index
      %swap3A_70 = tpu.vector_load %arg9[%swap3A_68, %swap3A_69] {strides = array<i32>} : memref<128x128xf32, #tpu.memory_space<vmem>>, vector<1x16xf32>,
      %swap3A_71 = vector.shape_cast %swap3A_70 : vector<1x16xf32> to vector<16xf32>
      %swap3A_72 = vector.shape_cast %broadcast_in_dim3A_67 : vector<16xf32> to vector<1x16xf32>
      tpu.vector_store %arg9[%swap3A_68, %swap3A_69], %swap3A_72 {strides = array<i32>} : memref<128x128xf32, #tpu.memory_space<vmem>>, vector<1x16xf32>,
      %broadcast_in_dim3A_73 = arith.constant 0.000000e+00 : f32
      %broadcast_in_dim3A_74 = vector.broadcast %broadcast_in_dim3A_73 : f32 to vector<16xf32>
      %swap3A_75 = arith.index_cast %scan3A_39 : i32 to index
      %swap3A_76 = arith.constant 80 : index
      %swap3A_77 = tpu.vector_load %arg9[%swap3A_75, %swap3A_76] {strides = array<i32>} : memref<128x128xf32, #tpu.memory_space<vmem>>, vector<1x16xf32>,
      %swap3A_78 = vector.shape_cast %swap3A_77 : vector<1x16xf32> to vector<16xf32>
      %swap3A_79 = vector.shape_cast %broadcast_in_dim3A_74 : vector<16xf32> to vector<1x16xf32>
      tpu.vector_store %arg9[%swap3A_75, %swap3A_76], %swap3A_79 {strides = array<i32>} : memref<128x128xf32, #tpu.memory_space<vmem>>, vector<1x16xf32>,
      %broadcast_in_dim3A_80 = arith.constant 0.000000e+00 : f32
      %broadcast_in_dim3A_81 = vector.broadcast %broadcast_in_dim3A_80 : f32 to vector<16xf32>
      %swap3A_82 = arith.index_cast %scan3A_39 : i32 to index
      %swap3A_83 = arith.constant 96 : index
      %swap3A_84 = tpu.vector_load %arg9[%swap3A_82, %swap3A_83] {strides = array<i32>} : memref<128x128xf32, #tpu.memory_space<vmem>>, vector<1x16xf32>,
      %swap3A_85 = vector.shape_cast %swap3A_84 : vector<1x16xf32> to vector<16xf32>
      %swap3A_86 = vector.shape_cast %broadcast_in_dim3A_81 : vector<16xf32> to vector<1x16xf32>
      tpu.vector_store %arg9[%swap3A_82, %swap3A_83], %swap3A_86 {strides = array<i32>} : memref<128x128xf32, #tpu.memory_space<vmem>>, vector<1x16xf32>,
      %broadcast_in_dim3A_87 = arith.constant 0.000000e+00 : f32
      %broadcast_in_dim3A_88 = vector.broadcast %broadcast_in_dim3A_87 : f32 to vector<16xf32>
      %swap3A_89 = arith.index_cast %scan3A_39 : i32 to index
      %swap3A_90 = arith.constant 112 : index
      %swap3A_91 = tpu.vector_load %arg9[%swap3A_89, %swap3A_90] {strides = array<i32>} : memref<128x128xf32, #tpu.memory_space<vmem>>, vector<1x16xf32>,
      %swap3A_92 = vector.shape_cast %swap3A_91 : vector<1x16xf32> to vector<16xf32>
      %swap3A_93 = vector.shape_cast %broadcast_in_dim3A_88 : vector<16xf32> to vector<1x16xf32>
      tpu.vector_store %arg9[%swap3A_89, %swap3A_90], %swap3A_93 {strides = array<i32>} : memref<128x128xf32, #tpu.memory_space<vmem>>, vector<1x16xf32>,
    }
    %scan3A_7 = arith.constant 128 : i32
    %mul3A_8 = arith.constant 640 : i32
    %mul3A_9 = arith.muli %arg1, %mul3A_8 : i32
    %add3A_10 = arith.constant 0 : i32
    %add3A_11 = arith.addi %mul3A_9, %add3A_10 : i32
    "tpu.region"() ({
      %run_scoped3A = tpu.sem_alloc : memref<!tpu.dma_semaphore, #tpu.memory_space<semaphore_mem>>
      %dma_start3A = arith.constant 0 : i32
      %dma_start3A_39 = tpu.memref_slice %arg11[%add3A_11, %dma_start3A] : memref<10240x128xf32, #tpu.memory_space<vmem_shared>> -> memref<128x128xf32, #tpu.memory_space<vmem_shared>>
      %dma_start3A_40 = arith.constant 0 : i32
      %dma_start3A_41 = tpu.memref_slice %arg11[%add3A_11, %dma_start3A_40] : memref<10240x128xf32, #tpu.memory_space<vmem_shared>> -> memref<128x128xf32, #tpu.memory_space<vmem_shared>>
      tpu.enqueue_dma source(%arg9 : memref<128x128xf32, #tpu.memory_space<vmem>>) target(%dma_start3A_41 : memref<128x128xf32, #tpu.memory_space<vmem_shared>>) target_semaphore(%run_scoped3A : memref<!tpu.dma_semaphore, #tpu.memory_space<semaphore_mem>>)
      %dma_wait3A = arith.constant 0 : i32
      %dma_wait3A_42 = tpu.memref_slice %arg11[%add3A_11, %dma_wait3A] : memref<10240x128xf32, #tpu.memory_space<vmem_shared>> -> memref<128x128xf32, #tpu.memory_space<vmem_shared>>
      %dma_wait3A_43 = arith.constant 0 : i32
      %dma_wait3A_44 = tpu.memref_slice %arg11[%add3A_11, %dma_wait3A_43] : memref<10240x128xf32, #tpu.memory_space<vmem_shared>> -> memref<128x128xf32, #tpu.memory_space<vmem_shared>>
      tpu.wait_dma2 semaphore(%run_scoped3A : memref<!tpu.dma_semaphore, #tpu.memory_space<semaphore_mem>>) src(%arg9 : memref<128x128xf32, #tpu.memory_space<vmem>>) dst(%dma_wait3A_44 : memref<128x128xf32, #tpu.memory_space<vmem_shared>>)
      tpu.yield
    }) : () -> ()
    %mul3A_12 = arith.constant 640 : i32
    %mul3A_13 = arith.muli %arg1, %mul3A_12 : i32
    %add3A_14 = arith.constant 128 : i32
    %add3A_15 = arith.addi %mul3A_13, %add3A_14 : i32
    "tpu.region"() ({
      %run_scoped3A = tpu.sem_alloc : memref<!tpu.dma_semaphore, #tpu.memory_space<semaphore_mem>>
      %dma_start3A = arith.constant 0 : i32
      %dma_start3A_39 = tpu.memref_slice %arg11[%add3A_15, %dma_start3A] : memref<10240x128xf32, #tpu.memory_space<vmem_shared>> -> memref<128x128xf32, #tpu.memory_space<vmem_shared>>
      %dma_start3A_40 = arith.constant 0 : i32
      %dma_start3A_41 = tpu.memref_slice %arg11[%add3A_15, %dma_start3A_40] : memref<10240x128xf32, #tpu.memory_space<vmem_shared>> -> memref<128x128xf32, #tpu.memory_space<vmem_shared>>
      tpu.enqueue_dma source(%arg9 : memref<128x128xf32, #tpu.memory_space<vmem>>) target(%dma_start3A_41 : memref<128x128xf32, #tpu.memory_space<vmem_shared>>) target_semaphore(%run_scoped3A : memref<!tpu.dma_semaphore, #tpu.memory_space<semaphore_mem>>)
      %dma_wait3A = arith.constant 0 : i32
      %dma_wait3A_42 = tpu.memref_slice %arg11[%add3A_15, %dma_wait3A] : memref<10240x128xf32, #tpu.memory_space<vmem_shared>> -> memref<128x128xf32, #tpu.memory_space<vmem_shared>>
      %dma_wait3A_43 = arith.constant 0 : i32
      %dma_wait3A_44 = tpu.memref_slice %arg11[%add3A_15, %dma_wait3A_43] : memref<10240x128xf32, #tpu.memory_space<vmem_shared>> -> memref<128x128xf32, #tpu.memory_space<vmem_shared>>
      tpu.wait_dma2 semaphore(%run_scoped3A : memref<!tpu.dma_semaphore, #tpu.memory_space<semaphore_mem>>) src(%arg9 : memref<128x128xf32, #tpu.memory_space<vmem>>) dst(%dma_wait3A_44 : memref<128x128xf32, #tpu.memory_space<vmem_shared>>)
      tpu.yield
    }) : () -> ()
    %mul3A_16 = arith.constant 640 : i32
    %mul3A_17 = arith.muli %arg1, %mul3A_16 : i32
    %add3A_18 = arith.constant 256 : i32
    %add3A_19 = arith.addi %mul3A_17, %add3A_18 : i32
    "tpu.region"() ({
      %run_scoped3A = tpu.sem_alloc : memref<!tpu.dma_semaphore, #tpu.memory_space<semaphore_mem>>
      %dma_start3A = arith.constant 0 : i32
      %dma_start3A_39 = tpu.memref_slice %arg11[%add3A_19, %dma_start3A] : memref<10240x128xf32, #tpu.memory_space<vmem_shared>> -> memref<128x128xf32, #tpu.memory_space<vmem_shared>>
      %dma_start3A_40 = arith.constant 0 : i32
      %dma_start3A_41 = tpu.memref_slice %arg11[%add3A_19, %dma_start3A_40] : memref<10240x128xf32, #tpu.memory_space<vmem_shared>> -> memref<128x128xf32, #tpu.memory_space<vmem_shared>>
      tpu.enqueue_dma source(%arg9 : memref<128x128xf32, #tpu.memory_space<vmem>>) target(%dma_start3A_41 : memref<128x128xf32, #tpu.memory_space<vmem_shared>>) target_semaphore(%run_scoped3A : memref<!tpu.dma_semaphore, #tpu.memory_space<semaphore_mem>>)
      %dma_wait3A = arith.constant 0 : i32
      %dma_wait3A_42 = tpu.memref_slice %arg11[%add3A_19, %dma_wait3A] : memref<10240x128xf32, #tpu.memory_space<vmem_shared>> -> memref<128x128xf32, #tpu.memory_space<vmem_shared>>
      %dma_wait3A_43 = arith.constant 0 : i32
      %dma_wait3A_44 = tpu.memref_slice %arg11[%add3A_19, %dma_wait3A_43] : memref<10240x128xf32, #tpu.memory_space<vmem_shared>> -> memref<128x128xf32, #tpu.memory_space<vmem_shared>>
      tpu.wait_dma2 semaphore(%run_scoped3A : memref<!tpu.dma_semaphore, #tpu.memory_space<semaphore_mem>>) src(%arg9 : memref<128x128xf32, #tpu.memory_space<vmem>>) dst(%dma_wait3A_44 : memref<128x128xf32, #tpu.memory_space<vmem_shared>>)
      tpu.yield
    }) : () -> ()
    %mul3A_20 = arith.constant 640 : i32
    %mul3A_21 = arith.muli %arg1, %mul3A_20 : i32
    %add3A_22 = arith.constant 384 : i32
    %add3A_23 = arith.addi %mul3A_21, %add3A_22 : i32
    "tpu.region"() ({
      %run_scoped3A = tpu.sem_alloc : memref<!tpu.dma_semaphore, #tpu.memory_space<semaphore_mem>>
      %dma_start3A = arith.constant 0 : i32
      %dma_start3A_39 = tpu.memref_slice %arg11[%add3A_23, %dma_start3A] : memref<10240x128xf32, #tpu.memory_space<vmem_shared>> -> memref<128x128xf32, #tpu.memory_space<vmem_shared>>
      %dma_start3A_40 = arith.constant 0 : i32
      %dma_start3A_41 = tpu.memref_slice %arg11[%add3A_23, %dma_start3A_40] : memref<10240x128xf32, #tpu.memory_space<vmem_shared>> -> memref<128x128xf32, #tpu.memory_space<vmem_shared>>
      tpu.enqueue_dma source(%arg9 : memref<128x128xf32, #tpu.memory_space<vmem>>) target(%dma_start3A_41 : memref<128x128xf32, #tpu.memory_space<vmem_shared>>) target_semaphore(%run_scoped3A : memref<!tpu.dma_semaphore, #tpu.memory_space<semaphore_mem>>)
      %dma_wait3A = arith.constant 0 : i32
      %dma_wait3A_42 = tpu.memref_slice %arg11[%add3A_23, %dma_wait3A] : memref<10240x128xf32, #tpu.memory_space<vmem_shared>> -> memref<128x128xf32, #tpu.memory_space<vmem_shared>>
      %dma_wait3A_43 = arith.constant 0 : i32
      %dma_wait3A_44 = tpu.memref_slice %arg11[%add3A_23, %dma_wait3A_43] : memref<10240x128xf32, #tpu.memory_space<vmem_shared>> -> memref<128x128xf32, #tpu.memory_space<vmem_shared>>
      tpu.wait_dma2 semaphore(%run_scoped3A : memref<!tpu.dma_semaphore, #tpu.memory_space<semaphore_mem>>) src(%arg9 : memref<128x128xf32, #tpu.memory_space<vmem>>) dst(%dma_wait3A_44 : memref<128x128xf32, #tpu.memory_space<vmem_shared>>)
      tpu.yield
    }) : () -> ()
    %mul3A_24 = arith.constant 640 : i32
    %mul3A_25 = arith.muli %arg1, %mul3A_24 : i32
    %add3A_26 = arith.constant 512 : i32
    %add3A_27 = arith.addi %mul3A_25, %add3A_26 : i32
    "tpu.region"() ({
      %run_scoped3A = tpu.sem_alloc : memref<!tpu.dma_semaphore, #tpu.memory_space<semaphore_mem>>
      %dma_start3A = arith.constant 0 : i32
      %dma_start3A_39 = tpu.memref_slice %arg11[%add3A_27, %dma_start3A] : memref<10240x128xf32, #tpu.memory_space<vmem_shared>> -> memref<128x128xf32, #tpu.memory_space<vmem_shared>>
      %dma_start3A_40 = arith.constant 0 : i32
      %dma_start3A_41 = tpu.memref_slice %arg11[%add3A_27, %dma_start3A_40] : memref<10240x128xf32, #tpu.memory_space<vmem_shared>> -> memref<128x128xf32, #tpu.memory_space<vmem_shared>>
      tpu.enqueue_dma source(%arg9 : memref<128x128xf32, #tpu.memory_space<vmem>>) target(%dma_start3A_41 : memref<128x128xf32, #tpu.memory_space<vmem_shared>>) target_semaphore(%run_scoped3A : memref<!tpu.dma_semaphore, #tpu.memory_space<semaphore_mem>>)
      %dma_wait3A = arith.constant 0 : i32
      %dma_wait3A_42 = tpu.memref_slice %arg11[%add3A_27, %dma_wait3A] : memref<10240x128xf32, #tpu.memory_space<vmem_shared>> -> memref<128x128xf32, #tpu.memory_space<vmem_shared>>
      %dma_wait3A_43 = arith.constant 0 : i32
      %dma_wait3A_44 = tpu.memref_slice %arg11[%add3A_27, %dma_wait3A_43] : memref<10240x128xf32, #tpu.memory_space<vmem_shared>> -> memref<128x128xf32, #tpu.memory_space<vmem_shared>>
      tpu.wait_dma2 semaphore(%run_scoped3A : memref<!tpu.dma_semaphore, #tpu.memory_space<semaphore_mem>>) src(%arg9 : memref<128x128xf32, #tpu.memory_space<vmem>>) dst(%dma_wait3A_44 : memref<128x128xf32, #tpu.memory_space<vmem_shared>>)
      tpu.yield
    }) : () -> ()
    %barrier3A = arith.constant 0 : index
    tpu.barrier barrier_id(%barrier3A)
    %scan3A_28 = arith.constant 0 : i32
    %scan3A_29 = arith.constant 0 : i32
    %scan3A_30 = arith.constant 80 : i32
    %scan3A_31 = arith.addi %scan3A_29, %scan3A_30 : i32
    %scan3A_32 = arith.constant 1 : i32
    scf.for %scan3A_39 = %scan3A_29 to %scan3A_31 step %scan3A_32  : i32 {
      %mul3A_40 = arith.constant 128 : i32
      %mul3A_41 = arith.muli %scan3A_39, %mul3A_40 : i32
      %add3A_42 = arith.addi %mul3A_2, %mul3A_41 : i32
      "tpu.region"() ({
        %run_scoped3A_53 = tpu.sem_alloc : memref<!tpu.dma_semaphore, #tpu.memory_space<semaphore_mem>>
        %dma_start3A_54 = tpu.memref_slice %arg3[%add3A_42] : memref<327680xi32, #tpu.memory_space<hbm>> -> memref<128xi32, #tpu.memory_space<hbm>>
        %dma_start3A_55 = tpu.memref_slice %arg3[%add3A_42] : memref<327680xi32, #tpu.memory_space<hbm>> -> memref<128xi32, #tpu.memory_space<hbm>>
        tpu.enqueue_dma source(%dma_start3A_55 : memref<128xi32, #tpu.memory_space<hbm>>) target(%arg7 : memref<128xi32, #tpu.memory_space<vmem>>) target_semaphore(%run_scoped3A_53 : memref<!tpu.dma_semaphore, #tpu.memory_space<semaphore_mem>>)
        %dma_wait3A_56 = tpu.memref_slice %arg3[%add3A_42] : memref<327680xi32, #tpu.memory_space<hbm>> -> memref<128xi32, #tpu.memory_space<hbm>>
        %dma_wait3A_57 = tpu.memref_slice %arg3[%add3A_42] : memref<327680xi32, #tpu.memory_space<hbm>> -> memref<128xi32, #tpu.memory_space<hbm>>
        tpu.wait_dma2 semaphore(%run_scoped3A_53 : memref<!tpu.dma_semaphore, #tpu.memory_space<semaphore_mem>>) src(%dma_wait3A_57 : memref<128xi32, #tpu.memory_space<hbm>>) dst(%arg7 : memref<128xi32, #tpu.memory_space<vmem>>)
        tpu.yield
      }) : () -> ()
      "tpu.region"() ({
        %run_scoped3A_53 = tpu.sem_alloc : memref<!tpu.dma_semaphore, #tpu.memory_space<semaphore_mem>>
        %dma_start3A_54 = tpu.memref_slice %arg4[%add3A_42] : memref<327680xi32, #tpu.memory_space<hbm>> -> memref<128xi32, #tpu.memory_space<hbm>>
        %dma_start3A_55 = tpu.memref_slice %arg4[%add3A_42] : memref<327680xi32, #tpu.memory_space<hbm>> -> memref<128xi32, #tpu.memory_space<hbm>>
        tpu.enqueue_dma source(%dma_start3A_55 : memref<128xi32, #tpu.memory_space<hbm>>) target(%arg8 : memref<128xi32, #tpu.memory_space<vmem>>) target_semaphore(%run_scoped3A_53 : memref<!tpu.dma_semaphore, #tpu.memory_space<semaphore_mem>>)
        %dma_wait3A_56 = tpu.memref_slice %arg4[%add3A_42] : memref<327680xi32, #tpu.memory_space<hbm>> -> memref<128xi32, #tpu.memory_space<hbm>>
        %dma_wait3A_57 = tpu.memref_slice %arg4[%add3A_42] : memref<327680xi32, #tpu.memory_space<hbm>> -> memref<128xi32, #tpu.memory_space<hbm>>
        tpu.wait_dma2 semaphore(%run_scoped3A_53 : memref<!tpu.dma_semaphore, #tpu.memory_space<semaphore_mem>>) src(%dma_wait3A_57 : memref<128xi32, #tpu.memory_space<hbm>>) dst(%arg8 : memref<128xi32, #tpu.memory_space<vmem>>)
        tpu.yield
      }) : () -> ()
      %run_scoped3A = arith.constant 1 : i32
      "tpu.region"() ({
        %run_scoped3A_53 = tpu.sem_alloc : memref<!tpu.dma_semaphore, #tpu.memory_space<semaphore_mem>>
        %dma_start3A_54 = arith.constant 0 : i32
        %dma_start3A_55 = tpu.memref_slice %arg2[%run_scoped3A, %add3A_42, %dma_start3A_54] : memref<4x327680x128xf32, #tpu.memory_space<hbm>> -> memref<1x128x128xf32, #tpu.memory_space<hbm>>
        %dma_start3A_56 = tpu.memref_squeeze %dma_start3A_55 : memref<1x128x128xf32, #tpu.memory_space<hbm>> -> memref<128x128xf32, #tpu.memory_space<hbm>>
        %dma_start3A_57 = arith.constant 0 : i32
        %dma_start3A_58 = tpu.memref_slice %arg2[%run_scoped3A, %add3A_42, %dma_start3A_57] : memref<4x327680x128xf32, #tpu.memory_space<hbm>> -> memref<1x128x128xf32, #tpu.memory_space<hbm>>
        %dma_start3A_59 = tpu.memref_squeeze %dma_start3A_58 : memref<1x128x128xf32, #tpu.memory_space<hbm>> -> memref<128x128xf32, #tpu.memory_space<hbm>>
        tpu.enqueue_dma source(%dma_start3A_59 : memref<128x128xf32, #tpu.memory_space<hbm>>) target(%arg10 : memref<128x128xf32, #tpu.memory_space<vmem>>) target_semaphore(%run_scoped3A_53 : memref<!tpu.dma_semaphore, #tpu.memory_space<semaphore_mem>>)
        %dma_wait3A_60 = arith.constant 0 : i32
        %dma_wait3A_61 = tpu.memref_slice %arg2[%run_scoped3A, %add3A_42, %dma_wait3A_60] : memref<4x327680x128xf32, #tpu.memory_space<hbm>> -> memref<1x128x128xf32, #tpu.memory_space<hbm>>
        %dma_wait3A_62 = tpu.memref_squeeze %dma_wait3A_61 : memref<1x128x128xf32, #tpu.memory_space<hbm>> -> memref<128x128xf32, #tpu.memory_space<hbm>>
        %dma_wait3A_63 = arith.constant 0 : i32
        %dma_wait3A_64 = tpu.memref_slice %arg2[%run_scoped3A, %add3A_42, %dma_wait3A_63] : memref<4x327680x128xf32, #tpu.memory_space<hbm>> -> memref<1x128x128xf32, #tpu.memory_space<hbm>>
        %dma_wait3A_65 = tpu.memref_squeeze %dma_wait3A_64 : memref<1x128x128xf32, #tpu.memory_space<hbm>> -> memref<128x128xf32, #tpu.memory_space<hbm>>
        tpu.wait_dma2 semaphore(%run_scoped3A_53 : memref<!tpu.dma_semaphore, #tpu.memory_space<semaphore_mem>>) src(%dma_wait3A_65 : memref<128x128xf32, #tpu.memory_space<hbm>>) dst(%arg10 : memref<128x128xf32, #tpu.memory_space<vmem>>)
        tpu.yield
      }) : () -> ()
      %dma_start3A = arith.constant 0 : i32
      %dma_start3A_43 = arith.constant 0 : i32
      %dma_start3A_44 = tpu.memref_slice %arg5[%dma_start3A, %dma_start3A_43] : memref<10000x128xf32, #tpu.memory_space<hbm>> -> memref<10000x128xf32, #tpu.memory_space<hbm>>
      tpu.enqueue_indirect_dma source(%dma_start3A_44 : memref<10000x128xf32, #tpu.memory_space<hbm>>) target(%arg9 : memref<128x128xf32, #tpu.memory_space<vmem>>) offsets(%arg7 : memref<128xi32, #tpu.memory_space<vmem>>) semaphore(%arg12 : memref<!tpu.dma_semaphore, #tpu.memory_space<semaphore_mem>>)
      %dma_wait3A = arith.constant 0 : i32
      %dma_wait3A_45 = arith.constant 0 : i32
      %dma_wait3A_46 = tpu.memref_slice %arg5[%dma_wait3A, %dma_wait3A_45] : memref<10000x128xf32, #tpu.memory_space<hbm>> -> memref<10000x128xf32, #tpu.memory_space<hbm>>
      tpu.wait_indirect_dma semaphore(%arg12 : memref<!tpu.dma_semaphore, #tpu.memory_space<semaphore_mem>>) src(%dma_wait3A_46 : memref<10000x128xf32, #tpu.memory_space<hbm>>) dst(%arg9 : memref<128x128xf32, #tpu.memory_space<vmem>>)
      %scan3A_47 = arith.constant 0 : i32
      %scan3A_48 = arith.constant 0 : i32
      %scan3A_49 = arith.constant 128 : i32
      %scan3A_50 = arith.addi %scan3A_48, %scan3A_49 : i32
      %scan3A_51 = arith.constant 1 : i32
      scf.for %scan3A_53 = %scan3A_48 to %scan3A_50 step %scan3A_51  : i32 {
        %get3A = arith.index_cast %scan3A_53 : i32 to index
        %get3A_54 = arith.constant 0 : index
        %get3A_55 = tpu.vector_load %arg9[%get3A, %get3A_54] {strides = array<i32>} : memref<128x128xf32, #tpu.memory_space<vmem>>, vector<1x16xf32>,
        %get3A_56 = vector.shape_cast %get3A_55 : vector<1x16xf32> to vector<16xf32>
        %get3A_57 = arith.index_cast %scan3A_53 : i32 to index
        %get3A_58 = arith.constant 0 : index
        %get3A_59 = tpu.vector_load %arg10[%get3A_57, %get3A_58] {strides = array<i32>} : memref<128x128xf32, #tpu.memory_space<vmem>>, vector<1x16xf32>,
        %get3A_60 = vector.shape_cast %get3A_59 : vector<1x16xf32> to vector<16xf32>
        %add3A_61 = arith.addf %get3A_56, %get3A_60 : vector<16xf32>
        %max3A = arith.constant 0.000000e+00 : f32
        %max3A_62 = vector.broadcast %max3A : f32 to vector<16xf32>
        %max3A_63 = arith.maximumf %add3A_61, %max3A_62 : vector<16xf32>
        %swap3A = arith.index_cast %scan3A_53 : i32 to index
        %swap3A_64 = arith.constant 0 : index
        %swap3A_65 = tpu.vector_load %arg9[%swap3A, %swap3A_64] {strides = array<i32>} : memref<128x128xf32, #tpu.memory_space<vmem>>, vector<1x16xf32>,
        %swap3A_66 = vector.shape_cast %swap3A_65 : vector<1x16xf32> to vector<16xf32>
        %swap3A_67 = vector.shape_cast %max3A_63 : vector<16xf32> to vector<1x16xf32>
        tpu.vector_store %arg9[%swap3A, %swap3A_64], %swap3A_67 {strides = array<i32>} : memref<128x128xf32, #tpu.memory_space<vmem>>, vector<1x16xf32>,
        %get3A_68 = arith.index_cast %scan3A_53 : i32 to index
        %get3A_69 = arith.constant 16 : index
        %get3A_70 = tpu.vector_load %arg9[%get3A_68, %get3A_69] {strides = array<i32>} : memref<128x128xf32, #tpu.memory_space<vmem>>, vector<1x16xf32>,
        %get3A_71 = vector.shape_cast %get3A_70 : vector<1x16xf32> to vector<16xf32>
        %get3A_72 = arith.index_cast %scan3A_53 : i32 to index
        %get3A_73 = arith.constant 16 : index
        %get3A_74 = tpu.vector_load %arg10[%get3A_72, %get3A_73] {strides = array<i32>} : memref<128x128xf32, #tpu.memory_space<vmem>>, vector<1x16xf32>,
        %get3A_75 = vector.shape_cast %get3A_74 : vector<1x16xf32> to vector<16xf32>
        %add3A_76 = arith.addf %get3A_71, %get3A_75 : vector<16xf32>
        %max3A_77 = arith.constant 0.000000e+00 : f32
        %max3A_78 = vector.broadcast %max3A_77 : f32 to vector<16xf32>
        %max3A_79 = arith.maximumf %add3A_76, %max3A_78 : vector<16xf32>
        %swap3A_80 = arith.index_cast %scan3A_53 : i32 to index
        %swap3A_81 = arith.constant 16 : index
        %swap3A_82 = tpu.vector_load %arg9[%swap3A_80, %swap3A_81] {strides = array<i32>} : memref<128x128xf32, #tpu.memory_space<vmem>>, vector<1x16xf32>,
        %swap3A_83 = vector.shape_cast %swap3A_82 : vector<1x16xf32> to vector<16xf32>
        %swap3A_84 = vector.shape_cast %max3A_79 : vector<16xf32> to vector<1x16xf32>
        tpu.vector_store %arg9[%swap3A_80, %swap3A_81], %swap3A_84 {strides = array<i32>} : memref<128x128xf32, #tpu.memory_space<vmem>>, vector<1x16xf32>,
        %get3A_85 = arith.index_cast %scan3A_53 : i32 to index
        %get3A_86 = arith.constant 32 : index
        %get3A_87 = tpu.vector_load %arg9[%get3A_85, %get3A_86] {strides = array<i32>} : memref<128x128xf32, #tpu.memory_space<vmem>>, vector<1x16xf32>,
        %get3A_88 = vector.shape_cast %get3A_87 : vector<1x16xf32> to vector<16xf32>
        %get3A_89 = arith.index_cast %scan3A_53 : i32 to index
        %get3A_90 = arith.constant 32 : index
        %get3A_91 = tpu.vector_load %arg10[%get3A_89, %get3A_90] {strides = array<i32>} : memref<128x128xf32, #tpu.memory_space<vmem>>, vector<1x16xf32>,
        %get3A_92 = vector.shape_cast %get3A_91 : vector<1x16xf32> to vector<16xf32>
        %add3A_93 = arith.addf %get3A_88, %get3A_92 : vector<16xf32>
        %max3A_94 = arith.constant 0.000000e+00 : f32
        %max3A_95 = vector.broadcast %max3A_94 : f32 to vector<16xf32>
        %max3A_96 = arith.maximumf %add3A_93, %max3A_95 : vector<16xf32>
        %swap3A_97 = arith.index_cast %scan3A_53 : i32 to index
        %swap3A_98 = arith.constant 32 : index
        %swap3A_99 = tpu.vector_load %arg9[%swap3A_97, %swap3A_98] {strides = array<i32>} : memref<128x128xf32, #tpu.memory_space<vmem>>, vector<1x16xf32>,
        %swap3A_100 = vector.shape_cast %swap3A_99 : vector<1x16xf32> to vector<16xf32>
        %swap3A_101 = vector.shape_cast %max3A_96 : vector<16xf32> to vector<1x16xf32>
        tpu.vector_store %arg9[%swap3A_97, %swap3A_98], %swap3A_101 {strides = array<i32>} : memref<128x128xf32, #tpu.memory_space<vmem>>, vector<1x16xf32>,
        %get3A_102 = arith.index_cast %scan3A_53 : i32 to index
        %get3A_103 = arith.constant 48 : index
        %get3A_104 = tpu.vector_load %arg9[%get3A_102, %get3A_103] {strides = array<i32>} : memref<128x128xf32, #tpu.memory_space<vmem>>, vector<1x16xf32>,
        %get3A_105 = vector.shape_cast %get3A_104 : vector<1x16xf32> to vector<16xf32>
        %get3A_106 = arith.index_cast %scan3A_53 : i32 to index
        %get3A_107 = arith.constant 48 : index
        %get3A_108 = tpu.vector_load %arg10[%get3A_106, %get3A_107] {strides = array<i32>} : memref<128x128xf32, #tpu.memory_space<vmem>>, vector<1x16xf32>,
        %get3A_109 = vector.shape_cast %get3A_108 : vector<1x16xf32> to vector<16xf32>
        %add3A_110 = arith.addf %get3A_105, %get3A_109 : vector<16xf32>
        %max3A_111 = arith.constant 0.000000e+00 : f32
        %max3A_112 = vector.broadcast %max3A_111 : f32 to vector<16xf32>
        %max3A_113 = arith.maximumf %add3A_110, %max3A_112 : vector<16xf32>
        %swap3A_114 = arith.index_cast %scan3A_53 : i32 to index
        %swap3A_115 = arith.constant 48 : index
        %swap3A_116 = tpu.vector_load %arg9[%swap3A_114, %swap3A_115] {strides = array<i32>} : memref<128x128xf32, #tpu.memory_space<vmem>>, vector<1x16xf32>,
        %swap3A_117 = vector.shape_cast %swap3A_116 : vector<1x16xf32> to vector<16xf32>
        %swap3A_118 = vector.shape_cast %max3A_113 : vector<16xf32> to vector<1x16xf32>
        tpu.vector_store %arg9[%swap3A_114, %swap3A_115], %swap3A_118 {strides = array<i32>} : memref<128x128xf32, #tpu.memory_space<vmem>>, vector<1x16xf32>,
        %get3A_119 = arith.index_cast %scan3A_53 : i32 to index
        %get3A_120 = arith.constant 64 : index
        %get3A_121 = tpu.vector_load %arg9[%get3A_119, %get3A_120] {strides = array<i32>} : memref<128x128xf32, #tpu.memory_space<vmem>>, vector<1x16xf32>,
        %get3A_122 = vector.shape_cast %get3A_121 : vector<1x16xf32> to vector<16xf32>
        %get3A_123 = arith.index_cast %scan3A_53 : i32 to index
        %get3A_124 = arith.constant 64 : index
        %get3A_125 = tpu.vector_load %arg10[%get3A_123, %get3A_124] {strides = array<i32>} : memref<128x128xf32, #tpu.memory_space<vmem>>, vector<1x16xf32>,
        %get3A_126 = vector.shape_cast %get3A_125 : vector<1x16xf32> to vector<16xf32>
        %add3A_127 = arith.addf %get3A_122, %get3A_126 : vector<16xf32>
        %max3A_128 = arith.constant 0.000000e+00 : f32
        %max3A_129 = vector.broadcast %max3A_128 : f32 to vector<16xf32>
        %max3A_130 = arith.maximumf %add3A_127, %max3A_129 : vector<16xf32>
        %swap3A_131 = arith.index_cast %scan3A_53 : i32 to index
        %swap3A_132 = arith.constant 64 : index
        %swap3A_133 = tpu.vector_load %arg9[%swap3A_131, %swap3A_132] {strides = array<i32>} : memref<128x128xf32, #tpu.memory_space<vmem>>, vector<1x16xf32>,
        %swap3A_134 = vector.shape_cast %swap3A_133 : vector<1x16xf32> to vector<16xf32>
        %swap3A_135 = vector.shape_cast %max3A_130 : vector<16xf32> to vector<1x16xf32>
        tpu.vector_store %arg9[%swap3A_131, %swap3A_132], %swap3A_135 {strides = array<i32>} : memref<128x128xf32, #tpu.memory_space<vmem>>, vector<1x16xf32>,
        %get3A_136 = arith.index_cast %scan3A_53 : i32 to index
        %get3A_137 = arith.constant 80 : index
        %get3A_138 = tpu.vector_load %arg9[%get3A_136, %get3A_137] {strides = array<i32>} : memref<128x128xf32, #tpu.memory_space<vmem>>, vector<1x16xf32>,
        %get3A_139 = vector.shape_cast %get3A_138 : vector<1x16xf32> to vector<16xf32>
        %get3A_140 = arith.index_cast %scan3A_53 : i32 to index
        %get3A_141 = arith.constant 80 : index
        %get3A_142 = tpu.vector_load %arg10[%get3A_140, %get3A_141] {strides = array<i32>} : memref<128x128xf32, #tpu.memory_space<vmem>>, vector<1x16xf32>,
        %get3A_143 = vector.shape_cast %get3A_142 : vector<1x16xf32> to vector<16xf32>
        %add3A_144 = arith.addf %get3A_139, %get3A_143 : vector<16xf32>
        %max3A_145 = arith.constant 0.000000e+00 : f32
        %max3A_146 = vector.broadcast %max3A_145 : f32 to vector<16xf32>
        %max3A_147 = arith.maximumf %add3A_144, %max3A_146 : vector<16xf32>
        %swap3A_148 = arith.index_cast %scan3A_53 : i32 to index
        %swap3A_149 = arith.constant 80 : index
        %swap3A_150 = tpu.vector_load %arg9[%swap3A_148, %swap3A_149] {strides = array<i32>} : memref<128x128xf32, #tpu.memory_space<vmem>>, vector<1x16xf32>,
        %swap3A_151 = vector.shape_cast %swap3A_150 : vector<1x16xf32> to vector<16xf32>
        %swap3A_152 = vector.shape_cast %max3A_147 : vector<16xf32> to vector<1x16xf32>
        tpu.vector_store %arg9[%swap3A_148, %swap3A_149], %swap3A_152 {strides = array<i32>} : memref<128x128xf32, #tpu.memory_space<vmem>>, vector<1x16xf32>,
        %get3A_153 = arith.index_cast %scan3A_53 : i32 to index
        %get3A_154 = arith.constant 96 : index
        %get3A_155 = tpu.vector_load %arg9[%get3A_153, %get3A_154] {strides = array<i32>} : memref<128x128xf32, #tpu.memory_space<vmem>>, vector<1x16xf32>,
        %get3A_156 = vector.shape_cast %get3A_155 : vector<1x16xf32> to vector<16xf32>
        %get3A_157 = arith.index_cast %scan3A_53 : i32 to index
        %get3A_158 = arith.constant 96 : index
        %get3A_159 = tpu.vector_load %arg10[%get3A_157, %get3A_158] {strides = array<i32>} : memref<128x128xf32, #tpu.memory_space<vmem>>, vector<1x16xf32>,
        %get3A_160 = vector.shape_cast %get3A_159 : vector<1x16xf32> to vector<16xf32>
        %add3A_161 = arith.addf %get3A_156, %get3A_160 : vector<16xf32>
        %max3A_162 = arith.constant 0.000000e+00 : f32
        %max3A_163 = vector.broadcast %max3A_162 : f32 to vector<16xf32>
        %max3A_164 = arith.maximumf %add3A_161, %max3A_163 : vector<16xf32>
        %swap3A_165 = arith.index_cast %scan3A_53 : i32 to index
        %swap3A_166 = arith.constant 96 : index
        %swap3A_167 = tpu.vector_load %arg9[%swap3A_165, %swap3A_166] {strides = array<i32>} : memref<128x128xf32, #tpu.memory_space<vmem>>, vector<1x16xf32>,
        %swap3A_168 = vector.shape_cast %swap3A_167 : vector<1x16xf32> to vector<16xf32>
        %swap3A_169 = vector.shape_cast %max3A_164 : vector<16xf32> to vector<1x16xf32>
        tpu.vector_store %arg9[%swap3A_165, %swap3A_166], %swap3A_169 {strides = array<i32>} : memref<128x128xf32, #tpu.memory_space<vmem>>, vector<1x16xf32>,
        %get3A_170 = arith.index_cast %scan3A_53 : i32 to index
        %get3A_171 = arith.constant 112 : index
        %get3A_172 = tpu.vector_load %arg9[%get3A_170, %get3A_171] {strides = array<i32>} : memref<128x128xf32, #tpu.memory_space<vmem>>, vector<1x16xf32>,
        %get3A_173 = vector.shape_cast %get3A_172 : vector<1x16xf32> to vector<16xf32>
        %get3A_174 = arith.index_cast %scan3A_53 : i32 to index
        %get3A_175 = arith.constant 112 : index
        %get3A_176 = tpu.vector_load %arg10[%get3A_174, %get3A_175] {strides = array<i32>} : memref<128x128xf32, #tpu.memory_space<vmem>>, vector<1x16xf32>,
        %get3A_177 = vector.shape_cast %get3A_176 : vector<1x16xf32> to vector<16xf32>
        %add3A_178 = arith.addf %get3A_173, %get3A_177 : vector<16xf32>
        %max3A_179 = arith.constant 0.000000e+00 : f32
        %max3A_180 = vector.broadcast %max3A_179 : f32 to vector<16xf32>
        %max3A_181 = arith.maximumf %add3A_178, %max3A_180 : vector<16xf32>
        %swap3A_182 = arith.index_cast %scan3A_53 : i32 to index
        %swap3A_183 = arith.constant 112 : index
        %swap3A_184 = tpu.vector_load %arg9[%swap3A_182, %swap3A_183] {strides = array<i32>} : memref<128x128xf32, #tpu.memory_space<vmem>>, vector<1x16xf32>,
        %swap3A_185 = vector.shape_cast %swap3A_184 : vector<1x16xf32> to vector<16xf32>
        %swap3A_186 = vector.shape_cast %max3A_181 : vector<16xf32> to vector<1x16xf32>
        tpu.vector_store %arg9[%swap3A_182, %swap3A_183], %swap3A_186 {strides = array<i32>} : memref<128x128xf32, #tpu.memory_space<vmem>>, vector<1x16xf32>,
      }
      %scan3A_52 = arith.constant 128 : i32
      "tpu.region"() ({
        %run_scoped3A_53 = tpu.sem_alloc : memref<!tpu.dma_semaphore, #tpu.memory_space<semaphore_mem>>
        %dma_start3A_54 = arith.constant 0 : i32
        %dma_start3A_55 = arith.constant 0 : i32
        %dma_start3A_56 = tpu.memref_slice %arg11[%dma_start3A_54, %dma_start3A_55] : memref<10240x128xf32, #tpu.memory_space<vmem_shared>> -> memref<10240x128xf32, #tpu.memory_space<vmem_shared>>
        tpu.enqueue_indirect_dma source(%arg9 : memref<128x128xf32, #tpu.memory_space<vmem>>) target(%dma_start3A_56 : memref<10240x128xf32, #tpu.memory_space<vmem_shared>>) offsets(%arg8 : memref<128xi32, #tpu.memory_space<vmem>>) semaphore(%run_scoped3A_53 : memref<!tpu.dma_semaphore, #tpu.memory_space<semaphore_mem>>) {add = true}
        %dma_wait3A_57 = arith.constant 0 : i32
        %dma_wait3A_58 = arith.constant 0 : i32
        %dma_wait3A_59 = tpu.memref_slice %arg11[%dma_wait3A_57, %dma_wait3A_58] : memref<10240x128xf32, #tpu.memory_space<vmem_shared>> -> memref<10240x128xf32, #tpu.memory_space<vmem_shared>>
        tpu.wait_indirect_dma semaphore(%run_scoped3A_53 : memref<!tpu.dma_semaphore, #tpu.memory_space<semaphore_mem>>) src(%arg9 : memref<128x128xf32, #tpu.memory_space<vmem>>) dst(%dma_wait3A_59 : memref<10240x128xf32, #tpu.memory_space<vmem_shared>>)
        tpu.yield
      }) : () -> ()
    }
    %scan3A_33 = arith.constant 80 : i32
    %barrier3A_34 = arith.constant 0 : index
    tpu.barrier barrier_id(%barrier3A_34)
    %mul3A_35 = arith.constant 640 : i32
    %mul3A_36 = arith.muli %arg1, %mul3A_35 : i32
    %mul3A_37 = arith.constant 640 : i32
    %mul3A_38 = arith.muli %arg1, %mul3A_37 : i32
    "tpu.region"() ({
      %run_scoped3A = tpu.sem_alloc : memref<!tpu.dma_semaphore, #tpu.memory_space<semaphore_mem>>
      %dma_start3A = arith.constant 0 : i32
      %dma_start3A_39 = tpu.memref_slice %arg6[%arg0, %mul3A_38, %dma_start3A] : memref<2x10240x128xf32, #tpu.memory_space<hbm>> -> memref<1x640x128xf32, #tpu.memory_space<hbm>>
      %dma_start3A_40 = tpu.memref_squeeze %dma_start3A_39 : memref<1x640x128xf32, #tpu.memory_space<hbm>> -> memref<640x128xf32, #tpu.memory_space<hbm>>
      %dma_start3A_41 = arith.constant 0 : i32
      %dma_start3A_42 = tpu.memref_slice %arg11[%mul3A_36, %dma_start3A_41] : memref<10240x128xf32, #tpu.memory_space<vmem_shared>> -> memref<640x128xf32, #tpu.memory_space<vmem_shared>>
      tpu.enqueue_dma source(%dma_start3A_42 : memref<640x128xf32, #tpu.memory_space<vmem_shared>>) target(%dma_start3A_40 : memref<640x128xf32, #tpu.memory_space<hbm>>) target_semaphore(%run_scoped3A : memref<!tpu.dma_semaphore, #tpu.memory_space<semaphore_mem>>)
      %dma_wait3A = arith.constant 0 : i32
      %dma_wait3A_43 = tpu.memref_slice %arg6[%arg0, %mul3A_38, %dma_wait3A] : memref<2x10240x128xf32, #tpu.memory_space<hbm>> -> memref<1x640x128xf32, #tpu.memory_space<hbm>>
      %dma_wait3A_44 = tpu.memref_squeeze %dma_wait3A_43 : memref<1x640x128xf32, #tpu.memory_space<hbm>> -> memref<640x128xf32, #tpu.memory_space<hbm>>
      %dma_wait3A_45 = arith.constant 0 : i32
      %dma_wait3A_46 = tpu.memref_slice %arg11[%mul3A_36, %dma_wait3A_45] : memref<10240x128xf32, #tpu.memory_space<vmem_shared>> -> memref<640x128xf32, #tpu.memory_space<vmem_shared>>
      tpu.wait_dma2 semaphore(%run_scoped3A : memref<!tpu.dma_semaphore, #tpu.memory_space<semaphore_mem>>) src(%dma_wait3A_46 : memref<640x128xf32, #tpu.memory_space<vmem_shared>>) dst(%dma_wait3A_44 : memref<640x128xf32, #tpu.memory_space<hbm>>)
      tpu.yield
    }) : () -> ()
    return
  }
}

#map = affine_map<(d0, d1) -> (0)>
#map1 = affine_map<(d0, d1) -> (0, 0, 0)>
module attributes {stable_mosaic.version = 14 : i64} {
  func.func @_sc_pool(%arg0: i32, %arg1: i32, %arg2: memref<327680xi32, #tpu.memory_space<hbm>>, %arg3: memref<327680xi32, #tpu.memory_space<hbm>>, %arg4: memref<40000xf32, #tpu.memory_space<hbm>>, %arg5: memref<2x1x40960xf32, #tpu.memory_space<hbm>>, %arg6: memref<128xi32, #tpu.memory_space<vmem>>, %arg7: memref<128xi32, #tpu.memory_space<vmem>>, %arg8: memref<40000xf32, #tpu.memory_space<vmem>>, %arg9: memref<40960xf32, #tpu.memory_space<vmem>>, %arg10: memref<2560xf32, #tpu.memory_space<vmem>>, %arg11: memref<16x1x40960xf32, #tpu.memory_space<vmem_shared>>, %arg12: memref<!tpu.dma_semaphore, #tpu.memory_space<semaphore_mem>>) attributes {dimension_semantics = [#tpu.dimension_semantics<core_parallel>, #tpu.dimension_semantics<subcore_parallel>], iteration_bounds = array<i64: 2, 16>, scalar_prefetch = 0 : i64, scratch_operands = 7 : i64, tpu.core_type = #tpu.core_type<sc_vector_subcore>, window_params = [{transform_indices = #map}, {transform_indices = #map}, {transform_indices = #map}, {transform_indices = #map1}]} {
    %mul3A = arith.constant 2 : i32
    %mul3A_0 = arith.muli %arg1, %mul3A : i32
    %add3A = arith.addi %mul3A_0, %arg0 : i32
    %mul3A_1 = arith.constant 10240 : i32
    %mul3A_2 = arith.muli %add3A, %mul3A_1 : i32
    %scan3A = arith.constant 0 : i32
    %scan3A_3 = arith.constant 0 : i32
    %scan3A_4 = arith.constant 2560 : i32
    %scan3A_5 = arith.addi %scan3A_3, %scan3A_4 : i32
    %scan3A_6 = arith.constant 1 : i32
    scf.for %scan3A_25 = %scan3A_3 to %scan3A_5 step %scan3A_6  : i32 {
      %broadcast_in_dim3A = arith.constant 0.000000e+00 : f32
      %broadcast_in_dim3A_26 = vector.broadcast %broadcast_in_dim3A : f32 to vector<16xf32>
      %mul3A_27 = arith.constant 16 : i32
      %mul3A_28 = arith.muli %scan3A_25, %mul3A_27 : i32
      %swap3A = arith.index_cast %mul3A_28 : i32 to index
      %swap3A_29 = tpu.vector_load %arg9[%swap3A] {strides = array<i32>} : memref<40960xf32, #tpu.memory_space<vmem>>, vector<16xf32>,
      tpu.vector_store %arg9[%swap3A], %broadcast_in_dim3A_26 {strides = array<i32>} : memref<40960xf32, #tpu.memory_space<vmem>>, vector<16xf32>,
    }
    %scan3A_7 = arith.constant 2560 : i32
    "tpu.region"() ({
      %run_scoped3A_25 = tpu.sem_alloc : memref<!tpu.dma_semaphore, #tpu.memory_space<semaphore_mem>>
      tpu.enqueue_dma source(%arg4 : memref<40000xf32, #tpu.memory_space<hbm>>) target(%arg8 : memref<40000xf32, #tpu.memory_space<vmem>>) target_semaphore(%run_scoped3A_25 : memref<!tpu.dma_semaphore, #tpu.memory_space<semaphore_mem>>)
      tpu.wait_dma2 semaphore(%run_scoped3A_25 : memref<!tpu.dma_semaphore, #tpu.memory_space<semaphore_mem>>) src(%arg4 : memref<40000xf32, #tpu.memory_space<hbm>>) dst(%arg8 : memref<40000xf32, #tpu.memory_space<vmem>>)
      tpu.yield
    }) : () -> ()
    %scan3A_8 = arith.constant 0 : i32
    %scan3A_9 = arith.constant 0 : i32
    %scan3A_10 = arith.constant 80 : i32
    %scan3A_11 = arith.addi %scan3A_9, %scan3A_10 : i32
    %scan3A_12 = arith.constant 1 : i32
    scf.for %scan3A_25 = %scan3A_9 to %scan3A_11 step %scan3A_12  : i32 {
      %mul3A_26 = arith.constant 128 : i32
      %mul3A_27 = arith.muli %scan3A_25, %mul3A_26 : i32
      %add3A_28 = arith.addi %mul3A_2, %mul3A_27 : i32
      "tpu.region"() ({
        %run_scoped3A_331 = tpu.sem_alloc : memref<!tpu.dma_semaphore, #tpu.memory_space<semaphore_mem>>
        %dma_start3A = tpu.memref_slice %arg2[%add3A_28] : memref<327680xi32, #tpu.memory_space<hbm>> -> memref<128xi32, #tpu.memory_space<hbm>>
        %dma_start3A_332 = tpu.memref_slice %arg2[%add3A_28] : memref<327680xi32, #tpu.memory_space<hbm>> -> memref<128xi32, #tpu.memory_space<hbm>>
        tpu.enqueue_dma source(%dma_start3A_332 : memref<128xi32, #tpu.memory_space<hbm>>) target(%arg6 : memref<128xi32, #tpu.memory_space<vmem>>) target_semaphore(%run_scoped3A_331 : memref<!tpu.dma_semaphore, #tpu.memory_space<semaphore_mem>>)
        %dma_wait3A = tpu.memref_slice %arg2[%add3A_28] : memref<327680xi32, #tpu.memory_space<hbm>> -> memref<128xi32, #tpu.memory_space<hbm>>
        %dma_wait3A_333 = tpu.memref_slice %arg2[%add3A_28] : memref<327680xi32, #tpu.memory_space<hbm>> -> memref<128xi32, #tpu.memory_space<hbm>>
        tpu.wait_dma2 semaphore(%run_scoped3A_331 : memref<!tpu.dma_semaphore, #tpu.memory_space<semaphore_mem>>) src(%dma_wait3A_333 : memref<128xi32, #tpu.memory_space<hbm>>) dst(%arg6 : memref<128xi32, #tpu.memory_space<vmem>>)
        tpu.yield
      }) : () -> ()
      "tpu.region"() ({
        %run_scoped3A_331 = tpu.sem_alloc : memref<!tpu.dma_semaphore, #tpu.memory_space<semaphore_mem>>
        %dma_start3A = tpu.memref_slice %arg3[%add3A_28] : memref<327680xi32, #tpu.memory_space<hbm>> -> memref<128xi32, #tpu.memory_space<hbm>>
        %dma_start3A_332 = tpu.memref_slice %arg3[%add3A_28] : memref<327680xi32, #tpu.memory_space<hbm>> -> memref<128xi32, #tpu.memory_space<hbm>>
        tpu.enqueue_dma source(%dma_start3A_332 : memref<128xi32, #tpu.memory_space<hbm>>) target(%arg7 : memref<128xi32, #tpu.memory_space<vmem>>) target_semaphore(%run_scoped3A_331 : memref<!tpu.dma_semaphore, #tpu.memory_space<semaphore_mem>>)
        %dma_wait3A = tpu.memref_slice %arg3[%add3A_28] : memref<327680xi32, #tpu.memory_space<hbm>> -> memref<128xi32, #tpu.memory_space<hbm>>
        %dma_wait3A_333 = tpu.memref_slice %arg3[%add3A_28] : memref<327680xi32, #tpu.memory_space<hbm>> -> memref<128xi32, #tpu.memory_space<hbm>>
        tpu.wait_dma2 semaphore(%run_scoped3A_331 : memref<!tpu.dma_semaphore, #tpu.memory_space<semaphore_mem>>) src(%dma_wait3A_333 : memref<128xi32, #tpu.memory_space<hbm>>) dst(%arg7 : memref<128xi32, #tpu.memory_space<vmem>>)
        tpu.yield
      }) : () -> ()
      %get3A = arith.constant 0 : index
      %get3A_29 = tpu.vector_load %arg6[%get3A] {strides = array<i32>} : memref<128xi32, #tpu.memory_space<vmem>>, vector<16xi32>,
      %mul3A_30 = arith.constant 4 : i32
      %mul3A_31 = vector.broadcast %mul3A_30 : i32 to vector<16xi32>
      %mul3A_32 = arith.muli %get3A_29, %mul3A_31 : vector<16xi32>
      %get3A_33 = arith.constant 0 : index
      %get3A_34 = tpu.vector_load %arg7[%get3A_33] {strides = array<i32>} : memref<128xi32, #tpu.memory_space<vmem>>, vector<16xi32>,
      %mul3A_35 = arith.constant 4 : i32
      %mul3A_36 = vector.broadcast %mul3A_35 : i32 to vector<16xi32>
      %mul3A_37 = arith.muli %get3A_34, %mul3A_36 : vector<16xi32>
      %add3A_38 = arith.constant 0 : i32
      %add3A_39 = vector.broadcast %add3A_38 : i32 to vector<16xi32>
      %add3A_40 = arith.addi %mul3A_32, %add3A_39 : vector<16xi32>
      %gather3A = tpu.vector_load_idx %arg8[%add3A_40] : memref<40000xf32, #tpu.memory_space<vmem>>[vector<16xi32>], vector<16xf32>,
      %add3A_41 = arith.constant 0 : i32
      %add3A_42 = vector.broadcast %add3A_41 : i32 to vector<16xi32>
      %add3A_43 = arith.addi %mul3A_37, %add3A_42 : vector<16xi32>
      tpu.vector_store_idx %arg9[%add3A_43], %gather3A {add = true} : memref<40960xf32, #tpu.memory_space<vmem>>[vector<16xi32>], vector<16xf32>,
      %add3A_44 = arith.constant 1 : i32
      %add3A_45 = vector.broadcast %add3A_44 : i32 to vector<16xi32>
      %add3A_46 = arith.addi %mul3A_32, %add3A_45 : vector<16xi32>
      %gather3A_47 = tpu.vector_load_idx %arg8[%add3A_46] : memref<40000xf32, #tpu.memory_space<vmem>>[vector<16xi32>], vector<16xf32>,
      %add3A_48 = arith.constant 1 : i32
      %add3A_49 = vector.broadcast %add3A_48 : i32 to vector<16xi32>
      %add3A_50 = arith.addi %mul3A_37, %add3A_49 : vector<16xi32>
      tpu.vector_store_idx %arg9[%add3A_50], %gather3A_47 {add = true} : memref<40960xf32, #tpu.memory_space<vmem>>[vector<16xi32>], vector<16xf32>,
      %add3A_51 = arith.constant 2 : i32
      %add3A_52 = vector.broadcast %add3A_51 : i32 to vector<16xi32>
      %add3A_53 = arith.addi %mul3A_32, %add3A_52 : vector<16xi32>
      %gather3A_54 = tpu.vector_load_idx %arg8[%add3A_53] : memref<40000xf32, #tpu.memory_space<vmem>>[vector<16xi32>], vector<16xf32>,
      %add3A_55 = arith.constant 2 : i32
      %add3A_56 = vector.broadcast %add3A_55 : i32 to vector<16xi32>
      %add3A_57 = arith.addi %mul3A_37, %add3A_56 : vector<16xi32>
      tpu.vector_store_idx %arg9[%add3A_57], %gather3A_54 {add = true} : memref<40960xf32, #tpu.memory_space<vmem>>[vector<16xi32>], vector<16xf32>,
      %add3A_58 = arith.constant 3 : i32
      %add3A_59 = vector.broadcast %add3A_58 : i32 to vector<16xi32>
      %add3A_60 = arith.addi %mul3A_32, %add3A_59 : vector<16xi32>
      %gather3A_61 = tpu.vector_load_idx %arg8[%add3A_60] : memref<40000xf32, #tpu.memory_space<vmem>>[vector<16xi32>], vector<16xf32>,
      %add3A_62 = arith.constant 3 : i32
      %add3A_63 = vector.broadcast %add3A_62 : i32 to vector<16xi32>
      %add3A_64 = arith.addi %mul3A_37, %add3A_63 : vector<16xi32>
      tpu.vector_store_idx %arg9[%add3A_64], %gather3A_61 {add = true} : memref<40960xf32, #tpu.memory_space<vmem>>[vector<16xi32>], vector<16xf32>,
      %get3A_65 = arith.constant 16 : index
      %get3A_66 = tpu.vector_load %arg6[%get3A_65] {strides = array<i32>} : memref<128xi32, #tpu.memory_space<vmem>>, vector<16xi32>,
      %mul3A_67 = arith.constant 4 : i32
      %mul3A_68 = vector.broadcast %mul3A_67 : i32 to vector<16xi32>
      %mul3A_69 = arith.muli %get3A_66, %mul3A_68 : vector<16xi32>
      %get3A_70 = arith.constant 16 : index
      %get3A_71 = tpu.vector_load %arg7[%get3A_70] {strides = array<i32>} : memref<128xi32, #tpu.memory_space<vmem>>, vector<16xi32>,
      %mul3A_72 = arith.constant 4 : i32
      %mul3A_73 = vector.broadcast %mul3A_72 : i32 to vector<16xi32>
      %mul3A_74 = arith.muli %get3A_71, %mul3A_73 : vector<16xi32>
      %add3A_75 = arith.constant 0 : i32
      %add3A_76 = vector.broadcast %add3A_75 : i32 to vector<16xi32>
      %add3A_77 = arith.addi %mul3A_69, %add3A_76 : vector<16xi32>
      %gather3A_78 = tpu.vector_load_idx %arg8[%add3A_77] : memref<40000xf32, #tpu.memory_space<vmem>>[vector<16xi32>], vector<16xf32>,
      %add3A_79 = arith.constant 0 : i32
      %add3A_80 = vector.broadcast %add3A_79 : i32 to vector<16xi32>
      %add3A_81 = arith.addi %mul3A_74, %add3A_80 : vector<16xi32>
      tpu.vector_store_idx %arg9[%add3A_81], %gather3A_78 {add = true} : memref<40960xf32, #tpu.memory_space<vmem>>[vector<16xi32>], vector<16xf32>,
      %add3A_82 = arith.constant 1 : i32
      %add3A_83 = vector.broadcast %add3A_82 : i32 to vector<16xi32>
      %add3A_84 = arith.addi %mul3A_69, %add3A_83 : vector<16xi32>
      %gather3A_85 = tpu.vector_load_idx %arg8[%add3A_84] : memref<40000xf32, #tpu.memory_space<vmem>>[vector<16xi32>], vector<16xf32>,
      %add3A_86 = arith.constant 1 : i32
      %add3A_87 = vector.broadcast %add3A_86 : i32 to vector<16xi32>
      %add3A_88 = arith.addi %mul3A_74, %add3A_87 : vector<16xi32>
      tpu.vector_store_idx %arg9[%add3A_88], %gather3A_85 {add = true} : memref<40960xf32, #tpu.memory_space<vmem>>[vector<16xi32>], vector<16xf32>,
      %add3A_89 = arith.constant 2 : i32
      %add3A_90 = vector.broadcast %add3A_89 : i32 to vector<16xi32>
      %add3A_91 = arith.addi %mul3A_69, %add3A_90 : vector<16xi32>
      %gather3A_92 = tpu.vector_load_idx %arg8[%add3A_91] : memref<40000xf32, #tpu.memory_space<vmem>>[vector<16xi32>], vector<16xf32>,
      %add3A_93 = arith.constant 2 : i32
      %add3A_94 = vector.broadcast %add3A_93 : i32 to vector<16xi32>
      %add3A_95 = arith.addi %mul3A_74, %add3A_94 : vector<16xi32>
      tpu.vector_store_idx %arg9[%add3A_95], %gather3A_92 {add = true} : memref<40960xf32, #tpu.memory_space<vmem>>[vector<16xi32>], vector<16xf32>,
      %add3A_96 = arith.constant 3 : i32
      %add3A_97 = vector.broadcast %add3A_96 : i32 to vector<16xi32>
      %add3A_98 = arith.addi %mul3A_69, %add3A_97 : vector<16xi32>
      %gather3A_99 = tpu.vector_load_idx %arg8[%add3A_98] : memref<40000xf32, #tpu.memory_space<vmem>>[vector<16xi32>], vector<16xf32>,
      %add3A_100 = arith.constant 3 : i32
      %add3A_101 = vector.broadcast %add3A_100 : i32 to vector<16xi32>
      %add3A_102 = arith.addi %mul3A_74, %add3A_101 : vector<16xi32>
      tpu.vector_store_idx %arg9[%add3A_102], %gather3A_99 {add = true} : memref<40960xf32, #tpu.memory_space<vmem>>[vector<16xi32>], vector<16xf32>,
      %get3A_103 = arith.constant 32 : index
      %get3A_104 = tpu.vector_load %arg6[%get3A_103] {strides = array<i32>} : memref<128xi32, #tpu.memory_space<vmem>>, vector<16xi32>,
      %mul3A_105 = arith.constant 4 : i32
      %mul3A_106 = vector.broadcast %mul3A_105 : i32 to vector<16xi32>
      %mul3A_107 = arith.muli %get3A_104, %mul3A_106 : vector<16xi32>
      %get3A_108 = arith.constant 32 : index
      %get3A_109 = tpu.vector_load %arg7[%get3A_108] {strides = array<i32>} : memref<128xi32, #tpu.memory_space<vmem>>, vector<16xi32>,
      %mul3A_110 = arith.constant 4 : i32
      %mul3A_111 = vector.broadcast %mul3A_110 : i32 to vector<16xi32>
      %mul3A_112 = arith.muli %get3A_109, %mul3A_111 : vector<16xi32>
      %add3A_113 = arith.constant 0 : i32
      %add3A_114 = vector.broadcast %add3A_113 : i32 to vector<16xi32>
      %add3A_115 = arith.addi %mul3A_107, %add3A_114 : vector<16xi32>
      %gather3A_116 = tpu.vector_load_idx %arg8[%add3A_115] : memref<40000xf32, #tpu.memory_space<vmem>>[vector<16xi32>], vector<16xf32>,
      %add3A_117 = arith.constant 0 : i32
      %add3A_118 = vector.broadcast %add3A_117 : i32 to vector<16xi32>
      %add3A_119 = arith.addi %mul3A_112, %add3A_118 : vector<16xi32>
      tpu.vector_store_idx %arg9[%add3A_119], %gather3A_116 {add = true} : memref<40960xf32, #tpu.memory_space<vmem>>[vector<16xi32>], vector<16xf32>,
      %add3A_120 = arith.constant 1 : i32
      %add3A_121 = vector.broadcast %add3A_120 : i32 to vector<16xi32>
      %add3A_122 = arith.addi %mul3A_107, %add3A_121 : vector<16xi32>
      %gather3A_123 = tpu.vector_load_idx %arg8[%add3A_122] : memref<40000xf32, #tpu.memory_space<vmem>>[vector<16xi32>], vector<16xf32>,
      %add3A_124 = arith.constant 1 : i32
      %add3A_125 = vector.broadcast %add3A_124 : i32 to vector<16xi32>
      %add3A_126 = arith.addi %mul3A_112, %add3A_125 : vector<16xi32>
      tpu.vector_store_idx %arg9[%add3A_126], %gather3A_123 {add = true} : memref<40960xf32, #tpu.memory_space<vmem>>[vector<16xi32>], vector<16xf32>,
      %add3A_127 = arith.constant 2 : i32
      %add3A_128 = vector.broadcast %add3A_127 : i32 to vector<16xi32>
      %add3A_129 = arith.addi %mul3A_107, %add3A_128 : vector<16xi32>
      %gather3A_130 = tpu.vector_load_idx %arg8[%add3A_129] : memref<40000xf32, #tpu.memory_space<vmem>>[vector<16xi32>], vector<16xf32>,
      %add3A_131 = arith.constant 2 : i32
      %add3A_132 = vector.broadcast %add3A_131 : i32 to vector<16xi32>
      %add3A_133 = arith.addi %mul3A_112, %add3A_132 : vector<16xi32>
      tpu.vector_store_idx %arg9[%add3A_133], %gather3A_130 {add = true} : memref<40960xf32, #tpu.memory_space<vmem>>[vector<16xi32>], vector<16xf32>,
      %add3A_134 = arith.constant 3 : i32
      %add3A_135 = vector.broadcast %add3A_134 : i32 to vector<16xi32>
      %add3A_136 = arith.addi %mul3A_107, %add3A_135 : vector<16xi32>
      %gather3A_137 = tpu.vector_load_idx %arg8[%add3A_136] : memref<40000xf32, #tpu.memory_space<vmem>>[vector<16xi32>], vector<16xf32>,
      %add3A_138 = arith.constant 3 : i32
      %add3A_139 = vector.broadcast %add3A_138 : i32 to vector<16xi32>
      %add3A_140 = arith.addi %mul3A_112, %add3A_139 : vector<16xi32>
      tpu.vector_store_idx %arg9[%add3A_140], %gather3A_137 {add = true} : memref<40960xf32, #tpu.memory_space<vmem>>[vector<16xi32>], vector<16xf32>,
      %get3A_141 = arith.constant 48 : index
      %get3A_142 = tpu.vector_load %arg6[%get3A_141] {strides = array<i32>} : memref<128xi32, #tpu.memory_space<vmem>>, vector<16xi32>,
      %mul3A_143 = arith.constant 4 : i32
      %mul3A_144 = vector.broadcast %mul3A_143 : i32 to vector<16xi32>
      %mul3A_145 = arith.muli %get3A_142, %mul3A_144 : vector<16xi32>
      %get3A_146 = arith.constant 48 : index
      %get3A_147 = tpu.vector_load %arg7[%get3A_146] {strides = array<i32>} : memref<128xi32, #tpu.memory_space<vmem>>, vector<16xi32>,
      %mul3A_148 = arith.constant 4 : i32
      %mul3A_149 = vector.broadcast %mul3A_148 : i32 to vector<16xi32>
      %mul3A_150 = arith.muli %get3A_147, %mul3A_149 : vector<16xi32>
      %add3A_151 = arith.constant 0 : i32
      %add3A_152 = vector.broadcast %add3A_151 : i32 to vector<16xi32>
      %add3A_153 = arith.addi %mul3A_145, %add3A_152 : vector<16xi32>
      %gather3A_154 = tpu.vector_load_idx %arg8[%add3A_153] : memref<40000xf32, #tpu.memory_space<vmem>>[vector<16xi32>], vector<16xf32>,
      %add3A_155 = arith.constant 0 : i32
      %add3A_156 = vector.broadcast %add3A_155 : i32 to vector<16xi32>
      %add3A_157 = arith.addi %mul3A_150, %add3A_156 : vector<16xi32>
      tpu.vector_store_idx %arg9[%add3A_157], %gather3A_154 {add = true} : memref<40960xf32, #tpu.memory_space<vmem>>[vector<16xi32>], vector<16xf32>,
      %add3A_158 = arith.constant 1 : i32
      %add3A_159 = vector.broadcast %add3A_158 : i32 to vector<16xi32>
      %add3A_160 = arith.addi %mul3A_145, %add3A_159 : vector<16xi32>
      %gather3A_161 = tpu.vector_load_idx %arg8[%add3A_160] : memref<40000xf32, #tpu.memory_space<vmem>>[vector<16xi32>], vector<16xf32>,
      %add3A_162 = arith.constant 1 : i32
      %add3A_163 = vector.broadcast %add3A_162 : i32 to vector<16xi32>
      %add3A_164 = arith.addi %mul3A_150, %add3A_163 : vector<16xi32>
      tpu.vector_store_idx %arg9[%add3A_164], %gather3A_161 {add = true} : memref<40960xf32, #tpu.memory_space<vmem>>[vector<16xi32>], vector<16xf32>,
      %add3A_165 = arith.constant 2 : i32
      %add3A_166 = vector.broadcast %add3A_165 : i32 to vector<16xi32>
      %add3A_167 = arith.addi %mul3A_145, %add3A_166 : vector<16xi32>
      %gather3A_168 = tpu.vector_load_idx %arg8[%add3A_167] : memref<40000xf32, #tpu.memory_space<vmem>>[vector<16xi32>], vector<16xf32>,
      %add3A_169 = arith.constant 2 : i32
      %add3A_170 = vector.broadcast %add3A_169 : i32 to vector<16xi32>
      %add3A_171 = arith.addi %mul3A_150, %add3A_170 : vector<16xi32>
      tpu.vector_store_idx %arg9[%add3A_171], %gather3A_168 {add = true} : memref<40960xf32, #tpu.memory_space<vmem>>[vector<16xi32>], vector<16xf32>,
      %add3A_172 = arith.constant 3 : i32
      %add3A_173 = vector.broadcast %add3A_172 : i32 to vector<16xi32>
      %add3A_174 = arith.addi %mul3A_145, %add3A_173 : vector<16xi32>
      %gather3A_175 = tpu.vector_load_idx %arg8[%add3A_174] : memref<40000xf32, #tpu.memory_space<vmem>>[vector<16xi32>], vector<16xf32>,
      %add3A_176 = arith.constant 3 : i32
      %add3A_177 = vector.broadcast %add3A_176 : i32 to vector<16xi32>
      %add3A_178 = arith.addi %mul3A_150, %add3A_177 : vector<16xi32>
      tpu.vector_store_idx %arg9[%add3A_178], %gather3A_175 {add = true} : memref<40960xf32, #tpu.memory_space<vmem>>[vector<16xi32>], vector<16xf32>,
      %get3A_179 = arith.constant 64 : index
      %get3A_180 = tpu.vector_load %arg6[%get3A_179] {strides = array<i32>} : memref<128xi32, #tpu.memory_space<vmem>>, vector<16xi32>,
      %mul3A_181 = arith.constant 4 : i32
      %mul3A_182 = vector.broadcast %mul3A_181 : i32 to vector<16xi32>
      %mul3A_183 = arith.muli %get3A_180, %mul3A_182 : vector<16xi32>
      %get3A_184 = arith.constant 64 : index
      %get3A_185 = tpu.vector_load %arg7[%get3A_184] {strides = array<i32>} : memref<128xi32, #tpu.memory_space<vmem>>, vector<16xi32>,
      %mul3A_186 = arith.constant 4 : i32
      %mul3A_187 = vector.broadcast %mul3A_186 : i32 to vector<16xi32>
      %mul3A_188 = arith.muli %get3A_185, %mul3A_187 : vector<16xi32>
      %add3A_189 = arith.constant 0 : i32
      %add3A_190 = vector.broadcast %add3A_189 : i32 to vector<16xi32>
      %add3A_191 = arith.addi %mul3A_183, %add3A_190 : vector<16xi32>
      %gather3A_192 = tpu.vector_load_idx %arg8[%add3A_191] : memref<40000xf32, #tpu.memory_space<vmem>>[vector<16xi32>], vector<16xf32>,
      %add3A_193 = arith.constant 0 : i32
      %add3A_194 = vector.broadcast %add3A_193 : i32 to vector<16xi32>
      %add3A_195 = arith.addi %mul3A_188, %add3A_194 : vector<16xi32>
      tpu.vector_store_idx %arg9[%add3A_195], %gather3A_192 {add = true} : memref<40960xf32, #tpu.memory_space<vmem>>[vector<16xi32>], vector<16xf32>,
      %add3A_196 = arith.constant 1 : i32
      %add3A_197 = vector.broadcast %add3A_196 : i32 to vector<16xi32>
      %add3A_198 = arith.addi %mul3A_183, %add3A_197 : vector<16xi32>
      %gather3A_199 = tpu.vector_load_idx %arg8[%add3A_198] : memref<40000xf32, #tpu.memory_space<vmem>>[vector<16xi32>], vector<16xf32>,
      %add3A_200 = arith.constant 1 : i32
      %add3A_201 = vector.broadcast %add3A_200 : i32 to vector<16xi32>
      %add3A_202 = arith.addi %mul3A_188, %add3A_201 : vector<16xi32>
      tpu.vector_store_idx %arg9[%add3A_202], %gather3A_199 {add = true} : memref<40960xf32, #tpu.memory_space<vmem>>[vector<16xi32>], vector<16xf32>,
      %add3A_203 = arith.constant 2 : i32
      %add3A_204 = vector.broadcast %add3A_203 : i32 to vector<16xi32>
      %add3A_205 = arith.addi %mul3A_183, %add3A_204 : vector<16xi32>
      %gather3A_206 = tpu.vector_load_idx %arg8[%add3A_205] : memref<40000xf32, #tpu.memory_space<vmem>>[vector<16xi32>], vector<16xf32>,
      %add3A_207 = arith.constant 2 : i32
      %add3A_208 = vector.broadcast %add3A_207 : i32 to vector<16xi32>
      %add3A_209 = arith.addi %mul3A_188, %add3A_208 : vector<16xi32>
      tpu.vector_store_idx %arg9[%add3A_209], %gather3A_206 {add = true} : memref<40960xf32, #tpu.memory_space<vmem>>[vector<16xi32>], vector<16xf32>,
      %add3A_210 = arith.constant 3 : i32
      %add3A_211 = vector.broadcast %add3A_210 : i32 to vector<16xi32>
      %add3A_212 = arith.addi %mul3A_183, %add3A_211 : vector<16xi32>
      %gather3A_213 = tpu.vector_load_idx %arg8[%add3A_212] : memref<40000xf32, #tpu.memory_space<vmem>>[vector<16xi32>], vector<16xf32>,
      %add3A_214 = arith.constant 3 : i32
      %add3A_215 = vector.broadcast %add3A_214 : i32 to vector<16xi32>
      %add3A_216 = arith.addi %mul3A_188, %add3A_215 : vector<16xi32>
      tpu.vector_store_idx %arg9[%add3A_216], %gather3A_213 {add = true} : memref<40960xf32, #tpu.memory_space<vmem>>[vector<16xi32>], vector<16xf32>,
      %get3A_217 = arith.constant 80 : index
      %get3A_218 = tpu.vector_load %arg6[%get3A_217] {strides = array<i32>} : memref<128xi32, #tpu.memory_space<vmem>>, vector<16xi32>,
      %mul3A_219 = arith.constant 4 : i32
      %mul3A_220 = vector.broadcast %mul3A_219 : i32 to vector<16xi32>
      %mul3A_221 = arith.muli %get3A_218, %mul3A_220 : vector<16xi32>
      %get3A_222 = arith.constant 80 : index
      %get3A_223 = tpu.vector_load %arg7[%get3A_222] {strides = array<i32>} : memref<128xi32, #tpu.memory_space<vmem>>, vector<16xi32>,
      %mul3A_224 = arith.constant 4 : i32
      %mul3A_225 = vector.broadcast %mul3A_224 : i32 to vector<16xi32>
      %mul3A_226 = arith.muli %get3A_223, %mul3A_225 : vector<16xi32>
      %add3A_227 = arith.constant 0 : i32
      %add3A_228 = vector.broadcast %add3A_227 : i32 to vector<16xi32>
      %add3A_229 = arith.addi %mul3A_221, %add3A_228 : vector<16xi32>
      %gather3A_230 = tpu.vector_load_idx %arg8[%add3A_229] : memref<40000xf32, #tpu.memory_space<vmem>>[vector<16xi32>], vector<16xf32>,
      %add3A_231 = arith.constant 0 : i32
      %add3A_232 = vector.broadcast %add3A_231 : i32 to vector<16xi32>
      %add3A_233 = arith.addi %mul3A_226, %add3A_232 : vector<16xi32>
      tpu.vector_store_idx %arg9[%add3A_233], %gather3A_230 {add = true} : memref<40960xf32, #tpu.memory_space<vmem>>[vector<16xi32>], vector<16xf32>,
      %add3A_234 = arith.constant 1 : i32
      %add3A_235 = vector.broadcast %add3A_234 : i32 to vector<16xi32>
      %add3A_236 = arith.addi %mul3A_221, %add3A_235 : vector<16xi32>
      %gather3A_237 = tpu.vector_load_idx %arg8[%add3A_236] : memref<40000xf32, #tpu.memory_space<vmem>>[vector<16xi32>], vector<16xf32>,
      %add3A_238 = arith.constant 1 : i32
      %add3A_239 = vector.broadcast %add3A_238 : i32 to vector<16xi32>
      %add3A_240 = arith.addi %mul3A_226, %add3A_239 : vector<16xi32>
      tpu.vector_store_idx %arg9[%add3A_240], %gather3A_237 {add = true} : memref<40960xf32, #tpu.memory_space<vmem>>[vector<16xi32>], vector<16xf32>,
      %add3A_241 = arith.constant 2 : i32
      %add3A_242 = vector.broadcast %add3A_241 : i32 to vector<16xi32>
      %add3A_243 = arith.addi %mul3A_221, %add3A_242 : vector<16xi32>
      %gather3A_244 = tpu.vector_load_idx %arg8[%add3A_243] : memref<40000xf32, #tpu.memory_space<vmem>>[vector<16xi32>], vector<16xf32>,
      %add3A_245 = arith.constant 2 : i32
      %add3A_246 = vector.broadcast %add3A_245 : i32 to vector<16xi32>
      %add3A_247 = arith.addi %mul3A_226, %add3A_246 : vector<16xi32>
      tpu.vector_store_idx %arg9[%add3A_247], %gather3A_244 {add = true} : memref<40960xf32, #tpu.memory_space<vmem>>[vector<16xi32>], vector<16xf32>,
      %add3A_248 = arith.constant 3 : i32
      %add3A_249 = vector.broadcast %add3A_248 : i32 to vector<16xi32>
      %add3A_250 = arith.addi %mul3A_221, %add3A_249 : vector<16xi32>
      %gather3A_251 = tpu.vector_load_idx %arg8[%add3A_250] : memref<40000xf32, #tpu.memory_space<vmem>>[vector<16xi32>], vector<16xf32>,
      %add3A_252 = arith.constant 3 : i32
      %add3A_253 = vector.broadcast %add3A_252 : i32 to vector<16xi32>
      %add3A_254 = arith.addi %mul3A_226, %add3A_253 : vector<16xi32>
      tpu.vector_store_idx %arg9[%add3A_254], %gather3A_251 {add = true} : memref<40960xf32, #tpu.memory_space<vmem>>[vector<16xi32>], vector<16xf32>,
      %get3A_255 = arith.constant 96 : index
      %get3A_256 = tpu.vector_load %arg6[%get3A_255] {strides = array<i32>} : memref<128xi32, #tpu.memory_space<vmem>>, vector<16xi32>,
      %mul3A_257 = arith.constant 4 : i32
      %mul3A_258 = vector.broadcast %mul3A_257 : i32 to vector<16xi32>
      %mul3A_259 = arith.muli %get3A_256, %mul3A_258 : vector<16xi32>
      %get3A_260 = arith.constant 96 : index
      %get3A_261 = tpu.vector_load %arg7[%get3A_260] {strides = array<i32>} : memref<128xi32, #tpu.memory_space<vmem>>, vector<16xi32>,
      %mul3A_262 = arith.constant 4 : i32
      %mul3A_263 = vector.broadcast %mul3A_262 : i32 to vector<16xi32>
      %mul3A_264 = arith.muli %get3A_261, %mul3A_263 : vector<16xi32>
      %add3A_265 = arith.constant 0 : i32
      %add3A_266 = vector.broadcast %add3A_265 : i32 to vector<16xi32>
      %add3A_267 = arith.addi %mul3A_259, %add3A_266 : vector<16xi32>
      %gather3A_268 = tpu.vector_load_idx %arg8[%add3A_267] : memref<40000xf32, #tpu.memory_space<vmem>>[vector<16xi32>], vector<16xf32>,
      %add3A_269 = arith.constant 0 : i32
      %add3A_270 = vector.broadcast %add3A_269 : i32 to vector<16xi32>
      %add3A_271 = arith.addi %mul3A_264, %add3A_270 : vector<16xi32>
      tpu.vector_store_idx %arg9[%add3A_271], %gather3A_268 {add = true} : memref<40960xf32, #tpu.memory_space<vmem>>[vector<16xi32>], vector<16xf32>,
      %add3A_272 = arith.constant 1 : i32
      %add3A_273 = vector.broadcast %add3A_272 : i32 to vector<16xi32>
      %add3A_274 = arith.addi %mul3A_259, %add3A_273 : vector<16xi32>
      %gather3A_275 = tpu.vector_load_idx %arg8[%add3A_274] : memref<40000xf32, #tpu.memory_space<vmem>>[vector<16xi32>], vector<16xf32>,
      %add3A_276 = arith.constant 1 : i32
      %add3A_277 = vector.broadcast %add3A_276 : i32 to vector<16xi32>
      %add3A_278 = arith.addi %mul3A_264, %add3A_277 : vector<16xi32>
      tpu.vector_store_idx %arg9[%add3A_278], %gather3A_275 {add = true} : memref<40960xf32, #tpu.memory_space<vmem>>[vector<16xi32>], vector<16xf32>,
      %add3A_279 = arith.constant 2 : i32
      %add3A_280 = vector.broadcast %add3A_279 : i32 to vector<16xi32>
      %add3A_281 = arith.addi %mul3A_259, %add3A_280 : vector<16xi32>
      %gather3A_282 = tpu.vector_load_idx %arg8[%add3A_281] : memref<40000xf32, #tpu.memory_space<vmem>>[vector<16xi32>], vector<16xf32>,
      %add3A_283 = arith.constant 2 : i32
      %add3A_284 = vector.broadcast %add3A_283 : i32 to vector<16xi32>
      %add3A_285 = arith.addi %mul3A_264, %add3A_284 : vector<16xi32>
      tpu.vector_store_idx %arg9[%add3A_285], %gather3A_282 {add = true} : memref<40960xf32, #tpu.memory_space<vmem>>[vector<16xi32>], vector<16xf32>,
      %add3A_286 = arith.constant 3 : i32
      %add3A_287 = vector.broadcast %add3A_286 : i32 to vector<16xi32>
      %add3A_288 = arith.addi %mul3A_259, %add3A_287 : vector<16xi32>
      %gather3A_289 = tpu.vector_load_idx %arg8[%add3A_288] : memref<40000xf32, #tpu.memory_space<vmem>>[vector<16xi32>], vector<16xf32>,
      %add3A_290 = arith.constant 3 : i32
      %add3A_291 = vector.broadcast %add3A_290 : i32 to vector<16xi32>
      %add3A_292 = arith.addi %mul3A_264, %add3A_291 : vector<16xi32>
      tpu.vector_store_idx %arg9[%add3A_292], %gather3A_289 {add = true} : memref<40960xf32, #tpu.memory_space<vmem>>[vector<16xi32>], vector<16xf32>,
      %get3A_293 = arith.constant 112 : index
      %get3A_294 = tpu.vector_load %arg6[%get3A_293] {strides = array<i32>} : memref<128xi32, #tpu.memory_space<vmem>>, vector<16xi32>,
      %mul3A_295 = arith.constant 4 : i32
      %mul3A_296 = vector.broadcast %mul3A_295 : i32 to vector<16xi32>
      %mul3A_297 = arith.muli %get3A_294, %mul3A_296 : vector<16xi32>
      %get3A_298 = arith.constant 112 : index
      %get3A_299 = tpu.vector_load %arg7[%get3A_298] {strides = array<i32>} : memref<128xi32, #tpu.memory_space<vmem>>, vector<16xi32>,
      %mul3A_300 = arith.constant 4 : i32
      %mul3A_301 = vector.broadcast %mul3A_300 : i32 to vector<16xi32>
      %mul3A_302 = arith.muli %get3A_299, %mul3A_301 : vector<16xi32>
      %add3A_303 = arith.constant 0 : i32
      %add3A_304 = vector.broadcast %add3A_303 : i32 to vector<16xi32>
      %add3A_305 = arith.addi %mul3A_297, %add3A_304 : vector<16xi32>
      %gather3A_306 = tpu.vector_load_idx %arg8[%add3A_305] : memref<40000xf32, #tpu.memory_space<vmem>>[vector<16xi32>], vector<16xf32>,
      %add3A_307 = arith.constant 0 : i32
      %add3A_308 = vector.broadcast %add3A_307 : i32 to vector<16xi32>
      %add3A_309 = arith.addi %mul3A_302, %add3A_308 : vector<16xi32>
      tpu.vector_store_idx %arg9[%add3A_309], %gather3A_306 {add = true} : memref<40960xf32, #tpu.memory_space<vmem>>[vector<16xi32>], vector<16xf32>,
      %add3A_310 = arith.constant 1 : i32
      %add3A_311 = vector.broadcast %add3A_310 : i32 to vector<16xi32>
      %add3A_312 = arith.addi %mul3A_297, %add3A_311 : vector<16xi32>
      %gather3A_313 = tpu.vector_load_idx %arg8[%add3A_312] : memref<40000xf32, #tpu.memory_space<vmem>>[vector<16xi32>], vector<16xf32>,
      %add3A_314 = arith.constant 1 : i32
      %add3A_315 = vector.broadcast %add3A_314 : i32 to vector<16xi32>
      %add3A_316 = arith.addi %mul3A_302, %add3A_315 : vector<16xi32>
      tpu.vector_store_idx %arg9[%add3A_316], %gather3A_313 {add = true} : memref<40960xf32, #tpu.memory_space<vmem>>[vector<16xi32>], vector<16xf32>,
      %add3A_317 = arith.constant 2 : i32
      %add3A_318 = vector.broadcast %add3A_317 : i32 to vector<16xi32>
      %add3A_319 = arith.addi %mul3A_297, %add3A_318 : vector<16xi32>
      %gather3A_320 = tpu.vector_load_idx %arg8[%add3A_319] : memref<40000xf32, #tpu.memory_space<vmem>>[vector<16xi32>], vector<16xf32>,
      %add3A_321 = arith.constant 2 : i32
      %add3A_322 = vector.broadcast %add3A_321 : i32 to vector<16xi32>
      %add3A_323 = arith.addi %mul3A_302, %add3A_322 : vector<16xi32>
      tpu.vector_store_idx %arg9[%add3A_323], %gather3A_320 {add = true} : memref<40960xf32, #tpu.memory_space<vmem>>[vector<16xi32>], vector<16xf32>,
      %add3A_324 = arith.constant 3 : i32
      %add3A_325 = vector.broadcast %add3A_324 : i32 to vector<16xi32>
      %add3A_326 = arith.addi %mul3A_297, %add3A_325 : vector<16xi32>
      %gather3A_327 = tpu.vector_load_idx %arg8[%add3A_326] : memref<40000xf32, #tpu.memory_space<vmem>>[vector<16xi32>], vector<16xf32>,
      %add3A_328 = arith.constant 3 : i32
      %add3A_329 = vector.broadcast %add3A_328 : i32 to vector<16xi32>
      %add3A_330 = arith.addi %mul3A_302, %add3A_329 : vector<16xi32>
      tpu.vector_store_idx %arg9[%add3A_330], %gather3A_327 {add = true} : memref<40960xf32, #tpu.memory_space<vmem>>[vector<16xi32>], vector<16xf32>,
    }
    %scan3A_13 = arith.constant 80 : i32
    %run_scoped3A = arith.constant 0 : i32
    "tpu.region"() ({
      %run_scoped3A_25 = tpu.sem_alloc : memref<!tpu.dma_semaphore, #tpu.memory_space<semaphore_mem>>
      %dma_start3A = arith.constant 0 : i32
      %dma_start3A_26 = tpu.memref_slice %arg11[%arg1, %run_scoped3A, %dma_start3A] : memref<16x1x40960xf32, #tpu.memory_space<vmem_shared>> -> memref<1x1x40960xf32, #tpu.memory_space<vmem_shared>>
      %dma_start3A_27 = tpu.memref_squeeze %dma_start3A_26 : memref<1x1x40960xf32, #tpu.memory_space<vmem_shared>> -> memref<40960xf32, #tpu.memory_space<vmem_shared>>
      %dma_start3A_28 = arith.constant 0 : i32
      %dma_start3A_29 = tpu.memref_slice %arg11[%arg1, %run_scoped3A, %dma_start3A_28] : memref<16x1x40960xf32, #tpu.memory_space<vmem_shared>> -> memref<1x1x40960xf32, #tpu.memory_space<vmem_shared>>
      %dma_start3A_30 = tpu.memref_squeeze %dma_start3A_29 : memref<1x1x40960xf32, #tpu.memory_space<vmem_shared>> -> memref<40960xf32, #tpu.memory_space<vmem_shared>>
      tpu.enqueue_dma source(%arg9 : memref<40960xf32, #tpu.memory_space<vmem>>) target(%dma_start3A_30 : memref<40960xf32, #tpu.memory_space<vmem_shared>>) target_semaphore(%run_scoped3A_25 : memref<!tpu.dma_semaphore, #tpu.memory_space<semaphore_mem>>)
      %dma_wait3A = arith.constant 0 : i32
      %dma_wait3A_31 = tpu.memref_slice %arg11[%arg1, %run_scoped3A, %dma_wait3A] : memref<16x1x40960xf32, #tpu.memory_space<vmem_shared>> -> memref<1x1x40960xf32, #tpu.memory_space<vmem_shared>>
      %dma_wait3A_32 = tpu.memref_squeeze %dma_wait3A_31 : memref<1x1x40960xf32, #tpu.memory_space<vmem_shared>> -> memref<40960xf32, #tpu.memory_space<vmem_shared>>
      %dma_wait3A_33 = arith.constant 0 : i32
      %dma_wait3A_34 = tpu.memref_slice %arg11[%arg1, %run_scoped3A, %dma_wait3A_33] : memref<16x1x40960xf32, #tpu.memory_space<vmem_shared>> -> memref<1x1x40960xf32, #tpu.memory_space<vmem_shared>>
      %dma_wait3A_35 = tpu.memref_squeeze %dma_wait3A_34 : memref<1x1x40960xf32, #tpu.memory_space<vmem_shared>> -> memref<40960xf32, #tpu.memory_space<vmem_shared>>
      tpu.wait_dma2 semaphore(%run_scoped3A_25 : memref<!tpu.dma_semaphore, #tpu.memory_space<semaphore_mem>>) src(%arg9 : memref<40960xf32, #tpu.memory_space<vmem>>) dst(%dma_wait3A_35 : memref<40960xf32, #tpu.memory_space<vmem_shared>>)
      tpu.yield
    }) : () -> ()
    %barrier3A = arith.constant 0 : index
    tpu.barrier barrier_id(%barrier3A)
    %scan3A_14 = arith.constant 0 : i32
    %scan3A_15 = arith.constant 0 : i32
    %scan3A_16 = arith.constant 16 : i32
    %scan3A_17 = arith.addi %scan3A_15, %scan3A_16 : i32
    %scan3A_18 = arith.constant 1 : i32
    scf.for %scan3A_25 = %scan3A_15 to %scan3A_17 step %scan3A_18  : i32 {
      %ne3A = arith.cmpi ne, %scan3A_25, %arg1 : i32
      %convert_element_type3A = arith.extui %ne3A : i1 to i32
      %cond3A = arith.constant 0 : i32
      %cond3A_26 = arith.cmpi ne, %convert_element_type3A, %cond3A : i32
      scf.if %cond3A_26 {
        %mul3A_27 = arith.constant 2560 : i32
        %mul3A_28 = arith.muli %arg1, %mul3A_27 : i32
        %run_scoped3A_29 = arith.constant 0 : i32
        "tpu.region"() ({
          %run_scoped3A_36 = tpu.sem_alloc : memref<!tpu.dma_semaphore, #tpu.memory_space<semaphore_mem>>
          %dma_start3A = tpu.memref_slice %arg11[%scan3A_25, %run_scoped3A_29, %mul3A_28] : memref<16x1x40960xf32, #tpu.memory_space<vmem_shared>> -> memref<1x1x2560xf32, #tpu.memory_space<vmem_shared>>
          %dma_start3A_37 = tpu.memref_squeeze %dma_start3A : memref<1x1x2560xf32, #tpu.memory_space<vmem_shared>> -> memref<2560xf32, #tpu.memory_space<vmem_shared>>
          %dma_start3A_38 = tpu.memref_slice %arg11[%scan3A_25, %run_scoped3A_29, %mul3A_28] : memref<16x1x40960xf32, #tpu.memory_space<vmem_shared>> -> memref<1x1x2560xf32, #tpu.memory_space<vmem_shared>>
          %dma_start3A_39 = tpu.memref_squeeze %dma_start3A_38 : memref<1x1x2560xf32, #tpu.memory_space<vmem_shared>> -> memref<2560xf32, #tpu.memory_space<vmem_shared>>
          tpu.enqueue_dma source(%dma_start3A_39 : memref<2560xf32, #tpu.memory_space<vmem_shared>>) target(%arg10 : memref<2560xf32, #tpu.memory_space<vmem>>) target_semaphore(%run_scoped3A_36 : memref<!tpu.dma_semaphore, #tpu.memory_space<semaphore_mem>>)
          %dma_wait3A = tpu.memref_slice %arg11[%scan3A_25, %run_scoped3A_29, %mul3A_28] : memref<16x1x40960xf32, #tpu.memory_space<vmem_shared>> -> memref<1x1x2560xf32, #tpu.memory_space<vmem_shared>>
          %dma_wait3A_40 = tpu.memref_squeeze %dma_wait3A : memref<1x1x2560xf32, #tpu.memory_space<vmem_shared>> -> memref<2560xf32, #tpu.memory_space<vmem_shared>>
          %dma_wait3A_41 = tpu.memref_slice %arg11[%scan3A_25, %run_scoped3A_29, %mul3A_28] : memref<16x1x40960xf32, #tpu.memory_space<vmem_shared>> -> memref<1x1x2560xf32, #tpu.memory_space<vmem_shared>>
          %dma_wait3A_42 = tpu.memref_squeeze %dma_wait3A_41 : memref<1x1x2560xf32, #tpu.memory_space<vmem_shared>> -> memref<2560xf32, #tpu.memory_space<vmem_shared>>
          tpu.wait_dma2 semaphore(%run_scoped3A_36 : memref<!tpu.dma_semaphore, #tpu.memory_space<semaphore_mem>>) src(%dma_wait3A_42 : memref<2560xf32, #tpu.memory_space<vmem_shared>>) dst(%arg10 : memref<2560xf32, #tpu.memory_space<vmem>>)
          tpu.yield
        }) : () -> ()
        %scan3A_30 = arith.constant 0 : i32
        %scan3A_31 = arith.constant 0 : i32
        %scan3A_32 = arith.constant 160 : i32
        %scan3A_33 = arith.addi %scan3A_31, %scan3A_32 : i32
        %scan3A_34 = arith.constant 1 : i32
        scf.for %scan3A_36 = %scan3A_31 to %scan3A_33 step %scan3A_34  : i32 {
          %mul3A_37 = arith.constant 2560 : i32
          %mul3A_38 = arith.muli %arg1, %mul3A_37 : i32
          %mul3A_39 = arith.constant 16 : i32
          %mul3A_40 = arith.muli %scan3A_36, %mul3A_39 : i32
          %add3A_41 = arith.addi %mul3A_38, %mul3A_40 : i32
          %mul3A_42 = arith.constant 16 : i32
          %mul3A_43 = arith.muli %scan3A_36, %mul3A_42 : i32
          %get3A = arith.index_cast %add3A_41 : i32 to index
          %get3A_44 = tpu.vector_load %arg9[%get3A] {strides = array<i32>} : memref<40960xf32, #tpu.memory_space<vmem>>, vector<16xf32>,
          %get3A_45 = arith.index_cast %mul3A_43 : i32 to index
          %get3A_46 = tpu.vector_load %arg10[%get3A_45] {strides = array<i32>} : memref<2560xf32, #tpu.memory_space<vmem>>, vector<16xf32>,
          %add3A_47 = arith.addf %get3A_44, %get3A_46 : vector<16xf32>
          %swap3A = arith.index_cast %add3A_41 : i32 to index
          %swap3A_48 = tpu.vector_load %arg9[%swap3A] {strides = array<i32>} : memref<40960xf32, #tpu.memory_space<vmem>>, vector<16xf32>,
          tpu.vector_store %arg9[%swap3A], %add3A_47 {strides = array<i32>} : memref<40960xf32, #tpu.memory_space<vmem>>, vector<16xf32>,
        }
        %scan3A_35 = arith.constant 160 : i32
      } else {
      }
    }
    %scan3A_19 = arith.constant 16 : i32
    %mul3A_20 = arith.constant 2560 : i32
    %mul3A_21 = arith.muli %arg1, %mul3A_20 : i32
    %mul3A_22 = arith.constant 2560 : i32
    %mul3A_23 = arith.muli %arg1, %mul3A_22 : i32
    %run_scoped3A_24 = arith.constant 0 : i32
    "tpu.region"() ({
      %run_scoped3A_25 = tpu.sem_alloc : memref<!tpu.dma_semaphore, #tpu.memory_space<semaphore_mem>>
      %dma_start3A = tpu.memref_slice %arg9[%mul3A_21] : memref<40960xf32, #tpu.memory_space<vmem>> -> memref<2560xf32, #tpu.memory_space<vmem>>
      %dma_start3A_26 = tpu.memref_slice %arg5[%arg0, %run_scoped3A_24, %mul3A_23] : memref<2x1x40960xf32, #tpu.memory_space<hbm>> -> memref<1x1x2560xf32, #tpu.memory_space<hbm>>
      %dma_start3A_27 = tpu.memref_squeeze %dma_start3A_26 : memref<1x1x2560xf32, #tpu.memory_space<hbm>> -> memref<2560xf32, #tpu.memory_space<hbm>>
      %dma_start3A_28 = tpu.memref_slice %arg5[%arg0, %run_scoped3A_24, %mul3A_23] : memref<2x1x40960xf32, #tpu.memory_space<hbm>> -> memref<1x1x2560xf32, #tpu.memory_space<hbm>>
      %dma_start3A_29 = tpu.memref_squeeze %dma_start3A_28 : memref<1x1x2560xf32, #tpu.memory_space<hbm>> -> memref<2560xf32, #tpu.memory_space<hbm>>
      %dma_start3A_30 = tpu.memref_slice %arg9[%mul3A_21] : memref<40960xf32, #tpu.memory_space<vmem>> -> memref<2560xf32, #tpu.memory_space<vmem>>
      tpu.enqueue_dma source(%dma_start3A_30 : memref<2560xf32, #tpu.memory_space<vmem>>) target(%dma_start3A_29 : memref<2560xf32, #tpu.memory_space<hbm>>) target_semaphore(%run_scoped3A_25 : memref<!tpu.dma_semaphore, #tpu.memory_space<semaphore_mem>>)
      %dma_wait3A = tpu.memref_slice %arg9[%mul3A_21] : memref<40960xf32, #tpu.memory_space<vmem>> -> memref<2560xf32, #tpu.memory_space<vmem>>
      %dma_wait3A_31 = tpu.memref_slice %arg5[%arg0, %run_scoped3A_24, %mul3A_23] : memref<2x1x40960xf32, #tpu.memory_space<hbm>> -> memref<1x1x2560xf32, #tpu.memory_space<hbm>>
      %dma_wait3A_32 = tpu.memref_squeeze %dma_wait3A_31 : memref<1x1x2560xf32, #tpu.memory_space<hbm>> -> memref<2560xf32, #tpu.memory_space<hbm>>
      %dma_wait3A_33 = tpu.memref_slice %arg5[%arg0, %run_scoped3A_24, %mul3A_23] : memref<2x1x40960xf32, #tpu.memory_space<hbm>> -> memref<1x1x2560xf32, #tpu.memory_space<hbm>>
      %dma_wait3A_34 = tpu.memref_squeeze %dma_wait3A_33 : memref<1x1x2560xf32, #tpu.memory_space<hbm>> -> memref<2560xf32, #tpu.memory_space<hbm>>
      %dma_wait3A_35 = tpu.memref_slice %arg9[%mul3A_21] : memref<40960xf32, #tpu.memory_space<vmem>> -> memref<2560xf32, #tpu.memory_space<vmem>>
      tpu.wait_dma2 semaphore(%run_scoped3A_25 : memref<!tpu.dma_semaphore, #tpu.memory_space<semaphore_mem>>) src(%dma_wait3A_35 : memref<2560xf32, #tpu.memory_space<vmem>>) dst(%dma_wait3A_34 : memref<2560xf32, #tpu.memory_space<hbm>>)
      tpu.yield
    }) : () -> ()
    return
  }
}

module attributes {stable_mosaic.version = 14 : i64} {
  func.func @_edge_mlp_body(%arg0: i32, %arg1: memref<2048x16xf32, #tpu.memory_space<vmem>>, %arg2: memref<4x16x128xf32, #tpu.memory_space<vmem>>, %arg3: memref<4x1x128xf32, #tpu.memory_space<vmem>>, %arg4: memref<4x2048x128xf32, #tpu.memory_space<vmem>>) attributes {dimension_semantics = [#tpu.dimension_semantics<arbitrary>], iteration_bounds = array<i64: 160>, scalar_prefetch = 0 : i64, scratch_operands = 0 : i64, tpu.core_type = #tpu.core_type<tc>, window_params = [{transform_indices = @transform_0, window_bounds = array<i64: 2048, 16>}, {pipeline_mode = #tpu.pipeline_mode<synchronous>, transform_indices = @transform_1, window_bounds = array<i64: 4, 16, 128>}, {pipeline_mode = #tpu.pipeline_mode<synchronous>, transform_indices = @transform_2, window_bounds = array<i64: 4, 1, 128>}, {transform_indices = @transform_3, window_bounds = array<i64: 4, 2048, 128>}]} {
    %get3A = arith.constant 0 : index
    %get3A_0 = arith.constant 0 : index
    %get3A_1 = vector.load %arg1[%get3A, %get3A_0] : memref<2048x16xf32, #tpu.memory_space<vmem>>, vector<2048x16xf32>
    %get3A_2 = arith.constant 0 : index
    %get3A_3 = arith.constant 0 : index
    %get3A_4 = arith.constant 0 : index
    %get3A_5 = vector.load %arg2[%get3A_2, %get3A_3, %get3A_4] : memref<4x16x128xf32, #tpu.memory_space<vmem>>, vector<1x16x128xf32>
    %get3A_6 = vector.shape_cast %get3A_5 : vector<1x16x128xf32> to vector<16x128xf32>
    %dot_general3A = arith.constant dense<0.000000e+00> : vector<2048x128xf32>
    %dot_general3A_7 = tpu.matmul %get3A_1, %get3A_6, %dot_general3A {dimension_numbers = #tpu.dot_dimension_numbers<[1], [0], [0], [1], [0, 0, 1, 1], [], []>, transpose_lhs_hint = false} : vector<2048x16xf32>, vector<16x128xf32>, vector<2048x128xf32> -> vector<2048x128xf32>
    %get3A_8 = arith.constant 0 : index
    %get3A_9 = arith.constant 0 : index
    %get3A_10 = arith.constant 0 : index
    %get3A_11 = vector.load %arg3[%get3A_8, %get3A_9, %get3A_10] : memref<4x1x128xf32, #tpu.memory_space<vmem>>, vector<1x1x128xf32>
    %get3A_12 = vector.shape_cast %get3A_11 : vector<1x1x128xf32> to vector<1x128xf32>
    %add3A = vector.broadcast %get3A_12 : vector<1x128xf32> to vector<2048x128xf32>
    %add3A_13 = arith.addf %dot_general3A_7, %add3A : vector<2048x128xf32>
    %swap3A = arith.constant 0 : index
    %swap3A_14 = arith.constant 0 : index
    %swap3A_15 = arith.constant 0 : index
    %swap3A_16 = vector.load %arg4[%swap3A, %swap3A_14, %swap3A_15] : memref<4x2048x128xf32, #tpu.memory_space<vmem>>, vector<1x2048x128xf32>
    %swap3A_17 = vector.shape_cast %swap3A_16 : vector<1x2048x128xf32> to vector<2048x128xf32>
    %swap3A_18 = vector.shape_cast %add3A_13 : vector<2048x128xf32> to vector<1x2048x128xf32>
    tpu.vector_store %arg4[%swap3A, %swap3A_14, %swap3A_15], %swap3A_18 {strides = array<i32>} : memref<4x2048x128xf32, #tpu.memory_space<vmem>>, vector<1x2048x128xf32>,
    %get3A_19 = arith.constant 1 : index
    %get3A_20 = arith.constant 0 : index
    %get3A_21 = arith.constant 0 : index
    %get3A_22 = vector.load %arg2[%get3A_19, %get3A_20, %get3A_21] : memref<4x16x128xf32, #tpu.memory_space<vmem>>, vector<1x16x128xf32>
    %get3A_23 = vector.shape_cast %get3A_22 : vector<1x16x128xf32> to vector<16x128xf32>
    %dot_general3A_24 = arith.constant dense<0.000000e+00> : vector<2048x128xf32>
    %dot_general3A_25 = tpu.matmul %get3A_1, %get3A_23, %dot_general3A_24 {dimension_numbers = #tpu.dot_dimension_numbers<[1], [0], [0], [1], [0, 0, 1, 1], [], []>, transpose_lhs_hint = false} : vector<2048x16xf32>, vector<16x128xf32>, vector<2048x128xf32> -> vector<2048x128xf32>
    %get3A_26 = arith.constant 1 : index
    %get3A_27 = arith.constant 0 : index
    %get3A_28 = arith.constant 0 : index
    %get3A_29 = vector.load %arg3[%get3A_26, %get3A_27, %get3A_28] : memref<4x1x128xf32, #tpu.memory_space<vmem>>, vector<1x1x128xf32>
    %get3A_30 = vector.shape_cast %get3A_29 : vector<1x1x128xf32> to vector<1x128xf32>
    %add3A_31 = vector.broadcast %get3A_30 : vector<1x128xf32> to vector<2048x128xf32>
    %add3A_32 = arith.addf %dot_general3A_25, %add3A_31 : vector<2048x128xf32>
    %swap3A_33 = arith.constant 1 : index
    %swap3A_34 = arith.constant 0 : index
    %swap3A_35 = arith.constant 0 : index
    %swap3A_36 = vector.load %arg4[%swap3A_33, %swap3A_34, %swap3A_35] : memref<4x2048x128xf32, #tpu.memory_space<vmem>>, vector<1x2048x128xf32>
    %swap3A_37 = vector.shape_cast %swap3A_36 : vector<1x2048x128xf32> to vector<2048x128xf32>
    %swap3A_38 = vector.shape_cast %add3A_32 : vector<2048x128xf32> to vector<1x2048x128xf32>
    tpu.vector_store %arg4[%swap3A_33, %swap3A_34, %swap3A_35], %swap3A_38 {strides = array<i32>} : memref<4x2048x128xf32, #tpu.memory_space<vmem>>, vector<1x2048x128xf32>,
    %get3A_39 = arith.constant 2 : index
    %get3A_40 = arith.constant 0 : index
    %get3A_41 = arith.constant 0 : index
    %get3A_42 = vector.load %arg2[%get3A_39, %get3A_40, %get3A_41] : memref<4x16x128xf32, #tpu.memory_space<vmem>>, vector<1x16x128xf32>
    %get3A_43 = vector.shape_cast %get3A_42 : vector<1x16x128xf32> to vector<16x128xf32>
    %dot_general3A_44 = arith.constant dense<0.000000e+00> : vector<2048x128xf32>
    %dot_general3A_45 = tpu.matmul %get3A_1, %get3A_43, %dot_general3A_44 {dimension_numbers = #tpu.dot_dimension_numbers<[1], [0], [0], [1], [0, 0, 1, 1], [], []>, transpose_lhs_hint = false} : vector<2048x16xf32>, vector<16x128xf32>, vector<2048x128xf32> -> vector<2048x128xf32>
    %get3A_46 = arith.constant 2 : index
    %get3A_47 = arith.constant 0 : index
    %get3A_48 = arith.constant 0 : index
    %get3A_49 = vector.load %arg3[%get3A_46, %get3A_47, %get3A_48] : memref<4x1x128xf32, #tpu.memory_space<vmem>>, vector<1x1x128xf32>
    %get3A_50 = vector.shape_cast %get3A_49 : vector<1x1x128xf32> to vector<1x128xf32>
    %add3A_51 = vector.broadcast %get3A_50 : vector<1x128xf32> to vector<2048x128xf32>
    %add3A_52 = arith.addf %dot_general3A_45, %add3A_51 : vector<2048x128xf32>
    %swap3A_53 = arith.constant 2 : index
    %swap3A_54 = arith.constant 0 : index
    %swap3A_55 = arith.constant 0 : index
    %swap3A_56 = vector.load %arg4[%swap3A_53, %swap3A_54, %swap3A_55] : memref<4x2048x128xf32, #tpu.memory_space<vmem>>, vector<1x2048x128xf32>
    %swap3A_57 = vector.shape_cast %swap3A_56 : vector<1x2048x128xf32> to vector<2048x128xf32>
    %swap3A_58 = vector.shape_cast %add3A_52 : vector<2048x128xf32> to vector<1x2048x128xf32>
    tpu.vector_store %arg4[%swap3A_53, %swap3A_54, %swap3A_55], %swap3A_58 {strides = array<i32>} : memref<4x2048x128xf32, #tpu.memory_space<vmem>>, vector<1x2048x128xf32>,
    %get3A_59 = arith.constant 3 : index
    %get3A_60 = arith.constant 0 : index
    %get3A_61 = arith.constant 0 : index
    %get3A_62 = vector.load %arg2[%get3A_59, %get3A_60, %get3A_61] : memref<4x16x128xf32, #tpu.memory_space<vmem>>, vector<1x16x128xf32>
    %get3A_63 = vector.shape_cast %get3A_62 : vector<1x16x128xf32> to vector<16x128xf32>
    %dot_general3A_64 = arith.constant dense<0.000000e+00> : vector<2048x128xf32>
    %dot_general3A_65 = tpu.matmul %get3A_1, %get3A_63, %dot_general3A_64 {dimension_numbers = #tpu.dot_dimension_numbers<[1], [0], [0], [1], [0, 0, 1, 1], [], []>, transpose_lhs_hint = false} : vector<2048x16xf32>, vector<16x128xf32>, vector<2048x128xf32> -> vector<2048x128xf32>
    %get3A_66 = arith.constant 3 : index
    %get3A_67 = arith.constant 0 : index
    %get3A_68 = arith.constant 0 : index
    %get3A_69 = vector.load %arg3[%get3A_66, %get3A_67, %get3A_68] : memref<4x1x128xf32, #tpu.memory_space<vmem>>, vector<1x1x128xf32>
    %get3A_70 = vector.shape_cast %get3A_69 : vector<1x1x128xf32> to vector<1x128xf32>
    %add3A_71 = vector.broadcast %get3A_70 : vector<1x128xf32> to vector<2048x128xf32>
    %add3A_72 = arith.addf %dot_general3A_65, %add3A_71 : vector<2048x128xf32>
    %swap3A_73 = arith.constant 3 : index
    %swap3A_74 = arith.constant 0 : index
    %swap3A_75 = arith.constant 0 : index
    %swap3A_76 = vector.load %arg4[%swap3A_73, %swap3A_74, %swap3A_75] : memref<4x2048x128xf32, #tpu.memory_space<vmem>>, vector<1x2048x128xf32>
    %swap3A_77 = vector.shape_cast %swap3A_76 : vector<1x2048x128xf32> to vector<2048x128xf32>
    %swap3A_78 = vector.shape_cast %add3A_72 : vector<2048x128xf32> to vector<1x2048x128xf32>
    tpu.vector_store %arg4[%swap3A_73, %swap3A_74, %swap3A_75], %swap3A_78 {strides = array<i32>} : memref<4x2048x128xf32, #tpu.memory_space<vmem>>, vector<1x2048x128xf32>,
    return
  }
  func.func @transform_0(%arg0: i32) -> (i32, i32) {
    %c0_i32 = arith.constant 0 : i32
    %c0_i32_0 = arith.constant 0 : i32
    return %arg0, %c0_i32 : i32, i32
  }
  func.func @transform_1(%arg0: i32) -> (i32, i32, i32) {
    %c0_i32 = arith.constant 0 : i32
    %c0_i32_0 = arith.constant 0 : i32
    %c0_i32_1 = arith.constant 0 : i32
    %c0_i32_2 = arith.constant 0 : i32
    return %c0_i32, %c0_i32_0, %c0_i32_1 : i32, i32, i32
  }
  func.func @transform_2(%arg0: i32) -> (i32, i32, i32) {
    %c0_i32 = arith.constant 0 : i32
    %c0_i32_0 = arith.constant 0 : i32
    %c0_i32_1 = arith.constant 0 : i32
    %c0_i32_2 = arith.constant 0 : i32
    return %c0_i32, %c0_i32_0, %c0_i32_1 : i32, i32, i32
  }
  func.func @transform_3(%arg0: i32) -> (i32, i32, i32) {
    %c0_i32 = arith.constant 0 : i32
    %c0_i32_0 = arith.constant 0 : i32
    %c0_i32_1 = arith.constant 0 : i32
    return %c0_i32, %arg0, %c0_i32_0 : i32, i32, i32
  }
}

module attributes {stable_mosaic.version = 14 : i64} {
  func.func @_node_body(%arg0: memref<10000x128xf32, #tpu.memory_space<vmem>>, %arg1: memref<2x10240x128xf32, #tpu.memory_space<vmem>>, %arg2: memref<1x1xf32, #tpu.memory_space<vmem>>, %arg3: memref<128x128xf32, #tpu.memory_space<vmem>>, %arg4: memref<1x128xf32, #tpu.memory_space<vmem>>, %arg5: memref<128x128xf32, #tpu.memory_space<vmem>>, %arg6: memref<1x128xf32, #tpu.memory_space<vmem>>, %arg7: memref<1x128xf32, #tpu.memory_space<vmem>>, %arg8: memref<1x128xf32, #tpu.memory_space<vmem>>, %arg9: memref<128x1xf32, #tpu.memory_space<vmem>>, %arg10: memref<10000x128xf32, #tpu.memory_space<vmem>>, %arg11: memref<10000x1xf32, #tpu.memory_space<vmem>>) attributes {dimension_semantics = [], scalar_prefetch = 0 : i64, scratch_operands = 0 : i64, tpu.core_type = #tpu.core_type<tc>} {
    %get3A = arith.constant 0 : index
    %get3A_0 = arith.constant 0 : index
    %get3A_1 = vector.load %arg0[%get3A, %get3A_0] : memref<10000x128xf32, #tpu.memory_space<vmem>>, vector<10000x128xf32>
    %get3A_2 = arith.constant 0 : index
    %get3A_3 = arith.constant 0 : index
    %get3A_4 = vector.load %arg2[%get3A_2, %get3A_3] : memref<1x1xf32, #tpu.memory_space<vmem>>, vector<1x1xf32>
    %mul3A = vector.broadcast %get3A_4 : vector<1x1xf32> to vector<10000x128xf32>
    %mul3A_5 = arith.mulf %get3A_1, %mul3A : vector<10000x128xf32>
    %get3A_6 = arith.constant 0 : index
    %get3A_7 = arith.constant 0 : index
    %get3A_8 = arith.constant 0 : index
    %get3A_9 = vector.load %arg1[%get3A_6, %get3A_7, %get3A_8] : memref<2x10240x128xf32, #tpu.memory_space<vmem>>, vector<1x10000x128xf32>
    %get3A_10 = vector.shape_cast %get3A_9 : vector<1x10000x128xf32> to vector<10000x128xf32>
    %add3A = arith.addf %mul3A_5, %get3A_10 : vector<10000x128xf32>
    %get3A_11 = arith.constant 1 : index
    %get3A_12 = arith.constant 0 : index
    %get3A_13 = arith.constant 0 : index
    %get3A_14 = vector.load %arg1[%get3A_11, %get3A_12, %get3A_13] : memref<2x10240x128xf32, #tpu.memory_space<vmem>>, vector<1x10000x128xf32>
    %get3A_15 = vector.shape_cast %get3A_14 : vector<1x10000x128xf32> to vector<10000x128xf32>
    %add3A_16 = arith.addf %add3A, %get3A_15 : vector<10000x128xf32>
    %get3A_17 = arith.constant 0 : index
    %get3A_18 = arith.constant 0 : index
    %get3A_19 = vector.load %arg3[%get3A_17, %get3A_18] : memref<128x128xf32, #tpu.memory_space<vmem>>, vector<128x128xf32>
    %dot_general3A = arith.constant dense<0.000000e+00> : vector<10000x128xf32>
    %dot_general3A_20 = tpu.matmul %add3A_16, %get3A_19, %dot_general3A {dimension_numbers = #tpu.dot_dimension_numbers<[1], [0], [0], [1], [0, 0, 1, 1], [], []>, transpose_lhs_hint = false} : vector<10000x128xf32>, vector<128x128xf32>, vector<10000x128xf32> -> vector<10000x128xf32>
    %get3A_21 = arith.constant 0 : index
    %get3A_22 = arith.constant 0 : index
    %get3A_23 = vector.load %arg4[%get3A_21, %get3A_22] : memref<1x128xf32, #tpu.memory_space<vmem>>, vector<1x128xf32>
    %add3A_24 = vector.broadcast %get3A_23 : vector<1x128xf32> to vector<10000x128xf32>
    %add3A_25 = arith.addf %dot_general3A_20, %add3A_24 : vector<10000x128xf32>
    %max3A = arith.constant 0.000000e+00 : f32
    %max3A_26 = vector.broadcast %max3A : f32 to vector<10000x128xf32>
    %max3A_27 = arith.maximumf %add3A_25, %max3A_26 : vector<10000x128xf32>
    %get3A_28 = arith.constant 0 : index
    %get3A_29 = arith.constant 0 : index
    %get3A_30 = vector.load %arg5[%get3A_28, %get3A_29] : memref<128x128xf32, #tpu.memory_space<vmem>>, vector<128x128xf32>
    %dot_general3A_31 = arith.constant dense<0.000000e+00> : vector<10000x128xf32>
    %dot_general3A_32 = tpu.matmul %max3A_27, %get3A_30, %dot_general3A_31 {dimension_numbers = #tpu.dot_dimension_numbers<[1], [0], [0], [1], [0, 0, 1, 1], [], []>, transpose_lhs_hint = false} : vector<10000x128xf32>, vector<128x128xf32>, vector<10000x128xf32> -> vector<10000x128xf32>
    %get3A_33 = arith.constant 0 : index
    %get3A_34 = arith.constant 0 : index
    %get3A_35 = vector.load %arg6[%get3A_33, %get3A_34] : memref<1x128xf32, #tpu.memory_space<vmem>>, vector<1x128xf32>
    %add3A_36 = vector.broadcast %get3A_35 : vector<1x128xf32> to vector<10000x128xf32>
    %add3A_37 = arith.addf %dot_general3A_32, %add3A_36 : vector<10000x128xf32>
    %max3A_38 = arith.constant 0.000000e+00 : f32
    %max3A_39 = vector.broadcast %max3A_38 : f32 to vector<10000x128xf32>
    %max3A_40 = arith.maximumf %add3A_37, %max3A_39 : vector<10000x128xf32>
    %reduce_sum3A = arith.constant dense<0.000000e+00> : vector<128xf32>
    %reduce_sum3A_41 = vector.multi_reduction <add>, %max3A_40, %reduce_sum3A [0] : vector<10000x128xf32> to vector<128xf32>
    %broadcast_in_dim3A = vector.shape_cast %reduce_sum3A_41 : vector<128xf32> to vector<1x128xf32>
    %div3A = arith.constant 1.000000e+04 : f32
    %div3A_42 = vector.broadcast %div3A : f32 to vector<1x128xf32>
    %div3A_43 = arith.divf %broadcast_in_dim3A, %div3A_42 : vector<1x128xf32>
    %sub3A = vector.broadcast %div3A_43 : vector<1x128xf32> to vector<10000x128xf32>
    %sub3A_44 = arith.subf %max3A_40, %sub3A : vector<10000x128xf32>
    %integer_pow3A = arith.mulf %sub3A_44, %sub3A_44 : vector<10000x128xf32>
    %reduce_sum3A_45 = arith.constant dense<0.000000e+00> : vector<128xf32>
    %reduce_sum3A_46 = vector.multi_reduction <add>, %integer_pow3A, %reduce_sum3A_45 [0] : vector<10000x128xf32> to vector<128xf32>
    %broadcast_in_dim3A_47 = vector.shape_cast %reduce_sum3A_46 : vector<128xf32> to vector<1x128xf32>
    %div3A_48 = arith.constant 1.000000e+04 : f32
    %div3A_49 = vector.broadcast %div3A_48 : f32 to vector<1x128xf32>
    %div3A_50 = arith.divf %broadcast_in_dim3A_47, %div3A_49 : vector<1x128xf32>
    %sub3A_51 = vector.broadcast %div3A_43 : vector<1x128xf32> to vector<10000x128xf32>
    %sub3A_52 = arith.subf %max3A_40, %sub3A_51 : vector<10000x128xf32>
    %add3A_53 = arith.constant 9.99999974E-6 : f32
    %add3A_54 = vector.broadcast %add3A_53 : f32 to vector<1x128xf32>
    %add3A_55 = arith.addf %div3A_50, %add3A_54 : vector<1x128xf32>
    %rsqrt3A = math.rsqrt %add3A_55 : vector<1x128xf32>
    %mul3A_56 = vector.broadcast %rsqrt3A : vector<1x128xf32> to vector<10000x128xf32>
    %mul3A_57 = arith.mulf %sub3A_52, %mul3A_56 : vector<10000x128xf32>
    %get3A_58 = arith.constant 0 : index
    %get3A_59 = arith.constant 0 : index
    %get3A_60 = vector.load %arg7[%get3A_58, %get3A_59] : memref<1x128xf32, #tpu.memory_space<vmem>>, vector<1x128xf32>
    %mul3A_61 = vector.broadcast %get3A_60 : vector<1x128xf32> to vector<10000x128xf32>
    %mul3A_62 = arith.mulf %mul3A_57, %mul3A_61 : vector<10000x128xf32>
    %get3A_63 = arith.constant 0 : index
    %get3A_64 = arith.constant 0 : index
    %get3A_65 = vector.load %arg8[%get3A_63, %get3A_64] : memref<1x128xf32, #tpu.memory_space<vmem>>, vector<1x128xf32>
    %add3A_66 = vector.broadcast %get3A_65 : vector<1x128xf32> to vector<10000x128xf32>
    %add3A_67 = arith.addf %mul3A_62, %add3A_66 : vector<10000x128xf32>
    %swap3A = arith.constant 0 : index
    %swap3A_68 = arith.constant 0 : index
    %swap3A_69 = vector.load %arg10[%swap3A, %swap3A_68] : memref<10000x128xf32, #tpu.memory_space<vmem>>, vector<10000x128xf32>
    tpu.vector_store %arg10[%swap3A, %swap3A_68], %add3A_67 {strides = array<i32>} : memref<10000x128xf32, #tpu.memory_space<vmem>>, vector<10000x128xf32>,
    %get3A_70 = arith.constant 0 : index
    %get3A_71 = arith.constant 0 : index
    %get3A_72 = vector.load %arg9[%get3A_70, %get3A_71] : memref<128x1xf32, #tpu.memory_space<vmem>>, vector<128x1xf32>
    %dot_general3A_73 = arith.constant dense<0.000000e+00> : vector<10000x1xf32>
    %dot_general3A_74 = tpu.matmul %add3A_67, %get3A_72, %dot_general3A_73 {dimension_numbers = #tpu.dot_dimension_numbers<[1], [0], [0], [1], [0, 0, 1, 1], [], []>, transpose_lhs_hint = false} : vector<10000x128xf32>, vector<128x1xf32>, vector<10000x1xf32> -> vector<10000x1xf32>
    %swap3A_75 = arith.constant 0 : index
    %swap3A_76 = arith.constant 0 : index
    %swap3A_77 = vector.load %arg11[%swap3A_75, %swap3A_76] : memref<10000x1xf32, #tpu.memory_space<vmem>>, vector<10000x1xf32>
    tpu.vector_store %arg11[%swap3A_75, %swap3A_76], %dot_general3A_74 {strides = array<i32>} : memref<10000x1xf32, #tpu.memory_space<vmem>>, vector<10000x1xf32>,
    return
  }
}

module attributes {stable_mosaic.version = 14 : i64} {
  func.func @_node_body(%arg0: memref<10000x128xf32, #tpu.memory_space<vmem>>, %arg1: memref<2x10240x128xf32, #tpu.memory_space<vmem>>, %arg2: memref<1x1xf32, #tpu.memory_space<vmem>>, %arg3: memref<128x128xf32, #tpu.memory_space<vmem>>, %arg4: memref<1x128xf32, #tpu.memory_space<vmem>>, %arg5: memref<128x128xf32, #tpu.memory_space<vmem>>, %arg6: memref<1x128xf32, #tpu.memory_space<vmem>>, %arg7: memref<1x128xf32, #tpu.memory_space<vmem>>, %arg8: memref<1x128xf32, #tpu.memory_space<vmem>>, %arg9: memref<128x1xf32, #tpu.memory_space<vmem>>, %arg10: memref<10000x128xf32, #tpu.memory_space<vmem>>, %arg11: memref<10000x1xf32, #tpu.memory_space<vmem>>) attributes {dimension_semantics = [], scalar_prefetch = 0 : i64, scratch_operands = 0 : i64, tpu.core_type = #tpu.core_type<tc>} {
    %get3A = arith.constant 0 : index
    %get3A_0 = arith.constant 0 : index
    %get3A_1 = vector.load %arg0[%get3A, %get3A_0] : memref<10000x128xf32, #tpu.memory_space<vmem>>, vector<10000x128xf32>
    %get3A_2 = arith.constant 0 : index
    %get3A_3 = arith.constant 0 : index
    %get3A_4 = vector.load %arg2[%get3A_2, %get3A_3] : memref<1x1xf32, #tpu.memory_space<vmem>>, vector<1x1xf32>
    %mul3A = vector.broadcast %get3A_4 : vector<1x1xf32> to vector<10000x128xf32>
    %mul3A_5 = arith.mulf %get3A_1, %mul3A : vector<10000x128xf32>
    %get3A_6 = arith.constant 0 : index
    %get3A_7 = arith.constant 0 : index
    %get3A_8 = arith.constant 0 : index
    %get3A_9 = vector.load %arg1[%get3A_6, %get3A_7, %get3A_8] : memref<2x10240x128xf32, #tpu.memory_space<vmem>>, vector<1x10000x128xf32>
    %get3A_10 = vector.shape_cast %get3A_9 : vector<1x10000x128xf32> to vector<10000x128xf32>
    %add3A = arith.addf %mul3A_5, %get3A_10 : vector<10000x128xf32>
    %get3A_11 = arith.constant 1 : index
    %get3A_12 = arith.constant 0 : index
    %get3A_13 = arith.constant 0 : index
    %get3A_14 = vector.load %arg1[%get3A_11, %get3A_12, %get3A_13] : memref<2x10240x128xf32, #tpu.memory_space<vmem>>, vector<1x10000x128xf32>
    %get3A_15 = vector.shape_cast %get3A_14 : vector<1x10000x128xf32> to vector<10000x128xf32>
    %add3A_16 = arith.addf %add3A, %get3A_15 : vector<10000x128xf32>
    %get3A_17 = arith.constant 0 : index
    %get3A_18 = arith.constant 0 : index
    %get3A_19 = vector.load %arg3[%get3A_17, %get3A_18] : memref<128x128xf32, #tpu.memory_space<vmem>>, vector<128x128xf32>
    %dot_general3A = arith.constant dense<0.000000e+00> : vector<10000x128xf32>
    %dot_general3A_20 = tpu.matmul %add3A_16, %get3A_19, %dot_general3A {dimension_numbers = #tpu.dot_dimension_numbers<[1], [0], [0], [1], [0, 0, 1, 1], [], []>, transpose_lhs_hint = false} : vector<10000x128xf32>, vector<128x128xf32>, vector<10000x128xf32> -> vector<10000x128xf32>
    %get3A_21 = arith.constant 0 : index
    %get3A_22 = arith.constant 0 : index
    %get3A_23 = vector.load %arg4[%get3A_21, %get3A_22] : memref<1x128xf32, #tpu.memory_space<vmem>>, vector<1x128xf32>
    %add3A_24 = vector.broadcast %get3A_23 : vector<1x128xf32> to vector<10000x128xf32>
    %add3A_25 = arith.addf %dot_general3A_20, %add3A_24 : vector<10000x128xf32>
    %max3A = arith.constant 0.000000e+00 : f32
    %max3A_26 = vector.broadcast %max3A : f32 to vector<10000x128xf32>
    %max3A_27 = arith.maximumf %add3A_25, %max3A_26 : vector<10000x128xf32>
    %get3A_28 = arith.constant 0 : index
    %get3A_29 = arith.constant 0 : index
    %get3A_30 = vector.load %arg5[%get3A_28, %get3A_29] : memref<128x128xf32, #tpu.memory_space<vmem>>, vector<128x128xf32>
    %dot_general3A_31 = arith.constant dense<0.000000e+00> : vector<10000x128xf32>
    %dot_general3A_32 = tpu.matmul %max3A_27, %get3A_30, %dot_general3A_31 {dimension_numbers = #tpu.dot_dimension_numbers<[1], [0], [0], [1], [0, 0, 1, 1], [], []>, transpose_lhs_hint = false} : vector<10000x128xf32>, vector<128x128xf32>, vector<10000x128xf32> -> vector<10000x128xf32>
    %get3A_33 = arith.constant 0 : index
    %get3A_34 = arith.constant 0 : index
    %get3A_35 = vector.load %arg6[%get3A_33, %get3A_34] : memref<1x128xf32, #tpu.memory_space<vmem>>, vector<1x128xf32>
    %add3A_36 = vector.broadcast %get3A_35 : vector<1x128xf32> to vector<10000x128xf32>
    %add3A_37 = arith.addf %dot_general3A_32, %add3A_36 : vector<10000x128xf32>
    %max3A_38 = arith.constant 0.000000e+00 : f32
    %max3A_39 = vector.broadcast %max3A_38 : f32 to vector<10000x128xf32>
    %max3A_40 = arith.maximumf %add3A_37, %max3A_39 : vector<10000x128xf32>
    %reduce_sum3A = arith.constant dense<0.000000e+00> : vector<128xf32>
    %reduce_sum3A_41 = vector.multi_reduction <add>, %max3A_40, %reduce_sum3A [0] : vector<10000x128xf32> to vector<128xf32>
    %broadcast_in_dim3A = vector.shape_cast %reduce_sum3A_41 : vector<128xf32> to vector<1x128xf32>
    %div3A = arith.constant 1.000000e+04 : f32
    %div3A_42 = vector.broadcast %div3A : f32 to vector<1x128xf32>
    %div3A_43 = arith.divf %broadcast_in_dim3A, %div3A_42 : vector<1x128xf32>
    %sub3A = vector.broadcast %div3A_43 : vector<1x128xf32> to vector<10000x128xf32>
    %sub3A_44 = arith.subf %max3A_40, %sub3A : vector<10000x128xf32>
    %integer_pow3A = arith.mulf %sub3A_44, %sub3A_44 : vector<10000x128xf32>
    %reduce_sum3A_45 = arith.constant dense<0.000000e+00> : vector<128xf32>
    %reduce_sum3A_46 = vector.multi_reduction <add>, %integer_pow3A, %reduce_sum3A_45 [0] : vector<10000x128xf32> to vector<128xf32>
    %broadcast_in_dim3A_47 = vector.shape_cast %reduce_sum3A_46 : vector<128xf32> to vector<1x128xf32>
    %div3A_48 = arith.constant 1.000000e+04 : f32
    %div3A_49 = vector.broadcast %div3A_48 : f32 to vector<1x128xf32>
    %div3A_50 = arith.divf %broadcast_in_dim3A_47, %div3A_49 : vector<1x128xf32>
    %sub3A_51 = vector.broadcast %div3A_43 : vector<1x128xf32> to vector<10000x128xf32>
    %sub3A_52 = arith.subf %max3A_40, %sub3A_51 : vector<10000x128xf32>
    %add3A_53 = arith.constant 9.99999974E-6 : f32
    %add3A_54 = vector.broadcast %add3A_53 : f32 to vector<1x128xf32>
    %add3A_55 = arith.addf %div3A_50, %add3A_54 : vector<1x128xf32>
    %rsqrt3A = math.rsqrt %add3A_55 : vector<1x128xf32>
    %mul3A_56 = vector.broadcast %rsqrt3A : vector<1x128xf32> to vector<10000x128xf32>
    %mul3A_57 = arith.mulf %sub3A_52, %mul3A_56 : vector<10000x128xf32>
    %get3A_58 = arith.constant 0 : index
    %get3A_59 = arith.constant 0 : index
    %get3A_60 = vector.load %arg7[%get3A_58, %get3A_59] : memref<1x128xf32, #tpu.memory_space<vmem>>, vector<1x128xf32>
    %mul3A_61 = vector.broadcast %get3A_60 : vector<1x128xf32> to vector<10000x128xf32>
    %mul3A_62 = arith.mulf %mul3A_57, %mul3A_61 : vector<10000x128xf32>
    %get3A_63 = arith.constant 0 : index
    %get3A_64 = arith.constant 0 : index
    %get3A_65 = vector.load %arg8[%get3A_63, %get3A_64] : memref<1x128xf32, #tpu.memory_space<vmem>>, vector<1x128xf32>
    %add3A_66 = vector.broadcast %get3A_65 : vector<1x128xf32> to vector<10000x128xf32>
    %add3A_67 = arith.addf %mul3A_62, %add3A_66 : vector<10000x128xf32>
    %swap3A = arith.constant 0 : index
    %swap3A_68 = arith.constant 0 : index
    %swap3A_69 = vector.load %arg10[%swap3A, %swap3A_68] : memref<10000x128xf32, #tpu.memory_space<vmem>>, vector<10000x128xf32>
    tpu.vector_store %arg10[%swap3A, %swap3A_68], %add3A_67 {strides = array<i32>} : memref<10000x128xf32, #tpu.memory_space<vmem>>, vector<10000x128xf32>,
    %get3A_70 = arith.constant 0 : index
    %get3A_71 = arith.constant 0 : index
    %get3A_72 = vector.load %arg9[%get3A_70, %get3A_71] : memref<128x1xf32, #tpu.memory_space<vmem>>, vector<128x1xf32>
    %dot_general3A_73 = arith.constant dense<0.000000e+00> : vector<10000x1xf32>
    %dot_general3A_74 = tpu.matmul %add3A_67, %get3A_72, %dot_general3A_73 {dimension_numbers = #tpu.dot_dimension_numbers<[1], [0], [0], [1], [0, 0, 1, 1], [], []>, transpose_lhs_hint = false} : vector<10000x128xf32>, vector<128x1xf32>, vector<10000x1xf32> -> vector<10000x1xf32>
    %swap3A_75 = arith.constant 0 : index
    %swap3A_76 = arith.constant 0 : index
    %swap3A_77 = vector.load %arg11[%swap3A_75, %swap3A_76] : memref<10000x1xf32, #tpu.memory_space<vmem>>, vector<10000x1xf32>
    tpu.vector_store %arg11[%swap3A_75, %swap3A_76], %dot_general3A_74 {strides = array<i32>} : memref<10000x1xf32, #tpu.memory_space<vmem>>, vector<10000x1xf32>,
    return
  }
}

module attributes {stable_mosaic.version = 14 : i64} {
  func.func @_pool_layer_body(%arg0: memref<10000x128xf32, #tpu.memory_space<vmem>>, %arg1: memref<10000x1xf32, #tpu.memory_space<vmem>>, %arg2: memref<10000x1xi32, #tpu.memory_space<vmem>>, %arg3: memref<128x1xf32, #tpu.memory_space<vmem>>, %arg4: memref<1x1xf32, #tpu.memory_space<vmem>>, %arg5: memref<16x128xf32, #tpu.memory_space<vmem>>) attributes {dimension_semantics = [], scalar_prefetch = 0 : i64, scratch_operands = 0 : i64, tpu.core_type = #tpu.core_type<tc>} {
    %iota3A = tpu.iota {dimensions = array<i32: 1>} : vector<10000x16xi32>
    %get3A = arith.constant 0 : index
    %get3A_0 = arith.constant 0 : index
    %get3A_1 = vector.load %arg2[%get3A, %get3A_0] : memref<10000x1xi32, #tpu.memory_space<vmem>>, vector<10000x1xi32>
    %eq3A = vector.broadcast %get3A_1 : vector<10000x1xi32> to vector<10000x16xi32>
    %eq3A_2 = arith.cmpi eq, %eq3A, %iota3A : vector<10000x16xi32>
    %convert_element_type3A = arith.extui %eq3A_2 : vector<10000x16xi1> to vector<10000x16xi32>
    %convert_element_type3A_3 = arith.sitofp %convert_element_type3A : vector<10000x16xi32> to vector<10000x16xf32>
    %get3A_4 = arith.constant 0 : index
    %get3A_5 = arith.constant 0 : index
    %get3A_6 = vector.load %arg0[%get3A_4, %get3A_5] : memref<10000x128xf32, #tpu.memory_space<vmem>>, vector<10000x128xf32>
    %get3A_7 = arith.constant 0 : index
    %get3A_8 = arith.constant 0 : index
    %get3A_9 = vector.load %arg3[%get3A_7, %get3A_8] : memref<128x1xf32, #tpu.memory_space<vmem>>, vector<128x1xf32>
    %dot_general3A = arith.constant dense<0.000000e+00> : vector<10000x1xf32>
    %dot_general3A_10 = tpu.matmul %get3A_6, %get3A_9, %dot_general3A {dimension_numbers = #tpu.dot_dimension_numbers<[1], [0], [0], [1], [0, 0, 1, 1], [], []>, transpose_lhs_hint = false} : vector<10000x128xf32>, vector<128x1xf32>, vector<10000x1xf32> -> vector<10000x1xf32>
    %get3A_11 = arith.constant 0 : index
    %get3A_12 = arith.constant 0 : index
    %get3A_13 = vector.load %arg1[%get3A_11, %get3A_12] : memref<10000x1xf32, #tpu.memory_space<vmem>>, vector<10000x1xf32>
    %add3A = arith.addf %dot_general3A_10, %get3A_13 : vector<10000x1xf32>
    %get3A_14 = arith.constant 0 : index
    %get3A_15 = arith.constant 0 : index
    %get3A_16 = vector.load %arg4[%get3A_14, %get3A_15] : memref<1x1xf32, #tpu.memory_space<vmem>>, vector<1x1xf32>
    %add3A_17 = vector.broadcast %get3A_16 : vector<1x1xf32> to vector<10000x1xf32>
    %add3A_18 = arith.addf %add3A, %add3A_17 : vector<10000x1xf32>
    %gt3A = arith.constant 0.000000e+00 : f32
    %gt3A_19 = vector.broadcast %gt3A : f32 to vector<10000x16xf32>
    %gt3A_20 = arith.cmpf ogt, %convert_element_type3A_3, %gt3A_19 : vector<10000x16xf32>
    %jit3A = arith.constant -1.000000e+30 : f32
    %broadcast_in_dim3A = vector.shape_cast %add3A_18 : vector<10000x1xf32> to vector<10000x1xf32>
    %broadcast_in_dim3A_21 = vector.broadcast %broadcast_in_dim3A : vector<10000x1xf32> to vector<10000x16xf32>
    %broadcast_in_dim3A_22 = vector.broadcast %jit3A : f32 to vector<10000x16xf32>
    %select_n3A = arith.select %gt3A_20, %broadcast_in_dim3A_21, %broadcast_in_dim3A_22 : vector<10000x16xi1>, vector<10000x16xf32>
    %reduce_max3A = arith.constant dense<0xFF800000> : vector<16xf32>
    %reduce_max3A_23 = vector.multi_reduction <maximumf>, %select_n3A, %reduce_max3A [0] : vector<10000x16xf32> to vector<16xf32>
    %broadcast_in_dim3A_24 = vector.shape_cast %reduce_max3A_23 : vector<16xf32> to vector<1x16xf32>
    %dot_general3A_25 = arith.constant dense<0.000000e+00> : vector<10000x1xf32>
    %dot_general3A_26 = tpu.matmul %convert_element_type3A_3, %broadcast_in_dim3A_24, %dot_general3A_25 {dimension_numbers = #tpu.dot_dimension_numbers<[1], [1], [0], [0], [0, 0, 1, 0], [], []>, transpose_lhs_hint = false} : vector<10000x16xf32>, vector<1x16xf32>, vector<10000x1xf32> -> vector<10000x1xf32>
    %sub3A = arith.subf %add3A_18, %dot_general3A_26 : vector<10000x1xf32>
    %exp3A = math.exp %sub3A : vector<10000x1xf32>
    %mul3A = vector.broadcast %exp3A : vector<10000x1xf32> to vector<10000x16xf32>
    %mul3A_27 = arith.mulf %convert_element_type3A_3, %mul3A : vector<10000x16xf32>
    %reduce_sum3A = arith.constant dense<0.000000e+00> : vector<16xf32>
    %reduce_sum3A_28 = vector.multi_reduction <add>, %mul3A_27, %reduce_sum3A [0] : vector<10000x16xf32> to vector<16xf32>
    %broadcast_in_dim3A_29 = vector.shape_cast %reduce_sum3A_28 : vector<16xf32> to vector<1x16xf32>
    %dot_general3A_30 = arith.constant dense<0.000000e+00> : vector<10000x1xf32>
    %dot_general3A_31 = tpu.matmul %convert_element_type3A_3, %broadcast_in_dim3A_29, %dot_general3A_30 {dimension_numbers = #tpu.dot_dimension_numbers<[1], [1], [0], [0], [0, 0, 1, 0], [], []>, transpose_lhs_hint = false} : vector<10000x16xf32>, vector<1x16xf32>, vector<10000x1xf32> -> vector<10000x1xf32>
    %div3A = arith.divf %exp3A, %dot_general3A_31 : vector<10000x1xf32>
    %mul3A_32 = vector.broadcast %div3A : vector<10000x1xf32> to vector<10000x128xf32>
    %mul3A_33 = arith.mulf %get3A_6, %mul3A_32 : vector<10000x128xf32>
    %dot_general3A_34 = arith.constant dense<0.000000e+00> : vector<16x128xf32>
    %dot_general3A_35 = tpu.matmul %convert_element_type3A_3, %mul3A_33, %dot_general3A_34 {dimension_numbers = #tpu.dot_dimension_numbers<[0], [0], [1], [1], [0, 1, 1, 1], [], []>, transpose_lhs_hint = false} : vector<10000x16xf32>, vector<10000x128xf32>, vector<16x128xf32> -> vector<16x128xf32>
    %swap3A = arith.constant 0 : index
    %swap3A_36 = arith.constant 0 : index
    %swap3A_37 = vector.load %arg5[%swap3A, %swap3A_36] : memref<16x128xf32, #tpu.memory_space<vmem>>, vector<16x128xf32>
    tpu.vector_store %arg5[%swap3A, %swap3A_36], %dot_general3A_35 {strides = array<i32>} : memref<16x128xf32, #tpu.memory_space<vmem>>, vector<16x128xf32>,
    return
  }
}

module attributes {stable_mosaic.version = 14 : i64} {
  func.func @_out_mlp_body(%arg0: memref<16x128xf32, #tpu.memory_space<vmem>>, %arg1: memref<16x128xf32, #tpu.memory_space<vmem>>, %arg2: memref<16x128xf32, #tpu.memory_space<vmem>>, %arg3: memref<16x128xf32, #tpu.memory_space<vmem>>, %arg4: memref<512x256xf32, #tpu.memory_space<vmem>>, %arg5: memref<1x256xf32, #tpu.memory_space<vmem>>, %arg6: memref<256x256xf32, #tpu.memory_space<vmem>>, %arg7: memref<1x256xf32, #tpu.memory_space<vmem>>, %arg8: memref<16x256xf32, #tpu.memory_space<vmem>>) attributes {dimension_semantics = [], scalar_prefetch = 0 : i64, scratch_operands = 0 : i64, tpu.core_type = #tpu.core_type<tc>} {
    %get3A = arith.constant 0 : index
    %get3A_0 = arith.constant 0 : index
    %get3A_1 = vector.load %arg0[%get3A, %get3A_0] : memref<16x128xf32, #tpu.memory_space<vmem>>, vector<16x128xf32>
    %get3A_2 = arith.constant 0 : index
    %get3A_3 = arith.constant 0 : index
    %get3A_4 = vector.load %arg1[%get3A_2, %get3A_3] : memref<16x128xf32, #tpu.memory_space<vmem>>, vector<16x128xf32>
    %get3A_5 = arith.constant 0 : index
    %get3A_6 = arith.constant 0 : index
    %get3A_7 = vector.load %arg2[%get3A_5, %get3A_6] : memref<16x128xf32, #tpu.memory_space<vmem>>, vector<16x128xf32>
    %get3A_8 = arith.constant 0 : index
    %get3A_9 = arith.constant 0 : index
    %get3A_10 = vector.load %arg3[%get3A_8, %get3A_9] : memref<16x128xf32, #tpu.memory_space<vmem>>, vector<16x128xf32>
    %concatenate3A = tpu.concatenate %get3A_1, %get3A_4, %get3A_7, %get3A_10 in 1 : vector<16x128xf32>, vector<16x128xf32>, vector<16x128xf32>, vector<16x128xf32> -> vector<16x512xf32>
    %get3A_11 = arith.constant 0 : index
    %get3A_12 = arith.constant 0 : index
    %get3A_13 = vector.load %arg4[%get3A_11, %get3A_12] : memref<512x256xf32, #tpu.memory_space<vmem>>, vector<512x256xf32>
    %dot_general3A = arith.constant dense<0.000000e+00> : vector<16x256xf32>
    %dot_general3A_14 = tpu.matmul %concatenate3A, %get3A_13, %dot_general3A {dimension_numbers = #tpu.dot_dimension_numbers<[1], [0], [0], [1], [0, 0, 1, 1], [], []>, transpose_lhs_hint = false} : vector<16x512xf32>, vector<512x256xf32>, vector<16x256xf32> -> vector<16x256xf32>
    %get3A_15 = arith.constant 0 : index
    %get3A_16 = arith.constant 0 : index
    %get3A_17 = vector.load %arg5[%get3A_15, %get3A_16] : memref<1x256xf32, #tpu.memory_space<vmem>>, vector<1x256xf32>
    %add3A = vector.broadcast %get3A_17 : vector<1x256xf32> to vector<16x256xf32>
    %add3A_18 = arith.addf %dot_general3A_14, %add3A : vector<16x256xf32>
    %max3A = arith.constant 0.000000e+00 : f32
    %max3A_19 = vector.broadcast %max3A : f32 to vector<16x256xf32>
    %max3A_20 = arith.maximumf %add3A_18, %max3A_19 : vector<16x256xf32>
    %get3A_21 = arith.constant 0 : index
    %get3A_22 = arith.constant 0 : index
    %get3A_23 = vector.load %arg6[%get3A_21, %get3A_22] : memref<256x256xf32, #tpu.memory_space<vmem>>, vector<256x256xf32>
    %dot_general3A_24 = arith.constant dense<0.000000e+00> : vector<16x256xf32>
    %dot_general3A_25 = tpu.matmul %max3A_20, %get3A_23, %dot_general3A_24 {dimension_numbers = #tpu.dot_dimension_numbers<[1], [0], [0], [1], [0, 0, 1, 1], [], []>, transpose_lhs_hint = false} : vector<16x256xf32>, vector<256x256xf32>, vector<16x256xf32> -> vector<16x256xf32>
    %get3A_26 = arith.constant 0 : index
    %get3A_27 = arith.constant 0 : index
    %get3A_28 = vector.load %arg7[%get3A_26, %get3A_27] : memref<1x256xf32, #tpu.memory_space<vmem>>, vector<1x256xf32>
    %add3A_29 = vector.broadcast %get3A_28 : vector<1x256xf32> to vector<16x256xf32>
    %add3A_30 = arith.addf %dot_general3A_25, %add3A_29 : vector<16x256xf32>
    %swap3A = arith.constant 0 : index
    %swap3A_31 = arith.constant 0 : index
    %swap3A_32 = vector.load %arg8[%swap3A, %swap3A_31] : memref<16x256xf32, #tpu.memory_space<vmem>>, vector<16x256xf32>
    tpu.vector_store %arg8[%swap3A, %swap3A_31], %add3A_30 {strides = array<i32>} : memref<16x256xf32, #tpu.memory_space<vmem>>, vector<16x256xf32>,
    return
  }
}

</mosaic_0001>

<sc_bundles>
// kernel: kernel.17.cloned.1.call-start
scs
__scs_entry_jumppad:
0x0: {  	(pc) =	sbr.rel $0x88, $3  }
0x1: {  	(tag) =	ssettag $0x0;
	lr =	simm.s32 $0x1  }
0x2: {  	[smem:$0x3F8D] =	sst lr;
	_ =	strace $0xD0000000  }
0x3: {  	_ = 	snop  }
0x4: {  	_ = 	snop  }
0x5: {  	_ = 	snop  }
0x6: {  	_ = 	snop  }
0x7: {  	_ = 	snop  }
__scs_overlays_trampoline_lowered:
0x8: {  	[smem:$0x3F9C] =	sst s0  }
0x9: {  	[smem:$0x3F9D] =	sst s1  }
0xa: {  	[smem:$0x3F9E] =	sst s2  }
0xb: {  	[smem:$0x3F9F] =	sst s3  }
0xc: {  	[smem:$0x3FA0] =	sst s4  }
0xd: {  	[smem:$0x3FA1] =	sst s5  }
0xe: {  	[smem:$0x3FA2] =	sst s6  }
0xf: {  	[smem:$0x3FA3] =	sst s7  }
0x10: {  	[smem:$0x3FA4] =	sst s8  }
0x11: {  	[smem:$0x3FA5] =	sst s9;
	s0 =	simm.s32 @!p0 $0x0  }
0x12: {  	s1 =	sld [smem:$0x3F8B];
	s0 =	simm.s32 @p0 $0x1  }
0x13: {  	[smem:$0x3FA6] =	sst s0;
	s0 =	simm.s32 @!p1 $0x0  }
0x14: {  	s2 =	sld [smem:$0x3F8A];
	s0 =	simm.s32 @p1 $0x1  }
0x15: {  	[smem:$0x3FA7] =	sst s0;
	s0 =	simm.s32 @!p2 $0x0  }
0x16: {  	s3 =	sld [smem:$0x3FDB];
	s0 =	simm.s32 @p2 $0x1  }
0x17: {  	s4 =	simm.s32 $0x1BF5;
	[smem:$0x3FA9] =	sst s0  }
0x18: {  	s0 =	sld [smem:$0x3F8C];
	_ =	swait.ge [sflag:s4], $0x0  }
0x19: {  	s7 =	sld [smem:$0x3F8D]  }
0x1a: {  	s8 =	sadd.s32 $0xFFFFE003, lr  }
0x1b: {  	s9 =	sadd.s32 $0xFFFFFEF7, lr;
	s5 =	simm.s32 $0xFFFFFFFF;
	p2 =	slt.u32 s8, $0xFFFFF086  }
0x1c: {  	p1 =	slt.u32 s9, $0xF7A;
	s5 =	simm.s32 @!p2 $0x0  }
0x1d: {  	s5 =	simm.s32 @p1 $0x1;
	p0 =	seq.s32 s7, s2  }
0x1e: {  	s7 =	smul.u32 @!p0 $0xF7A, s2;
	p2 =	seq.s32 @!p0 s5, $0x0  }
0x1f: {  	s9 =	smul.u32 $0xF7A, s1;
	s8 =	simm.s32 @!p0 $0x1BF5;
	p2 =	por !p2, p0  }
0x20: {  	[sflag:s8] =	ssyncset.s32 @!p0 $0xFFFFF086;
	s6 =	sadd.s32 @!p0 s3, s7;
	s7 =	simm.s32 @!p0 $0x108  }
0x21: {  	s3 =	sadd.s32 s3, s9;
	s6 =	sadd.s32 @!p0 $0x88, s6;
	s7 =	simm.s32 @p2 $0x1082  }
0x22: {  	[simem:s7], [sflag:s8] =	dma.local @!p0 [hbm:s6], $0xF7A  }
0x23: {  	s9 =	sor.u32 $0xD0000000, s2;
	s6 =	simm.s32 $0x108;
	_ =	swait.ge @!p0 [sflag:s8], $0x0  }
0x24: {  	s3 =	sadd.s32 $0x88, s3;
	s6 =	simm.s32 @!p1 $0x1082;
	[sflag:s4] =	ssyncset.s32 $0xFFFFF086  }
0x25: {  	[simem:s6], [sflag:s4] =	dma.local [hbm:s3], $0xF7A  }
0x26: {  	[smem:$0x3F8D] =	sst s1;
	(tag) =	ssettag s2;
	_ =	strace s9  }
0x27: {  	s1 =	sld [smem:$0x3F9D]  }
0x28: {  	s2 =	sld [smem:$0x3F9E]  }
0x29: {  	s4 =	sld [smem:$0x3FA0]  }
0x2a: {  	p0 =	seq.s32 s5, $0x0;
	s5 =	sld [smem:$0x3FA1]  }
0x2b: {  	s6 =	sld [smem:$0x3FA2]  }
0x2c: {  	s7 =	sld [smem:$0x3FA3]  }
0x2d: {  	s3 =	simm.s32 $0x108;
	s8 =	sld [smem:$0x3FA4]  }
0x2e: {  	s3 =	simm.s32 @!p0 $0x1082;
	s9 =	sld [smem:$0x3FA5]  }
0x2f: {  	lr =	sadd.s32 s0, s3;
	s0 =	sld [smem:$0x3F9C]  }
0x30: {  	s3 =	sld [smem:$0x3F9F]  }
0x31: {  	[smem:$0x3FA8] =	sst s10  }
0x32: {  	s10 =	sld [smem:$0x3FA6];
	_ =	sdelay $0x3  }
0x33: {  	p0 =	seq.s32 s10, $0x1;
	s10 =	sld [smem:$0x3FA8];
	_ =	sdelay $0x3  }
0x34: {  	[smem:$0x3FA8] =	sst s10  }
0x35: {  	s10 =	sld [smem:$0x3FA7];
	_ =	sdelay $0x3  }
0x36: {  	p1 =	seq.s32 s10, $0x1;
	s10 =	sld [smem:$0x3FA8];
	_ =	sdelay $0x3  }
0x37: {  	[smem:$0x3FA8] =	sst s10  }
0x38: {  	s10 =	sld [smem:$0x3FA9]  }
0x39: {  	_ = 	snop;
	(pc) =	sbr.ind lr, $3  }
0x3a: {  	_ = 	snop  }
0x3b: {  	_ = 	snop  }
0x3c: {  	p2 =	seq.s32 s10, $0x1;
	s10 =	sld [smem:$0x3FA8]  }
0x3d: {  	_ =	shalt  }
0x3e: {  	_ =	shalt  }
0x3f: {  	_ =	shalt  }
0x40: {  	_ =	shalt  }
0x41: {  	_ =	shalt  }
0x42: {  	_ =	shalt  }
0x43: {  	_ =	shalt  }
0x44: {  	_ =	shalt  }
0x45: {  	_ =	shalt  }
0x46: {  	_ =	shalt  }
0x47: {  	_ =	shalt  }
0x48: {  	_ =	shalt  }
0x49: {  	_ =	shalt  }
0x4a: {  	_ =	shalt  }
0x4b: {  	_ =	shalt  }
0x4c: {  	_ =	shalt  }
0x4d: {  	_ =	shalt  }
0x4e: {  	_ =	shalt  }
0x4f: {  	_ =	shalt  }
0x50: {  	_ =	shalt  }
0x51: {  	_ =	shalt  }
0x52: {  	_ =	shalt  }
0x53: {  	_ =	shalt  }
0x54: {  	_ =	shalt  }
0x55: {  	_ =	shalt  }
0x56: {  	_ =	shalt  }
0x57: {  	_ =	shalt  }
0x58: {  	_ =	shalt  }
0x59: {  	_ =	shalt  }
0x5a: {  	_ =	shalt  }
0x5b: {  	_ =	shalt  }
0x5c: {  	_ =	shalt  }
0x5d: {  	_ =	shalt  }
0x5e: {  	_ =	shalt  }
0x5f: {  	_ =	shalt  }
0x60: {  	_ =	shalt  }
0x61: {  	_ =	shalt  }
0x62: {  	_ =	shalt  }
0x63: {  	_ =	shalt  }
0x64: {  	_ =	shalt  }
0x65: {  	_ =	shalt  }
0x66: {  	_ =	shalt  }
0x67: {  	_ =	shalt  }
0x68: {  	_ =	shalt  }
0x69: {  	_ =	shalt  }
0x6a: {  	_ =	shalt  }
0x6b: {  	_ =	shalt  }
0x6c: {  	_ =	shalt  }
0x6d: {  	_ =	shalt  }
0x6e: {  	_ =	shalt  }
0x6f: {  	_ =	shalt  }
0x70: {  	_ =	shalt  }
0x71: {  	_ =	shalt  }
0x72: {  	_ =	shalt  }
0x73: {  	_ =	shalt  }
0x74: {  	_ =	shalt  }
0x75: {  	_ =	shalt  }
0x76: {  	_ =	shalt  }
0x77: {  	_ =	shalt  }
0x78: {  	_ =	shalt  }
0x79: {  	_ =	shalt  }
0x7a: {  	_ =	shalt  }
0x7b: {  	_ =	shalt  }
0x7c: {  	_ =	shalt  }
0x7d: {  	_ =	shalt  }
0x7e: {  	_ =	shalt  }
0x7f: {  	_ =	shalt  }
0x80: {  	_ =	shalt  }
0x81: {  	_ =	shalt  }
0x82: {  	_ =	shalt  }
0x83: {  	_ =	shalt  }
0x84: {  	_ =	shalt  }
0x85: {  	_ =	shalt  }
0x86: {  	_ =	shalt  }
0x87: {  	_ =	shalt  }
.Lfunc_end0:
.L_simem_size_0:
called_computation_lowered:
.L_overlay_start_0:
0x88: {  	s2 =	sld [smem:$0x3FD9]  }
0x89: {  	s3 =	sld [smem:$0x3FFE];
	_ =	sdelay $0x1  }
0x8a: {  	s1 =	srdreg.scid  }
0x8b: {  	s0 =	sand.u32 $0x1, s1  }
0x8c: {  	s17 =	sshll.u32 s0, $0xA;
	s2 =	sadd.s32 s3, s2  }
0x8d: {  	s2 =	sadd.s32 s2, s17  }
0x8e: {  	[smem:$0x3FB4] =	sst s2  }
0x8f: {  	_ = 	snop  }
0x90: {  	s2 =	sld [smem:$0x3FC9];
	(tm) =	ssettm $0x1  }
0x91: {  	s18 =	sld [smem:$0x3FFB];
	_ =	sdelay $0x3  }
0x92: {  	_ =	strace s18  }
0x93: {  	s3 =	sld [smem:$0x3FFC];
	_ =	sdelay $0x3  }
0x94: {  	_ =	strace s3  }
0x95: {  	s3 =	sld [smem:$0x3FFD];
	_ =	sdelay $0x3  }
0x96: {  	_ =	strace s3  }
0x97: {  	_ =	strace $0x8FFFFFFF  }
0x98: {  	s19 =	sld [smem:$0x3FDB];
	_ =	sdelay $0x1  }
0x99: {  	s4 =	simm.s32 $_scs_section_size  }
0x9a: {  	s5 =	simm.s32 $_size__tile_overlayer_lowered;
	s6 =	simm.s32 $_tile_overlayer_lowered  }
0x9b: {  	s22 =	simm.s32 $0x1BFF;
	s21 =	sshll.u32 s6, $0x1;
	s3 =	sadd.s32 s4, s19  }
0x9c: {  	s7 =	simm.s32 $0x0;
	s20 =	sshll.u32 s5, $0x1;
	s5 =	sadd.s32 s21, s3  }
0x9d: {  	[timem:s7], [sflag:s22] =	dma.local [hbm:s5], s20  }
0x9e: {  	_ =	swait.ge [sflag:s22], s20  }
0x9f: {  	s4 =	ssub.s32 $0x0, s20;
	[sflag:s22] =	ssyncset.done $0x0  }
0xa0: {  	[sflag:s22] =	ssyncadd.s32 s4;
	_ =	sdelay $0x1  }
0xa1: {  	s23 =	simm.s32 $0x1B8B  }
0xa2: {  	_ =	swait.ge [sflag:s23], $0x1  }
0xa3: {  	[sflag:s23] =	ssyncset.done $0x0  }
0xa4: {  	s25 =	simm.s32 $0x1B8E;
	s24 =	sld [smem:$0x3FFE];
	[sflag:s23] =	ssyncadd.s32 $0xFFFFFFFF  }
0xa5: {  	s26 =	simm.s32 $execute0_lowered;
	[smem:$0x3FD2] =	sst s25  }
0xa6: {  	s5 =	sshll.u32 s26, $0x1;
	_ =	strace $0x80000046;
	[dreg:$0x1] =	wrdreg $0xFFFFFFFF  }
0xa7: {  	s28 =	simm.s32 $_size_execute0_lowered;
	s3 =	sadd.s32 s3, s5;
	[dreg:$0x0] =	wrdreg $0x0  }
0xa8: {  	s5 =	sshll.u32 s28, $0x1;
	[dreg:$0x2] =	wrdreg s3  }
0xa9: {  	[dreg:$0x3] =	wrdreg s5  }
0xaa: {  	[dreg:$0x4] =	wrdreg $0xC0  }
0xab: {  	_ =	task [dreg:s7], $0x5FFFF  }
0xac: {  	[dreg:$0x1] =	wrdreg $0xFFFFFFFF  }
0xad: {  	[dreg:$0x0] =	wrdreg $0x60  }
0xae: {  	[dreg:$0x2] =	wrdreg s24  }
0xaf: {  	[dreg:$0x3] =	wrdreg s2  }
0xb0: {  	[dreg:$0x4] =	wrdreg $0x81000  }
0xb1: {  	[dreg:$0x5] =	wrdreg $0x9  }
0xb2: {  	_ =	task.clear_ibuf [dreg:s7], $0x6FFFF;
	_ =	strace $0x90000046  }
0xb3: {  	s29 =	simm.s32 $0x9;
	_ =	strace $0x80000048  }
0xb4: {  	_ =	swait.ge [sflag:s29], $0x1  }
0xb5: {  	[sflag:s29] =	ssyncadd.s32 $0xFFFFFFFF  }
0xb6: {  	_ =	strace $0x90000048  }
0xb7: {  	_ =	sfence  }
0xb8: {  	s30 =	sld [smem:$0x0];
	_ =	sdelay $0x2  }
0xb9: {  	s31 =	sshll.u32 s1, $0xD;
	s1 =	sshrl.u32 s1, $0x2  }
0xba: {  	s3 =	sand.u32 $0x4000, s31;
	s1 =	sadd.s32 s1, s30  }
0xbb: {  	s0 =	sor.u32 s3, s0;
	s1 =	sshll.u32 s1, $0x11  }
0xbc: {  	s0 =	sor.u32 s1, s0  }
0xbd: {  	s0 =	sadd.s32 $0x8F2B, s0  }
0xbe: {  	[sflag:s0] =	ssyncadd.remote.s32 $0x1  }
0xbf: {  	_ =	sfence.sel $0xFFFF  }
0xc0: {  	[dreg:$0x0] =	wrdreg $0xFFFFFFFF;
	(pc) =	sbr.abs _section_cstart, $3  }
0xc1: {  	[dreg:$0x1] =	wrdreg $0xFFFFFFFF  }
0xc2: {  	_ =	task.clear_ibuf [dreg:s7], $0x2FFFF;
	_ =	strace $0x9FFFFFFF  }
0xc3: {  	(tm) =	ssettm $0x7FFFFFFF  }
tec
execute0_lowered:
.L_overlay_start_1:
0x0: {  	(tag) =	ssettag $0x1  }
0x1: {  	s8 =	rddreg [dreg:$0x0]  }
0x2: {  	s2 =	rddreg [dreg:$0x1];
	s0 =	srdreg.scid  }
0x3: {  	s3 =	rddreg [dreg:$0x2];
	s1 =	stileid.u32  }
0x4: {  	s4 =	simm.s32 $0x0;
	s16 =	simm.s32 $0x100;
	s17 =	simm.s32 $0x2  }
0x5: {  	s18 =	simm.s32 $0x80;
	s19 =	simm.s32 $0x4100;
	s20 =	simm.s32 $0x1  }
0x6: {  	s9 =	sand.u32 $0x1, s0;
	s0 =	rddreg [dreg:$0x3];
	s7 =	smul.u32 $0x14000, s1  }
0x7: {  	[smem:$0x7FF] =	sst s4;
	s5 =	sadd.s32 $0x9EC600, s8;
	s11 =	smul.u32 $0x50000, s1  }
0x8: {  	s12 =	sshll.u32 s1, $0x1;
	s21 =	sshll.u32 s1, $0x6;
	s6 =	smul.u32 $0x140000, s9  }
0x9: {  	_ =	strace $0x80000047;
	s30 =	ssub.s32 $0x2, s9;
	s9 =	sor.u32 s9, s12  }
0xa: {  	s21 =	sor.u32 $0x1C02, s21;
	s31 =	sshrl.u32 s30, $0x1;
	s11 =	sshrl.u32 s11, $0x2  }
0xb: {  	s9 =	smul.u32 $0x2800, s9;
	s7 =	sadd.s32 s7, s6;
	s6 =	sadd.s32 $0xA600, s8  }
0xc: {  	s15 =	ssub.s32 s30, s31;
	s10 =	sshrl.u32 s7, $0x3;
	s7 =	sadd.s32 $0x14600, s8  }
0xd: {  	s15 =	smax.u32 s15, $0x1;
	s14 =	sadd.s32 s10, s8;
	s8 =	sadd.s32 s11, s3  }
0xe: {  	s10 =	sadd.s32 $0x4000, s8;
	s11 =	sadd.s32 $0x8000, s8;
	s12 =	sadd.s32 $0xC000, s8  }
0xf: {  	v0 =	vimm.f32 $0.0e+00;
	s13 =	sadd.s32 $0x10000, s8;
	s14 =	sadd.s32 $0x1E600, s14;
	s22 =	sshrl.u32 s8, $0x3  }
.LBB2_1:
0x10: {  	s23 =	simm.s32 $0x0;
	s24 =	simm.s32 $0x200  }
.LBB2_2:
0x11: {  	p0 =	sne.s32 s24, $0xFE00;
	[tilespmem:s23+$0x170] =	vst v0  }
0x12: {  	[tilespmem:s23+$0x100] =	vst v0  }
0x13: {  	[tilespmem:s23+$0x110] =	vst v0  }
.Ltmp0:
0x14: {  	[tilespmem:s23+$0x120] =	vst v0;
	(pc) =	sbr.rel @p0 .LBB2_2-.Ltmp0, $4  }
0x15: {  	[tilespmem:s23+$0x130] =	vst v0  }
0x16: {  	[tilespmem:s23+$0x140] =	vst v0  }
0x17: {  	[tilespmem:s23+$0x150] =	vst v0  }
0x18: {  	[tilespmem:s23+$0x160] =	vst v0;
	s23 =	sshra.s32 s24, $0x2;
	s24 =	sadd.s32 $0x200, s24  }
0x19: {  	[tilespmem:s23+$0x170] =	vst v0  }
0x1a: {  	[tilespmem:s23+$0x100] =	vst v0  }
0x1b: {  	[tilespmem:s23+$0x110] =	vst v0  }
0x1c: {  	[tilespmem:s23+$0x120] =	vst v0  }
0x1d: {  	[tilespmem:s23+$0x130] =	vst v0  }
0x1e: {  	[tilespmem:s23+$0x140] =	vst v0  }
0x1f: {  	[tilespmem:s23+$0x150] =	vst v0  }
0x20: {  	[tilespmem:s23+$0x160] =	vst v0  }
0x21: {  	[spmem:s8] =	stream.linear.scatter [tilespmem:s16], [sflag:$0x2], $0x4000, $0x38;
	[tilespmem:$0x1C100] =	vst v63  }
0x22: {  	_ =	swait.ge [sflag:s17], $0x4000  }
0x23: {  	[sflag:s17] =	ssyncset.done $0x0  }
0x24: {  	[sflag:s17] =	ssyncadd.s32 $0xFFFFC000  }
0x25: {  	[spmem:s10] =	stream.linear.scatter [tilespmem:s16], [sflag:$0x2], $0x4000, $0x38;
	[tilespmem:$0x1C100] =	vst v63  }
0x26: {  	_ =	swait.ge [sflag:s17], $0x4000  }
0x27: {  	[sflag:s17] =	ssyncset.done $0x0  }
0x28: {  	[sflag:s17] =	ssyncadd.s32 $0xFFFFC000  }
0x29: {  	[spmem:s11] =	stream.linear.scatter [tilespmem:s16], [sflag:$0x2], $0x4000, $0x38;
	[tilespmem:$0x1C100] =	vst v63  }
0x2a: {  	_ =	swait.ge [sflag:s17], $0x4000  }
0x2b: {  	[sflag:s17] =	ssyncset.done $0x0  }
0x2c: {  	[sflag:s17] =	ssyncadd.s32 $0xFFFFC000  }
0x2d: {  	[spmem:s12] =	stream.linear.scatter [tilespmem:s16], [sflag:$0x2], $0x4000, $0x38;
	[tilespmem:$0x1C100] =	vst v63  }
0x2e: {  	_ =	swait.ge [sflag:s17], $0x4000  }
0x2f: {  	[sflag:s17] =	ssyncset.done $0x0  }
0x30: {  	[sflag:s17] =	ssyncadd.s32 $0xFFFFC000  }
0x31: {  	[spmem:s13] =	stream.linear.scatter [tilespmem:s16], [sflag:$0x2], $0x4000, $0x38;
	[tilespmem:$0x1C100] =	vst v63  }
0x32: {  	_ =	swait.ge [sflag:s17], $0x4000  }
0x33: {  	[sflag:s17] =	ssyncset.done $0x0  }
0x34: {  	[sflag:s17] =	ssyncadd.s32 $0xFFFFC000  }
0x35: {  	s23 =	simm.s32 $0x0;
	s24 =	simm.s32 $0x0;
	[bflag:$0x0] =	sbarrier.arrive $0xFFFF  }
.LBB2_4:
0x36: {  	s25 =	sshll.u32 s24, $0x7  }
0x37: {  	s25 =	sadd.s32 s9, s25  }
0x38: {  	s26 =	sshrl.u32 s25, $0x3  }
0x39: {  	s28 =	sadd.s32 s6, s26  }
0x3a: {  	[tilespmem:s23], [sflag:$0x2] =	stream.linear.gather [hbm4b:s28+s23], $0x80, $0x38;
	[tilespmem:$0x1C100] =	vst v63  }
0x3b: {  	_ =	swait.ge [sflag:s17], $0x80  }
0x3c: {  	[sflag:s17] =	ssyncset.done $0x0  }
0x3d: {  	s26 =	sadd.s32 s7, s26;
	[sflag:s17] =	ssyncadd.s32 $0xFFFFFF80  }
0x3e: {  	[tilespmem:s18], [sflag:$0x2] =	stream.linear.gather [hbm4b:s26+s23], $0x80, $0x38;
	[tilespmem:$0x1C100] =	vst v63  }
0x3f: {  	_ =	swait.ge [sflag:s17], $0x80  }
0x40: {  	s25 =	sshll.u32 s25, $0x4;
	[sflag:s17] =	ssyncset.done $0x0  }
0x41: {  	s25 =	sadd.s32 s5, s25;
	[sflag:s17] =	ssyncadd.s32 $0xFFFFFF80  }
0x42: {  	[tilespmem:s19], [sflag:$0x2] =	stream.linear.gather [hbm4b:s25+s23], $0x4000, $0x38;
	[tilespmem:$0x1C100] =	vst v63  }
0x43: {  	_ =	swait.ge [sflag:s17], $0x4000  }
0x44: {  	[sflag:s17] =	ssyncset.done $0x0  }
0x45: {  	[sflag:s17] =	ssyncadd.s32 $0xFFFFC000  }
0x46: {  	[tilespmem:s16], [sflag:$0x1] =	stream.indirect.gather [hbm4b:s2+s18], $0x80, s23, s18, $0xb8;
	[tilespmem:$0x1C100] =	vst v63  }
0x47: {  	_ =	swait.ge [sflag:s20], $0x4000  }
0x48: {  	[sflag:s20] =	ssyncset.done $0x0  }
0x49: {  	s25 =	simm.s32 $0x0;
	[sflag:s20] =	ssyncadd.s32 $0xFFFFC000  }
0x4a: {  	v7 =	vld [tilespmem:s25+$0x4100]  }
0x4b: {  	v12 =	vld [tilespmem:s25+$0x4110]  }
0x4c: {  	v6 =	vld [tilespmem:s25+$0x4120]  }
0x4d: {  	v5 =	vld [tilespmem:s25+$0x4130]  }
0x4e: {  	v4 =	vld [tilespmem:s25+$0x4140]  }
0x4f: {  	v3 =	vld [tilespmem:s25+$0x4150]  }
0x50: {  	v2 =	vld [tilespmem:s25+$0x4160]  }
0x51: {  	v1 =	vld [tilespmem:s25+$0x4170]  }
0x52: {  	v13 =	vld [tilespmem:s25+$0x100]  }
0x53: {  	v14 =	vld [tilespmem:s25+$0x110]  }
0x54: {  	v11 =	vld [tilespmem:s25+$0x120]  }
0x55: {  	v10 =	vld [tilespmem:s25+$0x130]  }
0x56: {  	v9 =	vld [tilespmem:s25+$0x140]  }
0x57: {  	v8 =	vld [tilespmem:s25+$0x150];
	v13 =	vadd.f32 v7, v13  }
0x58: {  	s26 =	simm.s32 $0x200;
	v12 =	vadd.f32 v12, v14;
	v7 =	vld [tilespmem:s25+$0x160]  }
.LBB2_5:
0x59: {  	s28 =	sshra.s32 s26, $0x2;
	p0 =	sne.s32 s26, $0xFE00;
	v13 =	vmax.f32 v13, $0.0e+00;
	v6 =	vadd.f32 v6, v11;
	v11 =	vld [tilespmem:s25+$0x170]  }
0x5a: {  	v14 =	vld [tilespmem:s28+$0x4100];
	[tilespmem:s25+$0x100] =	vst v13;
	v12 =	vmax.f32 v12, $0.0e+00;
	v5 =	vadd.f32 v5, v10  }
0x5b: {  	v15 =	vld [tilespmem:s28+$0x4110];
	[tilespmem:s25+$0x110] =	vst v12;
	v10 =	vmax.f32 v6, $0.0e+00;
	v4 =	vadd.f32 v4, v9  }
0x5c: {  	v6 =	vld [tilespmem:s28+$0x4120];
	[tilespmem:s25+$0x120] =	vst v10;
	v9 =	vmax.f32 v5, $0.0e+00;
	v3 =	vadd.f32 v3, v8  }
0x5d: {  	v5 =	vld [tilespmem:s28+$0x4130];
	[tilespmem:s25+$0x130] =	vst v9;
	v8 =	vmax.f32 v4, $0.0e+00;
	v2 =	vadd.f32 v2, v7  }
0x5e: {  	v4 =	vld [tilespmem:s28+$0x4140];
	[tilespmem:s25+$0x140] =	vst v8;
	v7 =	vmax.f32 v3, $0.0e+00;
	v1 =	vadd.f32 v1, v11  }
0x5f: {  	v3 =	vld [tilespmem:s28+$0x4150];
	[tilespmem:s25+$0x150] =	vst v7;
	v7 =	vmax.f32 v2, $0.0e+00  }
0x60: {  	v2 =	vld [tilespmem:s28+$0x4160];
	[tilespmem:s25+$0x160] =	vst v7;
	v7 =	vmax.f32 v1, $0.0e+00  }
0x61: {  	v1 =	vld [tilespmem:s28+$0x4170];
	[tilespmem:s25+$0x170] =	vst v7;
	s25 =	smov.u32 s28  }
0x62: {  	v7 =	vld [tilespmem:s25+$0x100]  }
0x63: {  	v12 =	vld [tilespmem:s25+$0x110]  }
.Ltmp1:
0x64: {  	v11 =	vld [tilespmem:s25+$0x120];
	(pc) =	sbr.rel @p0 .LBB2_5-.Ltmp1, $4  }
0x65: {  	v10 =	vld [tilespmem:s25+$0x130]  }
0x66: {  	v9 =	vld [tilespmem:s25+$0x140]  }
0x67: {  	v13 =	vadd.f32 v14, v7;
	v8 =	vld [tilespmem:s25+$0x150]  }
0x68: {  	s26 =	sadd.s32 $0x200, s26;
	v12 =	vadd.f32 v15, v12;
	v7 =	vld [tilespmem:s25+$0x160]  }
0x69: {  	v13 =	vmax.f32 v13, $0.0e+00;
	v6 =	vadd.f32 v6, v11;
	v63 =	vld [tilespmem:s25+$0x170]  }
0x6a: {  	[tilespmem:s25+$0x100] =	vst v13;
	v12 =	vmax.f32 v12, $0.0e+00;
	v5 =	vadd.f32 v5, v10  }
0x6b: {  	[tilespmem:s25+$0x110] =	vst v12;
	v6 =	vmax.f32 v6, $0.0e+00;
	v4 =	vadd.f32 v4, v9  }
0x6c: {  	[tilespmem:s25+$0x120] =	vst v6;
	v5 =	vmax.f32 v5, $0.0e+00;
	v3 =	vadd.f32 v3, v8  }
0x6d: {  	[tilespmem:s25+$0x130] =	vst v5;
	v4 =	vmax.f32 v4, $0.0e+00;
	v2 =	vadd.f32 v2, v7  }
0x6e: {  	[tilespmem:s25+$0x140] =	vst v4;
	v3 =	vmax.f32 v3, $0.0e+00;
	v1 =	vadd.f32 v1, v63  }
0x6f: {  	s24 =	sadd.s32 $0x1, s24;
	[tilespmem:s25+$0x150] =	vst v3;
	v2 =	vmax.f32 v2, $0.0e+00  }
0x70: {  	p0 =	sne.s32 s24, $0x50;
	[tilespmem:s25+$0x160] =	vst v2;
	v1 =	vmax.f32 v1, $0.0e+00  }
.Ltmp2:
0x71: {  	[tilespmem:s25+$0x170] =	vst v1;
	(pc) =	sbr.rel @p0 .LBB2_4-.Ltmp2, $4  }
0x72: {  	[spmem:s3] =	stream.indirect.scatter.add.f32 [tilespmem:s16], [sflag:$0x2], $0x80, s18, s18, $0xb8;
	[tilespmem:$0x1C100] =	vst v63  }
0x73: {  	_ =	swait.ge [sflag:s17], $0x4000  }
0x74: {  	[sflag:s17] =	ssyncset.done $0x0  }
0x75: {  	[sflag:s17] =	ssyncadd.s32 $0xFFFFC000  }
0x76: {  	s4 =	sadd.s32 $0x1, s4  }
0x77: {  	p0 =	sne.s32 s4, s15  }
.Ltmp3:
0x78: {  	[bflag:$0x0] =	sbarrier.arrive $0xFFFF;
	(pc) =	sbr.rel @p0 .LBB2_1-.Ltmp3, $4  }
0x79: {  	[hbm:s14], [sflag:s21] =	dma.local [spmem:s22], $0x2800  }
0x7a: {  	_ =	swait.ge [sflag:s17], $0x2800  }
0x7b: {  	[sflag:s17] =	ssyncset.done $0x0  }
0x7c: {  	[sflag:s17] =	ssyncadd.s32 $0xFFFFD800  }
0x7d: {  	_ =	sfence.sel $0x180000  }
0x7e: {  	[bflag:$0x0] =	sbarrier.arrive $0xFFFF  }
0x7f: {  	p0 =	sne.s32 s1, $0x0;
	_ =	strace $0x90000047  }
0x80: {  	s0 =	sadd.s32 @!p0 $0x100000, s0;
	[bflag:$0x2] =	sbarrier.arrive $0xFFFF  }
0x81: {  	[sflag:s0] =	ssyncadd.tile.s32 @!p0 $0x1;
	_ =	shalt  }
.Lfunc_end2:
_tile_overlayer_lowered:
.L_overlay_start_2:
0x82: {  	(tag) =	ssettag $0x2  }
0x83: {  	s0 =	rddreg [dreg:$0x0];
	s2 =	stileid.u32  }
0x84: {  	s1 =	rddreg [dreg:$0x1];
	p0 =	sne.s32 s2, $0x0  }
0x85: {  	s3 =	rddreg [dreg:$0x2];
	[bflag:$0x3] =	sbarrier.arrive $0xFFFF;
	s2 =	simm.s32 @!p0 $0x1C02  }
0x86: {  	[timem:s3], [sflag:s2] =	dma.local @!p0 [hbm:s0], s1  }
0x87: {  	s0 =	simm.s32 @!p0 $0x2  }
0x88: {  	_ =	swait.ge @!p0 [sflag:s0], s1  }
0x89: {  	s1 =	ssub.s32 @!p0 $0x0, s1;
	[sflag:s0] =	ssyncset.done @!p0 $0x0  }
0x8a: {  	[sflag:s0] =	ssyncadd.s32 @!p0 s1  }
0x8b: {  	[bflag:$0x3] =	sbarrier.arrive $0xFFFF  }
0x8c: {  	_ =	shalt  }

// kernel: kernel.20.cloned.1.call-start
scs
__scs_entry_jumppad:
0x0: {  	(pc) =	sbr.rel $0x88, $3  }
0x1: {  	(tag) =	ssettag $0x0;
	lr =	simm.s32 $0x1  }
0x2: {  	[smem:$0x3F8D] =	sst lr;
	_ =	strace $0xD0000000  }
0x3: {  	_ = 	snop  }
0x4: {  	_ = 	snop  }
0x5: {  	_ = 	snop  }
0x6: {  	_ = 	snop  }
0x7: {  	_ = 	snop  }
__scs_overlays_trampoline_lowered:
0x8: {  	[smem:$0x3F9C] =	sst s0  }
0x9: {  	[smem:$0x3F9D] =	sst s1  }
0xa: {  	[smem:$0x3F9E] =	sst s2  }
0xb: {  	[smem:$0x3F9F] =	sst s3  }
0xc: {  	[smem:$0x3FA0] =	sst s4  }
0xd: {  	[smem:$0x3FA1] =	sst s5  }
0xe: {  	[smem:$0x3FA2] =	sst s6  }
0xf: {  	[smem:$0x3FA3] =	sst s7  }
0x10: {  	[smem:$0x3FA4] =	sst s8  }
0x11: {  	[smem:$0x3FA5] =	sst s9;
	s0 =	simm.s32 @!p0 $0x0  }
0x12: {  	s1 =	sld [smem:$0x3F8B];
	s0 =	simm.s32 @p0 $0x1  }
0x13: {  	[smem:$0x3FA6] =	sst s0;
	s0 =	simm.s32 @!p1 $0x0  }
0x14: {  	s2 =	sld [smem:$0x3F8A];
	s0 =	simm.s32 @p1 $0x1  }
0x15: {  	[smem:$0x3FA7] =	sst s0;
	s0 =	simm.s32 @!p2 $0x0  }
0x16: {  	s3 =	sld [smem:$0x3FDB];
	s0 =	simm.s32 @p2 $0x1  }
0x17: {  	s4 =	simm.s32 $0x1BF5;
	[smem:$0x3FA9] =	sst s0  }
0x18: {  	s0 =	sld [smem:$0x3F8C];
	_ =	swait.ge [sflag:s4], $0x0  }
0x19: {  	s7 =	sld [smem:$0x3F8D]  }
0x1a: {  	s8 =	sadd.s32 $0xFFFFE003, lr  }
0x1b: {  	s9 =	sadd.s32 $0xFFFFFEF7, lr;
	s5 =	simm.s32 $0xFFFFFFFF;
	p2 =	slt.u32 s8, $0xFFFFF086  }
0x1c: {  	p1 =	slt.u32 s9, $0xF7A;
	s5 =	simm.s32 @!p2 $0x0  }
0x1d: {  	s5 =	simm.s32 @p1 $0x1;
	p0 =	seq.s32 s7, s2  }
0x1e: {  	s7 =	smul.u32 @!p0 $0xF7A, s2;
	p2 =	seq.s32 @!p0 s5, $0x0  }
0x1f: {  	s9 =	smul.u32 $0xF7A, s1;
	s8 =	simm.s32 @!p0 $0x1BF5;
	p2 =	por !p2, p0  }
0x20: {  	[sflag:s8] =	ssyncset.s32 @!p0 $0xFFFFF086;
	s6 =	sadd.s32 @!p0 s3, s7;
	s7 =	simm.s32 @!p0 $0x108  }
0x21: {  	s3 =	sadd.s32 s3, s9;
	s6 =	sadd.s32 @!p0 $0x88, s6;
	s7 =	simm.s32 @p2 $0x1082  }
0x22: {  	[simem:s7], [sflag:s8] =	dma.local @!p0 [hbm:s6], $0xF7A  }
0x23: {  	s9 =	sor.u32 $0xD0000000, s2;
	s6 =	simm.s32 $0x108;
	_ =	swait.ge @!p0 [sflag:s8], $0x0  }
0x24: {  	s3 =	sadd.s32 $0x88, s3;
	s6 =	simm.s32 @!p1 $0x1082;
	[sflag:s4] =	ssyncset.s32 $0xFFFFF086  }
0x25: {  	[simem:s6], [sflag:s4] =	dma.local [hbm:s3], $0xF7A  }
0x26: {  	[smem:$0x3F8D] =	sst s1;
	(tag) =	ssettag s2;
	_ =	strace s9  }
0x27: {  	s1 =	sld [smem:$0x3F9D]  }
0x28: {  	s2 =	sld [smem:$0x3F9E]  }
0x29: {  	s4 =	sld [smem:$0x3FA0]  }
0x2a: {  	p0 =	seq.s32 s5, $0x0;
	s5 =	sld [smem:$0x3FA1]  }
0x2b: {  	s6 =	sld [smem:$0x3FA2]  }
0x2c: {  	s7 =	sld [smem:$0x3FA3]  }
0x2d: {  	s3 =	simm.s32 $0x108;
	s8 =	sld [smem:$0x3FA4]  }
0x2e: {  	s3 =	simm.s32 @!p0 $0x1082;
	s9 =	sld [smem:$0x3FA5]  }
0x2f: {  	lr =	sadd.s32 s0, s3;
	s0 =	sld [smem:$0x3F9C]  }
0x30: {  	s3 =	sld [smem:$0x3F9F]  }
0x31: {  	[smem:$0x3FA8] =	sst s10  }
0x32: {  	s10 =	sld [smem:$0x3FA6];
	_ =	sdelay $0x3  }
0x33: {  	p0 =	seq.s32 s10, $0x1;
	s10 =	sld [smem:$0x3FA8];
	_ =	sdelay $0x3  }
0x34: {  	[smem:$0x3FA8] =	sst s10  }
0x35: {  	s10 =	sld [smem:$0x3FA7];
	_ =	sdelay $0x3  }
0x36: {  	p1 =	seq.s32 s10, $0x1;
	s10 =	sld [smem:$0x3FA8];
	_ =	sdelay $0x3  }
0x37: {  	[smem:$0x3FA8] =	sst s10  }
0x38: {  	s10 =	sld [smem:$0x3FA9]  }
0x39: {  	_ = 	snop;
	(pc) =	sbr.ind lr, $3  }
0x3a: {  	_ = 	snop  }
0x3b: {  	_ = 	snop  }
0x3c: {  	p2 =	seq.s32 s10, $0x1;
	s10 =	sld [smem:$0x3FA8]  }
0x3d: {  	_ =	shalt  }
0x3e: {  	_ =	shalt  }
0x3f: {  	_ =	shalt  }
0x40: {  	_ =	shalt  }
0x41: {  	_ =	shalt  }
0x42: {  	_ =	shalt  }
0x43: {  	_ =	shalt  }
0x44: {  	_ =	shalt  }
0x45: {  	_ =	shalt  }
0x46: {  	_ =	shalt  }
0x47: {  	_ =	shalt  }
0x48: {  	_ =	shalt  }
0x49: {  	_ =	shalt  }
0x4a: {  	_ =	shalt  }
0x4b: {  	_ =	shalt  }
0x4c: {  	_ =	shalt  }
0x4d: {  	_ =	shalt  }
0x4e: {  	_ =	shalt  }
0x4f: {  	_ =	shalt  }
0x50: {  	_ =	shalt  }
0x51: {  	_ =	shalt  }
0x52: {  	_ =	shalt  }
0x53: {  	_ =	shalt  }
0x54: {  	_ =	shalt  }
0x55: {  	_ =	shalt  }
0x56: {  	_ =	shalt  }
0x57: {  	_ =	shalt  }
0x58: {  	_ =	shalt  }
0x59: {  	_ =	shalt  }
0x5a: {  	_ =	shalt  }
0x5b: {  	_ =	shalt  }
0x5c: {  	_ =	shalt  }
0x5d: {  	_ =	shalt  }
0x5e: {  	_ =	shalt  }
0x5f: {  	_ =	shalt  }
0x60: {  	_ =	shalt  }
0x61: {  	_ =	shalt  }
0x62: {  	_ =	shalt  }
0x63: {  	_ =	shalt  }
0x64: {  	_ =	shalt  }
0x65: {  	_ =	shalt  }
0x66: {  	_ =	shalt  }
0x67: {  	_ =	shalt  }
0x68: {  	_ =	shalt  }
0x69: {  	_ =	shalt  }
0x6a: {  	_ =	shalt  }
0x6b: {  	_ =	shalt  }
0x6c: {  	_ =	shalt  }
0x6d: {  	_ =	shalt  }
0x6e: {  	_ =	shalt  }
0x6f: {  	_ =	shalt  }
0x70: {  	_ =	shalt  }
0x71: {  	_ =	shalt  }
0x72: {  	_ =	shalt  }
0x73: {  	_ =	shalt  }
0x74: {  	_ =	shalt  }
0x75: {  	_ =	shalt  }
0x76: {  	_ =	shalt  }
0x77: {  	_ =	shalt  }
0x78: {  	_ =	shalt  }
0x79: {  	_ =	shalt  }
0x7a: {  	_ =	shalt  }
0x7b: {  	_ =	shalt  }
0x7c: {  	_ =	shalt  }
0x7d: {  	_ =	shalt  }
0x7e: {  	_ =	shalt  }
0x7f: {  	_ =	shalt  }
0x80: {  	_ =	shalt  }
0x81: {  	_ =	shalt  }
0x82: {  	_ =	shalt  }
0x83: {  	_ =	shalt  }
0x84: {  	_ =	shalt  }
0x85: {  	_ =	shalt  }
0x86: {  	_ =	shalt  }
0x87: {  	_ =	shalt  }
.Lfunc_end0:
.L_simem_size_0:
called_computation.1_lowered:
.L_overlay_start_0:
0x88: {  	s2 =	sld [smem:$0x3FD9]  }
0x89: {  	s3 =	sld [smem:$0x3FFE];
	_ =	sdelay $0x1  }
0x8a: {  	s1 =	srdreg.scid  }
0x8b: {  	s0 =	sand.u32 $0x1, s1  }
0x8c: {  	s16 =	sshll.u32 s0, $0xA;
	s2 =	sadd.s32 s3, s2  }
0x8d: {  	s2 =	sadd.s32 s2, s16  }
0x8e: {  	[smem:$0x3FB4] =	sst s2  }
0x8f: {  	_ = 	snop  }
0x90: {  	(tm) =	ssettm $0x1  }
0x91: {  	s17 =	sld [smem:$0x3FFB];
	_ =	sdelay $0x3  }
0x92: {  	_ =	strace s17  }
0x93: {  	s2 =	sld [smem:$0x3FFC];
	_ =	sdelay $0x3  }
0x94: {  	_ =	strace s2  }
0x95: {  	s2 =	sld [smem:$0x3FFD];
	_ =	sdelay $0x3  }
0x96: {  	_ =	strace s2  }
0x97: {  	_ =	strace $0x8FFFFFFF  }
0x98: {  	s18 =	sld [smem:$0x3FDB];
	_ =	sdelay $0x1  }
0x99: {  	s19 =	simm.s32 $_scs_section_size  }
0x9a: {  	s4 =	simm.s32 $_size__tile_overlayer_lowered;
	s5 =	simm.s32 $_tile_overlayer_lowered  }
0x9b: {  	s22 =	simm.s32 $0x1BFF;
	s21 =	sshll.u32 s5, $0x1;
	s2 =	sadd.s32 s19, s18  }
0x9c: {  	s6 =	simm.s32 $0x0;
	s20 =	sshll.u32 s4, $0x1;
	s4 =	sadd.s32 s21, s2  }
0x9d: {  	[timem:s6], [sflag:s22] =	dma.local [hbm:s4], s20  }
0x9e: {  	_ =	swait.ge [sflag:s22], s20  }
0x9f: {  	s3 =	ssub.s32 $0x0, s20;
	[sflag:s22] =	ssyncset.done $0x0  }
0xa0: {  	[sflag:s22] =	ssyncadd.s32 s3;
	_ =	sdelay $0x1  }
0xa1: {  	s23 =	simm.s32 $0x1B8B  }
0xa2: {  	_ =	swait.ge [sflag:s23], $0x1  }
0xa3: {  	[sflag:s23] =	ssyncset.done $0x0  }
0xa4: {  	s25 =	simm.s32 $0x1B8E;
	s24 =	sld [smem:$0x3FFE];
	[sflag:s23] =	ssyncadd.s32 $0xFFFFFFFF  }
0xa5: {  	s26 =	simm.s32 $execute0_lowered;
	[smem:$0x3FD2] =	sst s25  }
0xa6: {  	s4 =	sshll.u32 s26, $0x1;
	_ =	strace $0x80000049;
	[dreg:$0x1] =	wrdreg $0xFFFFFFFF  }
0xa7: {  	s28 =	simm.s32 $_size_execute0_lowered;
	s2 =	sadd.s32 s2, s4;
	[dreg:$0x0] =	wrdreg $0x0  }
0xa8: {  	s4 =	sshll.u32 s28, $0x1;
	[dreg:$0x2] =	wrdreg s2  }
0xa9: {  	[dreg:$0x3] =	wrdreg s4  }
0xaa: {  	[dreg:$0x4] =	wrdreg $0xC0  }
0xab: {  	_ =	task [dreg:s6], $0x5FFFF  }
0xac: {  	[dreg:$0x1] =	wrdreg $0xFFFFFFFF  }
0xad: {  	[dreg:$0x0] =	wrdreg $0x60  }
0xae: {  	[dreg:$0x2] =	wrdreg s24  }
0xaf: {  	[dreg:$0x3] =	wrdreg $0x81000  }
0xb0: {  	[dreg:$0x4] =	wrdreg $0x9  }
0xb1: {  	_ =	task.clear_ibuf [dreg:s6], $0x5FFFF;
	_ =	strace $0x90000049  }
0xb2: {  	s29 =	simm.s32 $0x9;
	_ =	strace $0x8000004B  }
0xb3: {  	_ =	swait.ge [sflag:s29], $0x1  }
0xb4: {  	[sflag:s29] =	ssyncadd.s32 $0xFFFFFFFF  }
0xb5: {  	_ =	strace $0x9000004B  }
0xb6: {  	_ =	sfence  }
0xb7: {  	s30 =	sld [smem:$0x0];
	_ =	sdelay $0x2  }
0xb8: {  	s31 =	sshll.u32 s1, $0xD;
	s1 =	sshrl.u32 s1, $0x2  }
0xb9: {  	s3 =	sand.u32 $0x4000, s31;
	s1 =	sadd.s32 s1, s30  }
0xba: {  	s0 =	sor.u32 s3, s0;
	s1 =	sshll.u32 s1, $0x11  }
0xbb: {  	s0 =	sor.u32 s1, s0  }
0xbc: {  	s0 =	sadd.s32 $0x8F2B, s0  }
0xbd: {  	[sflag:s0] =	ssyncadd.remote.s32 $0x1  }
0xbe: {  	_ =	sfence.sel $0xFFFF  }
0xbf: {  	[dreg:$0x0] =	wrdreg $0xFFFFFFFF;
	(pc) =	sbr.abs _section_cstart, $3  }
0xc0: {  	[dreg:$0x1] =	wrdreg $0xFFFFFFFF  }
0xc1: {  	_ =	task.clear_ibuf [dreg:s6], $0x2FFFF;
	_ =	strace $0x9FFFFFFF  }
0xc2: {  	(tm) =	ssettm $0x7FFFFFFF  }
0xc3: {  	_ =	shalt  }
tec
execute0_lowered:
.L_overlay_start_1:
0x0: {  	(tag) =	ssettag $0x1  }
0x1: {  	s13 =	rddreg [dreg:$0x0]  }
0x2: {  	s1 =	rddreg [dreg:$0x1]  }
0x3: {  	s2 =	srdreg.scid;
	s0 =	rddreg [dreg:$0x2];
	s3 =	simm.s32 $0x0  }
0x4: {  	s16 =	simm.s32 $0x100;
	s17 =	simm.s32 $0x2;
	s18 =	simm.s32 $0x80  }
0x5: {  	s19 =	simm.s32 $0x4100;
	s7 =	sand.u32 $0x1, s2;
	s2 =	stileid.u32  }
0x6: {  	s20 =	simm.s32 $0x1;
	[smem:$0x7FF] =	sst s3;
	s6 =	smul.u32 $0x140000, s7  }
0x7: {  	s4 =	sadd.s32 $0xA600, s13;
	s5 =	sadd.s32 $0x14600, s13;
	s8 =	smul.u32 $0x14000, s2  }
0x8: {  	_ =	strace $0x8000004A;
	s9 =	smul.u32 $0x50000, s2;
	s31 =	ssub.s32 $0x2, s7  }
0x9: {  	s10 =	sshll.u32 s2, $0x1;
	s21 =	sshll.u32 s2, $0x6;
	s11 =	sshrl.u32 s31, $0x1  }
0xa: {  	s7 =	sor.u32 s7, s10;
	s21 =	sor.u32 $0x1C02, s21;
	s8 =	sadd.s32 s8, s6  }
0xb: {  	s6 =	sadd.s32 $0x1E600, s13;
	s9 =	sshrl.u32 s9, $0x2;
	s15 =	ssub.s32 s31, s11  }
0xc: {  	s7 =	smul.u32 $0x2800, s7;
	s8 =	sshrl.u32 s8, $0x3;
	s15 =	smax.u32 s15, $0x1  }
0xd: {  	s14 =	sadd.s32 s8, s13;
	s8 =	sadd.s32 s9, s1;
	s13 =	sadd.s32 $0xEEC600, s13  }
0xe: {  	s9 =	sadd.s32 $0x4000, s8;
	s10 =	sadd.s32 $0x8000, s8;
	s11 =	sadd.s32 $0xC000, s8  }
0xf: {  	v0 =	vimm.f32 $0.0e+00;
	s12 =	sadd.s32 $0x10000, s8;
	s14 =	sadd.s32 $0x73600, s14;
	s22 =	sshrl.u32 s8, $0x3  }
.LBB2_1:
0x10: {  	s23 =	simm.s32 $0x0;
	s24 =	simm.s32 $0x200  }
.LBB2_2:
0x11: {  	p0 =	sne.s32 s24, $0xFE00;
	[tilespmem:s23+$0x170] =	vst v0  }
0x12: {  	[tilespmem:s23+$0x100] =	vst v0  }
0x13: {  	[tilespmem:s23+$0x110] =	vst v0  }
.Ltmp0:
0x14: {  	[tilespmem:s23+$0x120] =	vst v0;
	(pc) =	sbr.rel @p0 .LBB2_2-.Ltmp0, $4  }
0x15: {  	[tilespmem:s23+$0x130] =	vst v0  }
0x16: {  	[tilespmem:s23+$0x140] =	vst v0  }
0x17: {  	[tilespmem:s23+$0x150] =	vst v0  }
0x18: {  	[tilespmem:s23+$0x160] =	vst v0;
	s23 =	sshra.s32 s24, $0x2;
	s24 =	sadd.s32 $0x200, s24  }
0x19: {  	[tilespmem:s23+$0x170] =	vst v0  }
0x1a: {  	[tilespmem:s23+$0x100] =	vst v0  }
0x1b: {  	[tilespmem:s23+$0x110] =	vst v0  }
0x1c: {  	[tilespmem:s23+$0x120] =	vst v0  }
0x1d: {  	[tilespmem:s23+$0x130] =	vst v0  }
0x1e: {  	[tilespmem:s23+$0x140] =	vst v0  }
0x1f: {  	[tilespmem:s23+$0x150] =	vst v0  }
0x20: {  	[tilespmem:s23+$0x160] =	vst v0  }
0x21: {  	[spmem:s8] =	stream.linear.scatter [tilespmem:s16], [sflag:$0x2], $0x4000, $0x38;
	[tilespmem:$0x1C100] =	vst v63  }
0x22: {  	_ =	swait.ge [sflag:s17], $0x4000  }
0x23: {  	[sflag:s17] =	ssyncset.done $0x0  }
0x24: {  	[sflag:s17] =	ssyncadd.s32 $0xFFFFC000  }
0x25: {  	[spmem:s9] =	stream.linear.scatter [tilespmem:s16], [sflag:$0x2], $0x4000, $0x38;
	[tilespmem:$0x1C100] =	vst v63  }
0x26: {  	_ =	swait.ge [sflag:s17], $0x4000  }
0x27: {  	[sflag:s17] =	ssyncset.done $0x0  }
0x28: {  	[sflag:s17] =	ssyncadd.s32 $0xFFFFC000  }
0x29: {  	[spmem:s10] =	stream.linear.scatter [tilespmem:s16], [sflag:$0x2], $0x4000, $0x38;
	[tilespmem:$0x1C100] =	vst v63  }
0x2a: {  	_ =	swait.ge [sflag:s17], $0x4000  }
0x2b: {  	[sflag:s17] =	ssyncset.done $0x0  }
0x2c: {  	[sflag:s17] =	ssyncadd.s32 $0xFFFFC000  }
0x2d: {  	[spmem:s11] =	stream.linear.scatter [tilespmem:s16], [sflag:$0x2], $0x4000, $0x38;
	[tilespmem:$0x1C100] =	vst v63  }
0x2e: {  	_ =	swait.ge [sflag:s17], $0x4000  }
0x2f: {  	[sflag:s17] =	ssyncset.done $0x0  }
0x30: {  	[sflag:s17] =	ssyncadd.s32 $0xFFFFC000  }
0x31: {  	[spmem:s12] =	stream.linear.scatter [tilespmem:s16], [sflag:$0x2], $0x4000, $0x38;
	[tilespmem:$0x1C100] =	vst v63  }
0x32: {  	_ =	swait.ge [sflag:s17], $0x4000  }
0x33: {  	[sflag:s17] =	ssyncset.done $0x0  }
0x34: {  	[sflag:s17] =	ssyncadd.s32 $0xFFFFC000  }
0x35: {  	s23 =	simm.s32 $0x0;
	s24 =	simm.s32 $0x0;
	[bflag:$0x0] =	sbarrier.arrive $0xFFFF  }
.LBB2_4:
0x36: {  	s25 =	sshll.u32 s24, $0x7  }
0x37: {  	s25 =	sadd.s32 s7, s25  }
0x38: {  	s26 =	sshrl.u32 s25, $0x3  }
0x39: {  	s28 =	sadd.s32 s4, s26  }
0x3a: {  	[tilespmem:s23], [sflag:$0x2] =	stream.linear.gather [hbm4b:s28+s23], $0x80, $0x38;
	[tilespmem:$0x1C100] =	vst v63  }
0x3b: {  	_ =	swait.ge [sflag:s17], $0x80  }
0x3c: {  	[sflag:s17] =	ssyncset.done $0x0  }
0x3d: {  	s26 =	sadd.s32 s5, s26;
	[sflag:s17] =	ssyncadd.s32 $0xFFFFFF80  }
0x3e: {  	[tilespmem:s18], [sflag:$0x2] =	stream.linear.gather [hbm4b:s26+s23], $0x80, $0x38;
	[tilespmem:$0x1C100] =	vst v63  }
0x3f: {  	_ =	swait.ge [sflag:s17], $0x80  }
0x40: {  	s25 =	sshll.u32 s25, $0x4;
	[sflag:s17] =	ssyncset.done $0x0  }
0x41: {  	s25 =	sadd.s32 s25, s13;
	[sflag:s17] =	ssyncadd.s32 $0xFFFFFF80  }
0x42: {  	[tilespmem:s19], [sflag:$0x2] =	stream.linear.gather [hbm4b:s25+s23], $0x4000, $0x38;
	[tilespmem:$0x1C100] =	vst v63  }
0x43: {  	_ =	swait.ge [sflag:s17], $0x4000  }
0x44: {  	[sflag:s17] =	ssyncset.done $0x0  }
0x45: {  	[sflag:s17] =	ssyncadd.s32 $0xFFFFC000  }
0x46: {  	[tilespmem:s16], [sflag:$0x1] =	stream.indirect.gather [hbm4b:s6+s18], $0x80, s23, s18, $0xb8;
	[tilespmem:$0x1C100] =	vst v63  }
0x47: {  	_ =	swait.ge [sflag:s20], $0x4000  }
0x48: {  	[sflag:s20] =	ssyncset.done $0x0  }
0x49: {  	s25 =	simm.s32 $0x0;
	[sflag:s20] =	ssyncadd.s32 $0xFFFFC000  }
0x4a: {  	v7 =	vld [tilespmem:s25+$0x4100]  }
0x4b: {  	v12 =	vld [tilespmem:s25+$0x4110]  }
0x4c: {  	v6 =	vld [tilespmem:s25+$0x4120]  }
0x4d: {  	v5 =	vld [tilespmem:s25+$0x4130]  }
0x4e: {  	v4 =	vld [tilespmem:s25+$0x4140]  }
0x4f: {  	v3 =	vld [tilespmem:s25+$0x4150]  }
0x50: {  	v2 =	vld [tilespmem:s25+$0x4160]  }
0x51: {  	v1 =	vld [tilespmem:s25+$0x4170]  }
0x52: {  	v13 =	vld [tilespmem:s25+$0x100]  }
0x53: {  	v14 =	vld [tilespmem:s25+$0x110]  }
0x54: {  	v11 =	vld [tilespmem:s25+$0x120]  }
0x55: {  	v10 =	vld [tilespmem:s25+$0x130]  }
0x56: {  	v9 =	vld [tilespmem:s25+$0x140]  }
0x57: {  	v8 =	vld [tilespmem:s25+$0x150];
	v13 =	vadd.f32 v7, v13  }
0x58: {  	s26 =	simm.s32 $0x200;
	v12 =	vadd.f32 v12, v14;
	v7 =	vld [tilespmem:s25+$0x160]  }
.LBB2_5:
0x59: {  	s28 =	sshra.s32 s26, $0x2;
	p0 =	sne.s32 s26, $0xFE00;
	v13 =	vmax.f32 v13, $0.0e+00;
	v6 =	vadd.f32 v6, v11;
	v11 =	vld [tilespmem:s25+$0x170]  }
0x5a: {  	v14 =	vld [tilespmem:s28+$0x4100];
	[tilespmem:s25+$0x100] =	vst v13;
	v12 =	vmax.f32 v12, $0.0e+00;
	v5 =	vadd.f32 v5, v10  }
0x5b: {  	v15 =	vld [tilespmem:s28+$0x4110];
	[tilespmem:s25+$0x110] =	vst v12;
	v10 =	vmax.f32 v6, $0.0e+00;
	v4 =	vadd.f32 v4, v9  }
0x5c: {  	v6 =	vld [tilespmem:s28+$0x4120];
	[tilespmem:s25+$0x120] =	vst v10;
	v9 =	vmax.f32 v5, $0.0e+00;
	v3 =	vadd.f32 v3, v8  }
0x5d: {  	v5 =	vld [tilespmem:s28+$0x4130];
	[tilespmem:s25+$0x130] =	vst v9;
	v8 =	vmax.f32 v4, $0.0e+00;
	v2 =	vadd.f32 v2, v7  }
0x5e: {  	v4 =	vld [tilespmem:s28+$0x4140];
	[tilespmem:s25+$0x140] =	vst v8;
	v7 =	vmax.f32 v3, $0.0e+00;
	v1 =	vadd.f32 v1, v11  }
0x5f: {  	v3 =	vld [tilespmem:s28+$0x4150];
	[tilespmem:s25+$0x150] =	vst v7;
	v7 =	vmax.f32 v2, $0.0e+00  }
0x60: {  	v2 =	vld [tilespmem:s28+$0x4160];
	[tilespmem:s25+$0x160] =	vst v7;
	v7 =	vmax.f32 v1, $0.0e+00  }
0x61: {  	v1 =	vld [tilespmem:s28+$0x4170];
	[tilespmem:s25+$0x170] =	vst v7;
	s25 =	smov.u32 s28  }
0x62: {  	v7 =	vld [tilespmem:s25+$0x100]  }
0x63: {  	v12 =	vld [tilespmem:s25+$0x110]  }
.Ltmp1:
0x64: {  	v11 =	vld [tilespmem:s25+$0x120];
	(pc) =	sbr.rel @p0 .LBB2_5-.Ltmp1, $4  }
0x65: {  	v10 =	vld [tilespmem:s25+$0x130]  }
0x66: {  	v9 =	vld [tilespmem:s25+$0x140]  }
0x67: {  	v13 =	vadd.f32 v14, v7;
	v8 =	vld [tilespmem:s25+$0x150]  }
0x68: {  	s26 =	sadd.s32 $0x200, s26;
	v12 =	vadd.f32 v15, v12;
	v7 =	vld [tilespmem:s25+$0x160]  }
0x69: {  	v13 =	vmax.f32 v13, $0.0e+00;
	v6 =	vadd.f32 v6, v11;
	v63 =	vld [tilespmem:s25+$0x170]  }
0x6a: {  	[tilespmem:s25+$0x100] =	vst v13;
	v12 =	vmax.f32 v12, $0.0e+00;
	v5 =	vadd.f32 v5, v10  }
0x6b: {  	[tilespmem:s25+$0x110] =	vst v12;
	v6 =	vmax.f32 v6, $0.0e+00;
	v4 =	vadd.f32 v4, v9  }
0x6c: {  	[tilespmem:s25+$0x120] =	vst v6;
	v5 =	vmax.f32 v5, $0.0e+00;
	v3 =	vadd.f32 v3, v8  }
0x6d: {  	[tilespmem:s25+$0x130] =	vst v5;
	v4 =	vmax.f32 v4, $0.0e+00;
	v2 =	vadd.f32 v2, v7  }
0x6e: {  	[tilespmem:s25+$0x140] =	vst v4;
	v3 =	vmax.f32 v3, $0.0e+00;
	v1 =	vadd.f32 v1, v63  }
0x6f: {  	s24 =	sadd.s32 $0x1, s24;
	[tilespmem:s25+$0x150] =	vst v3;
	v2 =	vmax.f32 v2, $0.0e+00  }
0x70: {  	p0 =	sne.s32 s24, $0x50;
	[tilespmem:s25+$0x160] =	vst v2;
	v1 =	vmax.f32 v1, $0.0e+00  }
.Ltmp2:
0x71: {  	[tilespmem:s25+$0x170] =	vst v1;
	(pc) =	sbr.rel @p0 .LBB2_4-.Ltmp2, $4  }
0x72: {  	[spmem:s1] =	stream.indirect.scatter.add.f32 [tilespmem:s16], [sflag:$0x2], $0x80, s18, s18, $0xb8;
	[tilespmem:$0x1C100] =	vst v63  }
0x73: {  	_ =	swait.ge [sflag:s17], $0x4000  }
0x74: {  	[sflag:s17] =	ssyncset.done $0x0  }
0x75: {  	[sflag:s17] =	ssyncadd.s32 $0xFFFFC000  }
0x76: {  	s3 =	sadd.s32 $0x1, s3  }
0x77: {  	p0 =	sne.s32 s3, s15  }
.Ltmp3:
0x78: {  	[bflag:$0x0] =	sbarrier.arrive $0xFFFF;
	(pc) =	sbr.rel @p0 .LBB2_1-.Ltmp3, $4  }
0x79: {  	[hbm:s14], [sflag:s21] =	dma.local [spmem:s22], $0x2800  }
0x7a: {  	_ =	swait.ge [sflag:s17], $0x2800  }
0x7b: {  	[sflag:s17] =	ssyncset.done $0x0  }
0x7c: {  	[sflag:s17] =	ssyncadd.s32 $0xFFFFD800  }
0x7d: {  	_ =	sfence.sel $0x180000  }
0x7e: {  	[bflag:$0x0] =	sbarrier.arrive $0xFFFF  }
0x7f: {  	p0 =	sne.s32 s2, $0x0;
	_ =	strace $0x9000004A  }
0x80: {  	s0 =	sadd.s32 @!p0 $0x100000, s0;
	[bflag:$0x2] =	sbarrier.arrive $0xFFFF  }
0x81: {  	[sflag:s0] =	ssyncadd.tile.s32 @!p0 $0x1;
	_ =	shalt  }
.Lfunc_end2:
_tile_overlayer_lowered:
.L_overlay_start_2:
0x82: {  	(tag) =	ssettag $0x2  }
0x83: {  	s0 =	rddreg [dreg:$0x0];
	s2 =	stileid.u32  }
0x84: {  	s1 =	rddreg [dreg:$0x1];
	p0 =	sne.s32 s2, $0x0  }
0x85: {  	s3 =	rddreg [dreg:$0x2];
	[bflag:$0x3] =	sbarrier.arrive $0xFFFF;
	s2 =	simm.s32 @!p0 $0x1C02  }
0x86: {  	[timem:s3], [sflag:s2] =	dma.local @!p0 [hbm:s0], s1  }
0x87: {  	s0 =	simm.s32 @!p0 $0x2  }
0x88: {  	_ =	swait.ge @!p0 [sflag:s0], s1  }
0x89: {  	s1 =	ssub.s32 @!p0 $0x0, s1;
	[sflag:s0] =	ssyncset.done @!p0 $0x0  }
0x8a: {  	[sflag:s0] =	ssyncadd.s32 @!p0 s1  }
0x8b: {  	[bflag:$0x3] =	sbarrier.arrive $0xFFFF  }
0x8c: {  	_ =	shalt  }

// kernel: kernel.23.cloned.1.call-start
scs
__scs_entry_jumppad:
0x0: {  	(pc) =	sbr.rel $0x88, $3  }
0x1: {  	(tag) =	ssettag $0x0;
	lr =	simm.s32 $0x1  }
0x2: {  	[smem:$0x3F8D] =	sst lr;
	_ =	strace $0xD0000000  }
0x3: {  	_ = 	snop  }
0x4: {  	_ = 	snop  }
0x5: {  	_ = 	snop  }
0x6: {  	_ = 	snop  }
0x7: {  	_ = 	snop  }
__scs_overlays_trampoline_lowered:
0x8: {  	[smem:$0x3F9C] =	sst s0  }
0x9: {  	[smem:$0x3F9D] =	sst s1  }
0xa: {  	[smem:$0x3F9E] =	sst s2  }
0xb: {  	[smem:$0x3F9F] =	sst s3  }
0xc: {  	[smem:$0x3FA0] =	sst s4  }
0xd: {  	[smem:$0x3FA1] =	sst s5  }
0xe: {  	[smem:$0x3FA2] =	sst s6  }
0xf: {  	[smem:$0x3FA3] =	sst s7  }
0x10: {  	[smem:$0x3FA4] =	sst s8  }
0x11: {  	[smem:$0x3FA5] =	sst s9;
	s0 =	simm.s32 @!p0 $0x0  }
0x12: {  	s1 =	sld [smem:$0x3F8B];
	s0 =	simm.s32 @p0 $0x1  }
0x13: {  	[smem:$0x3FA6] =	sst s0;
	s0 =	simm.s32 @!p1 $0x0  }
0x14: {  	s2 =	sld [smem:$0x3F8A];
	s0 =	simm.s32 @p1 $0x1  }
0x15: {  	[smem:$0x3FA7] =	sst s0;
	s0 =	simm.s32 @!p2 $0x0  }
0x16: {  	s3 =	sld [smem:$0x3FDB];
	s0 =	simm.s32 @p2 $0x1  }
0x17: {  	s4 =	simm.s32 $0x1BF5;
	[smem:$0x3FA9] =	sst s0  }
0x18: {  	s0 =	sld [smem:$0x3F8C];
	_ =	swait.ge [sflag:s4], $0x0  }
0x19: {  	s7 =	sld [smem:$0x3F8D]  }
0x1a: {  	s8 =	sadd.s32 $0xFFFFE003, lr  }
0x1b: {  	s9 =	sadd.s32 $0xFFFFFEF7, lr;
	s5 =	simm.s32 $0xFFFFFFFF;
	p2 =	slt.u32 s8, $0xFFFFF086  }
0x1c: {  	p1 =	slt.u32 s9, $0xF7A;
	s5 =	simm.s32 @!p2 $0x0  }
0x1d: {  	s5 =	simm.s32 @p1 $0x1;
	p0 =	seq.s32 s7, s2  }
0x1e: {  	s7 =	smul.u32 @!p0 $0xF7A, s2;
	p2 =	seq.s32 @!p0 s5, $0x0  }
0x1f: {  	s9 =	smul.u32 $0xF7A, s1;
	s8 =	simm.s32 @!p0 $0x1BF5;
	p2 =	por !p2, p0  }
0x20: {  	[sflag:s8] =	ssyncset.s32 @!p0 $0xFFFFF086;
	s6 =	sadd.s32 @!p0 s3, s7;
	s7 =	simm.s32 @!p0 $0x108  }
0x21: {  	s3 =	sadd.s32 s3, s9;
	s6 =	sadd.s32 @!p0 $0x88, s6;
	s7 =	simm.s32 @p2 $0x1082  }
0x22: {  	[simem:s7], [sflag:s8] =	dma.local @!p0 [hbm:s6], $0xF7A  }
0x23: {  	s9 =	sor.u32 $0xD0000000, s2;
	s6 =	simm.s32 $0x108;
	_ =	swait.ge @!p0 [sflag:s8], $0x0  }
0x24: {  	s3 =	sadd.s32 $0x88, s3;
	s6 =	simm.s32 @!p1 $0x1082;
	[sflag:s4] =	ssyncset.s32 $0xFFFFF086  }
0x25: {  	[simem:s6], [sflag:s4] =	dma.local [hbm:s3], $0xF7A  }
0x26: {  	[smem:$0x3F8D] =	sst s1;
	(tag) =	ssettag s2;
	_ =	strace s9  }
0x27: {  	s1 =	sld [smem:$0x3F9D]  }
0x28: {  	s2 =	sld [smem:$0x3F9E]  }
0x29: {  	s4 =	sld [smem:$0x3FA0]  }
0x2a: {  	p0 =	seq.s32 s5, $0x0;
	s5 =	sld [smem:$0x3FA1]  }
0x2b: {  	s6 =	sld [smem:$0x3FA2]  }
0x2c: {  	s7 =	sld [smem:$0x3FA3]  }
0x2d: {  	s3 =	simm.s32 $0x108;
	s8 =	sld [smem:$0x3FA4]  }
0x2e: {  	s3 =	simm.s32 @!p0 $0x1082;
	s9 =	sld [smem:$0x3FA5]  }
0x2f: {  	lr =	sadd.s32 s0, s3;
	s0 =	sld [smem:$0x3F9C]  }
0x30: {  	s3 =	sld [smem:$0x3F9F]  }
0x31: {  	[smem:$0x3FA8] =	sst s10  }
0x32: {  	s10 =	sld [smem:$0x3FA6];
	_ =	sdelay $0x3  }
0x33: {  	p0 =	seq.s32 s10, $0x1;
	s10 =	sld [smem:$0x3FA8];
	_ =	sdelay $0x3  }
0x34: {  	[smem:$0x3FA8] =	sst s10  }
0x35: {  	s10 =	sld [smem:$0x3FA7];
	_ =	sdelay $0x3  }
0x36: {  	p1 =	seq.s32 s10, $0x1;
	s10 =	sld [smem:$0x3FA8];
	_ =	sdelay $0x3  }
0x37: {  	[smem:$0x3FA8] =	sst s10  }
0x38: {  	s10 =	sld [smem:$0x3FA9]  }
0x39: {  	_ = 	snop;
	(pc) =	sbr.ind lr, $3  }
0x3a: {  	_ = 	snop  }
0x3b: {  	_ = 	snop  }
0x3c: {  	p2 =	seq.s32 s10, $0x1;
	s10 =	sld [smem:$0x3FA8]  }
0x3d: {  	_ =	shalt  }
0x3e: {  	_ =	shalt  }
0x3f: {  	_ =	shalt  }
0x40: {  	_ =	shalt  }
0x41: {  	_ =	shalt  }
0x42: {  	_ =	shalt  }
0x43: {  	_ =	shalt  }
0x44: {  	_ =	shalt  }
0x45: {  	_ =	shalt  }
0x46: {  	_ =	shalt  }
0x47: {  	_ =	shalt  }
0x48: {  	_ =	shalt  }
0x49: {  	_ =	shalt  }
0x4a: {  	_ =	shalt  }
0x4b: {  	_ =	shalt  }
0x4c: {  	_ =	shalt  }
0x4d: {  	_ =	shalt  }
0x4e: {  	_ =	shalt  }
0x4f: {  	_ =	shalt  }
0x50: {  	_ =	shalt  }
0x51: {  	_ =	shalt  }
0x52: {  	_ =	shalt  }
0x53: {  	_ =	shalt  }
0x54: {  	_ =	shalt  }
0x55: {  	_ =	shalt  }
0x56: {  	_ =	shalt  }
0x57: {  	_ =	shalt  }
0x58: {  	_ =	shalt  }
0x59: {  	_ =	shalt  }
0x5a: {  	_ =	shalt  }
0x5b: {  	_ =	shalt  }
0x5c: {  	_ =	shalt  }
0x5d: {  	_ =	shalt  }
0x5e: {  	_ =	shalt  }
0x5f: {  	_ =	shalt  }
0x60: {  	_ =	shalt  }
0x61: {  	_ =	shalt  }
0x62: {  	_ =	shalt  }
0x63: {  	_ =	shalt  }
0x64: {  	_ =	shalt  }
0x65: {  	_ =	shalt  }
0x66: {  	_ =	shalt  }
0x67: {  	_ =	shalt  }
0x68: {  	_ =	shalt  }
0x69: {  	_ =	shalt  }
0x6a: {  	_ =	shalt  }
0x6b: {  	_ =	shalt  }
0x6c: {  	_ =	shalt  }
0x6d: {  	_ =	shalt  }
0x6e: {  	_ =	shalt  }
0x6f: {  	_ =	shalt  }
0x70: {  	_ =	shalt  }
0x71: {  	_ =	shalt  }
0x72: {  	_ =	shalt  }
0x73: {  	_ =	shalt  }
0x74: {  	_ =	shalt  }
0x75: {  	_ =	shalt  }
0x76: {  	_ =	shalt  }
0x77: {  	_ =	shalt  }
0x78: {  	_ =	shalt  }
0x79: {  	_ =	shalt  }
0x7a: {  	_ =	shalt  }
0x7b: {  	_ =	shalt  }
0x7c: {  	_ =	shalt  }
0x7d: {  	_ =	shalt  }
0x7e: {  	_ =	shalt  }
0x7f: {  	_ =	shalt  }
0x80: {  	_ =	shalt  }
0x81: {  	_ =	shalt  }
0x82: {  	_ =	shalt  }
0x83: {  	_ =	shalt  }
0x84: {  	_ =	shalt  }
0x85: {  	_ =	shalt  }
0x86: {  	_ =	shalt  }
0x87: {  	_ =	shalt  }
.Lfunc_end0:
.L_simem_size_0:
called_computation.2_lowered:
.L_overlay_start_0:
0x88: {  	s2 =	sld [smem:$0x3FD9]  }
0x89: {  	s3 =	sld [smem:$0x3FFE];
	_ =	sdelay $0x1  }
0x8a: {  	s1 =	srdreg.scid  }
0x8b: {  	s0 =	sand.u32 $0x1, s1  }
0x8c: {  	s16 =	sshll.u32 s0, $0xA;
	s2 =	sadd.s32 s3, s2  }
0x8d: {  	s2 =	sadd.s32 s2, s16  }
0x8e: {  	[smem:$0x3FB4] =	sst s2  }
0x8f: {  	_ = 	snop  }
0x90: {  	(tm) =	ssettm $0x1  }
0x91: {  	s17 =	sld [smem:$0x3FFB];
	_ =	sdelay $0x3  }
0x92: {  	_ =	strace s17  }
0x93: {  	s2 =	sld [smem:$0x3FFC];
	_ =	sdelay $0x3  }
0x94: {  	_ =	strace s2  }
0x95: {  	s2 =	sld [smem:$0x3FFD];
	_ =	sdelay $0x3  }
0x96: {  	_ =	strace s2  }
0x97: {  	_ =	strace $0x8FFFFFFF  }
0x98: {  	s18 =	sld [smem:$0x3FDB];
	_ =	sdelay $0x1  }
0x99: {  	s19 =	simm.s32 $_scs_section_size  }
0x9a: {  	s4 =	simm.s32 $_size__tile_overlayer_lowered;
	s5 =	simm.s32 $_tile_overlayer_lowered  }
0x9b: {  	s22 =	simm.s32 $0x1BFF;
	s21 =	sshll.u32 s5, $0x1;
	s2 =	sadd.s32 s19, s18  }
0x9c: {  	s6 =	simm.s32 $0x0;
	s20 =	sshll.u32 s4, $0x1;
	s4 =	sadd.s32 s21, s2  }
0x9d: {  	[timem:s6], [sflag:s22] =	dma.local [hbm:s4], s20  }
0x9e: {  	_ =	swait.ge [sflag:s22], s20  }
0x9f: {  	s3 =	ssub.s32 $0x0, s20;
	[sflag:s22] =	ssyncset.done $0x0  }
0xa0: {  	[sflag:s22] =	ssyncadd.s32 s3;
	_ =	sdelay $0x1  }
0xa1: {  	s23 =	simm.s32 $0x1B8B  }
0xa2: {  	_ =	swait.ge [sflag:s23], $0x1  }
0xa3: {  	[sflag:s23] =	ssyncset.done $0x0  }
0xa4: {  	s25 =	simm.s32 $0x1B8E;
	s24 =	sld [smem:$0x3FFE];
	[sflag:s23] =	ssyncadd.s32 $0xFFFFFFFF  }
0xa5: {  	s26 =	simm.s32 $execute0_lowered;
	[smem:$0x3FD2] =	sst s25  }
0xa6: {  	s4 =	sshll.u32 s26, $0x1;
	_ =	strace $0x8000004C;
	[dreg:$0x1] =	wrdreg $0xFFFFFFFF  }
0xa7: {  	s28 =	simm.s32 $_size_execute0_lowered;
	s2 =	sadd.s32 s2, s4;
	[dreg:$0x0] =	wrdreg $0x0  }
0xa8: {  	s4 =	sshll.u32 s28, $0x1;
	[dreg:$0x2] =	wrdreg s2  }
0xa9: {  	[dreg:$0x3] =	wrdreg s4  }
0xaa: {  	[dreg:$0x4] =	wrdreg $0xC0  }
0xab: {  	_ =	task [dreg:s6], $0x5FFFF  }
0xac: {  	[dreg:$0x1] =	wrdreg $0xFFFFFFFF  }
0xad: {  	[dreg:$0x0] =	wrdreg $0x60  }
0xae: {  	[dreg:$0x2] =	wrdreg s24  }
0xaf: {  	[dreg:$0x3] =	wrdreg $0x81000  }
0xb0: {  	[dreg:$0x4] =	wrdreg $0x9  }
0xb1: {  	_ =	task.clear_ibuf [dreg:s6], $0x5FFFF;
	_ =	strace $0x9000004C  }
0xb2: {  	s29 =	simm.s32 $0x9;
	_ =	strace $0x8000004E  }
0xb3: {  	_ =	swait.ge [sflag:s29], $0x1  }
0xb4: {  	[sflag:s29] =	ssyncadd.s32 $0xFFFFFFFF  }
0xb5: {  	_ =	strace $0x9000004E  }
0xb6: {  	_ =	sfence  }
0xb7: {  	s30 =	sld [smem:$0x0];
	_ =	sdelay $0x2  }
0xb8: {  	s31 =	sshll.u32 s1, $0xD;
	s1 =	sshrl.u32 s1, $0x2  }
0xb9: {  	s3 =	sand.u32 $0x4000, s31;
	s1 =	sadd.s32 s1, s30  }
0xba: {  	s0 =	sor.u32 s3, s0;
	s1 =	sshll.u32 s1, $0x11  }
0xbb: {  	s0 =	sor.u32 s1, s0  }
0xbc: {  	s0 =	sadd.s32 $0x8F2B, s0  }
0xbd: {  	[sflag:s0] =	ssyncadd.remote.s32 $0x1  }
0xbe: {  	_ =	sfence.sel $0xFFFF  }
0xbf: {  	[dreg:$0x0] =	wrdreg $0xFFFFFFFF;
	(pc) =	sbr.abs _section_cstart, $3  }
0xc0: {  	[dreg:$0x1] =	wrdreg $0xFFFFFFFF  }
0xc1: {  	_ =	task.clear_ibuf [dreg:s6], $0x2FFFF;
	_ =	strace $0x9FFFFFFF  }
0xc2: {  	(tm) =	ssettm $0x7FFFFFFF  }
0xc3: {  	_ =	shalt  }
tec
execute0_lowered:
.L_overlay_start_1:
0x0: {  	(tag) =	ssettag $0x1  }
0x1: {  	s13 =	rddreg [dreg:$0x0]  }
0x2: {  	s1 =	rddreg [dreg:$0x1]  }
0x3: {  	s2 =	srdreg.scid;
	s0 =	rddreg [dreg:$0x2];
	s3 =	simm.s32 $0x0  }
0x4: {  	s16 =	simm.s32 $0x100;
	s17 =	simm.s32 $0x2;
	s18 =	simm.s32 $0x80  }
0x5: {  	s19 =	simm.s32 $0x4100;
	s7 =	sand.u32 $0x1, s2;
	s2 =	stileid.u32  }
0x6: {  	s20 =	simm.s32 $0x1;
	[smem:$0x7FF] =	sst s3;
	s6 =	smul.u32 $0x140000, s7  }
0x7: {  	s4 =	sadd.s32 $0xA600, s13;
	s5 =	sadd.s32 $0x14600, s13;
	s8 =	smul.u32 $0x14000, s2  }
0x8: {  	_ =	strace $0x8000004D;
	s9 =	smul.u32 $0x50000, s2;
	s31 =	ssub.s32 $0x2, s7  }
0x9: {  	s10 =	sshll.u32 s2, $0x1;
	s21 =	sshll.u32 s2, $0x6;
	s11 =	sshrl.u32 s31, $0x1  }
0xa: {  	s7 =	sor.u32 s7, s10;
	s21 =	sor.u32 $0x1C02, s21;
	s8 =	sadd.s32 s8, s6  }
0xb: {  	s6 =	sadd.s32 $0x73600, s13;
	s9 =	sshrl.u32 s9, $0x2;
	s15 =	ssub.s32 s31, s11  }
0xc: {  	s7 =	smul.u32 $0x2800, s7;
	s8 =	sshrl.u32 s8, $0x3;
	s15 =	smax.u32 s15, $0x1  }
0xd: {  	s14 =	sadd.s32 s8, s13;
	s8 =	sadd.s32 s9, s1;
	s13 =	sadd.s32 $0x13EC600, s13  }
0xe: {  	s9 =	sadd.s32 $0x4000, s8;
	s10 =	sadd.s32 $0x8000, s8;
	s11 =	sadd.s32 $0xC000, s8  }
0xf: {  	v0 =	vimm.f32 $0.0e+00;
	s12 =	sadd.s32 $0x10000, s8;
	s14 =	sadd.s32 $0xC1A00, s14;
	s22 =	sshrl.u32 s8, $0x3  }
.LBB2_1:
0x10: {  	s23 =	simm.s32 $0x0;
	s24 =	simm.s32 $0x200  }
.LBB2_2:
0x11: {  	p0 =	sne.s32 s24, $0xFE00;
	[tilespmem:s23+$0x170] =	vst v0  }
0x12: {  	[tilespmem:s23+$0x100] =	vst v0  }
0x13: {  	[tilespmem:s23+$0x110] =	vst v0  }
.Ltmp0:
0x14: {  	[tilespmem:s23+$0x120] =	vst v0;
	(pc) =	sbr.rel @p0 .LBB2_2-.Ltmp0, $4  }
0x15: {  	[tilespmem:s23+$0x130] =	vst v0  }
0x16: {  	[tilespmem:s23+$0x140] =	vst v0  }
0x17: {  	[tilespmem:s23+$0x150] =	vst v0  }
0x18: {  	[tilespmem:s23+$0x160] =	vst v0;
	s23 =	sshra.s32 s24, $0x2;
	s24 =	sadd.s32 $0x200, s24  }
0x19: {  	[tilespmem:s23+$0x170] =	vst v0  }
0x1a: {  	[tilespmem:s23+$0x100] =	vst v0  }
0x1b: {  	[tilespmem:s23+$0x110] =	vst v0  }
0x1c: {  	[tilespmem:s23+$0x120] =	vst v0  }
0x1d: {  	[tilespmem:s23+$0x130] =	vst v0  }
0x1e: {  	[tilespmem:s23+$0x140] =	vst v0  }
0x1f: {  	[tilespmem:s23+$0x150] =	vst v0  }
0x20: {  	[tilespmem:s23+$0x160] =	vst v0  }
0x21: {  	[spmem:s8] =	stream.linear.scatter [tilespmem:s16], [sflag:$0x2], $0x4000, $0x38;
	[tilespmem:$0x1C100] =	vst v63  }
0x22: {  	_ =	swait.ge [sflag:s17], $0x4000  }
0x23: {  	[sflag:s17] =	ssyncset.done $0x0  }
0x24: {  	[sflag:s17] =	ssyncadd.s32 $0xFFFFC000  }
0x25: {  	[spmem:s9] =	stream.linear.scatter [tilespmem:s16], [sflag:$0x2], $0x4000, $0x38;
	[tilespmem:$0x1C100] =	vst v63  }
0x26: {  	_ =	swait.ge [sflag:s17], $0x4000  }
0x27: {  	[sflag:s17] =	ssyncset.done $0x0  }
0x28: {  	[sflag:s17] =	ssyncadd.s32 $0xFFFFC000  }
0x29: {  	[spmem:s10] =	stream.linear.scatter [tilespmem:s16], [sflag:$0x2], $0x4000, $0x38;
	[tilespmem:$0x1C100] =	vst v63  }
0x2a: {  	_ =	swait.ge [sflag:s17], $0x4000  }
0x2b: {  	[sflag:s17] =	ssyncset.done $0x0  }
0x2c: {  	[sflag:s17] =	ssyncadd.s32 $0xFFFFC000  }
0x2d: {  	[spmem:s11] =	stream.linear.scatter [tilespmem:s16], [sflag:$0x2], $0x4000, $0x38;
	[tilespmem:$0x1C100] =	vst v63  }
0x2e: {  	_ =	swait.ge [sflag:s17], $0x4000  }
0x2f: {  	[sflag:s17] =	ssyncset.done $0x0  }
0x30: {  	[sflag:s17] =	ssyncadd.s32 $0xFFFFC000  }
0x31: {  	[spmem:s12] =	stream.linear.scatter [tilespmem:s16], [sflag:$0x2], $0x4000, $0x38;
	[tilespmem:$0x1C100] =	vst v63  }
0x32: {  	_ =	swait.ge [sflag:s17], $0x4000  }
0x33: {  	[sflag:s17] =	ssyncset.done $0x0  }
0x34: {  	[sflag:s17] =	ssyncadd.s32 $0xFFFFC000  }
0x35: {  	s23 =	simm.s32 $0x0;
	s24 =	simm.s32 $0x0;
	[bflag:$0x0] =	sbarrier.arrive $0xFFFF  }
.LBB2_4:
0x36: {  	s25 =	sshll.u32 s24, $0x7  }
0x37: {  	s25 =	sadd.s32 s7, s25  }
0x38: {  	s26 =	sshrl.u32 s25, $0x3  }
0x39: {  	s28 =	sadd.s32 s4, s26  }
0x3a: {  	[tilespmem:s23], [sflag:$0x2] =	stream.linear.gather [hbm4b:s28+s23], $0x80, $0x38;
	[tilespmem:$0x1C100] =	vst v63  }
0x3b: {  	_ =	swait.ge [sflag:s17], $0x80  }
0x3c: {  	[sflag:s17] =	ssyncset.done $0x0  }
0x3d: {  	s26 =	sadd.s32 s5, s26;
	[sflag:s17] =	ssyncadd.s32 $0xFFFFFF80  }
0x3e: {  	[tilespmem:s18], [sflag:$0x2] =	stream.linear.gather [hbm4b:s26+s23], $0x80, $0x38;
	[tilespmem:$0x1C100] =	vst v63  }
0x3f: {  	_ =	swait.ge [sflag:s17], $0x80  }
0x40: {  	s25 =	sshll.u32 s25, $0x4;
	[sflag:s17] =	ssyncset.done $0x0  }
0x41: {  	s25 =	sadd.s32 s25, s13;
	[sflag:s17] =	ssyncadd.s32 $0xFFFFFF80  }
0x42: {  	[tilespmem:s19], [sflag:$0x2] =	stream.linear.gather [hbm4b:s25+s23], $0x4000, $0x38;
	[tilespmem:$0x1C100] =	vst v63  }
0x43: {  	_ =	swait.ge [sflag:s17], $0x4000  }
0x44: {  	[sflag:s17] =	ssyncset.done $0x0  }
0x45: {  	[sflag:s17] =	ssyncadd.s32 $0xFFFFC000  }
0x46: {  	[tilespmem:s16], [sflag:$0x1] =	stream.indirect.gather [hbm4b:s6+s18], $0x80, s23, s18, $0xb8;
	[tilespmem:$0x1C100] =	vst v63  }
0x47: {  	_ =	swait.ge [sflag:s20], $0x4000  }
0x48: {  	[sflag:s20] =	ssyncset.done $0x0  }
0x49: {  	s25 =	simm.s32 $0x0;
	[sflag:s20] =	ssyncadd.s32 $0xFFFFC000  }
0x4a: {  	v7 =	vld [tilespmem:s25+$0x4100]  }
0x4b: {  	v12 =	vld [tilespmem:s25+$0x4110]  }
0x4c: {  	v6 =	vld [tilespmem:s25+$0x4120]  }
0x4d: {  	v5 =	vld [tilespmem:s25+$0x4130]  }
0x4e: {  	v4 =	vld [tilespmem:s25+$0x4140]  }
0x4f: {  	v3 =	vld [tilespmem:s25+$0x4150]  }
0x50: {  	v2 =	vld [tilespmem:s25+$0x4160]  }
0x51: {  	v1 =	vld [tilespmem:s25+$0x4170]  }
0x52: {  	v13 =	vld [tilespmem:s25+$0x100]  }
0x53: {  	v14 =	vld [tilespmem:s25+$0x110]  }
0x54: {  	v11 =	vld [tilespmem:s25+$0x120]  }
0x55: {  	v10 =	vld [tilespmem:s25+$0x130]  }
0x56: {  	v9 =	vld [tilespmem:s25+$0x140]  }
0x57: {  	v8 =	vld [tilespmem:s25+$0x150];
	v13 =	vadd.f32 v7, v13  }
0x58: {  	s26 =	simm.s32 $0x200;
	v12 =	vadd.f32 v12, v14;
	v7 =	vld [tilespmem:s25+$0x160]  }
.LBB2_5:
0x59: {  	s28 =	sshra.s32 s26, $0x2;
	p0 =	sne.s32 s26, $0xFE00;
	v13 =	vmax.f32 v13, $0.0e+00;
	v6 =	vadd.f32 v6, v11;
	v11 =	vld [tilespmem:s25+$0x170]  }
0x5a: {  	v14 =	vld [tilespmem:s28+$0x4100];
	[tilespmem:s25+$0x100] =	vst v13;
	v12 =	vmax.f32 v12, $0.0e+00;
	v5 =	vadd.f32 v5, v10  }
0x5b: {  	v15 =	vld [tilespmem:s28+$0x4110];
	[tilespmem:s25+$0x110] =	vst v12;
	v10 =	vmax.f32 v6, $0.0e+00;
	v4 =	vadd.f32 v4, v9  }
0x5c: {  	v6 =	vld [tilespmem:s28+$0x4120];
	[tilespmem:s25+$0x120] =	vst v10;
	v9 =	vmax.f32 v5, $0.0e+00;
	v3 =	vadd.f32 v3, v8  }
0x5d: {  	v5 =	vld [tilespmem:s28+$0x4130];
	[tilespmem:s25+$0x130] =	vst v9;
	v8 =	vmax.f32 v4, $0.0e+00;
	v2 =	vadd.f32 v2, v7  }
0x5e: {  	v4 =	vld [tilespmem:s28+$0x4140];
	[tilespmem:s25+$0x140] =	vst v8;
	v7 =	vmax.f32 v3, $0.0e+00;
	v1 =	vadd.f32 v1, v11  }
0x5f: {  	v3 =	vld [tilespmem:s28+$0x4150];
	[tilespmem:s25+$0x150] =	vst v7;
	v7 =	vmax.f32 v2, $0.0e+00  }
0x60: {  	v2 =	vld [tilespmem:s28+$0x4160];
	[tilespmem:s25+$0x160] =	vst v7;
	v7 =	vmax.f32 v1, $0.0e+00  }
0x61: {  	v1 =	vld [tilespmem:s28+$0x4170];
	[tilespmem:s25+$0x170] =	vst v7;
	s25 =	smov.u32 s28  }
0x62: {  	v7 =	vld [tilespmem:s25+$0x100]  }
0x63: {  	v12 =	vld [tilespmem:s25+$0x110]  }
.Ltmp1:
0x64: {  	v11 =	vld [tilespmem:s25+$0x120];
	(pc) =	sbr.rel @p0 .LBB2_5-.Ltmp1, $4  }
0x65: {  	v10 =	vld [tilespmem:s25+$0x130]  }
0x66: {  	v9 =	vld [tilespmem:s25+$0x140]  }
0x67: {  	v13 =	vadd.f32 v14, v7;
	v8 =	vld [tilespmem:s25+$0x150]  }
0x68: {  	s26 =	sadd.s32 $0x200, s26;
	v12 =	vadd.f32 v15, v12;
	v7 =	vld [tilespmem:s25+$0x160]  }
0x69: {  	v13 =	vmax.f32 v13, $0.0e+00;
	v6 =	vadd.f32 v6, v11;
	v63 =	vld [tilespmem:s25+$0x170]  }
0x6a: {  	[tilespmem:s25+$0x100] =	vst v13;
	v12 =	vmax.f32 v12, $0.0e+00;
	v5 =	vadd.f32 v5, v10  }
0x6b: {  	[tilespmem:s25+$0x110] =	vst v12;
	v6 =	vmax.f32 v6, $0.0e+00;
	v4 =	vadd.f32 v4, v9  }
0x6c: {  	[tilespmem:s25+$0x120] =	vst v6;
	v5 =	vmax.f32 v5, $0.0e+00;
	v3 =	vadd.f32 v3, v8  }
0x6d: {  	[tilespmem:s25+$0x130] =	vst v5;
	v4 =	vmax.f32 v4, $0.0e+00;
	v2 =	vadd.f32 v2, v7  }
0x6e: {  	[tilespmem:s25+$0x140] =	vst v4;
	v3 =	vmax.f32 v3, $0.0e+00;
	v1 =	vadd.f32 v1, v63  }
0x6f: {  	s24 =	sadd.s32 $0x1, s24;
	[tilespmem:s25+$0x150] =	vst v3;
	v2 =	vmax.f32 v2, $0.0e+00  }
0x70: {  	p0 =	sne.s32 s24, $0x50;
	[tilespmem:s25+$0x160] =	vst v2;
	v1 =	vmax.f32 v1, $0.0e+00  }
.Ltmp2:
0x71: {  	[tilespmem:s25+$0x170] =	vst v1;
	(pc) =	sbr.rel @p0 .LBB2_4-.Ltmp2, $4  }
0x72: {  	[spmem:s1] =	stream.indirect.scatter.add.f32 [tilespmem:s16], [sflag:$0x2], $0x80, s18, s18, $0xb8;
	[tilespmem:$0x1C100] =	vst v63  }
0x73: {  	_ =	swait.ge [sflag:s17], $0x4000  }
0x74: {  	[sflag:s17] =	ssyncset.done $0x0  }
0x75: {  	[sflag:s17] =	ssyncadd.s32 $0xFFFFC000  }
0x76: {  	s3 =	sadd.s32 $0x1, s3  }
0x77: {  	p0 =	sne.s32 s3, s15  }
.Ltmp3:
0x78: {  	[bflag:$0x0] =	sbarrier.arrive $0xFFFF;
	(pc) =	sbr.rel @p0 .LBB2_1-.Ltmp3, $4  }
0x79: {  	[hbm:s14], [sflag:s21] =	dma.local [spmem:s22], $0x2800  }
0x7a: {  	_ =	swait.ge [sflag:s17], $0x2800  }
0x7b: {  	[sflag:s17] =	ssyncset.done $0x0  }
0x7c: {  	[sflag:s17] =	ssyncadd.s32 $0xFFFFD800  }
0x7d: {  	_ =	sfence.sel $0x180000  }
0x7e: {  	[bflag:$0x0] =	sbarrier.arrive $0xFFFF  }
0x7f: {  	p0 =	sne.s32 s2, $0x0;
	_ =	strace $0x9000004D  }
0x80: {  	s0 =	sadd.s32 @!p0 $0x100000, s0;
	[bflag:$0x2] =	sbarrier.arrive $0xFFFF  }
0x81: {  	[sflag:s0] =	ssyncadd.tile.s32 @!p0 $0x1;
	_ =	shalt  }
.Lfunc_end2:
_tile_overlayer_lowered:
.L_overlay_start_2:
0x82: {  	(tag) =	ssettag $0x2  }
0x83: {  	s0 =	rddreg [dreg:$0x0];
	s2 =	stileid.u32  }
0x84: {  	s1 =	rddreg [dreg:$0x1];
	p0 =	sne.s32 s2, $0x0  }
0x85: {  	s3 =	rddreg [dreg:$0x2];
	[bflag:$0x3] =	sbarrier.arrive $0xFFFF;
	s2 =	simm.s32 @!p0 $0x1C02  }
0x86: {  	[timem:s3], [sflag:s2] =	dma.local @!p0 [hbm:s0], s1  }
0x87: {  	s0 =	simm.s32 @!p0 $0x2  }
0x88: {  	_ =	swait.ge @!p0 [sflag:s0], s1  }
0x89: {  	s1 =	ssub.s32 @!p0 $0x0, s1;
	[sflag:s0] =	ssyncset.done @!p0 $0x0  }
0x8a: {  	[sflag:s0] =	ssyncadd.s32 @!p0 s1  }
0x8b: {  	[bflag:$0x3] =	sbarrier.arrive $0xFFFF  }
0x8c: {  	_ =	shalt  }

// kernel: kernel.26.cloned.1.call-start
scs
__scs_entry_jumppad:
0x0: {  	(pc) =	sbr.rel $0x88, $3  }
0x1: {  	(tag) =	ssettag $0x0;
	lr =	simm.s32 $0x1  }
0x2: {  	[smem:$0x3F8D] =	sst lr;
	_ =	strace $0xD0000000  }
0x3: {  	_ = 	snop  }
0x4: {  	_ = 	snop  }
0x5: {  	_ = 	snop  }
0x6: {  	_ = 	snop  }
0x7: {  	_ = 	snop  }
__scs_overlays_trampoline_lowered:
0x8: {  	[smem:$0x3F9C] =	sst s0  }
0x9: {  	[smem:$0x3F9D] =	sst s1  }
0xa: {  	[smem:$0x3F9E] =	sst s2  }
0xb: {  	[smem:$0x3F9F] =	sst s3  }
0xc: {  	[smem:$0x3FA0] =	sst s4  }
0xd: {  	[smem:$0x3FA1] =	sst s5  }
0xe: {  	[smem:$0x3FA2] =	sst s6  }
0xf: {  	[smem:$0x3FA3] =	sst s7  }
0x10: {  	[smem:$0x3FA4] =	sst s8  }
0x11: {  	[smem:$0x3FA5] =	sst s9;
	s0 =	simm.s32 @!p0 $0x0  }
0x12: {  	s1 =	sld [smem:$0x3F8B];
	s0 =	simm.s32 @p0 $0x1  }
0x13: {  	[smem:$0x3FA6] =	sst s0;
	s0 =	simm.s32 @!p1 $0x0  }
0x14: {  	s2 =	sld [smem:$0x3F8A];
	s0 =	simm.s32 @p1 $0x1  }
0x15: {  	[smem:$0x3FA7] =	sst s0;
	s0 =	simm.s32 @!p2 $0x0  }
0x16: {  	s3 =	sld [smem:$0x3FDB];
	s0 =	simm.s32 @p2 $0x1  }
0x17: {  	s4 =	simm.s32 $0x1BF5;
	[smem:$0x3FA9] =	sst s0  }
0x18: {  	s0 =	sld [smem:$0x3F8C];
	_ =	swait.ge [sflag:s4], $0x0  }
0x19: {  	s7 =	sld [smem:$0x3F8D]  }
0x1a: {  	s8 =	sadd.s32 $0xFFFFE003, lr  }
0x1b: {  	s9 =	sadd.s32 $0xFFFFFEF7, lr;
	s5 =	simm.s32 $0xFFFFFFFF;
	p2 =	slt.u32 s8, $0xFFFFF086  }
0x1c: {  	p1 =	slt.u32 s9, $0xF7A;
	s5 =	simm.s32 @!p2 $0x0  }
0x1d: {  	s5 =	simm.s32 @p1 $0x1;
	p0 =	seq.s32 s7, s2  }
0x1e: {  	s7 =	smul.u32 @!p0 $0xF7A, s2;
	p2 =	seq.s32 @!p0 s5, $0x0  }
0x1f: {  	s9 =	smul.u32 $0xF7A, s1;
	s8 =	simm.s32 @!p0 $0x1BF5;
	p2 =	por !p2, p0  }
0x20: {  	[sflag:s8] =	ssyncset.s32 @!p0 $0xFFFFF086;
	s6 =	sadd.s32 @!p0 s3, s7;
	s7 =	simm.s32 @!p0 $0x108  }
0x21: {  	s3 =	sadd.s32 s3, s9;
	s6 =	sadd.s32 @!p0 $0x88, s6;
	s7 =	simm.s32 @p2 $0x1082  }
0x22: {  	[simem:s7], [sflag:s8] =	dma.local @!p0 [hbm:s6], $0xF7A  }
0x23: {  	s9 =	sor.u32 $0xD0000000, s2;
	s6 =	simm.s32 $0x108;
	_ =	swait.ge @!p0 [sflag:s8], $0x0  }
0x24: {  	s3 =	sadd.s32 $0x88, s3;
	s6 =	simm.s32 @!p1 $0x1082;
	[sflag:s4] =	ssyncset.s32 $0xFFFFF086  }
0x25: {  	[simem:s6], [sflag:s4] =	dma.local [hbm:s3], $0xF7A  }
0x26: {  	[smem:$0x3F8D] =	sst s1;
	(tag) =	ssettag s2;
	_ =	strace s9  }
0x27: {  	s1 =	sld [smem:$0x3F9D]  }
0x28: {  	s2 =	sld [smem:$0x3F9E]  }
0x29: {  	s4 =	sld [smem:$0x3FA0]  }
0x2a: {  	p0 =	seq.s32 s5, $0x0;
	s5 =	sld [smem:$0x3FA1]  }
0x2b: {  	s6 =	sld [smem:$0x3FA2]  }
0x2c: {  	s7 =	sld [smem:$0x3FA3]  }
0x2d: {  	s3 =	simm.s32 $0x108;
	s8 =	sld [smem:$0x3FA4]  }
0x2e: {  	s3 =	simm.s32 @!p0 $0x1082;
	s9 =	sld [smem:$0x3FA5]  }
0x2f: {  	lr =	sadd.s32 s0, s3;
	s0 =	sld [smem:$0x3F9C]  }
0x30: {  	s3 =	sld [smem:$0x3F9F]  }
0x31: {  	[smem:$0x3FA8] =	sst s10  }
0x32: {  	s10 =	sld [smem:$0x3FA6];
	_ =	sdelay $0x3  }
0x33: {  	p0 =	seq.s32 s10, $0x1;
	s10 =	sld [smem:$0x3FA8];
	_ =	sdelay $0x3  }
0x34: {  	[smem:$0x3FA8] =	sst s10  }
0x35: {  	s10 =	sld [smem:$0x3FA7];
	_ =	sdelay $0x3  }
0x36: {  	p1 =	seq.s32 s10, $0x1;
	s10 =	sld [smem:$0x3FA8];
	_ =	sdelay $0x3  }
0x37: {  	[smem:$0x3FA8] =	sst s10  }
0x38: {  	s10 =	sld [smem:$0x3FA9]  }
0x39: {  	_ = 	snop;
	(pc) =	sbr.ind lr, $3  }
0x3a: {  	_ = 	snop  }
0x3b: {  	_ = 	snop  }
0x3c: {  	p2 =	seq.s32 s10, $0x1;
	s10 =	sld [smem:$0x3FA8]  }
0x3d: {  	_ =	shalt  }
0x3e: {  	_ =	shalt  }
0x3f: {  	_ =	shalt  }
0x40: {  	_ =	shalt  }
0x41: {  	_ =	shalt  }
0x42: {  	_ =	shalt  }
0x43: {  	_ =	shalt  }
0x44: {  	_ =	shalt  }
0x45: {  	_ =	shalt  }
0x46: {  	_ =	shalt  }
0x47: {  	_ =	shalt  }
0x48: {  	_ =	shalt  }
0x49: {  	_ =	shalt  }
0x4a: {  	_ =	shalt  }
0x4b: {  	_ =	shalt  }
0x4c: {  	_ =	shalt  }
0x4d: {  	_ =	shalt  }
0x4e: {  	_ =	shalt  }
0x4f: {  	_ =	shalt  }
0x50: {  	_ =	shalt  }
0x51: {  	_ =	shalt  }
0x52: {  	_ =	shalt  }
0x53: {  	_ =	shalt  }
0x54: {  	_ =	shalt  }
0x55: {  	_ =	shalt  }
0x56: {  	_ =	shalt  }
0x57: {  	_ =	shalt  }
0x58: {  	_ =	shalt  }
0x59: {  	_ =	shalt  }
0x5a: {  	_ =	shalt  }
0x5b: {  	_ =	shalt  }
0x5c: {  	_ =	shalt  }
0x5d: {  	_ =	shalt  }
0x5e: {  	_ =	shalt  }
0x5f: {  	_ =	shalt  }
0x60: {  	_ =	shalt  }
0x61: {  	_ =	shalt  }
0x62: {  	_ =	shalt  }
0x63: {  	_ =	shalt  }
0x64: {  	_ =	shalt  }
0x65: {  	_ =	shalt  }
0x66: {  	_ =	shalt  }
0x67: {  	_ =	shalt  }
0x68: {  	_ =	shalt  }
0x69: {  	_ =	shalt  }
0x6a: {  	_ =	shalt  }
0x6b: {  	_ =	shalt  }
0x6c: {  	_ =	shalt  }
0x6d: {  	_ =	shalt  }
0x6e: {  	_ =	shalt  }
0x6f: {  	_ =	shalt  }
0x70: {  	_ =	shalt  }
0x71: {  	_ =	shalt  }
0x72: {  	_ =	shalt  }
0x73: {  	_ =	shalt  }
0x74: {  	_ =	shalt  }
0x75: {  	_ =	shalt  }
0x76: {  	_ =	shalt  }
0x77: {  	_ =	shalt  }
0x78: {  	_ =	shalt  }
0x79: {  	_ =	shalt  }
0x7a: {  	_ =	shalt  }
0x7b: {  	_ =	shalt  }
0x7c: {  	_ =	shalt  }
0x7d: {  	_ =	shalt  }
0x7e: {  	_ =	shalt  }
0x7f: {  	_ =	shalt  }
0x80: {  	_ =	shalt  }
0x81: {  	_ =	shalt  }
0x82: {  	_ =	shalt  }
0x83: {  	_ =	shalt  }
0x84: {  	_ =	shalt  }
0x85: {  	_ =	shalt  }
0x86: {  	_ =	shalt  }
0x87: {  	_ =	shalt  }
.Lfunc_end0:
.L_simem_size_0:
called_computation.3_lowered:
.L_overlay_start_0:
0x88: {  	s2 =	sld [smem:$0x3FD9]  }
0x89: {  	s3 =	sld [smem:$0x3FFE];
	_ =	sdelay $0x1  }
0x8a: {  	s1 =	srdreg.scid  }
0x8b: {  	s0 =	sand.u32 $0x1, s1  }
0x8c: {  	s16 =	sshll.u32 s0, $0xA;
	s2 =	sadd.s32 s3, s2  }
0x8d: {  	s2 =	sadd.s32 s2, s16  }
0x8e: {  	[smem:$0x3FB4] =	sst s2  }
0x8f: {  	_ = 	snop  }
0x90: {  	(tm) =	ssettm $0x1  }
0x91: {  	s17 =	sld [smem:$0x3FFB];
	_ =	sdelay $0x3  }
0x92: {  	_ =	strace s17  }
0x93: {  	s2 =	sld [smem:$0x3FFC];
	_ =	sdelay $0x3  }
0x94: {  	_ =	strace s2  }
0x95: {  	s2 =	sld [smem:$0x3FFD];
	_ =	sdelay $0x3  }
0x96: {  	_ =	strace s2  }
0x97: {  	_ =	strace $0x8FFFFFFF  }
0x98: {  	s18 =	sld [smem:$0x3FDB];
	_ =	sdelay $0x1  }
0x99: {  	s19 =	simm.s32 $_scs_section_size  }
0x9a: {  	s4 =	simm.s32 $_size__tile_overlayer_lowered;
	s5 =	simm.s32 $_tile_overlayer_lowered  }
0x9b: {  	s22 =	simm.s32 $0x1BFF;
	s21 =	sshll.u32 s5, $0x1;
	s2 =	sadd.s32 s19, s18  }
0x9c: {  	s6 =	simm.s32 $0x0;
	s20 =	sshll.u32 s4, $0x1;
	s4 =	sadd.s32 s21, s2  }
0x9d: {  	[timem:s6], [sflag:s22] =	dma.local [hbm:s4], s20  }
0x9e: {  	_ =	swait.ge [sflag:s22], s20  }
0x9f: {  	s3 =	ssub.s32 $0x0, s20;
	[sflag:s22] =	ssyncset.done $0x0  }
0xa0: {  	[sflag:s22] =	ssyncadd.s32 s3;
	_ =	sdelay $0x1  }
0xa1: {  	s23 =	simm.s32 $0x1B8B  }
0xa2: {  	_ =	swait.ge [sflag:s23], $0x1  }
0xa3: {  	[sflag:s23] =	ssyncset.done $0x0  }
0xa4: {  	s25 =	simm.s32 $0x1B8E;
	s24 =	sld [smem:$0x3FFE];
	[sflag:s23] =	ssyncadd.s32 $0xFFFFFFFF  }
0xa5: {  	s26 =	simm.s32 $execute0_lowered;
	[smem:$0x3FD2] =	sst s25  }
0xa6: {  	s4 =	sshll.u32 s26, $0x1;
	_ =	strace $0x8000004F;
	[dreg:$0x1] =	wrdreg $0xFFFFFFFF  }
0xa7: {  	s28 =	simm.s32 $_size_execute0_lowered;
	s2 =	sadd.s32 s2, s4;
	[dreg:$0x0] =	wrdreg $0x0  }
0xa8: {  	s4 =	sshll.u32 s28, $0x1;
	[dreg:$0x2] =	wrdreg s2  }
0xa9: {  	[dreg:$0x3] =	wrdreg s4  }
0xaa: {  	[dreg:$0x4] =	wrdreg $0xC0  }
0xab: {  	_ =	task [dreg:s6], $0x5FFFF  }
0xac: {  	[dreg:$0x1] =	wrdreg $0xFFFFFFFF  }
0xad: {  	[dreg:$0x0] =	wrdreg $0x60  }
0xae: {  	[dreg:$0x2] =	wrdreg s24  }
0xaf: {  	[dreg:$0x3] =	wrdreg $0x81000  }
0xb0: {  	[dreg:$0x4] =	wrdreg $0x9  }
0xb1: {  	_ =	task.clear_ibuf [dreg:s6], $0x5FFFF;
	_ =	strace $0x9000004F  }
0xb2: {  	s29 =	simm.s32 $0x9;
	_ =	strace $0x80000051  }
0xb3: {  	_ =	swait.ge [sflag:s29], $0x1  }
0xb4: {  	[sflag:s29] =	ssyncadd.s32 $0xFFFFFFFF  }
0xb5: {  	_ =	strace $0x90000051  }
0xb6: {  	_ =	sfence  }
0xb7: {  	s30 =	sld [smem:$0x0];
	_ =	sdelay $0x2  }
0xb8: {  	s31 =	sshll.u32 s1, $0xD;
	s1 =	sshrl.u32 s1, $0x2  }
0xb9: {  	s3 =	sand.u32 $0x4000, s31;
	s1 =	sadd.s32 s1, s30  }
0xba: {  	s0 =	sor.u32 s3, s0;
	s1 =	sshll.u32 s1, $0x11  }
0xbb: {  	s0 =	sor.u32 s1, s0  }
0xbc: {  	s0 =	sadd.s32 $0x8F2B, s0  }
0xbd: {  	[sflag:s0] =	ssyncadd.remote.s32 $0x1  }
0xbe: {  	_ =	sfence.sel $0xFFFF  }
0xbf: {  	[dreg:$0x0] =	wrdreg $0xFFFFFFFF;
	(pc) =	sbr.abs _section_cstart, $3  }
0xc0: {  	[dreg:$0x1] =	wrdreg $0xFFFFFFFF  }
0xc1: {  	_ =	task.clear_ibuf [dreg:s6], $0x2FFFF;
	_ =	strace $0x9FFFFFFF  }
0xc2: {  	(tm) =	ssettm $0x7FFFFFFF  }
0xc3: {  	_ =	shalt  }
tec
execute0_lowered:
.L_overlay_start_1:
0x0: {  	(tag) =	ssettag $0x1  }
0x1: {  	s13 =	rddreg [dreg:$0x0]  }
0x2: {  	s1 =	rddreg [dreg:$0x1]  }
0x3: {  	s2 =	srdreg.scid;
	s0 =	rddreg [dreg:$0x2];
	s3 =	simm.s32 $0x0  }
0x4: {  	s17 =	simm.s32 $0x2;
	s18 =	simm.s32 $0x80;
	s7 =	sand.u32 $0x1, s2  }
0x5: {  	s19 =	simm.s32 $0x4100;
	s2 =	stileid.u32;
	s5 =	smul.u32 $0x140000, s7  }
0x6: {  	s20 =	simm.s32 $0x1;
	[smem:$0x7FF] =	sst s3;
	s6 =	smul.u32 $0x14000, s2  }
0x7: {  	s4 =	sadd.s32 $0xA600, s13;
	_ =	strace $0x80000050;
	s9 =	smul.u32 $0x50000, s2  }
0x8: {  	s31 =	sshll.u32 s2, $0x1;
	s15 =	ssub.s32 $0x2, s7;
	s21 =	sshll.u32 s2, $0x6  }
0x9: {  	s16 =	sshrl.u32 s15, $0x1;
	s21 =	sor.u32 $0x1C02, s21;
	s8 =	sadd.s32 s6, s5  }
0xa: {  	s5 =	sadd.s32 $0x14600, s13;
	s6 =	sadd.s32 $0xC1A00, s13;
	s9 =	sshrl.u32 s9, $0x2  }
0xb: {  	s15 =	ssub.s32 s15, s16;
	s16 =	simm.s32 $0x100;
	s8 =	sshrl.u32 s8, $0x3  }
0xc: {  	s15 =	smax.u32 s15, $0x1;
	s14 =	sadd.s32 s8, s13;
	s8 =	sor.u32 s7, s31  }
0xd: {  	s7 =	sadd.s32 s9, s1;
	s13 =	sadd.s32 $0x18EC600, s13;
	s8 =	smul.u32 $0x2800, s8  }
0xe: {  	s9 =	sadd.s32 $0x4000, s7;
	s10 =	sadd.s32 $0x8000, s7;
	s11 =	sadd.s32 $0xC000, s7  }
0xf: {  	v0 =	vimm.f32 $0.0e+00;
	s12 =	sadd.s32 $0x10000, s7;
	s14 =	sadd.s32 $0x10FE00, s14;
	s22 =	sshrl.u32 s7, $0x3  }
.LBB2_1:
0x10: {  	s23 =	simm.s32 $0x0;
	s24 =	simm.s32 $0x200  }
.LBB2_2:
0x11: {  	p0 =	sne.s32 s24, $0xFE00;
	[tilespmem:s23+$0x170] =	vst v0  }
0x12: {  	[tilespmem:s23+$0x100] =	vst v0  }
0x13: {  	[tilespmem:s23+$0x110] =	vst v0  }
.Ltmp0:
0x14: {  	[tilespmem:s23+$0x120] =	vst v0;
	(pc) =	sbr.rel @p0 .LBB2_2-.Ltmp0, $4  }
0x15: {  	[tilespmem:s23+$0x130] =	vst v0  }
0x16: {  	[tilespmem:s23+$0x140] =	vst v0  }
0x17: {  	[tilespmem:s23+$0x150] =	vst v0  }
0x18: {  	[tilespmem:s23+$0x160] =	vst v0;
	s23 =	sshra.s32 s24, $0x2;
	s24 =	sadd.s32 $0x200, s24  }
0x19: {  	[tilespmem:s23+$0x170] =	vst v0  }
0x1a: {  	[tilespmem:s23+$0x100] =	vst v0  }
0x1b: {  	[tilespmem:s23+$0x110] =	vst v0  }
0x1c: {  	[tilespmem:s23+$0x120] =	vst v0  }
0x1d: {  	[tilespmem:s23+$0x130] =	vst v0  }
0x1e: {  	[tilespmem:s23+$0x140] =	vst v0  }
0x1f: {  	[tilespmem:s23+$0x150] =	vst v0  }
0x20: {  	[tilespmem:s23+$0x160] =	vst v0  }
0x21: {  	[spmem:s7] =	stream.linear.scatter [tilespmem:s16], [sflag:$0x2], $0x4000, $0x38;
	[tilespmem:$0x1C100] =	vst v63  }
0x22: {  	_ =	swait.ge [sflag:s17], $0x4000  }
0x23: {  	[sflag:s17] =	ssyncset.done $0x0  }
0x24: {  	[sflag:s17] =	ssyncadd.s32 $0xFFFFC000  }
0x25: {  	[spmem:s9] =	stream.linear.scatter [tilespmem:s16], [sflag:$0x2], $0x4000, $0x38;
	[tilespmem:$0x1C100] =	vst v63  }
0x26: {  	_ =	swait.ge [sflag:s17], $0x4000  }
0x27: {  	[sflag:s17] =	ssyncset.done $0x0  }
0x28: {  	[sflag:s17] =	ssyncadd.s32 $0xFFFFC000  }
0x29: {  	[spmem:s10] =	stream.linear.scatter [tilespmem:s16], [sflag:$0x2], $0x4000, $0x38;
	[tilespmem:$0x1C100] =	vst v63  }
0x2a: {  	_ =	swait.ge [sflag:s17], $0x4000  }
0x2b: {  	[sflag:s17] =	ssyncset.done $0x0  }
0x2c: {  	[sflag:s17] =	ssyncadd.s32 $0xFFFFC000  }
0x2d: {  	[spmem:s11] =	stream.linear.scatter [tilespmem:s16], [sflag:$0x2], $0x4000, $0x38;
	[tilespmem:$0x1C100] =	vst v63  }
0x2e: {  	_ =	swait.ge [sflag:s17], $0x4000  }
0x2f: {  	[sflag:s17] =	ssyncset.done $0x0  }
0x30: {  	[sflag:s17] =	ssyncadd.s32 $0xFFFFC000  }
0x31: {  	[spmem:s12] =	stream.linear.scatter [tilespmem:s16], [sflag:$0x2], $0x4000, $0x38;
	[tilespmem:$0x1C100] =	vst v63  }
0x32: {  	_ =	swait.ge [sflag:s17], $0x4000  }
0x33: {  	[sflag:s17] =	ssyncset.done $0x0  }
0x34: {  	[sflag:s17] =	ssyncadd.s32 $0xFFFFC000  }
0x35: {  	s23 =	simm.s32 $0x0;
	s24 =	simm.s32 $0x0;
	[bflag:$0x0] =	sbarrier.arrive $0xFFFF  }
.LBB2_4:
0x36: {  	s25 =	sshll.u32 s24, $0x7  }
0x37: {  	s25 =	sadd.s32 s8, s25  }
0x38: {  	s26 =	sshrl.u32 s25, $0x3  }
0x39: {  	s28 =	sadd.s32 s4, s26  }
0x3a: {  	[tilespmem:s23], [sflag:$0x2] =	stream.linear.gather [hbm4b:s28+s23], $0x80, $0x38;
	[tilespmem:$0x1C100] =	vst v63  }
0x3b: {  	_ =	swait.ge [sflag:s17], $0x80  }
0x3c: {  	[sflag:s17] =	ssyncset.done $0x0  }
0x3d: {  	s26 =	sadd.s32 s5, s26;
	[sflag:s17] =	ssyncadd.s32 $0xFFFFFF80  }
0x3e: {  	[tilespmem:s18], [sflag:$0x2] =	stream.linear.gather [hbm4b:s26+s23], $0x80, $0x38;
	[tilespmem:$0x1C100] =	vst v63  }
0x3f: {  	_ =	swait.ge [sflag:s17], $0x80  }
0x40: {  	s25 =	sshll.u32 s25, $0x4;
	[sflag:s17] =	ssyncset.done $0x0  }
0x41: {  	s25 =	sadd.s32 s25, s13;
	[sflag:s17] =	ssyncadd.s32 $0xFFFFFF80  }
0x42: {  	[tilespmem:s19], [sflag:$0x2] =	stream.linear.gather [hbm4b:s25+s23], $0x4000, $0x38;
	[tilespmem:$0x1C100] =	vst v63  }
0x43: {  	_ =	swait.ge [sflag:s17], $0x4000  }
0x44: {  	[sflag:s17] =	ssyncset.done $0x0  }
0x45: {  	[sflag:s17] =	ssyncadd.s32 $0xFFFFC000  }
0x46: {  	[tilespmem:s16], [sflag:$0x1] =	stream.indirect.gather [hbm4b:s6+s18], $0x80, s23, s18, $0xb8;
	[tilespmem:$0x1C100] =	vst v63  }
0x47: {  	_ =	swait.ge [sflag:s20], $0x4000  }
0x48: {  	[sflag:s20] =	ssyncset.done $0x0  }
0x49: {  	s25 =	simm.s32 $0x0;
	[sflag:s20] =	ssyncadd.s32 $0xFFFFC000  }
0x4a: {  	v7 =	vld [tilespmem:s25+$0x4100]  }
0x4b: {  	v12 =	vld [tilespmem:s25+$0x4110]  }
0x4c: {  	v6 =	vld [tilespmem:s25+$0x4120]  }
0x4d: {  	v5 =	vld [tilespmem:s25+$0x4130]  }
0x4e: {  	v4 =	vld [tilespmem:s25+$0x4140]  }
0x4f: {  	v3 =	vld [tilespmem:s25+$0x4150]  }
0x50: {  	v2 =	vld [tilespmem:s25+$0x4160]  }
0x51: {  	v1 =	vld [tilespmem:s25+$0x4170]  }
0x52: {  	v13 =	vld [tilespmem:s25+$0x100]  }
0x53: {  	v14 =	vld [tilespmem:s25+$0x110]  }
0x54: {  	v11 =	vld [tilespmem:s25+$0x120]  }
0x55: {  	v10 =	vld [tilespmem:s25+$0x130]  }
0x56: {  	v9 =	vld [tilespmem:s25+$0x140]  }
0x57: {  	v8 =	vld [tilespmem:s25+$0x150];
	v13 =	vadd.f32 v7, v13  }
0x58: {  	s26 =	simm.s32 $0x200;
	v12 =	vadd.f32 v12, v14;
	v7 =	vld [tilespmem:s25+$0x160]  }
.LBB2_5:
0x59: {  	s28 =	sshra.s32 s26, $0x2;
	p0 =	sne.s32 s26, $0xFE00;
	v13 =	vmax.f32 v13, $0.0e+00;
	v6 =	vadd.f32 v6, v11;
	v11 =	vld [tilespmem:s25+$0x170]  }
0x5a: {  	v14 =	vld [tilespmem:s28+$0x4100];
	[tilespmem:s25+$0x100] =	vst v13;
	v12 =	vmax.f32 v12, $0.0e+00;
	v5 =	vadd.f32 v5, v10  }
0x5b: {  	v15 =	vld [tilespmem:s28+$0x4110];
	[tilespmem:s25+$0x110] =	vst v12;
	v10 =	vmax.f32 v6, $0.0e+00;
	v4 =	vadd.f32 v4, v9  }
0x5c: {  	v6 =	vld [tilespmem:s28+$0x4120];
	[tilespmem:s25+$0x120] =	vst v10;
	v9 =	vmax.f32 v5, $0.0e+00;
	v3 =	vadd.f32 v3, v8  }
0x5d: {  	v5 =	vld [tilespmem:s28+$0x4130];
	[tilespmem:s25+$0x130] =	vst v9;
	v8 =	vmax.f32 v4, $0.0e+00;
	v2 =	vadd.f32 v2, v7  }
0x5e: {  	v4 =	vld [tilespmem:s28+$0x4140];
	[tilespmem:s25+$0x140] =	vst v8;
	v7 =	vmax.f32 v3, $0.0e+00;
	v1 =	vadd.f32 v1, v11  }
0x5f: {  	v3 =	vld [tilespmem:s28+$0x4150];
	[tilespmem:s25+$0x150] =	vst v7;
	v7 =	vmax.f32 v2, $0.0e+00  }
0x60: {  	v2 =	vld [tilespmem:s28+$0x4160];
	[tilespmem:s25+$0x160] =	vst v7;
	v7 =	vmax.f32 v1, $0.0e+00  }
0x61: {  	v1 =	vld [tilespmem:s28+$0x4170];
	[tilespmem:s25+$0x170] =	vst v7;
	s25 =	smov.u32 s28  }
0x62: {  	v7 =	vld [tilespmem:s25+$0x100]  }
0x63: {  	v12 =	vld [tilespmem:s25+$0x110]  }
.Ltmp1:
0x64: {  	v11 =	vld [tilespmem:s25+$0x120];
	(pc) =	sbr.rel @p0 .LBB2_5-.Ltmp1, $4  }
0x65: {  	v10 =	vld [tilespmem:s25+$0x130]  }
0x66: {  	v9 =	vld [tilespmem:s25+$0x140]  }
0x67: {  	v13 =	vadd.f32 v14, v7;
	v8 =	vld [tilespmem:s25+$0x150]  }
0x68: {  	s26 =	sadd.s32 $0x200, s26;
	v12 =	vadd.f32 v15, v12;
	v7 =	vld [tilespmem:s25+$0x160]  }
0x69: {  	v13 =	vmax.f32 v13, $0.0e+00;
	v6 =	vadd.f32 v6, v11;
	v63 =	vld [tilespmem:s25+$0x170]  }
0x6a: {  	[tilespmem:s25+$0x100] =	vst v13;
	v12 =	vmax.f32 v12, $0.0e+00;
	v5 =	vadd.f32 v5, v10  }
0x6b: {  	[tilespmem:s25+$0x110] =	vst v12;
	v6 =	vmax.f32 v6, $0.0e+00;
	v4 =	vadd.f32 v4, v9  }
0x6c: {  	[tilespmem:s25+$0x120] =	vst v6;
	v5 =	vmax.f32 v5, $0.0e+00;
	v3 =	vadd.f32 v3, v8  }
0x6d: {  	[tilespmem:s25+$0x130] =	vst v5;
	v4 =	vmax.f32 v4, $0.0e+00;
	v2 =	vadd.f32 v2, v7  }
0x6e: {  	[tilespmem:s25+$0x140] =	vst v4;
	v3 =	vmax.f32 v3, $0.0e+00;
	v1 =	vadd.f32 v1, v63  }
0x6f: {  	s24 =	sadd.s32 $0x1, s24;
	[tilespmem:s25+$0x150] =	vst v3;
	v2 =	vmax.f32 v2, $0.0e+00  }
0x70: {  	p0 =	sne.s32 s24, $0x50;
	[tilespmem:s25+$0x160] =	vst v2;
	v1 =	vmax.f32 v1, $0.0e+00  }
.Ltmp2:
0x71: {  	[tilespmem:s25+$0x170] =	vst v1;
	(pc) =	sbr.rel @p0 .LBB2_4-.Ltmp2, $4  }
0x72: {  	[spmem:s1] =	stream.indirect.scatter.add.f32 [tilespmem:s16], [sflag:$0x2], $0x80, s18, s18, $0xb8;
	[tilespmem:$0x1C100] =	vst v63  }
0x73: {  	_ =	swait.ge [sflag:s17], $0x4000  }
0x74: {  	[sflag:s17] =	ssyncset.done $0x0  }
0x75: {  	[sflag:s17] =	ssyncadd.s32 $0xFFFFC000  }
0x76: {  	s3 =	sadd.s32 $0x1, s3  }
0x77: {  	p0 =	sne.s32 s3, s15  }
.Ltmp3:
0x78: {  	[bflag:$0x0] =	sbarrier.arrive $0xFFFF;
	(pc) =	sbr.rel @p0 .LBB2_1-.Ltmp3, $4  }
0x79: {  	[hbm:s14], [sflag:s21] =	dma.local [spmem:s22], $0x2800  }
0x7a: {  	_ =	swait.ge [sflag:s17], $0x2800  }
0x7b: {  	[sflag:s17] =	ssyncset.done $0x0  }
0x7c: {  	[sflag:s17] =	ssyncadd.s32 $0xFFFFD800  }
0x7d: {  	_ =	sfence.sel $0x180000  }
0x7e: {  	[bflag:$0x0] =	sbarrier.arrive $0xFFFF  }
0x7f: {  	p0 =	sne.s32 s2, $0x0;
	_ =	strace $0x90000050  }
0x80: {  	s0 =	sadd.s32 @!p0 $0x100000, s0;
	[bflag:$0x2] =	sbarrier.arrive $0xFFFF  }
0x81: {  	[sflag:s0] =	ssyncadd.tile.s32 @!p0 $0x1;
	_ =	shalt  }
.Lfunc_end2:
_tile_overlayer_lowered:
.L_overlay_start_2:
0x82: {  	(tag) =	ssettag $0x2  }
0x83: {  	s0 =	rddreg [dreg:$0x0];
	s2 =	stileid.u32  }
0x84: {  	s1 =	rddreg [dreg:$0x1];
	p0 =	sne.s32 s2, $0x0  }
0x85: {  	s3 =	rddreg [dreg:$0x2];
	[bflag:$0x3] =	sbarrier.arrive $0xFFFF;
	s2 =	simm.s32 @!p0 $0x1C02  }
0x86: {  	[timem:s3], [sflag:s2] =	dma.local @!p0 [hbm:s0], s1  }
0x87: {  	s0 =	simm.s32 @!p0 $0x2  }
0x88: {  	_ =	swait.ge @!p0 [sflag:s0], s1  }
0x89: {  	s1 =	ssub.s32 @!p0 $0x0, s1;
	[sflag:s0] =	ssyncset.done @!p0 $0x0  }
0x8a: {  	[sflag:s0] =	ssyncadd.s32 @!p0 s1  }
0x8b: {  	[bflag:$0x3] =	sbarrier.arrive $0xFFFF  }
0x8c: {  	_ =	shalt  }

// kernel: kernel.29.cloned.1.call-start
scs
__scs_entry_jumppad:
0x0: {  	(pc) =	sbr.rel $0x88, $3  }
0x1: {  	(tag) =	ssettag $0x0;
	lr =	simm.s32 $0x1  }
0x2: {  	[smem:$0x3F8D] =	sst lr;
	_ =	strace $0xD0000000  }
0x3: {  	_ = 	snop  }
0x4: {  	_ = 	snop  }
0x5: {  	_ = 	snop  }
0x6: {  	_ = 	snop  }
0x7: {  	_ = 	snop  }
__scs_overlays_trampoline_lowered:
0x8: {  	[smem:$0x3F9C] =	sst s0  }
0x9: {  	[smem:$0x3F9D] =	sst s1  }
0xa: {  	[smem:$0x3F9E] =	sst s2  }
0xb: {  	[smem:$0x3F9F] =	sst s3  }
0xc: {  	[smem:$0x3FA0] =	sst s4  }
0xd: {  	[smem:$0x3FA1] =	sst s5  }
0xe: {  	[smem:$0x3FA2] =	sst s6  }
0xf: {  	[smem:$0x3FA3] =	sst s7  }
0x10: {  	[smem:$0x3FA4] =	sst s8  }
0x11: {  	[smem:$0x3FA5] =	sst s9;
	s0 =	simm.s32 @!p0 $0x0  }
0x12: {  	s1 =	sld [smem:$0x3F8B];
	s0 =	simm.s32 @p0 $0x1  }
0x13: {  	[smem:$0x3FA6] =	sst s0;
	s0 =	simm.s32 @!p1 $0x0  }
0x14: {  	s2 =	sld [smem:$0x3F8A];
	s0 =	simm.s32 @p1 $0x1  }
0x15: {  	[smem:$0x3FA7] =	sst s0;
	s0 =	simm.s32 @!p2 $0x0  }
0x16: {  	s3 =	sld [smem:$0x3FDB];
	s0 =	simm.s32 @p2 $0x1  }
0x17: {  	s4 =	simm.s32 $0x1BF5;
	[smem:$0x3FA9] =	sst s0  }
0x18: {  	s0 =	sld [smem:$0x3F8C];
	_ =	swait.ge [sflag:s4], $0x0  }
0x19: {  	s7 =	sld [smem:$0x3F8D]  }
0x1a: {  	s8 =	sadd.s32 $0xFFFFE003, lr  }
0x1b: {  	s9 =	sadd.s32 $0xFFFFFEF7, lr;
	s5 =	simm.s32 $0xFFFFFFFF;
	p2 =	slt.u32 s8, $0xFFFFF086  }
0x1c: {  	p1 =	slt.u32 s9, $0xF7A;
	s5 =	simm.s32 @!p2 $0x0  }
0x1d: {  	s5 =	simm.s32 @p1 $0x1;
	p0 =	seq.s32 s7, s2  }
0x1e: {  	s7 =	smul.u32 @!p0 $0xF7A, s2;
	p2 =	seq.s32 @!p0 s5, $0x0  }
0x1f: {  	s9 =	smul.u32 $0xF7A, s1;
	s8 =	simm.s32 @!p0 $0x1BF5;
	p2 =	por !p2, p0  }
0x20: {  	[sflag:s8] =	ssyncset.s32 @!p0 $0xFFFFF086;
	s6 =	sadd.s32 @!p0 s3, s7;
	s7 =	simm.s32 @!p0 $0x108  }
0x21: {  	s3 =	sadd.s32 s3, s9;
	s6 =	sadd.s32 @!p0 $0x88, s6;
	s7 =	simm.s32 @p2 $0x1082  }
0x22: {  	[simem:s7], [sflag:s8] =	dma.local @!p0 [hbm:s6], $0xF7A  }
0x23: {  	s9 =	sor.u32 $0xD0000000, s2;
	s6 =	simm.s32 $0x108;
	_ =	swait.ge @!p0 [sflag:s8], $0x0  }
0x24: {  	s3 =	sadd.s32 $0x88, s3;
	s6 =	simm.s32 @!p1 $0x1082;
	[sflag:s4] =	ssyncset.s32 $0xFFFFF086  }
0x25: {  	[simem:s6], [sflag:s4] =	dma.local [hbm:s3], $0xF7A  }
0x26: {  	[smem:$0x3F8D] =	sst s1;
	(tag) =	ssettag s2;
	_ =	strace s9  }
0x27: {  	s1 =	sld [smem:$0x3F9D]  }
0x28: {  	s2 =	sld [smem:$0x3F9E]  }
0x29: {  	s4 =	sld [smem:$0x3FA0]  }
0x2a: {  	p0 =	seq.s32 s5, $0x0;
	s5 =	sld [smem:$0x3FA1]  }
0x2b: {  	s6 =	sld [smem:$0x3FA2]  }
0x2c: {  	s7 =	sld [smem:$0x3FA3]  }
0x2d: {  	s3 =	simm.s32 $0x108;
	s8 =	sld [smem:$0x3FA4]  }
0x2e: {  	s3 =	simm.s32 @!p0 $0x1082;
	s9 =	sld [smem:$0x3FA5]  }
0x2f: {  	lr =	sadd.s32 s0, s3;
	s0 =	sld [smem:$0x3F9C]  }
0x30: {  	s3 =	sld [smem:$0x3F9F]  }
0x31: {  	[smem:$0x3FA8] =	sst s10  }
0x32: {  	s10 =	sld [smem:$0x3FA6];
	_ =	sdelay $0x3  }
0x33: {  	p0 =	seq.s32 s10, $0x1;
	s10 =	sld [smem:$0x3FA8];
	_ =	sdelay $0x3  }
0x34: {  	[smem:$0x3FA8] =	sst s10  }
0x35: {  	s10 =	sld [smem:$0x3FA7];
	_ =	sdelay $0x3  }
0x36: {  	p1 =	seq.s32 s10, $0x1;
	s10 =	sld [smem:$0x3FA8];
	_ =	sdelay $0x3  }
0x37: {  	[smem:$0x3FA8] =	sst s10  }
0x38: {  	s10 =	sld [smem:$0x3FA9]  }
0x39: {  	_ = 	snop;
	(pc) =	sbr.ind lr, $3  }
0x3a: {  	_ = 	snop  }
0x3b: {  	_ = 	snop  }
0x3c: {  	p2 =	seq.s32 s10, $0x1;
	s10 =	sld [smem:$0x3FA8]  }
0x3d: {  	_ =	shalt  }
0x3e: {  	_ =	shalt  }
0x3f: {  	_ =	shalt  }
0x40: {  	_ =	shalt  }
0x41: {  	_ =	shalt  }
0x42: {  	_ =	shalt  }
0x43: {  	_ =	shalt  }
0x44: {  	_ =	shalt  }
0x45: {  	_ =	shalt  }
0x46: {  	_ =	shalt  }
0x47: {  	_ =	shalt  }
0x48: {  	_ =	shalt  }
0x49: {  	_ =	shalt  }
0x4a: {  	_ =	shalt  }
0x4b: {  	_ =	shalt  }
0x4c: {  	_ =	shalt  }
0x4d: {  	_ =	shalt  }
0x4e: {  	_ =	shalt  }
0x4f: {  	_ =	shalt  }
0x50: {  	_ =	shalt  }
0x51: {  	_ =	shalt  }
0x52: {  	_ =	shalt  }
0x53: {  	_ =	shalt  }
0x54: {  	_ =	shalt  }
0x55: {  	_ =	shalt  }
0x56: {  	_ =	shalt  }
0x57: {  	_ =	shalt  }
0x58: {  	_ =	shalt  }
0x59: {  	_ =	shalt  }
0x5a: {  	_ =	shalt  }
0x5b: {  	_ =	shalt  }
0x5c: {  	_ =	shalt  }
0x5d: {  	_ =	shalt  }
0x5e: {  	_ =	shalt  }
0x5f: {  	_ =	shalt  }
0x60: {  	_ =	shalt  }
0x61: {  	_ =	shalt  }
0x62: {  	_ =	shalt  }
0x63: {  	_ =	shalt  }
0x64: {  	_ =	shalt  }
0x65: {  	_ =	shalt  }
0x66: {  	_ =	shalt  }
0x67: {  	_ =	shalt  }
0x68: {  	_ =	shalt  }
0x69: {  	_ =	shalt  }
0x6a: {  	_ =	shalt  }
0x6b: {  	_ =	shalt  }
0x6c: {  	_ =	shalt  }
0x6d: {  	_ =	shalt  }
0x6e: {  	_ =	shalt  }
0x6f: {  	_ =	shalt  }
0x70: {  	_ =	shalt  }
0x71: {  	_ =	shalt  }
0x72: {  	_ =	shalt  }
0x73: {  	_ =	shalt  }
0x74: {  	_ =	shalt  }
0x75: {  	_ =	shalt  }
0x76: {  	_ =	shalt  }
0x77: {  	_ =	shalt  }
0x78: {  	_ =	shalt  }
0x79: {  	_ =	shalt  }
0x7a: {  	_ =	shalt  }
0x7b: {  	_ =	shalt  }
0x7c: {  	_ =	shalt  }
0x7d: {  	_ =	shalt  }
0x7e: {  	_ =	shalt  }
0x7f: {  	_ =	shalt  }
0x80: {  	_ =	shalt  }
0x81: {  	_ =	shalt  }
0x82: {  	_ =	shalt  }
0x83: {  	_ =	shalt  }
0x84: {  	_ =	shalt  }
0x85: {  	_ =	shalt  }
0x86: {  	_ =	shalt  }
0x87: {  	_ =	shalt  }
.Lfunc_end0:
.L_simem_size_0:
called_computation.4_lowered:
.L_overlay_start_0:
0x88: {  	s2 =	sld [smem:$0x3FD9]  }
0x89: {  	s3 =	sld [smem:$0x3FFE];
	_ =	sdelay $0x1  }
0x8a: {  	s1 =	srdreg.scid  }
0x8b: {  	s0 =	sand.u32 $0x1, s1  }
0x8c: {  	s16 =	sshll.u32 s0, $0xA;
	s2 =	sadd.s32 s3, s2  }
0x8d: {  	s2 =	sadd.s32 s2, s16  }
0x8e: {  	[smem:$0x3FB4] =	sst s2  }
0x8f: {  	_ = 	snop  }
0x90: {  	(tm) =	ssettm $0x1  }
0x91: {  	s17 =	sld [smem:$0x3FFB];
	_ =	sdelay $0x3  }
0x92: {  	_ =	strace s17  }
0x93: {  	s2 =	sld [smem:$0x3FFC];
	_ =	sdelay $0x3  }
0x94: {  	_ =	strace s2  }
0x95: {  	s2 =	sld [smem:$0x3FFD];
	_ =	sdelay $0x3  }
0x96: {  	_ =	strace s2  }
0x97: {  	_ =	strace $0x8FFFFFFF  }
0x98: {  	s18 =	sld [smem:$0x3FDB];
	_ =	sdelay $0x1  }
0x99: {  	s19 =	simm.s32 $_scs_section_size  }
0x9a: {  	s4 =	simm.s32 $_size__tile_overlayer_lowered;
	s5 =	simm.s32 $_tile_overlayer_lowered  }
0x9b: {  	s22 =	simm.s32 $0x1BFF;
	s21 =	sshll.u32 s5, $0x1;
	s2 =	sadd.s32 s19, s18  }
0x9c: {  	s6 =	simm.s32 $0x0;
	s20 =	sshll.u32 s4, $0x1;
	s4 =	sadd.s32 s21, s2  }
0x9d: {  	[timem:s6], [sflag:s22] =	dma.local [hbm:s4], s20  }
0x9e: {  	_ =	swait.ge [sflag:s22], s20  }
0x9f: {  	s3 =	ssub.s32 $0x0, s20;
	[sflag:s22] =	ssyncset.done $0x0  }
0xa0: {  	[sflag:s22] =	ssyncadd.s32 s3;
	_ =	sdelay $0x1  }
0xa1: {  	s23 =	simm.s32 $0x1B8B  }
0xa2: {  	_ =	swait.ge [sflag:s23], $0x1  }
0xa3: {  	[sflag:s23] =	ssyncset.done $0x0  }
0xa4: {  	s25 =	simm.s32 $0x1B8E;
	s24 =	sld [smem:$0x3FFE];
	[sflag:s23] =	ssyncadd.s32 $0xFFFFFFFF  }
0xa5: {  	s26 =	simm.s32 $execute0_lowered;
	[smem:$0x3FD2] =	sst s25  }
0xa6: {  	s4 =	sshll.u32 s26, $0x1;
	_ =	strace $0x80000052;
	[dreg:$0x1] =	wrdreg $0xFFFFFFFF  }
0xa7: {  	s28 =	simm.s32 $_size_execute0_lowered;
	s2 =	sadd.s32 s2, s4;
	[dreg:$0x0] =	wrdreg $0x0  }
0xa8: {  	s4 =	sshll.u32 s28, $0x1;
	[dreg:$0x2] =	wrdreg s2  }
0xa9: {  	[dreg:$0x3] =	wrdreg s4  }
0xaa: {  	[dreg:$0x4] =	wrdreg $0xC0  }
0xab: {  	_ =	task [dreg:s6], $0x5FFFF  }
0xac: {  	[dreg:$0x1] =	wrdreg $0xFFFFFFFF  }
0xad: {  	[dreg:$0x0] =	wrdreg $0x60  }
0xae: {  	[dreg:$0x2] =	wrdreg s24  }
0xaf: {  	[dreg:$0x3] =	wrdreg $0x147800  }
0xb0: {  	[dreg:$0x4] =	wrdreg $0x9  }
0xb1: {  	_ =	task.clear_ibuf [dreg:s6], $0x5FFFF;
	_ =	strace $0x90000052  }
0xb2: {  	s29 =	simm.s32 $0x9;
	_ =	strace $0x80000054  }
0xb3: {  	_ =	swait.ge [sflag:s29], $0x1  }
0xb4: {  	[sflag:s29] =	ssyncadd.s32 $0xFFFFFFFF  }
0xb5: {  	_ =	strace $0x90000054  }
0xb6: {  	_ =	sfence  }
0xb7: {  	s30 =	sld [smem:$0x0];
	_ =	sdelay $0x2  }
0xb8: {  	s31 =	sshll.u32 s1, $0xD;
	s1 =	sshrl.u32 s1, $0x2  }
0xb9: {  	s3 =	sand.u32 $0x4000, s31;
	s1 =	sadd.s32 s1, s30  }
0xba: {  	s0 =	sor.u32 s3, s0;
	s1 =	sshll.u32 s1, $0x11  }
0xbb: {  	s0 =	sor.u32 s1, s0  }
0xbc: {  	s0 =	sadd.s32 $0x8F2B, s0  }
0xbd: {  	[sflag:s0] =	ssyncadd.remote.s32 $0x1  }
0xbe: {  	_ =	sfence.sel $0xFFFF  }
0xbf: {  	[dreg:$0x0] =	wrdreg $0xFFFFFFFF;
	(pc) =	sbr.abs _section_cstart, $3  }
0xc0: {  	[dreg:$0x1] =	wrdreg $0xFFFFFFFF  }
0xc1: {  	_ =	task.clear_ibuf [dreg:s6], $0x2FFFF;
	_ =	strace $0x9FFFFFFF  }
0xc2: {  	(tm) =	ssettm $0x7FFFFFFF  }
0xc3: {  	_ =	shalt  }
tec
execute0_lowered:
.L_overlay_start_1:
0x0: {  	(tag) =	ssettag $0x1  }
0x1: {  	s5 =	rddreg [dreg:$0x0]  }
0x2: {  	s6 =	rddreg [dreg:$0x1]  }
0x3: {  	s0 =	rddreg [dreg:$0x2]  }
0x4: {  	s1 =	stileid.u32;
	s4 =	srdreg.scid;
	s2 =	simm.s32 $0x0  }
0x5: {  	s14 =	simm.s32 $0x80;
	s15 =	simm.s32 $0x9D80;
	s3 =	smul.u32 $0xA00, s1  }
0x6: {  	s7 =	sand.u32 $0x1, s4;
	[smem:$0x7FF] =	sst s2;
	s10 =	smul.u32 $0x28000, s1  }
0x7: {  	s16 =	simm.s32 $0x0;
	s4 =	smul.u32 $0xA000, s7;
	_ =	strace $0x80000053  }
0x8: {  	s11 =	ssub.s32 $0x2, s7;
	s13 =	smul.u32 $0x500, s7;
	s8 =	sadd.s32 s3, s5  }
0x9: {  	s12 =	sshrl.u32 s11, $0x1;
	s10 =	sshrl.u32 s10, $0x2;
	s9 =	sadd.s32 s3, s4  }
.Ltmp0:
0xa: {  	s4 =	sadd.s32 $0x6CA00, s5;
	s30 =	ssub.s32 s11, s12;
	(pc) =	sbr.rel .LBB2_1-.Ltmp0, $4  }
0xb: {  	s31 =	sadd.s32 s13, s8;
	s8 =	sadd.s32 $0x9D80, s3;
	s12 =	simm.s32 $0x100  }
0xc: {  	s13 =	simm.s32 $0x1;
	s9 =	sshrl.u32 s9, $0x3;
	s11 =	sadd.s32 $0xA600, s31  }
0xd: {  	s29 =	sadd.s32 s9, s5;
	s5 =	sadd.s32 s10, s6;
	s6 =	sadd.s32 s3, s6  }
0xe: {  	v0 =	vimm.f32 $0.0e+00;
	s9 =	smax.u32 s30, $0x1;
	s10 =	sadd.s32 $0x14600, s31;
	s7 =	sadd.s32 $0x6DE00, s29  }
.LBB2_11:
0xf: {  	s16 =	sadd.s32 $0x1, s16  }
0x10: {  	p0 =	sne.s32 s16, s9  }
.Ltmp1:
0x11: {  	_ = 	snop;
	(pc) =	sbr.rel @!p0 .LBB2_12-.Ltmp1, $4  }
0x12: {  	[hbm4b:s7+s2] =	stream.linear.scatter [tilespmem:s8], [sflag:$0x1], $0xA00, $0x38;
	[tilespmem:$0x1E780] =	vst v63  }
0x13: {  	_ =	swait.ge [sflag:s13], $0xA00  }
0x14: {  	[sflag:s13] =	ssyncset.done $0x0  }
0x15: {  	[sflag:s13] =	ssyncadd.s32 $0xFFFFF600  }
.LBB2_1:
0x16: {  	s17 =	simm.s32 $0x40;
	s18 =	simm.s32 $0x0  }
.LBB2_2:
0x17: {  	p0 =	sne.s32 s17, $0x27FC0;
	[tilespmem:s18+$0x9D80] =	vst v0;
	s18 =	smov.u32 s17;
	s17 =	sadd.s32 $0x40, s17  }
.Ltmp2:
0x18: {  	(pc) =	sbr.rel @p0 .LBB2_2-.Ltmp2, $2  }
0x19: {  	_ =	sdelay $0x2  }
0x1a: {  	s18 =	sshra.s32 s18, $0x2  }
0x1b: {  	[tilespmem:s18+$0x9D80] =	vst v0;
	s17 =	simm.s32 $0x0  }
0x1c: {  	[tilespmem:s12], [sflag:$0x1] =	stream.linear.gather [hbm4b:s4+s17], $0x9C80, $0x38;
	[tilespmem:$0x1E780] =	vst v63  }
0x1d: {  	_ =	swait.ge [sflag:s13], $0x9C80  }
0x1e: {  	[sflag:s13] =	ssyncset.done $0x0  }
0x1f: {  	[sflag:s13] =	ssyncadd.s32 $0xFFFF6380  }
.LBB2_4:
0x20: {  	s18 =	sadd.s32 s17, s11  }
0x21: {  	[tilespmem:s2], [sflag:$0x1] =	stream.linear.gather [hbm4b:s18+s2], $0x80, $0x38;
	[tilespmem:$0x1E780] =	vst v63  }
0x22: {  	_ =	swait.ge [sflag:s13], $0x80  }
0x23: {  	[sflag:s13] =	ssyncset.done $0x0  }
0x24: {  	s31 =	sadd.s32 s17, s10;
	[sflag:s13] =	ssyncadd.s32 $0xFFFFFF80  }
0x25: {  	[tilespmem:s14], [sflag:$0x1] =	stream.linear.gather [hbm4b:s31+s2], $0x80, $0x38;
	[tilespmem:$0x1E780] =	vst v63  }
0x26: {  	_ =	swait.ge [sflag:s13], $0x80  }
0x27: {  	[sflag:s13] =	ssyncset.done $0x0  }
0x28: {  	[sflag:s13] =	ssyncadd.s32 $0xFFFFFF80  }
0x29: {  	v1 =	vld [tilespmem:$0x0];
	_ =	sdelay $0x4  }
0x2a: {  	v2 =	vld [tilespmem:$0x80];
	v1 =	vshll.u32 v1, $0x2;
	_ =	sdelay $0x4  }
0x2b: {  	v2 =	vshll.u32 v2, $0x2;
	v3 =	vld.idx.msk [tilespmem:v1+s12+$0x0], $0xffff  }
0x2c: {  	v4 =	vor.u32 $0x1, v1;
	_ =	sdelay $0x3  }
0x2d: {  	[tilespmem:v2+s15+$0x0] =	vst.idx.add.f32.msk $0xffff, v3  }
0x2e: {  	v34 =	vor.u32 $0x1, v2;
	v3 =	vld.idx.msk [tilespmem:v4+s12+$0x0], $0xffff  }
0x2f: {  	v5 =	vor.u32 $0x2, v1;
	_ =	sdelay $0x3  }
0x30: {  	[tilespmem:v34+s15+$0x0] =	vst.idx.add.f32.msk $0xffff, v3  }
0x31: {  	v35 =	vor.u32 $0x2, v2;
	v3 =	vld.idx.msk [tilespmem:v5+s12+$0x0], $0xffff  }
0x32: {  	v1 =	vor.u32 $0x3, v1;
	_ =	sdelay $0x3  }
0x33: {  	[tilespmem:v35+s15+$0x0] =	vst.idx.add.f32.msk $0xffff, v3  }
0x34: {  	v2 =	vor.u32 $0x3, v2;
	v1 =	vld.idx.msk [tilespmem:v1+s12+$0x0], $0xffff;
	_ =	sdelay $0x4  }
0x35: {  	[tilespmem:v2+s15+$0x0] =	vst.idx.add.f32.msk $0xffff, v1  }
0x36: {  	v1 =	vld [tilespmem:$0x10];
	_ =	sdelay $0x4  }
0x37: {  	v2 =	vld [tilespmem:$0x90];
	v1 =	vshll.u32 v1, $0x2;
	_ =	sdelay $0x4  }
0x38: {  	v2 =	vshll.u32 v2, $0x2;
	v3 =	vld.idx.msk [tilespmem:v1+s12+$0x0], $0xffff  }
0x39: {  	v36 =	vor.u32 $0x1, v1;
	_ =	sdelay $0x3  }
0x3a: {  	[tilespmem:v2+s15+$0x0] =	vst.idx.add.f32.msk $0xffff, v3  }
0x3b: {  	v37 =	vor.u32 $0x1, v2;
	v3 =	vld.idx.msk [tilespmem:v36+s12+$0x0], $0xffff  }
0x3c: {  	v38 =	vor.u32 $0x2, v1;
	_ =	sdelay $0x3  }
0x3d: {  	[tilespmem:v37+s15+$0x0] =	vst.idx.add.f32.msk $0xffff, v3  }
0x3e: {  	v39 =	vor.u32 $0x2, v2;
	v3 =	vld.idx.msk [tilespmem:v38+s12+$0x0], $0xffff  }
0x3f: {  	v1 =	vor.u32 $0x3, v1;
	_ =	sdelay $0x3  }
0x40: {  	[tilespmem:v39+s15+$0x0] =	vst.idx.add.f32.msk $0xffff, v3  }
0x41: {  	v2 =	vor.u32 $0x3, v2;
	v1 =	vld.idx.msk [tilespmem:v1+s12+$0x0], $0xffff;
	_ =	sdelay $0x4  }
0x42: {  	[tilespmem:v2+s15+$0x0] =	vst.idx.add.f32.msk $0xffff, v1  }
0x43: {  	v1 =	vld [tilespmem:$0x20];
	_ =	sdelay $0x4  }
0x44: {  	v2 =	vld [tilespmem:$0xA0];
	v1 =	vshll.u32 v1, $0x2;
	_ =	sdelay $0x4  }
0x45: {  	v2 =	vshll.u32 v2, $0x2;
	v3 =	vld.idx.msk [tilespmem:v1+s12+$0x0], $0xffff  }
0x46: {  	v40 =	vor.u32 $0x1, v1;
	_ =	sdelay $0x3  }
0x47: {  	[tilespmem:v2+s15+$0x0] =	vst.idx.add.f32.msk $0xffff, v3  }
0x48: {  	v41 =	vor.u32 $0x1, v2;
	v3 =	vld.idx.msk [tilespmem:v40+s12+$0x0], $0xffff  }
0x49: {  	v42 =	vor.u32 $0x2, v1;
	_ =	sdelay $0x3  }
0x4a: {  	[tilespmem:v41+s15+$0x0] =	vst.idx.add.f32.msk $0xffff, v3  }
0x4b: {  	v43 =	vor.u32 $0x2, v2;
	v3 =	vld.idx.msk [tilespmem:v42+s12+$0x0], $0xffff  }
0x4c: {  	v1 =	vor.u32 $0x3, v1;
	_ =	sdelay $0x3  }
0x4d: {  	[tilespmem:v43+s15+$0x0] =	vst.idx.add.f32.msk $0xffff, v3  }
0x4e: {  	v2 =	vor.u32 $0x3, v2;
	v1 =	vld.idx.msk [tilespmem:v1+s12+$0x0], $0xffff;
	_ =	sdelay $0x4  }
0x4f: {  	[tilespmem:v2+s15+$0x0] =	vst.idx.add.f32.msk $0xffff, v1  }
0x50: {  	v1 =	vld [tilespmem:$0x30];
	_ =	sdelay $0x4  }
0x51: {  	v2 =	vld [tilespmem:$0xB0];
	v1 =	vshll.u32 v1, $0x2;
	_ =	sdelay $0x4  }
0x52: {  	v2 =	vshll.u32 v2, $0x2;
	v3 =	vld.idx.msk [tilespmem:v1+s12+$0x0], $0xffff  }
0x53: {  	v44 =	vor.u32 $0x1, v1;
	_ =	sdelay $0x3  }
0x54: {  	[tilespmem:v2+s15+$0x0] =	vst.idx.add.f32.msk $0xffff, v3  }
0x55: {  	v45 =	vor.u32 $0x1, v2;
	v3 =	vld.idx.msk [tilespmem:v44+s12+$0x0], $0xffff  }
0x56: {  	v46 =	vor.u32 $0x2, v1;
	_ =	sdelay $0x3  }
0x57: {  	[tilespmem:v45+s15+$0x0] =	vst.idx.add.f32.msk $0xffff, v3  }
0x58: {  	v47 =	vor.u32 $0x2, v2;
	v3 =	vld.idx.msk [tilespmem:v46+s12+$0x0], $0xffff  }
0x59: {  	v1 =	vor.u32 $0x3, v1;
	_ =	sdelay $0x3  }
0x5a: {  	[tilespmem:v47+s15+$0x0] =	vst.idx.add.f32.msk $0xffff, v3  }
0x5b: {  	v2 =	vor.u32 $0x3, v2;
	v1 =	vld.idx.msk [tilespmem:v1+s12+$0x0], $0xffff;
	_ =	sdelay $0x4  }
0x5c: {  	[tilespmem:v2+s15+$0x0] =	vst.idx.add.f32.msk $0xffff, v1  }
0x5d: {  	v1 =	vld [tilespmem:$0x40];
	_ =	sdelay $0x4  }
0x5e: {  	v2 =	vld [tilespmem:$0xC0];
	v1 =	vshll.u32 v1, $0x2;
	_ =	sdelay $0x4  }
0x5f: {  	v2 =	vshll.u32 v2, $0x2;
	v3 =	vld.idx.msk [tilespmem:v1+s12+$0x0], $0xffff  }
0x60: {  	v48 =	vor.u32 $0x1, v1;
	_ =	sdelay $0x3  }
0x61: {  	[tilespmem:v2+s15+$0x0] =	vst.idx.add.f32.msk $0xffff, v3  }
0x62: {  	v49 =	vor.u32 $0x1, v2;
	v3 =	vld.idx.msk [tilespmem:v48+s12+$0x0], $0xffff  }
0x63: {  	v50 =	vor.u32 $0x2, v1;
	_ =	sdelay $0x3  }
0x64: {  	[tilespmem:v49+s15+$0x0] =	vst.idx.add.f32.msk $0xffff, v3  }
0x65: {  	v51 =	vor.u32 $0x2, v2;
	v3 =	vld.idx.msk [tilespmem:v50+s12+$0x0], $0xffff  }
0x66: {  	v1 =	vor.u32 $0x3, v1;
	_ =	sdelay $0x3  }
0x67: {  	[tilespmem:v51+s15+$0x0] =	vst.idx.add.f32.msk $0xffff, v3  }
0x68: {  	v2 =	vor.u32 $0x3, v2;
	v1 =	vld.idx.msk [tilespmem:v1+s12+$0x0], $0xffff;
	_ =	sdelay $0x4  }
0x69: {  	[tilespmem:v2+s15+$0x0] =	vst.idx.add.f32.msk $0xffff, v1  }
0x6a: {  	v1 =	vld [tilespmem:$0x50];
	_ =	sdelay $0x4  }
0x6b: {  	v2 =	vld [tilespmem:$0xD0];
	v1 =	vshll.u32 v1, $0x2;
	_ =	sdelay $0x4  }
0x6c: {  	v2 =	vshll.u32 v2, $0x2;
	v3 =	vld.idx.msk [tilespmem:v1+s12+$0x0], $0xffff  }
0x6d: {  	v52 =	vor.u32 $0x1, v1;
	_ =	sdelay $0x3  }
0x6e: {  	[tilespmem:v2+s15+$0x0] =	vst.idx.add.f32.msk $0xffff, v3  }
0x6f: {  	v53 =	vor.u32 $0x1, v2;
	v3 =	vld.idx.msk [tilespmem:v52+s12+$0x0], $0xffff  }
0x70: {  	v54 =	vor.u32 $0x2, v1;
	_ =	sdelay $0x3  }
0x71: {  	[tilespmem:v53+s15+$0x0] =	vst.idx.add.f32.msk $0xffff, v3  }
0x72: {  	v55 =	vor.u32 $0x2, v2;
	v3 =	vld.idx.msk [tilespmem:v54+s12+$0x0], $0xffff  }
0x73: {  	v1 =	vor.u32 $0x3, v1;
	_ =	sdelay $0x3  }
0x74: {  	[tilespmem:v55+s15+$0x0] =	vst.idx.add.f32.msk $0xffff, v3  }
0x75: {  	v2 =	vor.u32 $0x3, v2;
	v1 =	vld.idx.msk [tilespmem:v1+s12+$0x0], $0xffff;
	_ =	sdelay $0x4  }
0x76: {  	[tilespmem:v2+s15+$0x0] =	vst.idx.add.f32.msk $0xffff, v1  }
0x77: {  	v1 =	vld [tilespmem:$0x60];
	_ =	sdelay $0x4  }
0x78: {  	v2 =	vld [tilespmem:$0xE0];
	v1 =	vshll.u32 v1, $0x2;
	_ =	sdelay $0x4  }
0x79: {  	v2 =	vshll.u32 v2, $0x2;
	v3 =	vld.idx.msk [tilespmem:v1+s12+$0x0], $0xffff  }
0x7a: {  	v56 =	vor.u32 $0x1, v1;
	_ =	sdelay $0x3  }
0x7b: {  	[tilespmem:v2+s15+$0x0] =	vst.idx.add.f32.msk $0xffff, v3  }
0x7c: {  	v57 =	vor.u32 $0x1, v2;
	v3 =	vld.idx.msk [tilespmem:v56+s12+$0x0], $0xffff  }
0x7d: {  	v58 =	vor.u32 $0x2, v1;
	_ =	sdelay $0x3  }
0x7e: {  	[tilespmem:v57+s15+$0x0] =	vst.idx.add.f32.msk $0xffff, v3  }
0x7f: {  	v59 =	vor.u32 $0x2, v2;
	v3 =	vld.idx.msk [tilespmem:v58+s12+$0x0], $0xffff  }
0x80: {  	v1 =	vor.u32 $0x3, v1;
	_ =	sdelay $0x3  }
0x81: {  	[tilespmem:v59+s15+$0x0] =	vst.idx.add.f32.msk $0xffff, v3  }
0x82: {  	v2 =	vor.u32 $0x3, v2;
	v1 =	vld.idx.msk [tilespmem:v1+s12+$0x0], $0xffff;
	_ =	sdelay $0x4  }
0x83: {  	[tilespmem:v2+s15+$0x0] =	vst.idx.add.f32.msk $0xffff, v1  }
0x84: {  	v1 =	vld [tilespmem:$0x70];
	_ =	sdelay $0x4  }
0x85: {  	v2 =	vld [tilespmem:$0xF0];
	v1 =	vshll.u32 v1, $0x2;
	_ =	sdelay $0x4  }
0x86: {  	v2 =	vshll.u32 v2, $0x2;
	v3 =	vld.idx.msk [tilespmem:v1+s12+$0x0], $0xffff  }
0x87: {  	v60 =	vor.u32 $0x1, v1;
	_ =	sdelay $0x3  }
0x88: {  	[tilespmem:v2+s15+$0x0] =	vst.idx.add.f32.msk $0xffff, v3  }
0x89: {  	v61 =	vor.u32 $0x1, v2;
	v3 =	vld.idx.msk [tilespmem:v60+s12+$0x0], $0xffff  }
0x8a: {  	v62 =	vor.u32 $0x2, v1;
	_ =	sdelay $0x3  }
0x8b: {  	[tilespmem:v61+s15+$0x0] =	vst.idx.add.f32.msk $0xffff, v3  }
0x8c: {  	v63 =	vor.u32 $0x2, v2;
	v3 =	vld.idx.msk [tilespmem:v62+s12+$0x0], $0xffff  }
0x8d: {  	v1 =	vor.u32 $0x3, v1;
	_ =	sdelay $0x3  }
0x8e: {  	[tilespmem:v63+s15+$0x0] =	vst.idx.add.f32.msk $0xffff, v3  }
0x8f: {  	p0 =	sne.s32 s17, $0x4F0;
	v2 =	vor.u32 $0x3, v2;
	v1 =	vld.idx.msk [tilespmem:v1+s12+$0x0], $0xffff  }
.Ltmp3:
0x90: {  	_ = 	snop;
	(pc) =	sbr.rel @p0 .LBB2_4-.Ltmp3, $2  }
0x91: {  	_ =	sdelay $0x2  }
0x92: {  	s17 =	sadd.s32 $0x10, s17;
	[tilespmem:v2+s15+$0x0] =	vst.idx.add.f32.msk $0xffff, v1  }
0x93: {  	[spmem:s5] =	stream.linear.scatter [tilespmem:s15], [sflag:$0x1], $0xA000, $0x38;
	[tilespmem:$0x1E780] =	vst v63  }
.Ltmp4:
0x94: {  	_ =	swait.ge [sflag:s13], $0xA000;
	(pc) =	sbr.rel .LBB2_6-.Ltmp4, $4  }
0x95: {  	[sflag:s13] =	ssyncset.done $0x0  }
0x96: {  	[sflag:s13] =	ssyncadd.s32 $0xFFFF6000  }
0x97: {  	[bflag:$0x0] =	sbarrier.arrive $0xFFFF  }
0x98: {  	s17 =	simm.s32 $0x0  }
.LBB2_10:
0x99: {  	s17 =	sadd.s32 $0x1, s17  }
0x9a: {  	p0 =	sne.s32 s17, $0x10  }
.Ltmp5:
0x9b: {  	_ = 	snop;
	(pc) =	sbr.rel @!p0 .LBB2_11-.Ltmp5, $1  }
0x9c: {  	_ =	sdelay $0x3  }
.LBB2_6:
0x9d: {  	p0 =	seq.s32 s17, s1  }
.Ltmp6:
0x9e: {  	_ = 	snop;
	(pc) =	sbr.rel @p0 .LBB2_10-.Ltmp6, $1  }
0x9f: {  	_ =	sdelay $0x3  }
0xa0: {  	s18 =	smul.u32 $0x28000, s17;
	_ =	sdelay $0x1  }
0xa1: {  	s18 =	sshra.s32 s18, $0x2  }
0xa2: {  	s19 =	simm.s32 $0x13D80;
	s18 =	sadd.s32 s18, s6  }
0xa3: {  	[tilespmem:s19], [sflag:$0x1] =	stream.linear.gather [spmem:s18], $0xA00, $0x38;
	[tilespmem:$0x1E780] =	vst v63  }
0xa4: {  	_ =	swait.ge [sflag:s13], $0xA00  }
0xa5: {  	s31 =	simm.s32 $0x0;
	s20 =	sadd.s32 $0x0, s3;
	[sflag:s13] =	ssyncset.done $0x0  }
0xa6: {  	s20 =	sand.u32 $0x1FF80, s20;
	s18 =	sand.u32 $0x70, s31;
	[sflag:s13] =	ssyncadd.s32 $0xFFFFF600  }
0xa7: {  	s18 =	sor.u32 s18, s20;
	v1 =	vld [tilespmem:s19+$0x0]  }
0xa8: {  	v2 =	vld [tilespmem:s18+$0x9D80];
	_ =	sdelay $0x4  }
0xa9: {  	s22 =	sadd.s32 $0x10, s3;
	v1 =	vadd.f32 v1, v2  }
0xaa: {  	s21 =	simm.s32 $0x20;
	s20 =	simm.s32 $0x10;
	s19 =	simm.s32 $0x13D90  }
.LBB2_8:
0xab: {  	p0 =	sne.s32 s21, $0x9F0;
	s22 =	sand.u32 $0x1FF80, s22;
	s20 =	sand.u32 $0x70, s20;
	[tilespmem:s18+$0x9D80] =	vst v1  }
0xac: {  	s18 =	sor.u32 s20, s22;
	v1 =	vld [tilespmem:s19+$0x0];
	s20 =	smov.u32 s21  }
0xad: {  	v2 =	vld [tilespmem:s18+$0x9D80];
	_ =	sdelay $0x1  }
.Ltmp7:
0xae: {  	(pc) =	sbr.rel @p0 .LBB2_8-.Ltmp7, $3  }
0xaf: {  	_ =	sdelay $0x1  }
0xb0: {  	v1 =	vadd.f32 v1, v2  }
0xb1: {  	s21 =	sadd.s32 $0x10, s21;
	s19 =	sadd.s32 $0x10, s19;
	s22 =	sadd.s32 s20, s3  }
0xb2: {  	s21 =	sand.u32 $0x1FF80, s22;
	s20 =	sand.u32 $0x70, s20;
	[tilespmem:s18+$0x9D80] =	vst v1  }
0xb3: {  	s31 =	sor.u32 s20, s21;
	v1 =	vld [tilespmem:s19+$0x0]  }
0xb4: {  	v2 =	vld [tilespmem:s31+$0x9D80];
	_ =	sdelay $0x2  }
.Ltmp8:
0xb5: {  	_ = 	snop;
	(pc) =	sbr.rel .LBB2_10-.Ltmp8, $3  }
0xb6: {  	_ = 	snop  }
0xb7: {  	v1 =	vadd.f32 v1, v2;
	_ =	sdelay $0x1  }
0xb8: {  	[tilespmem:s31+$0x9D80] =	vst v1  }
.LBB2_12:
0xb9: {  	_ =	sfence.sel $0x180000  }
0xba: {  	[bflag:$0x0] =	sbarrier.arrive $0xFFFF  }
0xbb: {  	p0 =	sne.s32 s1, $0x0;
	_ =	strace $0x90000053  }
0xbc: {  	s0 =	sadd.s32 @!p0 $0x100000, s0;
	[bflag:$0x2] =	sbarrier.arrive $0xFFFF  }
0xbd: {  	[sflag:s0] =	ssyncadd.tile.s32 @!p0 $0x1;
	_ =	shalt  }
.Lfunc_end2:
_tile_overlayer_lowered:
.L_overlay_start_2:
0xbe: {  	(tag) =	ssettag $0x2  }
0xbf: {  	s0 =	rddreg [dreg:$0x0];
	s2 =	stileid.u32  }
0xc0: {  	s1 =	rddreg [dreg:$0x1];
	p0 =	sne.s32 s2, $0x0  }
0xc1: {  	s3 =	rddreg [dreg:$0x2];
	[bflag:$0x3] =	sbarrier.arrive $0xFFFF;
	s2 =	simm.s32 @!p0 $0x1C01  }
0xc2: {  	[timem:s3], [sflag:s2] =	dma.local @!p0 [hbm:s0], s1  }
0xc3: {  	s0 =	simm.s32 @!p0 $0x1  }
0xc4: {  	_ =	swait.ge @!p0 [sflag:s0], s1  }
0xc5: {  	s1 =	ssub.s32 @!p0 $0x0, s1;
	[sflag:s0] =	ssyncset.done @!p0 $0x0  }
0xc6: {  	[sflag:s0] =	ssyncadd.s32 @!p0 s1  }
0xc7: {  	[bflag:$0x3] =	sbarrier.arrive $0xFFFF  }
0xc8: {  	_ =	shalt  }

</sc_bundles>
